<compile_context>
chip_gen: v7x
topology: tpu7x:2x2x1
jax: 0.10.2.dev20260603
libtpu: 0.0.44.dev20260713+nightly
codegen_flags: <defaults>
</compile_context>

<pallas_src>
import functools

import jax
import jax.numpy as jnp
from jax import lax
from jax.experimental import pallas as pl
from jax.experimental.pallas import tpu as pltpu
from jax.experimental.pallas import tpu_sc as plsc

_NC = 2
_NS = 16
_NW = _NC * _NS
_L = 16


@functools.lru_cache(maxsize=None)
def _build(B, K, D):
    assert B % _NW == 0 and D % _L == 0
    BPW = B // _NW
    G = 1
    assert BPW % G == 0
    IDX = G * K
    NG = BPW // G
    NCH = D // _L
    RU = 8
    NBUF = 8
    assert K % RU == 0 and NG % NBUF == 0

    mesh = plsc.VectorSubcoreMesh(core_axis_name="c", subcore_axis_name="s")

    @functools.partial(
        pl.kernel,
        out_type=jax.ShapeDtypeStruct((B, D), jnp.float32),
        mesh=mesh,
        scratch_types=[
            pltpu.VMEM((NG, IDX), jnp.int32),
            [pltpu.VMEM((IDX, D), jnp.float32) for _ in range(NBUF)],
            pltpu.VMEM((BPW, D), jnp.float32),
            [pltpu.SemaphoreType.DMA for _ in range(NBUF)],
        ],
    )
    def body(feats_hbm, nb_hbm, out_hbm, idx_v, rows, out_v, sems):
        wid = lax.axis_index("s") * _NC + lax.axis_index("c")
        pltpu.sync_copy(nb_hbm.at[wid], idx_v)

        def accum(rows_v, g):
            for b in range(G):
                def rbody(r, accs):
                    for u in range(RU):
                        row = b * K + r * RU + u
                        accs = tuple(
                            accs[c] + rows_v[row, pl.ds(c * _L, _L)]
                            for c in range(NCH)
                        )
                    return accs
                accs = lax.fori_loop(
                    0, K // RU, rbody,
                    tuple(jnp.zeros((_L,), jnp.float32) for _ in range(NCH)),
                )
                for c in range(NCH):
                    out_v[g * G + b, pl.ds(c * _L, _L)] = accs[c] * (1.0 / K)

        for p in range(NBUF - 1):
            pltpu.async_copy(feats_hbm.at[idx_v.at[p]], rows[p], sems[p])

        def ring(q, carry):
            g0 = NBUF * q
            for p in range(NBUF):
                g = g0 + p
                nxt = g + NBUF - 1

                @pl.when(nxt < NG)
                def _():
                    pltpu.async_copy(
                        feats_hbm.at[idx_v.at[nxt]],
                        rows[(p + NBUF - 1) % NBUF],
                        sems[(p + NBUF - 1) % NBUF],
                    )

                pltpu.make_async_copy(
                    feats_hbm.at[idx_v.at[g]], rows[p], sems[p]).wait()
                accum(rows[p], g)
            return carry

        lax.fori_loop(0, NG // NBUF, ring, 0)
        pltpu.sync_copy(out_v, out_hbm.at[pl.ds(wid * BPW, BPW)])

    return body


def kernel(feats, node_batches):
    B, K = node_batches.shape
    V, D = feats.shape
    nb = node_batches.reshape(-1).astype(jnp.int32)
    G = 1
    nb = nb.reshape(_NW, (B // _NW) // G, G * K)
    return _build(B, K, D)(feats, nb)

# --- scband reference (transcript-rebuilt; emitter-appended) ---
"""Pipeline reference for scband-avg-pooling-layer-61589831024881 (READ-ONLY COPY).

The authoritative reference and input builder live on the scoring server;
editing this copy changes nothing except your own understanding.
"""

import jax, jax.numpy as jnp
import numpy as np


def setup_inputs(seed: int = 0) -> dict:
    key = jax.random.key(seed)
    k1, k2 = jax.random.split(key)
    feats = jax.random.normal(k1, (100000, 128), dtype=jnp.float32)
    node_batches = jax.random.randint(k2, (4096, 64), 0, 100000, dtype=jnp.int64)
    return {"feats": feats, "node_batches": node_batches}


def reference(feats, node_batches):
    # Original loop: for each batch of node indices, gather rows of feats
    # and take the mean over the gathered rows (dim=0), then stack results.
    gathered = jnp.take(feats, node_batches, axis=0)  # [B, K, d]
    pooled = jnp.mean(gathered, axis=1)               # [B, d]
    return pooled

if __name__ == "__main__":
    import jax
    _d = setup_inputs()
    print(jax.jit(kernel)(*tuple(_d.values())))

</pallas_src>

<mosaic_0001>
#map = affine_map<(d0, d1) -> (0, 0)>
#map1 = affine_map<(d0, d1) -> (0, 0, 0)>
module attributes {stable_mosaic.version = 14 : i64} {
  func.func @body(%arg0: i32, %arg1: i32, %arg2: memref<100000x128xf32, #tpu.memory_space<hbm>>, %arg3: memref<32x128x64xi32, #tpu.memory_space<hbm>>, %arg4: memref<4096x128xf32, #tpu.memory_space<hbm>>, %arg5: memref<128x64xi32, #tpu.memory_space<vmem>>, %arg6: memref<64x128xf32, #tpu.memory_space<vmem>>, %arg7: memref<64x128xf32, #tpu.memory_space<vmem>>, %arg8: memref<64x128xf32, #tpu.memory_space<vmem>>, %arg9: memref<64x128xf32, #tpu.memory_space<vmem>>, %arg10: memref<64x128xf32, #tpu.memory_space<vmem>>, %arg11: memref<64x128xf32, #tpu.memory_space<vmem>>, %arg12: memref<64x128xf32, #tpu.memory_space<vmem>>, %arg13: memref<64x128xf32, #tpu.memory_space<vmem>>, %arg14: memref<128x128xf32, #tpu.memory_space<vmem>>, %arg15: memref<!tpu.dma_semaphore, #tpu.memory_space<semaphore_mem>>, %arg16: memref<!tpu.dma_semaphore, #tpu.memory_space<semaphore_mem>>, %arg17: memref<!tpu.dma_semaphore, #tpu.memory_space<semaphore_mem>>, %arg18: memref<!tpu.dma_semaphore, #tpu.memory_space<semaphore_mem>>, %arg19: memref<!tpu.dma_semaphore, #tpu.memory_space<semaphore_mem>>, %arg20: memref<!tpu.dma_semaphore, #tpu.memory_space<semaphore_mem>>, %arg21: memref<!tpu.dma_semaphore, #tpu.memory_space<semaphore_mem>>, %arg22: memref<!tpu.dma_semaphore, #tpu.memory_space<semaphore_mem>>) attributes {dimension_semantics = [#tpu.dimension_semantics<core_parallel>, #tpu.dimension_semantics<subcore_parallel>], iteration_bounds = array<i64: 2, 16>, scalar_prefetch = 0 : i64, scratch_operands = 18 : i64, tpu.core_type = #tpu.core_type<sc_vector_subcore>, window_params = [{transform_indices = #map}, {transform_indices = #map1}, {transform_indices = #map}]} {
    %mul3A = arith.constant 2 : i32
    %mul3A_0 = arith.muli %arg1, %mul3A : i32
    %add3A = arith.addi %mul3A_0, %arg0 : i32
    "tpu.region"() ({
      %run_scoped3A = tpu.sem_alloc : memref<!tpu.dma_semaphore, #tpu.memory_space<semaphore_mem>>
      %dma_start3A_56 = arith.constant 0 : i32
      %dma_start3A_57 = arith.constant 0 : i32
      %dma_start3A_58 = tpu.memref_slice %arg3[%add3A, %dma_start3A_56, %dma_start3A_57] : memref<32x128x64xi32, #tpu.memory_space<hbm>> -> memref<1x128x64xi32, #tpu.memory_space<hbm>>
      %dma_start3A_59 = tpu.memref_squeeze %dma_start3A_58 : memref<1x128x64xi32, #tpu.memory_space<hbm>> -> memref<128x64xi32, #tpu.memory_space<hbm>>
      %dma_start3A_60 = arith.constant 0 : i32
      %dma_start3A_61 = arith.constant 0 : i32
      %dma_start3A_62 = tpu.memref_slice %arg3[%add3A, %dma_start3A_60, %dma_start3A_61] : memref<32x128x64xi32, #tpu.memory_space<hbm>> -> memref<1x128x64xi32, #tpu.memory_space<hbm>>
      %dma_start3A_63 = tpu.memref_squeeze %dma_start3A_62 : memref<1x128x64xi32, #tpu.memory_space<hbm>> -> memref<128x64xi32, #tpu.memory_space<hbm>>
      tpu.enqueue_dma source(%dma_start3A_63 : memref<128x64xi32, #tpu.memory_space<hbm>>) target(%arg5 : memref<128x64xi32, #tpu.memory_space<vmem>>) target_semaphore(%run_scoped3A : memref<!tpu.dma_semaphore, #tpu.memory_space<semaphore_mem>>)
      %dma_wait3A = arith.constant 0 : i32
      %dma_wait3A_64 = arith.constant 0 : i32
      %dma_wait3A_65 = tpu.memref_slice %arg3[%add3A, %dma_wait3A, %dma_wait3A_64] : memref<32x128x64xi32, #tpu.memory_space<hbm>> -> memref<1x128x64xi32, #tpu.memory_space<hbm>>
      %dma_wait3A_66 = tpu.memref_squeeze %dma_wait3A_65 : memref<1x128x64xi32, #tpu.memory_space<hbm>> -> memref<128x64xi32, #tpu.memory_space<hbm>>
      %dma_wait3A_67 = arith.constant 0 : i32
      %dma_wait3A_68 = arith.constant 0 : i32
      %dma_wait3A_69 = tpu.memref_slice %arg3[%add3A, %dma_wait3A_67, %dma_wait3A_68] : memref<32x128x64xi32, #tpu.memory_space<hbm>> -> memref<1x128x64xi32, #tpu.memory_space<hbm>>
      %dma_wait3A_70 = tpu.memref_squeeze %dma_wait3A_69 : memref<1x128x64xi32, #tpu.memory_space<hbm>> -> memref<128x64xi32, #tpu.memory_space<hbm>>
      tpu.wait_dma2 semaphore(%run_scoped3A : memref<!tpu.dma_semaphore, #tpu.memory_space<semaphore_mem>>) src(%dma_wait3A_70 : memref<128x64xi32, #tpu.memory_space<hbm>>) dst(%arg5 : memref<128x64xi32, #tpu.memory_space<vmem>>)
      tpu.yield
    }) : () -> ()
    %dma_start3A = arith.constant 0 : i32
    %dma_start3A_1 = arith.constant 0 : i32
    %dma_start3A_2 = tpu.memref_slice %arg5[%dma_start3A, %dma_start3A_1] : memref<128x64xi32, #tpu.memory_space<vmem>> -> memref<1x64xi32, #tpu.memory_space<vmem>>
    %dma_start3A_3 = tpu.memref_squeeze %dma_start3A_2 : memref<1x64xi32, #tpu.memory_space<vmem>> -> memref<64xi32, #tpu.memory_space<vmem>>
    %dma_start3A_4 = arith.constant 0 : i32
    %dma_start3A_5 = arith.constant 0 : i32
    %dma_start3A_6 = tpu.memref_slice %arg2[%dma_start3A_4, %dma_start3A_5] : memref<100000x128xf32, #tpu.memory_space<hbm>> -> memref<100000x128xf32, #tpu.memory_space<hbm>>
    tpu.enqueue_indirect_dma source(%dma_start3A_6 : memref<100000x128xf32, #tpu.memory_space<hbm>>) target(%arg6 : memref<64x128xf32, #tpu.memory_space<vmem>>) offsets(%dma_start3A_3 : memref<64xi32, #tpu.memory_space<vmem>>) semaphore(%arg15 : memref<!tpu.dma_semaphore, #tpu.memory_space<semaphore_mem>>)
    %dma_start3A_7 = arith.constant 1 : i32
    %dma_start3A_8 = arith.constant 0 : i32
    %dma_start3A_9 = tpu.memref_slice %arg5[%dma_start3A_7, %dma_start3A_8] : memref<128x64xi32, #tpu.memory_space<vmem>> -> memref<1x64xi32, #tpu.memory_space<vmem>>
    %dma_start3A_10 = tpu.memref_squeeze %dma_start3A_9 : memref<1x64xi32, #tpu.memory_space<vmem>> -> memref<64xi32, #tpu.memory_space<vmem>>
    %dma_start3A_11 = arith.constant 0 : i32
    %dma_start3A_12 = arith.constant 0 : i32
    %dma_start3A_13 = tpu.memref_slice %arg2[%dma_start3A_11, %dma_start3A_12] : memref<100000x128xf32, #tpu.memory_space<hbm>> -> memref<100000x128xf32, #tpu.memory_space<hbm>>
    tpu.enqueue_indirect_dma source(%dma_start3A_13 : memref<100000x128xf32, #tpu.memory_space<hbm>>) target(%arg7 : memref<64x128xf32, #tpu.memory_space<vmem>>) offsets(%dma_start3A_10 : memref<64xi32, #tpu.memory_space<vmem>>) semaphore(%arg16 : memref<!tpu.dma_semaphore, #tpu.memory_space<semaphore_mem>>)
    %dma_start3A_14 = arith.constant 2 : i32
    %dma_start3A_15 = arith.constant 0 : i32
    %dma_start3A_16 = tpu.memref_slice %arg5[%dma_start3A_14, %dma_start3A_15] : memref<128x64xi32, #tpu.memory_space<vmem>> -> memref<1x64xi32, #tpu.memory_space<vmem>>
    %dma_start3A_17 = tpu.memref_squeeze %dma_start3A_16 : memref<1x64xi32, #tpu.memory_space<vmem>> -> memref<64xi32, #tpu.memory_space<vmem>>
    %dma_start3A_18 = arith.constant 0 : i32
    %dma_start3A_19 = arith.constant 0 : i32
    %dma_start3A_20 = tpu.memref_slice %arg2[%dma_start3A_18, %dma_start3A_19] : memref<100000x128xf32, #tpu.memory_space<hbm>> -> memref<100000x128xf32, #tpu.memory_space<hbm>>
    tpu.enqueue_indirect_dma source(%dma_start3A_20 : memref<100000x128xf32, #tpu.memory_space<hbm>>) target(%arg8 : memref<64x128xf32, #tpu.memory_space<vmem>>) offsets(%dma_start3A_17 : memref<64xi32, #tpu.memory_space<vmem>>) semaphore(%arg17 : memref<!tpu.dma_semaphore, #tpu.memory_space<semaphore_mem>>)
    %dma_start3A_21 = arith.constant 3 : i32
    %dma_start3A_22 = arith.constant 0 : i32
    %dma_start3A_23 = tpu.memref_slice %arg5[%dma_start3A_21, %dma_start3A_22] : memref<128x64xi32, #tpu.memory_space<vmem>> -> memref<1x64xi32, #tpu.memory_space<vmem>>
    %dma_start3A_24 = tpu.memref_squeeze %dma_start3A_23 : memref<1x64xi32, #tpu.memory_space<vmem>> -> memref<64xi32, #tpu.memory_space<vmem>>
    %dma_start3A_25 = arith.constant 0 : i32
    %dma_start3A_26 = arith.constant 0 : i32
    %dma_start3A_27 = tpu.memref_slice %arg2[%dma_start3A_25, %dma_start3A_26] : memref<100000x128xf32, #tpu.memory_space<hbm>> -> memref<100000x128xf32, #tpu.memory_space<hbm>>
    tpu.enqueue_indirect_dma source(%dma_start3A_27 : memref<100000x128xf32, #tpu.memory_space<hbm>>) target(%arg9 : memref<64x128xf32, #tpu.memory_space<vmem>>) offsets(%dma_start3A_24 : memref<64xi32, #tpu.memory_space<vmem>>) semaphore(%arg18 : memref<!tpu.dma_semaphore, #tpu.memory_space<semaphore_mem>>)
    %dma_start3A_28 = arith.constant 4 : i32
    %dma_start3A_29 = arith.constant 0 : i32
    %dma_start3A_30 = tpu.memref_slice %arg5[%dma_start3A_28, %dma_start3A_29] : memref<128x64xi32, #tpu.memory_space<vmem>> -> memref<1x64xi32, #tpu.memory_space<vmem>>
    %dma_start3A_31 = tpu.memref_squeeze %dma_start3A_30 : memref<1x64xi32, #tpu.memory_space<vmem>> -> memref<64xi32, #tpu.memory_space<vmem>>
    %dma_start3A_32 = arith.constant 0 : i32
    %dma_start3A_33 = arith.constant 0 : i32
    %dma_start3A_34 = tpu.memref_slice %arg2[%dma_start3A_32, %dma_start3A_33] : memref<100000x128xf32, #tpu.memory_space<hbm>> -> memref<100000x128xf32, #tpu.memory_space<hbm>>
    tpu.enqueue_indirect_dma source(%dma_start3A_34 : memref<100000x128xf32, #tpu.memory_space<hbm>>) target(%arg10 : memref<64x128xf32, #tpu.memory_space<vmem>>) offsets(%dma_start3A_31 : memref<64xi32, #tpu.memory_space<vmem>>) semaphore(%arg19 : memref<!tpu.dma_semaphore, #tpu.memory_space<semaphore_mem>>)
    %dma_start3A_35 = arith.constant 5 : i32
    %dma_start3A_36 = arith.constant 0 : i32
    %dma_start3A_37 = tpu.memref_slice %arg5[%dma_start3A_35, %dma_start3A_36] : memref<128x64xi32, #tpu.memory_space<vmem>> -> memref<1x64xi32, #tpu.memory_space<vmem>>
    %dma_start3A_38 = tpu.memref_squeeze %dma_start3A_37 : memref<1x64xi32, #tpu.memory_space<vmem>> -> memref<64xi32, #tpu.memory_space<vmem>>
    %dma_start3A_39 = arith.constant 0 : i32
    %dma_start3A_40 = arith.constant 0 : i32
    %dma_start3A_41 = tpu.memref_slice %arg2[%dma_start3A_39, %dma_start3A_40] : memref<100000x128xf32, #tpu.memory_space<hbm>> -> memref<100000x128xf32, #tpu.memory_space<hbm>>
    tpu.enqueue_indirect_dma source(%dma_start3A_41 : memref<100000x128xf32, #tpu.memory_space<hbm>>) target(%arg11 : memref<64x128xf32, #tpu.memory_space<vmem>>) offsets(%dma_start3A_38 : memref<64xi32, #tpu.memory_space<vmem>>) semaphore(%arg20 : memref<!tpu.dma_semaphore, #tpu.memory_space<semaphore_mem>>)
    %dma_start3A_42 = arith.constant 6 : i32
    %dma_start3A_43 = arith.constant 0 : i32
    %dma_start3A_44 = tpu.memref_slice %arg5[%dma_start3A_42, %dma_start3A_43] : memref<128x64xi32, #tpu.memory_space<vmem>> -> memref<1x64xi32, #tpu.memory_space<vmem>>
    %dma_start3A_45 = tpu.memref_squeeze %dma_start3A_44 : memref<1x64xi32, #tpu.memory_space<vmem>> -> memref<64xi32, #tpu.memory_space<vmem>>
    %dma_start3A_46 = arith.constant 0 : i32
    %dma_start3A_47 = arith.constant 0 : i32
    %dma_start3A_48 = tpu.memref_slice %arg2[%dma_start3A_46, %dma_start3A_47] : memref<100000x128xf32, #tpu.memory_space<hbm>> -> memref<100000x128xf32, #tpu.memory_space<hbm>>
    tpu.enqueue_indirect_dma source(%dma_start3A_48 : memref<100000x128xf32, #tpu.memory_space<hbm>>) target(%arg12 : memref<64x128xf32, #tpu.memory_space<vmem>>) offsets(%dma_start3A_45 : memref<64xi32, #tpu.memory_space<vmem>>) semaphore(%arg21 : memref<!tpu.dma_semaphore, #tpu.memory_space<semaphore_mem>>)
    %scan3A = arith.constant 0 : i32
    %scan3A_49 = arith.constant 0 : i32
    %scan3A_50 = arith.constant 16 : i32
    %scan3A_51 = arith.addi %scan3A_49, %scan3A_50 : i32
    %scan3A_52 = arith.constant 1 : i32
    scf.for %scan3A_56 = %scan3A_49 to %scan3A_51 step %scan3A_52  : i32 {
      %mul3A_57 = arith.constant 8 : i32
      %mul3A_58 = arith.muli %mul3A_57, %scan3A_56 : i32
      %add3A_59 = arith.constant 0 : i32
      %add3A_60 = arith.addi %mul3A_58, %add3A_59 : i32
      %add3A_61 = arith.constant 8 : i32
      %add3A_62 = arith.addi %add3A_60, %add3A_61 : i32
      %sub3A = arith.constant 1 : i32
      %sub3A_63 = arith.subi %add3A_62, %sub3A : i32
      %lt3A = arith.constant 128 : i32
      %lt3A_64 = arith.cmpi slt, %sub3A_63, %lt3A : i32
      %convert_element_type3A = arith.extui %lt3A_64 : i1 to i32
      %cond3A = arith.constant 0 : i32
      %cond3A_65 = arith.cmpi ne, %convert_element_type3A, %cond3A : i32
      scf.if %cond3A_65 {
        %dma_start3A_1132 = arith.constant 0 : i32
        %dma_start3A_1133 = tpu.memref_slice %arg5[%sub3A_63, %dma_start3A_1132] : memref<128x64xi32, #tpu.memory_space<vmem>> -> memref<1x64xi32, #tpu.memory_space<vmem>>
        %dma_start3A_1134 = tpu.memref_squeeze %dma_start3A_1133 : memref<1x64xi32, #tpu.memory_space<vmem>> -> memref<64xi32, #tpu.memory_space<vmem>>
        %dma_start3A_1135 = arith.constant 0 : i32
        %dma_start3A_1136 = arith.constant 0 : i32
        %dma_start3A_1137 = tpu.memref_slice %arg2[%dma_start3A_1135, %dma_start3A_1136] : memref<100000x128xf32, #tpu.memory_space<hbm>> -> memref<100000x128xf32, #tpu.memory_space<hbm>>
        tpu.enqueue_indirect_dma source(%dma_start3A_1137 : memref<100000x128xf32, #tpu.memory_space<hbm>>) target(%arg13 : memref<64x128xf32, #tpu.memory_space<vmem>>) offsets(%dma_start3A_1134 : memref<64xi32, #tpu.memory_space<vmem>>) semaphore(%arg22 : memref<!tpu.dma_semaphore, #tpu.memory_space<semaphore_mem>>)
      } else {
      }
      %dma_wait3A = arith.constant 0 : i32
      %dma_wait3A_66 = tpu.memref_slice %arg5[%add3A_60, %dma_wait3A] : memref<128x64xi32, #tpu.memory_space<vmem>> -> memref<1x64xi32, #tpu.memory_space<vmem>>
      %dma_wait3A_67 = tpu.memref_squeeze %dma_wait3A_66 : memref<1x64xi32, #tpu.memory_space<vmem>> -> memref<64xi32, #tpu.memory_space<vmem>>
      %dma_wait3A_68 = arith.constant 0 : i32
      %dma_wait3A_69 = arith.constant 0 : i32
      %dma_wait3A_70 = tpu.memref_slice %arg2[%dma_wait3A_68, %dma_wait3A_69] : memref<100000x128xf32, #tpu.memory_space<hbm>> -> memref<100000x128xf32, #tpu.memory_space<hbm>>
      tpu.wait_indirect_dma semaphore(%arg15 : memref<!tpu.dma_semaphore, #tpu.memory_space<semaphore_mem>>) src(%dma_wait3A_70 : memref<100000x128xf32, #tpu.memory_space<hbm>>) dst(%arg6 : memref<64x128xf32, #tpu.memory_space<vmem>>)
      %broadcast_in_dim3A = arith.constant 0.000000e+00 : f32
      %broadcast_in_dim3A_71 = vector.broadcast %broadcast_in_dim3A : f32 to vector<16xf32>
      %broadcast_in_dim3A_72 = arith.constant 0.000000e+00 : f32
      %broadcast_in_dim3A_73 = vector.broadcast %broadcast_in_dim3A_72 : f32 to vector<16xf32>
      %broadcast_in_dim3A_74 = arith.constant 0.000000e+00 : f32
      %broadcast_in_dim3A_75 = vector.broadcast %broadcast_in_dim3A_74 : f32 to vector<16xf32>
      %broadcast_in_dim3A_76 = arith.constant 0.000000e+00 : f32
      %broadcast_in_dim3A_77 = vector.broadcast %broadcast_in_dim3A_76 : f32 to vector<16xf32>
      %broadcast_in_dim3A_78 = arith.constant 0.000000e+00 : f32
      %broadcast_in_dim3A_79 = vector.broadcast %broadcast_in_dim3A_78 : f32 to vector<16xf32>
      %broadcast_in_dim3A_80 = arith.constant 0.000000e+00 : f32
      %broadcast_in_dim3A_81 = vector.broadcast %broadcast_in_dim3A_80 : f32 to vector<16xf32>
      %broadcast_in_dim3A_82 = arith.constant 0.000000e+00 : f32
      %broadcast_in_dim3A_83 = vector.broadcast %broadcast_in_dim3A_82 : f32 to vector<16xf32>
      %broadcast_in_dim3A_84 = arith.constant 0.000000e+00 : f32
      %broadcast_in_dim3A_85 = vector.broadcast %broadcast_in_dim3A_84 : f32 to vector<16xf32>
      %scan3A_86 = arith.constant 0 : i32
      %scan3A_87 = arith.constant 8 : i32
      %scan3A_88 = arith.addi %scan3A_86, %scan3A_87 : i32
      %scan3A_89 = arith.constant 1 : i32
      %scan3A_90:8 = scf.for %scan3A_1132 = %scan3A_86 to %scan3A_88 step %scan3A_89 iter_args(%scan3A_1133 = %broadcast_in_dim3A_71, %scan3A_1134 = %broadcast_in_dim3A_73, %scan3A_1135 = %broadcast_in_dim3A_75, %scan3A_1136 = %broadcast_in_dim3A_77, %scan3A_1137 = %broadcast_in_dim3A_79, %scan3A_1138 = %broadcast_in_dim3A_81, %scan3A_1139 = %broadcast_in_dim3A_83, %scan3A_1140 = %broadcast_in_dim3A_85) -> (vector<16xf32>, vector<16xf32>, vector<16xf32>, vector<16xf32>, vector<16xf32>, vector<16xf32>, vector<16xf32>, vector<16xf32>)  : i32 {
        %mul3A_1141 = arith.constant 8 : i32
        %mul3A_1142 = arith.muli %scan3A_1132, %mul3A_1141 : i32
        %add3A_1143 = arith.constant 0 : i32
        %add3A_1144 = arith.addi %add3A_1143, %mul3A_1142 : i32
        %add3A_1145 = arith.constant 0 : i32
        %add3A_1146 = arith.addi %add3A_1144, %add3A_1145 : i32
        %get3A = arith.index_cast %add3A_1146 : i32 to index
        %get3A_1147 = arith.constant 0 : index
        %get3A_1148 = tpu.vector_load %arg6[%get3A, %get3A_1147] {strides = array<i32>} : memref<64x128xf32, #tpu.memory_space<vmem>>, vector<1x16xf32>,
        %get3A_1149 = vector.shape_cast %get3A_1148 : vector<1x16xf32> to vector<16xf32>
        %add3A_1150 = arith.addf %scan3A_1133, %get3A_1149 : vector<16xf32>
        %get3A_1151 = arith.index_cast %add3A_1146 : i32 to index
        %get3A_1152 = arith.constant 16 : index
        %get3A_1153 = tpu.vector_load %arg6[%get3A_1151, %get3A_1152] {strides = array<i32>} : memref<64x128xf32, #tpu.memory_space<vmem>>, vector<1x16xf32>,
        %get3A_1154 = vector.shape_cast %get3A_1153 : vector<1x16xf32> to vector<16xf32>
        %add3A_1155 = arith.addf %scan3A_1134, %get3A_1154 : vector<16xf32>
        %get3A_1156 = arith.index_cast %add3A_1146 : i32 to index
        %get3A_1157 = arith.constant 32 : index
        %get3A_1158 = tpu.vector_load %arg6[%get3A_1156, %get3A_1157] {strides = array<i32>} : memref<64x128xf32, #tpu.memory_space<vmem>>, vector<1x16xf32>,
        %get3A_1159 = vector.shape_cast %get3A_1158 : vector<1x16xf32> to vector<16xf32>
        %add3A_1160 = arith.addf %scan3A_1135, %get3A_1159 : vector<16xf32>
        %get3A_1161 = arith.index_cast %add3A_1146 : i32 to index
        %get3A_1162 = arith.constant 48 : index
        %get3A_1163 = tpu.vector_load %arg6[%get3A_1161, %get3A_1162] {strides = array<i32>} : memref<64x128xf32, #tpu.memory_space<vmem>>, vector<1x16xf32>,
        %get3A_1164 = vector.shape_cast %get3A_1163 : vector<1x16xf32> to vector<16xf32>
        %add3A_1165 = arith.addf %scan3A_1136, %get3A_1164 : vector<16xf32>
        %get3A_1166 = arith.index_cast %add3A_1146 : i32 to index
        %get3A_1167 = arith.constant 64 : index
        %get3A_1168 = tpu.vector_load %arg6[%get3A_1166, %get3A_1167] {strides = array<i32>} : memref<64x128xf32, #tpu.memory_space<vmem>>, vector<1x16xf32>,
        %get3A_1169 = vector.shape_cast %get3A_1168 : vector<1x16xf32> to vector<16xf32>
        %add3A_1170 = arith.addf %scan3A_1137, %get3A_1169 : vector<16xf32>
        %get3A_1171 = arith.index_cast %add3A_1146 : i32 to index
        %get3A_1172 = arith.constant 80 : index
        %get3A_1173 = tpu.vector_load %arg6[%get3A_1171, %get3A_1172] {strides = array<i32>} : memref<64x128xf32, #tpu.memory_space<vmem>>, vector<1x16xf32>,
        %get3A_1174 = vector.shape_cast %get3A_1173 : vector<1x16xf32> to vector<16xf32>
        %add3A_1175 = arith.addf %scan3A_1138, %get3A_1174 : vector<16xf32>
        %get3A_1176 = arith.index_cast %add3A_1146 : i32 to index
        %get3A_1177 = arith.constant 96 : index
        %get3A_1178 = tpu.vector_load %arg6[%get3A_1176, %get3A_1177] {strides = array<i32>} : memref<64x128xf32, #tpu.memory_space<vmem>>, vector<1x16xf32>,
        %get3A_1179 = vector.shape_cast %get3A_1178 : vector<1x16xf32> to vector<16xf32>
        %add3A_1180 = arith.addf %scan3A_1139, %get3A_1179 : vector<16xf32>
        %get3A_1181 = arith.index_cast %add3A_1146 : i32 to index
        %get3A_1182 = arith.constant 112 : index
        %get3A_1183 = tpu.vector_load %arg6[%get3A_1181, %get3A_1182] {strides = array<i32>} : memref<64x128xf32, #tpu.memory_space<vmem>>, vector<1x16xf32>,
        %get3A_1184 = vector.shape_cast %get3A_1183 : vector<1x16xf32> to vector<16xf32>
        %add3A_1185 = arith.addf %scan3A_1140, %get3A_1184 : vector<16xf32>
        %mul3A_1186 = arith.constant 8 : i32
        %mul3A_1187 = arith.muli %scan3A_1132, %mul3A_1186 : i32
        %add3A_1188 = arith.constant 0 : i32
        %add3A_1189 = arith.addi %add3A_1188, %mul3A_1187 : i32
        %add3A_1190 = arith.constant 1 : i32
        %add3A_1191 = arith.addi %add3A_1189, %add3A_1190 : i32
        %get3A_1192 = arith.index_cast %add3A_1191 : i32 to index
        %get3A_1193 = arith.constant 0 : index
        %get3A_1194 = tpu.vector_load %arg6[%get3A_1192, %get3A_1193] {strides = array<i32>} : memref<64x128xf32, #tpu.memory_space<vmem>>, vector<1x16xf32>,
        %get3A_1195 = vector.shape_cast %get3A_1194 : vector<1x16xf32> to vector<16xf32>
        %add3A_1196 = arith.addf %add3A_1150, %get3A_1195 : vector<16xf32>
        %get3A_1197 = arith.index_cast %add3A_1191 : i32 to index
        %get3A_1198 = arith.constant 16 : index
        %get3A_1199 = tpu.vector_load %arg6[%get3A_1197, %get3A_1198] {strides = array<i32>} : memref<64x128xf32, #tpu.memory_space<vmem>>, vector<1x16xf32>,
        %get3A_1200 = vector.shape_cast %get3A_1199 : vector<1x16xf32> to vector<16xf32>
        %add3A_1201 = arith.addf %add3A_1155, %get3A_1200 : vector<16xf32>
        %get3A_1202 = arith.index_cast %add3A_1191 : i32 to index
        %get3A_1203 = arith.constant 32 : index
        %get3A_1204 = tpu.vector_load %arg6[%get3A_1202, %get3A_1203] {strides = array<i32>} : memref<64x128xf32, #tpu.memory_space<vmem>>, vector<1x16xf32>,
        %get3A_1205 = vector.shape_cast %get3A_1204 : vector<1x16xf32> to vector<16xf32>
        %add3A_1206 = arith.addf %add3A_1160, %get3A_1205 : vector<16xf32>
        %get3A_1207 = arith.index_cast %add3A_1191 : i32 to index
        %get3A_1208 = arith.constant 48 : index
        %get3A_1209 = tpu.vector_load %arg6[%get3A_1207, %get3A_1208] {strides = array<i32>} : memref<64x128xf32, #tpu.memory_space<vmem>>, vector<1x16xf32>,
        %get3A_1210 = vector.shape_cast %get3A_1209 : vector<1x16xf32> to vector<16xf32>
        %add3A_1211 = arith.addf %add3A_1165, %get3A_1210 : vector<16xf32>
        %get3A_1212 = arith.index_cast %add3A_1191 : i32 to index
        %get3A_1213 = arith.constant 64 : index
        %get3A_1214 = tpu.vector_load %arg6[%get3A_1212, %get3A_1213] {strides = array<i32>} : memref<64x128xf32, #tpu.memory_space<vmem>>, vector<1x16xf32>,
        %get3A_1215 = vector.shape_cast %get3A_1214 : vector<1x16xf32> to vector<16xf32>
        %add3A_1216 = arith.addf %add3A_1170, %get3A_1215 : vector<16xf32>
        %get3A_1217 = arith.index_cast %add3A_1191 : i32 to index
        %get3A_1218 = arith.constant 80 : index
        %get3A_1219 = tpu.vector_load %arg6[%get3A_1217, %get3A_1218] {strides = array<i32>} : memref<64x128xf32, #tpu.memory_space<vmem>>, vector<1x16xf32>,
        %get3A_1220 = vector.shape_cast %get3A_1219 : vector<1x16xf32> to vector<16xf32>
        %add3A_1221 = arith.addf %add3A_1175, %get3A_1220 : vector<16xf32>
        %get3A_1222 = arith.index_cast %add3A_1191 : i32 to index
        %get3A_1223 = arith.constant 96 : index
        %get3A_1224 = tpu.vector_load %arg6[%get3A_1222, %get3A_1223] {strides = array<i32>} : memref<64x128xf32, #tpu.memory_space<vmem>>, vector<1x16xf32>,
        %get3A_1225 = vector.shape_cast %get3A_1224 : vector<1x16xf32> to vector<16xf32>
        %add3A_1226 = arith.addf %add3A_1180, %get3A_1225 : vector<16xf32>
        %get3A_1227 = arith.index_cast %add3A_1191 : i32 to index
        %get3A_1228 = arith.constant 112 : index
        %get3A_1229 = tpu.vector_load %arg6[%get3A_1227, %get3A_1228] {strides = array<i32>} : memref<64x128xf32, #tpu.memory_space<vmem>>, vector<1x16xf32>,
        %get3A_1230 = vector.shape_cast %get3A_1229 : vector<1x16xf32> to vector<16xf32>
        %add3A_1231 = arith.addf %add3A_1185, %get3A_1230 : vector<16xf32>
        %mul3A_1232 = arith.constant 8 : i32
        %mul3A_1233 = arith.muli %scan3A_1132, %mul3A_1232 : i32
        %add3A_1234 = arith.constant 0 : i32
        %add3A_1235 = arith.addi %add3A_1234, %mul3A_1233 : i32
        %add3A_1236 = arith.constant 2 : i32
        %add3A_1237 = arith.addi %add3A_1235, %add3A_1236 : i32
        %get3A_1238 = arith.index_cast %add3A_1237 : i32 to index
        %get3A_1239 = arith.constant 0 : index
        %get3A_1240 = tpu.vector_load %arg6[%get3A_1238, %get3A_1239] {strides = array<i32>} : memref<64x128xf32, #tpu.memory_space<vmem>>, vector<1x16xf32>,
        %get3A_1241 = vector.shape_cast %get3A_1240 : vector<1x16xf32> to vector<16xf32>
        %add3A_1242 = arith.addf %add3A_1196, %get3A_1241 : vector<16xf32>
        %get3A_1243 = arith.index_cast %add3A_1237 : i32 to index
        %get3A_1244 = arith.constant 16 : index
        %get3A_1245 = tpu.vector_load %arg6[%get3A_1243, %get3A_1244] {strides = array<i32>} : memref<64x128xf32, #tpu.memory_space<vmem>>, vector<1x16xf32>,
        %get3A_1246 = vector.shape_cast %get3A_1245 : vector<1x16xf32> to vector<16xf32>
        %add3A_1247 = arith.addf %add3A_1201, %get3A_1246 : vector<16xf32>
        %get3A_1248 = arith.index_cast %add3A_1237 : i32 to index
        %get3A_1249 = arith.constant 32 : index
        %get3A_1250 = tpu.vector_load %arg6[%get3A_1248, %get3A_1249] {strides = array<i32>} : memref<64x128xf32, #tpu.memory_space<vmem>>, vector<1x16xf32>,
        %get3A_1251 = vector.shape_cast %get3A_1250 : vector<1x16xf32> to vector<16xf32>
        %add3A_1252 = arith.addf %add3A_1206, %get3A_1251 : vector<16xf32>
        %get3A_1253 = arith.index_cast %add3A_1237 : i32 to index
        %get3A_1254 = arith.constant 48 : index
        %get3A_1255 = tpu.vector_load %arg6[%get3A_1253, %get3A_1254] {strides = array<i32>} : memref<64x128xf32, #tpu.memory_space<vmem>>, vector<1x16xf32>,
        %get3A_1256 = vector.shape_cast %get3A_1255 : vector<1x16xf32> to vector<16xf32>
        %add3A_1257 = arith.addf %add3A_1211, %get3A_1256 : vector<16xf32>
        %get3A_1258 = arith.index_cast %add3A_1237 : i32 to index
        %get3A_1259 = arith.constant 64 : index
        %get3A_1260 = tpu.vector_load %arg6[%get3A_1258, %get3A_1259] {strides = array<i32>} : memref<64x128xf32, #tpu.memory_space<vmem>>, vector<1x16xf32>,
        %get3A_1261 = vector.shape_cast %get3A_1260 : vector<1x16xf32> to vector<16xf32>
        %add3A_1262 = arith.addf %add3A_1216, %get3A_1261 : vector<16xf32>
        %get3A_1263 = arith.index_cast %add3A_1237 : i32 to index
        %get3A_1264 = arith.constant 80 : index
        %get3A_1265 = tpu.vector_load %arg6[%get3A_1263, %get3A_1264] {strides = array<i32>} : memref<64x128xf32, #tpu.memory_space<vmem>>, vector<1x16xf32>,
        %get3A_1266 = vector.shape_cast %get3A_1265 : vector<1x16xf32> to vector<16xf32>
        %add3A_1267 = arith.addf %add3A_1221, %get3A_1266 : vector<16xf32>
        %get3A_1268 = arith.index_cast %add3A_1237 : i32 to index
        %get3A_1269 = arith.constant 96 : index
        %get3A_1270 = tpu.vector_load %arg6[%get3A_1268, %get3A_1269] {strides = array<i32>} : memref<64x128xf32, #tpu.memory_space<vmem>>, vector<1x16xf32>,
        %get3A_1271 = vector.shape_cast %get3A_1270 : vector<1x16xf32> to vector<16xf32>
        %add3A_1272 = arith.addf %add3A_1226, %get3A_1271 : vector<16xf32>
        %get3A_1273 = arith.index_cast %add3A_1237 : i32 to index
        %get3A_1274 = arith.constant 112 : index
        %get3A_1275 = tpu.vector_load %arg6[%get3A_1273, %get3A_1274] {strides = array<i32>} : memref<64x128xf32, #tpu.memory_space<vmem>>, vector<1x16xf32>,
        %get3A_1276 = vector.shape_cast %get3A_1275 : vector<1x16xf32> to vector<16xf32>
        %add3A_1277 = arith.addf %add3A_1231, %get3A_1276 : vector<16xf32>
        %mul3A_1278 = arith.constant 8 : i32
        %mul3A_1279 = arith.muli %scan3A_1132, %mul3A_1278 : i32
        %add3A_1280 = arith.constant 0 : i32
        %add3A_1281 = arith.addi %add3A_1280, %mul3A_1279 : i32
        %add3A_1282 = arith.constant 3 : i32
        %add3A_1283 = arith.addi %add3A_1281, %add3A_1282 : i32
        %get3A_1284 = arith.index_cast %add3A_1283 : i32 to index
        %get3A_1285 = arith.constant 0 : index
        %get3A_1286 = tpu.vector_load %arg6[%get3A_1284, %get3A_1285] {strides = array<i32>} : memref<64x128xf32, #tpu.memory_space<vmem>>, vector<1x16xf32>,
        %get3A_1287 = vector.shape_cast %get3A_1286 : vector<1x16xf32> to vector<16xf32>
        %add3A_1288 = arith.addf %add3A_1242, %get3A_1287 : vector<16xf32>
        %get3A_1289 = arith.index_cast %add3A_1283 : i32 to index
        %get3A_1290 = arith.constant 16 : index
        %get3A_1291 = tpu.vector_load %arg6[%get3A_1289, %get3A_1290] {strides = array<i32>} : memref<64x128xf32, #tpu.memory_space<vmem>>, vector<1x16xf32>,
        %get3A_1292 = vector.shape_cast %get3A_1291 : vector<1x16xf32> to vector<16xf32>
        %add3A_1293 = arith.addf %add3A_1247, %get3A_1292 : vector<16xf32>
        %get3A_1294 = arith.index_cast %add3A_1283 : i32 to index
        %get3A_1295 = arith.constant 32 : index
        %get3A_1296 = tpu.vector_load %arg6[%get3A_1294, %get3A_1295] {strides = array<i32>} : memref<64x128xf32, #tpu.memory_space<vmem>>, vector<1x16xf32>,
        %get3A_1297 = vector.shape_cast %get3A_1296 : vector<1x16xf32> to vector<16xf32>
        %add3A_1298 = arith.addf %add3A_1252, %get3A_1297 : vector<16xf32>
        %get3A_1299 = arith.index_cast %add3A_1283 : i32 to index
        %get3A_1300 = arith.constant 48 : index
        %get3A_1301 = tpu.vector_load %arg6[%get3A_1299, %get3A_1300] {strides = array<i32>} : memref<64x128xf32, #tpu.memory_space<vmem>>, vector<1x16xf32>,
        %get3A_1302 = vector.shape_cast %get3A_1301 : vector<1x16xf32> to vector<16xf32>
        %add3A_1303 = arith.addf %add3A_1257, %get3A_1302 : vector<16xf32>
        %get3A_1304 = arith.index_cast %add3A_1283 : i32 to index
        %get3A_1305 = arith.constant 64 : index
        %get3A_1306 = tpu.vector_load %arg6[%get3A_1304, %get3A_1305] {strides = array<i32>} : memref<64x128xf32, #tpu.memory_space<vmem>>, vector<1x16xf32>,
        %get3A_1307 = vector.shape_cast %get3A_1306 : vector<1x16xf32> to vector<16xf32>
        %add3A_1308 = arith.addf %add3A_1262, %get3A_1307 : vector<16xf32>
        %get3A_1309 = arith.index_cast %add3A_1283 : i32 to index
        %get3A_1310 = arith.constant 80 : index
        %get3A_1311 = tpu.vector_load %arg6[%get3A_1309, %get3A_1310] {strides = array<i32>} : memref<64x128xf32, #tpu.memory_space<vmem>>, vector<1x16xf32>,
        %get3A_1312 = vector.shape_cast %get3A_1311 : vector<1x16xf32> to vector<16xf32>
        %add3A_1313 = arith.addf %add3A_1267, %get3A_1312 : vector<16xf32>
        %get3A_1314 = arith.index_cast %add3A_1283 : i32 to index
        %get3A_1315 = arith.constant 96 : index
        %get3A_1316 = tpu.vector_load %arg6[%get3A_1314, %get3A_1315] {strides = array<i32>} : memref<64x128xf32, #tpu.memory_space<vmem>>, vector<1x16xf32>,
        %get3A_1317 = vector.shape_cast %get3A_1316 : vector<1x16xf32> to vector<16xf32>
        %add3A_1318 = arith.addf %add3A_1272, %get3A_1317 : vector<16xf32>
        %get3A_1319 = arith.index_cast %add3A_1283 : i32 to index
        %get3A_1320 = arith.constant 112 : index
        %get3A_1321 = tpu.vector_load %arg6[%get3A_1319, %get3A_1320] {strides = array<i32>} : memref<64x128xf32, #tpu.memory_space<vmem>>, vector<1x16xf32>,
        %get3A_1322 = vector.shape_cast %get3A_1321 : vector<1x16xf32> to vector<16xf32>
        %add3A_1323 = arith.addf %add3A_1277, %get3A_1322 : vector<16xf32>
        %mul3A_1324 = arith.constant 8 : i32
        %mul3A_1325 = arith.muli %scan3A_1132, %mul3A_1324 : i32
        %add3A_1326 = arith.constant 0 : i32
        %add3A_1327 = arith.addi %add3A_1326, %mul3A_1325 : i32
        %add3A_1328 = arith.constant 4 : i32
        %add3A_1329 = arith.addi %add3A_1327, %add3A_1328 : i32
        %get3A_1330 = arith.index_cast %add3A_1329 : i32 to index
        %get3A_1331 = arith.constant 0 : index
        %get3A_1332 = tpu.vector_load %arg6[%get3A_1330, %get3A_1331] {strides = array<i32>} : memref<64x128xf32, #tpu.memory_space<vmem>>, vector<1x16xf32>,
        %get3A_1333 = vector.shape_cast %get3A_1332 : vector<1x16xf32> to vector<16xf32>
        %add3A_1334 = arith.addf %add3A_1288, %get3A_1333 : vector<16xf32>
        %get3A_1335 = arith.index_cast %add3A_1329 : i32 to index
        %get3A_1336 = arith.constant 16 : index
        %get3A_1337 = tpu.vector_load %arg6[%get3A_1335, %get3A_1336] {strides = array<i32>} : memref<64x128xf32, #tpu.memory_space<vmem>>, vector<1x16xf32>,
        %get3A_1338 = vector.shape_cast %get3A_1337 : vector<1x16xf32> to vector<16xf32>
        %add3A_1339 = arith.addf %add3A_1293, %get3A_1338 : vector<16xf32>
        %get3A_1340 = arith.index_cast %add3A_1329 : i32 to index
        %get3A_1341 = arith.constant 32 : index
        %get3A_1342 = tpu.vector_load %arg6[%get3A_1340, %get3A_1341] {strides = array<i32>} : memref<64x128xf32, #tpu.memory_space<vmem>>, vector<1x16xf32>,
        %get3A_1343 = vector.shape_cast %get3A_1342 : vector<1x16xf32> to vector<16xf32>
        %add3A_1344 = arith.addf %add3A_1298, %get3A_1343 : vector<16xf32>
        %get3A_1345 = arith.index_cast %add3A_1329 : i32 to index
        %get3A_1346 = arith.constant 48 : index
        %get3A_1347 = tpu.vector_load %arg6[%get3A_1345, %get3A_1346] {strides = array<i32>} : memref<64x128xf32, #tpu.memory_space<vmem>>, vector<1x16xf32>,
        %get3A_1348 = vector.shape_cast %get3A_1347 : vector<1x16xf32> to vector<16xf32>
        %add3A_1349 = arith.addf %add3A_1303, %get3A_1348 : vector<16xf32>
        %get3A_1350 = arith.index_cast %add3A_1329 : i32 to index
        %get3A_1351 = arith.constant 64 : index
        %get3A_1352 = tpu.vector_load %arg6[%get3A_1350, %get3A_1351] {strides = array<i32>} : memref<64x128xf32, #tpu.memory_space<vmem>>, vector<1x16xf32>,
        %get3A_1353 = vector.shape_cast %get3A_1352 : vector<1x16xf32> to vector<16xf32>
        %add3A_1354 = arith.addf %add3A_1308, %get3A_1353 : vector<16xf32>
        %get3A_1355 = arith.index_cast %add3A_1329 : i32 to index
        %get3A_1356 = arith.constant 80 : index
        %get3A_1357 = tpu.vector_load %arg6[%get3A_1355, %get3A_1356] {strides = array<i32>} : memref<64x128xf32, #tpu.memory_space<vmem>>, vector<1x16xf32>,
        %get3A_1358 = vector.shape_cast %get3A_1357 : vector<1x16xf32> to vector<16xf32>
        %add3A_1359 = arith.addf %add3A_1313, %get3A_1358 : vector<16xf32>
        %get3A_1360 = arith.index_cast %add3A_1329 : i32 to index
        %get3A_1361 = arith.constant 96 : index
        %get3A_1362 = tpu.vector_load %arg6[%get3A_1360, %get3A_1361] {strides = array<i32>} : memref<64x128xf32, #tpu.memory_space<vmem>>, vector<1x16xf32>,
        %get3A_1363 = vector.shape_cast %get3A_1362 : vector<1x16xf32> to vector<16xf32>
        %add3A_1364 = arith.addf %add3A_1318, %get3A_1363 : vector<16xf32>
        %get3A_1365 = arith.index_cast %add3A_1329 : i32 to index
        %get3A_1366 = arith.constant 112 : index
        %get3A_1367 = tpu.vector_load %arg6[%get3A_1365, %get3A_1366] {strides = array<i32>} : memref<64x128xf32, #tpu.memory_space<vmem>>, vector<1x16xf32>,
        %get3A_1368 = vector.shape_cast %get3A_1367 : vector<1x16xf32> to vector<16xf32>
        %add3A_1369 = arith.addf %add3A_1323, %get3A_1368 : vector<16xf32>
        %mul3A_1370 = arith.constant 8 : i32
        %mul3A_1371 = arith.muli %scan3A_1132, %mul3A_1370 : i32
        %add3A_1372 = arith.constant 0 : i32
        %add3A_1373 = arith.addi %add3A_1372, %mul3A_1371 : i32
        %add3A_1374 = arith.constant 5 : i32
        %add3A_1375 = arith.addi %add3A_1373, %add3A_1374 : i32
        %get3A_1376 = arith.index_cast %add3A_1375 : i32 to index
        %get3A_1377 = arith.constant 0 : index
        %get3A_1378 = tpu.vector_load %arg6[%get3A_1376, %get3A_1377] {strides = array<i32>} : memref<64x128xf32, #tpu.memory_space<vmem>>, vector<1x16xf32>,
        %get3A_1379 = vector.shape_cast %get3A_1378 : vector<1x16xf32> to vector<16xf32>
        %add3A_1380 = arith.addf %add3A_1334, %get3A_1379 : vector<16xf32>
        %get3A_1381 = arith.index_cast %add3A_1375 : i32 to index
        %get3A_1382 = arith.constant 16 : index
        %get3A_1383 = tpu.vector_load %arg6[%get3A_1381, %get3A_1382] {strides = array<i32>} : memref<64x128xf32, #tpu.memory_space<vmem>>, vector<1x16xf32>,
        %get3A_1384 = vector.shape_cast %get3A_1383 : vector<1x16xf32> to vector<16xf32>
        %add3A_1385 = arith.addf %add3A_1339, %get3A_1384 : vector<16xf32>
        %get3A_1386 = arith.index_cast %add3A_1375 : i32 to index
        %get3A_1387 = arith.constant 32 : index
        %get3A_1388 = tpu.vector_load %arg6[%get3A_1386, %get3A_1387] {strides = array<i32>} : memref<64x128xf32, #tpu.memory_space<vmem>>, vector<1x16xf32>,
        %get3A_1389 = vector.shape_cast %get3A_1388 : vector<1x16xf32> to vector<16xf32>
        %add3A_1390 = arith.addf %add3A_1344, %get3A_1389 : vector<16xf32>
        %get3A_1391 = arith.index_cast %add3A_1375 : i32 to index
        %get3A_1392 = arith.constant 48 : index
        %get3A_1393 = tpu.vector_load %arg6[%get3A_1391, %get3A_1392] {strides = array<i32>} : memref<64x128xf32, #tpu.memory_space<vmem>>, vector<1x16xf32>,
        %get3A_1394 = vector.shape_cast %get3A_1393 : vector<1x16xf32> to vector<16xf32>
        %add3A_1395 = arith.addf %add3A_1349, %get3A_1394 : vector<16xf32>
        %get3A_1396 = arith.index_cast %add3A_1375 : i32 to index
        %get3A_1397 = arith.constant 64 : index
        %get3A_1398 = tpu.vector_load %arg6[%get3A_1396, %get3A_1397] {strides = array<i32>} : memref<64x128xf32, #tpu.memory_space<vmem>>, vector<1x16xf32>,
        %get3A_1399 = vector.shape_cast %get3A_1398 : vector<1x16xf32> to vector<16xf32>
        %add3A_1400 = arith.addf %add3A_1354, %get3A_1399 : vector<16xf32>
        %get3A_1401 = arith.index_cast %add3A_1375 : i32 to index
        %get3A_1402 = arith.constant 80 : index
        %get3A_1403 = tpu.vector_load %arg6[%get3A_1401, %get3A_1402] {strides = array<i32>} : memref<64x128xf32, #tpu.memory_space<vmem>>, vector<1x16xf32>,
        %get3A_1404 = vector.shape_cast %get3A_1403 : vector<1x16xf32> to vector<16xf32>
        %add3A_1405 = arith.addf %add3A_1359, %get3A_1404 : vector<16xf32>
        %get3A_1406 = arith.index_cast %add3A_1375 : i32 to index
        %get3A_1407 = arith.constant 96 : index
        %get3A_1408 = tpu.vector_load %arg6[%get3A_1406, %get3A_1407] {strides = array<i32>} : memref<64x128xf32, #tpu.memory_space<vmem>>, vector<1x16xf32>,
        %get3A_1409 = vector.shape_cast %get3A_1408 : vector<1x16xf32> to vector<16xf32>
        %add3A_1410 = arith.addf %add3A_1364, %get3A_1409 : vector<16xf32>
        %get3A_1411 = arith.index_cast %add3A_1375 : i32 to index
        %get3A_1412 = arith.constant 112 : index
        %get3A_1413 = tpu.vector_load %arg6[%get3A_1411, %get3A_1412] {strides = array<i32>} : memref<64x128xf32, #tpu.memory_space<vmem>>, vector<1x16xf32>,
        %get3A_1414 = vector.shape_cast %get3A_1413 : vector<1x16xf32> to vector<16xf32>
        %add3A_1415 = arith.addf %add3A_1369, %get3A_1414 : vector<16xf32>
        %mul3A_1416 = arith.constant 8 : i32
        %mul3A_1417 = arith.muli %scan3A_1132, %mul3A_1416 : i32
        %add3A_1418 = arith.constant 0 : i32
        %add3A_1419 = arith.addi %add3A_1418, %mul3A_1417 : i32
        %add3A_1420 = arith.constant 6 : i32
        %add3A_1421 = arith.addi %add3A_1419, %add3A_1420 : i32
        %get3A_1422 = arith.index_cast %add3A_1421 : i32 to index
        %get3A_1423 = arith.constant 0 : index
        %get3A_1424 = tpu.vector_load %arg6[%get3A_1422, %get3A_1423] {strides = array<i32>} : memref<64x128xf32, #tpu.memory_space<vmem>>, vector<1x16xf32>,
        %get3A_1425 = vector.shape_cast %get3A_1424 : vector<1x16xf32> to vector<16xf32>
        %add3A_1426 = arith.addf %add3A_1380, %get3A_1425 : vector<16xf32>
        %get3A_1427 = arith.index_cast %add3A_1421 : i32 to index
        %get3A_1428 = arith.constant 16 : index
        %get3A_1429 = tpu.vector_load %arg6[%get3A_1427, %get3A_1428] {strides = array<i32>} : memref<64x128xf32, #tpu.memory_space<vmem>>, vector<1x16xf32>,
        %get3A_1430 = vector.shape_cast %get3A_1429 : vector<1x16xf32> to vector<16xf32>
        %add3A_1431 = arith.addf %add3A_1385, %get3A_1430 : vector<16xf32>
        %get3A_1432 = arith.index_cast %add3A_1421 : i32 to index
        %get3A_1433 = arith.constant 32 : index
        %get3A_1434 = tpu.vector_load %arg6[%get3A_1432, %get3A_1433] {strides = array<i32>} : memref<64x128xf32, #tpu.memory_space<vmem>>, vector<1x16xf32>,
        %get3A_1435 = vector.shape_cast %get3A_1434 : vector<1x16xf32> to vector<16xf32>
        %add3A_1436 = arith.addf %add3A_1390, %get3A_1435 : vector<16xf32>
        %get3A_1437 = arith.index_cast %add3A_1421 : i32 to index
        %get3A_1438 = arith.constant 48 : index
        %get3A_1439 = tpu.vector_load %arg6[%get3A_1437, %get3A_1438] {strides = array<i32>} : memref<64x128xf32, #tpu.memory_space<vmem>>, vector<1x16xf32>,
        %get3A_1440 = vector.shape_cast %get3A_1439 : vector<1x16xf32> to vector<16xf32>
        %add3A_1441 = arith.addf %add3A_1395, %get3A_1440 : vector<16xf32>
        %get3A_1442 = arith.index_cast %add3A_1421 : i32 to index
        %get3A_1443 = arith.constant 64 : index
        %get3A_1444 = tpu.vector_load %arg6[%get3A_1442, %get3A_1443] {strides = array<i32>} : memref<64x128xf32, #tpu.memory_space<vmem>>, vector<1x16xf32>,
        %get3A_1445 = vector.shape_cast %get3A_1444 : vector<1x16xf32> to vector<16xf32>
        %add3A_1446 = arith.addf %add3A_1400, %get3A_1445 : vector<16xf32>
        %get3A_1447 = arith.index_cast %add3A_1421 : i32 to index
        %get3A_1448 = arith.constant 80 : index
        %get3A_1449 = tpu.vector_load %arg6[%get3A_1447, %get3A_1448] {strides = array<i32>} : memref<64x128xf32, #tpu.memory_space<vmem>>, vector<1x16xf32>,
        %get3A_1450 = vector.shape_cast %get3A_1449 : vector<1x16xf32> to vector<16xf32>
        %add3A_1451 = arith.addf %add3A_1405, %get3A_1450 : vector<16xf32>
        %get3A_1452 = arith.index_cast %add3A_1421 : i32 to index
        %get3A_1453 = arith.constant 96 : index
        %get3A_1454 = tpu.vector_load %arg6[%get3A_1452, %get3A_1453] {strides = array<i32>} : memref<64x128xf32, #tpu.memory_space<vmem>>, vector<1x16xf32>,
        %get3A_1455 = vector.shape_cast %get3A_1454 : vector<1x16xf32> to vector<16xf32>
        %add3A_1456 = arith.addf %add3A_1410, %get3A_1455 : vector<16xf32>
        %get3A_1457 = arith.index_cast %add3A_1421 : i32 to index
        %get3A_1458 = arith.constant 112 : index
        %get3A_1459 = tpu.vector_load %arg6[%get3A_1457, %get3A_1458] {strides = array<i32>} : memref<64x128xf32, #tpu.memory_space<vmem>>, vector<1x16xf32>,
        %get3A_1460 = vector.shape_cast %get3A_1459 : vector<1x16xf32> to vector<16xf32>
        %add3A_1461 = arith.addf %add3A_1415, %get3A_1460 : vector<16xf32>
        %mul3A_1462 = arith.constant 8 : i32
        %mul3A_1463 = arith.muli %scan3A_1132, %mul3A_1462 : i32
        %add3A_1464 = arith.constant 0 : i32
        %add3A_1465 = arith.addi %add3A_1464, %mul3A_1463 : i32
        %add3A_1466 = arith.constant 7 : i32
        %add3A_1467 = arith.addi %add3A_1465, %add3A_1466 : i32
        %get3A_1468 = arith.index_cast %add3A_1467 : i32 to index
        %get3A_1469 = arith.constant 0 : index
        %get3A_1470 = tpu.vector_load %arg6[%get3A_1468, %get3A_1469] {strides = array<i32>} : memref<64x128xf32, #tpu.memory_space<vmem>>, vector<1x16xf32>,
        %get3A_1471 = vector.shape_cast %get3A_1470 : vector<1x16xf32> to vector<16xf32>
        %add3A_1472 = arith.addf %add3A_1426, %get3A_1471 : vector<16xf32>
        %get3A_1473 = arith.index_cast %add3A_1467 : i32 to index
        %get3A_1474 = arith.constant 16 : index
        %get3A_1475 = tpu.vector_load %arg6[%get3A_1473, %get3A_1474] {strides = array<i32>} : memref<64x128xf32, #tpu.memory_space<vmem>>, vector<1x16xf32>,
        %get3A_1476 = vector.shape_cast %get3A_1475 : vector<1x16xf32> to vector<16xf32>
        %add3A_1477 = arith.addf %add3A_1431, %get3A_1476 : vector<16xf32>
        %get3A_1478 = arith.index_cast %add3A_1467 : i32 to index
        %get3A_1479 = arith.constant 32 : index
        %get3A_1480 = tpu.vector_load %arg6[%get3A_1478, %get3A_1479] {strides = array<i32>} : memref<64x128xf32, #tpu.memory_space<vmem>>, vector<1x16xf32>,
        %get3A_1481 = vector.shape_cast %get3A_1480 : vector<1x16xf32> to vector<16xf32>
        %add3A_1482 = arith.addf %add3A_1436, %get3A_1481 : vector<16xf32>
        %get3A_1483 = arith.index_cast %add3A_1467 : i32 to index
        %get3A_1484 = arith.constant 48 : index
        %get3A_1485 = tpu.vector_load %arg6[%get3A_1483, %get3A_1484] {strides = array<i32>} : memref<64x128xf32, #tpu.memory_space<vmem>>, vector<1x16xf32>,
        %get3A_1486 = vector.shape_cast %get3A_1485 : vector<1x16xf32> to vector<16xf32>
        %add3A_1487 = arith.addf %add3A_1441, %get3A_1486 : vector<16xf32>
        %get3A_1488 = arith.index_cast %add3A_1467 : i32 to index
        %get3A_1489 = arith.constant 64 : index
        %get3A_1490 = tpu.vector_load %arg6[%get3A_1488, %get3A_1489] {strides = array<i32>} : memref<64x128xf32, #tpu.memory_space<vmem>>, vector<1x16xf32>,
        %get3A_1491 = vector.shape_cast %get3A_1490 : vector<1x16xf32> to vector<16xf32>
        %add3A_1492 = arith.addf %add3A_1446, %get3A_1491 : vector<16xf32>
        %get3A_1493 = arith.index_cast %add3A_1467 : i32 to index
        %get3A_1494 = arith.constant 80 : index
        %get3A_1495 = tpu.vector_load %arg6[%get3A_1493, %get3A_1494] {strides = array<i32>} : memref<64x128xf32, #tpu.memory_space<vmem>>, vector<1x16xf32>,
        %get3A_1496 = vector.shape_cast %get3A_1495 : vector<1x16xf32> to vector<16xf32>
        %add3A_1497 = arith.addf %add3A_1451, %get3A_1496 : vector<16xf32>
        %get3A_1498 = arith.index_cast %add3A_1467 : i32 to index
        %get3A_1499 = arith.constant 96 : index
        %get3A_1500 = tpu.vector_load %arg6[%get3A_1498, %get3A_1499] {strides = array<i32>} : memref<64x128xf32, #tpu.memory_space<vmem>>, vector<1x16xf32>,
        %get3A_1501 = vector.shape_cast %get3A_1500 : vector<1x16xf32> to vector<16xf32>
        %add3A_1502 = arith.addf %add3A_1456, %get3A_1501 : vector<16xf32>
        %get3A_1503 = arith.index_cast %add3A_1467 : i32 to index
        %get3A_1504 = arith.constant 112 : index
        %get3A_1505 = tpu.vector_load %arg6[%get3A_1503, %get3A_1504] {strides = array<i32>} : memref<64x128xf32, #tpu.memory_space<vmem>>, vector<1x16xf32>,
        %get3A_1506 = vector.shape_cast %get3A_1505 : vector<1x16xf32> to vector<16xf32>
        %add3A_1507 = arith.addf %add3A_1461, %get3A_1506 : vector<16xf32>
        scf.yield %add3A_1472, %add3A_1477, %add3A_1482, %add3A_1487, %add3A_1492, %add3A_1497, %add3A_1502, %add3A_1507 : vector<16xf32>, vector<16xf32>, vector<16xf32>, vector<16xf32>, vector<16xf32>, vector<16xf32>, vector<16xf32>, vector<16xf32>
      }
      %scan3A_91 = arith.constant 8 : i32
      %mul3A_92 = arith.constant 1.562500e-02 : f32
      %mul3A_93 = vector.broadcast %mul3A_92 : f32 to vector<16xf32>
      %mul3A_94 = arith.mulf %scan3A_90#0, %mul3A_93 : vector<16xf32>
      %mul3A_95 = arith.constant 1 : i32
      %mul3A_96 = arith.muli %add3A_60, %mul3A_95 : i32
      %add3A_97 = arith.constant 0 : i32
      %add3A_98 = arith.addi %mul3A_96, %add3A_97 : i32
      %swap3A = arith.index_cast %add3A_98 : i32 to index
      %swap3A_99 = arith.constant 0 : index
      %swap3A_100 = tpu.vector_load %arg14[%swap3A, %swap3A_99] {strides = array<i32>} : memref<128x128xf32, #tpu.memory_space<vmem>>, vector<1x16xf32>,
      %swap3A_101 = vector.shape_cast %swap3A_100 : vector<1x16xf32> to vector<16xf32>
      %swap3A_102 = vector.shape_cast %mul3A_94 : vector<16xf32> to vector<1x16xf32>
      tpu.vector_store %arg14[%swap3A, %swap3A_99], %swap3A_102 {strides = array<i32>} : memref<128x128xf32, #tpu.memory_space<vmem>>, vector<1x16xf32>,
      %mul3A_103 = arith.constant 1.562500e-02 : f32
      %mul3A_104 = vector.broadcast %mul3A_103 : f32 to vector<16xf32>
      %mul3A_105 = arith.mulf %scan3A_90#1, %mul3A_104 : vector<16xf32>
      %mul3A_106 = arith.constant 1 : i32
      %mul3A_107 = arith.muli %add3A_60, %mul3A_106 : i32
      %add3A_108 = arith.constant 0 : i32
      %add3A_109 = arith.addi %mul3A_107, %add3A_108 : i32
      %swap3A_110 = arith.index_cast %add3A_109 : i32 to index
      %swap3A_111 = arith.constant 16 : index
      %swap3A_112 = tpu.vector_load %arg14[%swap3A_110, %swap3A_111] {strides = array<i32>} : memref<128x128xf32, #tpu.memory_space<vmem>>, vector<1x16xf32>,
      %swap3A_113 = vector.shape_cast %swap3A_112 : vector<1x16xf32> to vector<16xf32>
      %swap3A_114 = vector.shape_cast %mul3A_105 : vector<16xf32> to vector<1x16xf32>
      tpu.vector_store %arg14[%swap3A_110, %swap3A_111], %swap3A_114 {strides = array<i32>} : memref<128x128xf32, #tpu.memory_space<vmem>>, vector<1x16xf32>,
      %mul3A_115 = arith.constant 1.562500e-02 : f32
      %mul3A_116 = vector.broadcast %mul3A_115 : f32 to vector<16xf32>
      %mul3A_117 = arith.mulf %scan3A_90#2, %mul3A_116 : vector<16xf32>
      %mul3A_118 = arith.constant 1 : i32
      %mul3A_119 = arith.muli %add3A_60, %mul3A_118 : i32
      %add3A_120 = arith.constant 0 : i32
      %add3A_121 = arith.addi %mul3A_119, %add3A_120 : i32
      %swap3A_122 = arith.index_cast %add3A_121 : i32 to index
      %swap3A_123 = arith.constant 32 : index
      %swap3A_124 = tpu.vector_load %arg14[%swap3A_122, %swap3A_123] {strides = array<i32>} : memref<128x128xf32, #tpu.memory_space<vmem>>, vector<1x16xf32>,
      %swap3A_125 = vector.shape_cast %swap3A_124 : vector<1x16xf32> to vector<16xf32>
      %swap3A_126 = vector.shape_cast %mul3A_117 : vector<16xf32> to vector<1x16xf32>
      tpu.vector_store %arg14[%swap3A_122, %swap3A_123], %swap3A_126 {strides = array<i32>} : memref<128x128xf32, #tpu.memory_space<vmem>>, vector<1x16xf32>,
      %mul3A_127 = arith.constant 1.562500e-02 : f32
      %mul3A_128 = vector.broadcast %mul3A_127 : f32 to vector<16xf32>
      %mul3A_129 = arith.mulf %scan3A_90#3, %mul3A_128 : vector<16xf32>
      %mul3A_130 = arith.constant 1 : i32
      %mul3A_131 = arith.muli %add3A_60, %mul3A_130 : i32
      %add3A_132 = arith.constant 0 : i32
      %add3A_133 = arith.addi %mul3A_131, %add3A_132 : i32
      %swap3A_134 = arith.index_cast %add3A_133 : i32 to index
      %swap3A_135 = arith.constant 48 : index
      %swap3A_136 = tpu.vector_load %arg14[%swap3A_134, %swap3A_135] {strides = array<i32>} : memref<128x128xf32, #tpu.memory_space<vmem>>, vector<1x16xf32>,
      %swap3A_137 = vector.shape_cast %swap3A_136 : vector<1x16xf32> to vector<16xf32>
      %swap3A_138 = vector.shape_cast %mul3A_129 : vector<16xf32> to vector<1x16xf32>
      tpu.vector_store %arg14[%swap3A_134, %swap3A_135], %swap3A_138 {strides = array<i32>} : memref<128x128xf32, #tpu.memory_space<vmem>>, vector<1x16xf32>,
      %mul3A_139 = arith.constant 1.562500e-02 : f32
      %mul3A_140 = vector.broadcast %mul3A_139 : f32 to vector<16xf32>
      %mul3A_141 = arith.mulf %scan3A_90#4, %mul3A_140 : vector<16xf32>
      %mul3A_142 = arith.constant 1 : i32
      %mul3A_143 = arith.muli %add3A_60, %mul3A_142 : i32
      %add3A_144 = arith.constant 0 : i32
      %add3A_145 = arith.addi %mul3A_143, %add3A_144 : i32
      %swap3A_146 = arith.index_cast %add3A_145 : i32 to index
      %swap3A_147 = arith.constant 64 : index
      %swap3A_148 = tpu.vector_load %arg14[%swap3A_146, %swap3A_147] {strides = array<i32>} : memref<128x128xf32, #tpu.memory_space<vmem>>, vector<1x16xf32>,
      %swap3A_149 = vector.shape_cast %swap3A_148 : vector<1x16xf32> to vector<16xf32>
      %swap3A_150 = vector.shape_cast %mul3A_141 : vector<16xf32> to vector<1x16xf32>
      tpu.vector_store %arg14[%swap3A_146, %swap3A_147], %swap3A_150 {strides = array<i32>} : memref<128x128xf32, #tpu.memory_space<vmem>>, vector<1x16xf32>,
      %mul3A_151 = arith.constant 1.562500e-02 : f32
      %mul3A_152 = vector.broadcast %mul3A_151 : f32 to vector<16xf32>
      %mul3A_153 = arith.mulf %scan3A_90#5, %mul3A_152 : vector<16xf32>
      %mul3A_154 = arith.constant 1 : i32
      %mul3A_155 = arith.muli %add3A_60, %mul3A_154 : i32
      %add3A_156 = arith.constant 0 : i32
      %add3A_157 = arith.addi %mul3A_155, %add3A_156 : i32
      %swap3A_158 = arith.index_cast %add3A_157 : i32 to index
      %swap3A_159 = arith.constant 80 : index
      %swap3A_160 = tpu.vector_load %arg14[%swap3A_158, %swap3A_159] {strides = array<i32>} : memref<128x128xf32, #tpu.memory_space<vmem>>, vector<1x16xf32>,
      %swap3A_161 = vector.shape_cast %swap3A_160 : vector<1x16xf32> to vector<16xf32>
      %swap3A_162 = vector.shape_cast %mul3A_153 : vector<16xf32> to vector<1x16xf32>
      tpu.vector_store %arg14[%swap3A_158, %swap3A_159], %swap3A_162 {strides = array<i32>} : memref<128x128xf32, #tpu.memory_space<vmem>>, vector<1x16xf32>,
      %mul3A_163 = arith.constant 1.562500e-02 : f32
      %mul3A_164 = vector.broadcast %mul3A_163 : f32 to vector<16xf32>
      %mul3A_165 = arith.mulf %scan3A_90#6, %mul3A_164 : vector<16xf32>
      %mul3A_166 = arith.constant 1 : i32
      %mul3A_167 = arith.muli %add3A_60, %mul3A_166 : i32
      %add3A_168 = arith.constant 0 : i32
      %add3A_169 = arith.addi %mul3A_167, %add3A_168 : i32
      %swap3A_170 = arith.index_cast %add3A_169 : i32 to index
      %swap3A_171 = arith.constant 96 : index
      %swap3A_172 = tpu.vector_load %arg14[%swap3A_170, %swap3A_171] {strides = array<i32>} : memref<128x128xf32, #tpu.memory_space<vmem>>, vector<1x16xf32>,
      %swap3A_173 = vector.shape_cast %swap3A_172 : vector<1x16xf32> to vector<16xf32>
      %swap3A_174 = vector.shape_cast %mul3A_165 : vector<16xf32> to vector<1x16xf32>
      tpu.vector_store %arg14[%swap3A_170, %swap3A_171], %swap3A_174 {strides = array<i32>} : memref<128x128xf32, #tpu.memory_space<vmem>>, vector<1x16xf32>,
      %mul3A_175 = arith.constant 1.562500e-02 : f32
      %mul3A_176 = vector.broadcast %mul3A_175 : f32 to vector<16xf32>
      %mul3A_177 = arith.mulf %scan3A_90#7, %mul3A_176 : vector<16xf32>
      %mul3A_178 = arith.constant 1 : i32
      %mul3A_179 = arith.muli %add3A_60, %mul3A_178 : i32
      %add3A_180 = arith.constant 0 : i32
      %add3A_181 = arith.addi %mul3A_179, %add3A_180 : i32
      %swap3A_182 = arith.index_cast %add3A_181 : i32 to index
      %swap3A_183 = arith.constant 112 : index
      %swap3A_184 = tpu.vector_load %arg14[%swap3A_182, %swap3A_183] {strides = array<i32>} : memref<128x128xf32, #tpu.memory_space<vmem>>, vector<1x16xf32>,
      %swap3A_185 = vector.shape_cast %swap3A_184 : vector<1x16xf32> to vector<16xf32>
      %swap3A_186 = vector.shape_cast %mul3A_177 : vector<16xf32> to vector<1x16xf32>
      tpu.vector_store %arg14[%swap3A_182, %swap3A_183], %swap3A_186 {strides = array<i32>} : memref<128x128xf32, #tpu.memory_space<vmem>>, vector<1x16xf32>,
      %add3A_187 = arith.constant 1 : i32
      %add3A_188 = arith.addi %mul3A_58, %add3A_187 : i32
      %add3A_189 = arith.constant 8 : i32
      %add3A_190 = arith.addi %add3A_188, %add3A_189 : i32
      %sub3A_191 = arith.constant 1 : i32
      %sub3A_192 = arith.subi %add3A_190, %sub3A_191 : i32
      %lt3A_193 = arith.constant 128 : i32
      %lt3A_194 = arith.cmpi slt, %sub3A_192, %lt3A_193 : i32
      %convert_element_type3A_195 = arith.extui %lt3A_194 : i1 to i32
      %cond3A_196 = arith.constant 0 : i32
      %cond3A_197 = arith.cmpi ne, %convert_element_type3A_195, %cond3A_196 : i32
      scf.if %cond3A_197 {
        %dma_start3A_1132 = arith.constant 0 : i32
        %dma_start3A_1133 = tpu.memref_slice %arg5[%sub3A_192, %dma_start3A_1132] : memref<128x64xi32, #tpu.memory_space<vmem>> -> memref<1x64xi32, #tpu.memory_space<vmem>>
        %dma_start3A_1134 = tpu.memref_squeeze %dma_start3A_1133 : memref<1x64xi32, #tpu.memory_space<vmem>> -> memref<64xi32, #tpu.memory_space<vmem>>
        %dma_start3A_1135 = arith.constant 0 : i32
        %dma_start3A_1136 = arith.constant 0 : i32
        %dma_start3A_1137 = tpu.memref_slice %arg2[%dma_start3A_1135, %dma_start3A_1136] : memref<100000x128xf32, #tpu.memory_space<hbm>> -> memref<100000x128xf32, #tpu.memory_space<hbm>>
        tpu.enqueue_indirect_dma source(%dma_start3A_1137 : memref<100000x128xf32, #tpu.memory_space<hbm>>) target(%arg6 : memref<64x128xf32, #tpu.memory_space<vmem>>) offsets(%dma_start3A_1134 : memref<64xi32, #tpu.memory_space<vmem>>) semaphore(%arg15 : memref<!tpu.dma_semaphore, #tpu.memory_space<semaphore_mem>>)
      } else {
      }
      %dma_wait3A_198 = arith.constant 0 : i32
      %dma_wait3A_199 = tpu.memref_slice %arg5[%add3A_188, %dma_wait3A_198] : memref<128x64xi32, #tpu.memory_space<vmem>> -> memref<1x64xi32, #tpu.memory_space<vmem>>
      %dma_wait3A_200 = tpu.memref_squeeze %dma_wait3A_199 : memref<1x64xi32, #tpu.memory_space<vmem>> -> memref<64xi32, #tpu.memory_space<vmem>>
      %dma_wait3A_201 = arith.constant 0 : i32
      %dma_wait3A_202 = arith.constant 0 : i32
      %dma_wait3A_203 = tpu.memref_slice %arg2[%dma_wait3A_201, %dma_wait3A_202] : memref<100000x128xf32, #tpu.memory_space<hbm>> -> memref<100000x128xf32, #tpu.memory_space<hbm>>
      tpu.wait_indirect_dma semaphore(%arg16 : memref<!tpu.dma_semaphore, #tpu.memory_space<semaphore_mem>>) src(%dma_wait3A_203 : memref<100000x128xf32, #tpu.memory_space<hbm>>) dst(%arg7 : memref<64x128xf32, #tpu.memory_space<vmem>>)
      %broadcast_in_dim3A_204 = arith.constant 0.000000e+00 : f32
      %broadcast_in_dim3A_205 = vector.broadcast %broadcast_in_dim3A_204 : f32 to vector<16xf32>
      %broadcast_in_dim3A_206 = arith.constant 0.000000e+00 : f32
      %broadcast_in_dim3A_207 = vector.broadcast %broadcast_in_dim3A_206 : f32 to vector<16xf32>
      %broadcast_in_dim3A_208 = arith.constant 0.000000e+00 : f32
      %broadcast_in_dim3A_209 = vector.broadcast %broadcast_in_dim3A_208 : f32 to vector<16xf32>
      %broadcast_in_dim3A_210 = arith.constant 0.000000e+00 : f32
      %broadcast_in_dim3A_211 = vector.broadcast %broadcast_in_dim3A_210 : f32 to vector<16xf32>
      %broadcast_in_dim3A_212 = arith.constant 0.000000e+00 : f32
      %broadcast_in_dim3A_213 = vector.broadcast %broadcast_in_dim3A_212 : f32 to vector<16xf32>
      %broadcast_in_dim3A_214 = arith.constant 0.000000e+00 : f32
      %broadcast_in_dim3A_215 = vector.broadcast %broadcast_in_dim3A_214 : f32 to vector<16xf32>
      %broadcast_in_dim3A_216 = arith.constant 0.000000e+00 : f32
      %broadcast_in_dim3A_217 = vector.broadcast %broadcast_in_dim3A_216 : f32 to vector<16xf32>
      %broadcast_in_dim3A_218 = arith.constant 0.000000e+00 : f32
      %broadcast_in_dim3A_219 = vector.broadcast %broadcast_in_dim3A_218 : f32 to vector<16xf32>
      %scan3A_220 = arith.constant 0 : i32
      %scan3A_221 = arith.constant 8 : i32
      %scan3A_222 = arith.addi %scan3A_220, %scan3A_221 : i32
      %scan3A_223 = arith.constant 1 : i32
      %scan3A_224:8 = scf.for %scan3A_1132 = %scan3A_220 to %scan3A_222 step %scan3A_223 iter_args(%scan3A_1133 = %broadcast_in_dim3A_205, %scan3A_1134 = %broadcast_in_dim3A_207, %scan3A_1135 = %broadcast_in_dim3A_209, %scan3A_1136 = %broadcast_in_dim3A_211, %scan3A_1137 = %broadcast_in_dim3A_213, %scan3A_1138 = %broadcast_in_dim3A_215, %scan3A_1139 = %broadcast_in_dim3A_217, %scan3A_1140 = %broadcast_in_dim3A_219) -> (vector<16xf32>, vector<16xf32>, vector<16xf32>, vector<16xf32>, vector<16xf32>, vector<16xf32>, vector<16xf32>, vector<16xf32>)  : i32 {
        %mul3A_1141 = arith.constant 8 : i32
        %mul3A_1142 = arith.muli %scan3A_1132, %mul3A_1141 : i32
        %add3A_1143 = arith.constant 0 : i32
        %add3A_1144 = arith.addi %add3A_1143, %mul3A_1142 : i32
        %add3A_1145 = arith.constant 0 : i32
        %add3A_1146 = arith.addi %add3A_1144, %add3A_1145 : i32
        %get3A = arith.index_cast %add3A_1146 : i32 to index
        %get3A_1147 = arith.constant 0 : index
        %get3A_1148 = tpu.vector_load %arg7[%get3A, %get3A_1147] {strides = array<i32>} : memref<64x128xf32, #tpu.memory_space<vmem>>, vector<1x16xf32>,
        %get3A_1149 = vector.shape_cast %get3A_1148 : vector<1x16xf32> to vector<16xf32>
        %add3A_1150 = arith.addf %scan3A_1133, %get3A_1149 : vector<16xf32>
        %get3A_1151 = arith.index_cast %add3A_1146 : i32 to index
        %get3A_1152 = arith.constant 16 : index
        %get3A_1153 = tpu.vector_load %arg7[%get3A_1151, %get3A_1152] {strides = array<i32>} : memref<64x128xf32, #tpu.memory_space<vmem>>, vector<1x16xf32>,
        %get3A_1154 = vector.shape_cast %get3A_1153 : vector<1x16xf32> to vector<16xf32>
        %add3A_1155 = arith.addf %scan3A_1134, %get3A_1154 : vector<16xf32>
        %get3A_1156 = arith.index_cast %add3A_1146 : i32 to index
        %get3A_1157 = arith.constant 32 : index
        %get3A_1158 = tpu.vector_load %arg7[%get3A_1156, %get3A_1157] {strides = array<i32>} : memref<64x128xf32, #tpu.memory_space<vmem>>, vector<1x16xf32>,
        %get3A_1159 = vector.shape_cast %get3A_1158 : vector<1x16xf32> to vector<16xf32>
        %add3A_1160 = arith.addf %scan3A_1135, %get3A_1159 : vector<16xf32>
        %get3A_1161 = arith.index_cast %add3A_1146 : i32 to index
        %get3A_1162 = arith.constant 48 : index
        %get3A_1163 = tpu.vector_load %arg7[%get3A_1161, %get3A_1162] {strides = array<i32>} : memref<64x128xf32, #tpu.memory_space<vmem>>, vector<1x16xf32>,
        %get3A_1164 = vector.shape_cast %get3A_1163 : vector<1x16xf32> to vector<16xf32>
        %add3A_1165 = arith.addf %scan3A_1136, %get3A_1164 : vector<16xf32>
        %get3A_1166 = arith.index_cast %add3A_1146 : i32 to index
        %get3A_1167 = arith.constant 64 : index
        %get3A_1168 = tpu.vector_load %arg7[%get3A_1166, %get3A_1167] {strides = array<i32>} : memref<64x128xf32, #tpu.memory_space<vmem>>, vector<1x16xf32>,
        %get3A_1169 = vector.shape_cast %get3A_1168 : vector<1x16xf32> to vector<16xf32>
        %add3A_1170 = arith.addf %scan3A_1137, %get3A_1169 : vector<16xf32>
        %get3A_1171 = arith.index_cast %add3A_1146 : i32 to index
        %get3A_1172 = arith.constant 80 : index
        %get3A_1173 = tpu.vector_load %arg7[%get3A_1171, %get3A_1172] {strides = array<i32>} : memref<64x128xf32, #tpu.memory_space<vmem>>, vector<1x16xf32>,
        %get3A_1174 = vector.shape_cast %get3A_1173 : vector<1x16xf32> to vector<16xf32>
        %add3A_1175 = arith.addf %scan3A_1138, %get3A_1174 : vector<16xf32>
        %get3A_1176 = arith.index_cast %add3A_1146 : i32 to index
        %get3A_1177 = arith.constant 96 : index
        %get3A_1178 = tpu.vector_load %arg7[%get3A_1176, %get3A_1177] {strides = array<i32>} : memref<64x128xf32, #tpu.memory_space<vmem>>, vector<1x16xf32>,
        %get3A_1179 = vector.shape_cast %get3A_1178 : vector<1x16xf32> to vector<16xf32>
        %add3A_1180 = arith.addf %scan3A_1139, %get3A_1179 : vector<16xf32>
        %get3A_1181 = arith.index_cast %add3A_1146 : i32 to index
        %get3A_1182 = arith.constant 112 : index
        %get3A_1183 = tpu.vector_load %arg7[%get3A_1181, %get3A_1182] {strides = array<i32>} : memref<64x128xf32, #tpu.memory_space<vmem>>, vector<1x16xf32>,
        %get3A_1184 = vector.shape_cast %get3A_1183 : vector<1x16xf32> to vector<16xf32>
        %add3A_1185 = arith.addf %scan3A_1140, %get3A_1184 : vector<16xf32>
        %mul3A_1186 = arith.constant 8 : i32
        %mul3A_1187 = arith.muli %scan3A_1132, %mul3A_1186 : i32
        %add3A_1188 = arith.constant 0 : i32
        %add3A_1189 = arith.addi %add3A_1188, %mul3A_1187 : i32
        %add3A_1190 = arith.constant 1 : i32
        %add3A_1191 = arith.addi %add3A_1189, %add3A_1190 : i32
        %get3A_1192 = arith.index_cast %add3A_1191 : i32 to index
        %get3A_1193 = arith.constant 0 : index
        %get3A_1194 = tpu.vector_load %arg7[%get3A_1192, %get3A_1193] {strides = array<i32>} : memref<64x128xf32, #tpu.memory_space<vmem>>, vector<1x16xf32>,
        %get3A_1195 = vector.shape_cast %get3A_1194 : vector<1x16xf32> to vector<16xf32>
        %add3A_1196 = arith.addf %add3A_1150, %get3A_1195 : vector<16xf32>
        %get3A_1197 = arith.index_cast %add3A_1191 : i32 to index
        %get3A_1198 = arith.constant 16 : index
        %get3A_1199 = tpu.vector_load %arg7[%get3A_1197, %get3A_1198] {strides = array<i32>} : memref<64x128xf32, #tpu.memory_space<vmem>>, vector<1x16xf32>,
        %get3A_1200 = vector.shape_cast %get3A_1199 : vector<1x16xf32> to vector<16xf32>
        %add3A_1201 = arith.addf %add3A_1155, %get3A_1200 : vector<16xf32>
        %get3A_1202 = arith.index_cast %add3A_1191 : i32 to index
        %get3A_1203 = arith.constant 32 : index
        %get3A_1204 = tpu.vector_load %arg7[%get3A_1202, %get3A_1203] {strides = array<i32>} : memref<64x128xf32, #tpu.memory_space<vmem>>, vector<1x16xf32>,
        %get3A_1205 = vector.shape_cast %get3A_1204 : vector<1x16xf32> to vector<16xf32>
        %add3A_1206 = arith.addf %add3A_1160, %get3A_1205 : vector<16xf32>
        %get3A_1207 = arith.index_cast %add3A_1191 : i32 to index
        %get3A_1208 = arith.constant 48 : index
        %get3A_1209 = tpu.vector_load %arg7[%get3A_1207, %get3A_1208] {strides = array<i32>} : memref<64x128xf32, #tpu.memory_space<vmem>>, vector<1x16xf32>,
        %get3A_1210 = vector.shape_cast %get3A_1209 : vector<1x16xf32> to vector<16xf32>
        %add3A_1211 = arith.addf %add3A_1165, %get3A_1210 : vector<16xf32>
        %get3A_1212 = arith.index_cast %add3A_1191 : i32 to index
        %get3A_1213 = arith.constant 64 : index
        %get3A_1214 = tpu.vector_load %arg7[%get3A_1212, %get3A_1213] {strides = array<i32>} : memref<64x128xf32, #tpu.memory_space<vmem>>, vector<1x16xf32>,
        %get3A_1215 = vector.shape_cast %get3A_1214 : vector<1x16xf32> to vector<16xf32>
        %add3A_1216 = arith.addf %add3A_1170, %get3A_1215 : vector<16xf32>
        %get3A_1217 = arith.index_cast %add3A_1191 : i32 to index
        %get3A_1218 = arith.constant 80 : index
        %get3A_1219 = tpu.vector_load %arg7[%get3A_1217, %get3A_1218] {strides = array<i32>} : memref<64x128xf32, #tpu.memory_space<vmem>>, vector<1x16xf32>,
        %get3A_1220 = vector.shape_cast %get3A_1219 : vector<1x16xf32> to vector<16xf32>
        %add3A_1221 = arith.addf %add3A_1175, %get3A_1220 : vector<16xf32>
        %get3A_1222 = arith.index_cast %add3A_1191 : i32 to index
        %get3A_1223 = arith.constant 96 : index
        %get3A_1224 = tpu.vector_load %arg7[%get3A_1222, %get3A_1223] {strides = array<i32>} : memref<64x128xf32, #tpu.memory_space<vmem>>, vector<1x16xf32>,
        %get3A_1225 = vector.shape_cast %get3A_1224 : vector<1x16xf32> to vector<16xf32>
        %add3A_1226 = arith.addf %add3A_1180, %get3A_1225 : vector<16xf32>
        %get3A_1227 = arith.index_cast %add3A_1191 : i32 to index
        %get3A_1228 = arith.constant 112 : index
        %get3A_1229 = tpu.vector_load %arg7[%get3A_1227, %get3A_1228] {strides = array<i32>} : memref<64x128xf32, #tpu.memory_space<vmem>>, vector<1x16xf32>,
        %get3A_1230 = vector.shape_cast %get3A_1229 : vector<1x16xf32> to vector<16xf32>
        %add3A_1231 = arith.addf %add3A_1185, %get3A_1230 : vector<16xf32>
        %mul3A_1232 = arith.constant 8 : i32
        %mul3A_1233 = arith.muli %scan3A_1132, %mul3A_1232 : i32
        %add3A_1234 = arith.constant 0 : i32
        %add3A_1235 = arith.addi %add3A_1234, %mul3A_1233 : i32
        %add3A_1236 = arith.constant 2 : i32
        %add3A_1237 = arith.addi %add3A_1235, %add3A_1236 : i32
        %get3A_1238 = arith.index_cast %add3A_1237 : i32 to index
        %get3A_1239 = arith.constant 0 : index
        %get3A_1240 = tpu.vector_load %arg7[%get3A_1238, %get3A_1239] {strides = array<i32>} : memref<64x128xf32, #tpu.memory_space<vmem>>, vector<1x16xf32>,
        %get3A_1241 = vector.shape_cast %get3A_1240 : vector<1x16xf32> to vector<16xf32>
        %add3A_1242 = arith.addf %add3A_1196, %get3A_1241 : vector<16xf32>
        %get3A_1243 = arith.index_cast %add3A_1237 : i32 to index
        %get3A_1244 = arith.constant 16 : index
        %get3A_1245 = tpu.vector_load %arg7[%get3A_1243, %get3A_1244] {strides = array<i32>} : memref<64x128xf32, #tpu.memory_space<vmem>>, vector<1x16xf32>,
        %get3A_1246 = vector.shape_cast %get3A_1245 : vector<1x16xf32> to vector<16xf32>
        %add3A_1247 = arith.addf %add3A_1201, %get3A_1246 : vector<16xf32>
        %get3A_1248 = arith.index_cast %add3A_1237 : i32 to index
        %get3A_1249 = arith.constant 32 : index
        %get3A_1250 = tpu.vector_load %arg7[%get3A_1248, %get3A_1249] {strides = array<i32>} : memref<64x128xf32, #tpu.memory_space<vmem>>, vector<1x16xf32>,
        %get3A_1251 = vector.shape_cast %get3A_1250 : vector<1x16xf32> to vector<16xf32>
        %add3A_1252 = arith.addf %add3A_1206, %get3A_1251 : vector<16xf32>
        %get3A_1253 = arith.index_cast %add3A_1237 : i32 to index
        %get3A_1254 = arith.constant 48 : index
        %get3A_1255 = tpu.vector_load %arg7[%get3A_1253, %get3A_1254] {strides = array<i32>} : memref<64x128xf32, #tpu.memory_space<vmem>>, vector<1x16xf32>,
        %get3A_1256 = vector.shape_cast %get3A_1255 : vector<1x16xf32> to vector<16xf32>
        %add3A_1257 = arith.addf %add3A_1211, %get3A_1256 : vector<16xf32>
        %get3A_1258 = arith.index_cast %add3A_1237 : i32 to index
        %get3A_1259 = arith.constant 64 : index
        %get3A_1260 = tpu.vector_load %arg7[%get3A_1258, %get3A_1259] {strides = array<i32>} : memref<64x128xf32, #tpu.memory_space<vmem>>, vector<1x16xf32>,
        %get3A_1261 = vector.shape_cast %get3A_1260 : vector<1x16xf32> to vector<16xf32>
        %add3A_1262 = arith.addf %add3A_1216, %get3A_1261 : vector<16xf32>
        %get3A_1263 = arith.index_cast %add3A_1237 : i32 to index
        %get3A_1264 = arith.constant 80 : index
        %get3A_1265 = tpu.vector_load %arg7[%get3A_1263, %get3A_1264] {strides = array<i32>} : memref<64x128xf32, #tpu.memory_space<vmem>>, vector<1x16xf32>,
        %get3A_1266 = vector.shape_cast %get3A_1265 : vector<1x16xf32> to vector<16xf32>
        %add3A_1267 = arith.addf %add3A_1221, %get3A_1266 : vector<16xf32>
        %get3A_1268 = arith.index_cast %add3A_1237 : i32 to index
        %get3A_1269 = arith.constant 96 : index
        %get3A_1270 = tpu.vector_load %arg7[%get3A_1268, %get3A_1269] {strides = array<i32>} : memref<64x128xf32, #tpu.memory_space<vmem>>, vector<1x16xf32>,
        %get3A_1271 = vector.shape_cast %get3A_1270 : vector<1x16xf32> to vector<16xf32>
        %add3A_1272 = arith.addf %add3A_1226, %get3A_1271 : vector<16xf32>
        %get3A_1273 = arith.index_cast %add3A_1237 : i32 to index
        %get3A_1274 = arith.constant 112 : index
        %get3A_1275 = tpu.vector_load %arg7[%get3A_1273, %get3A_1274] {strides = array<i32>} : memref<64x128xf32, #tpu.memory_space<vmem>>, vector<1x16xf32>,
        %get3A_1276 = vector.shape_cast %get3A_1275 : vector<1x16xf32> to vector<16xf32>
        %add3A_1277 = arith.addf %add3A_1231, %get3A_1276 : vector<16xf32>
        %mul3A_1278 = arith.constant 8 : i32
        %mul3A_1279 = arith.muli %scan3A_1132, %mul3A_1278 : i32
        %add3A_1280 = arith.constant 0 : i32
        %add3A_1281 = arith.addi %add3A_1280, %mul3A_1279 : i32
        %add3A_1282 = arith.constant 3 : i32
        %add3A_1283 = arith.addi %add3A_1281, %add3A_1282 : i32
        %get3A_1284 = arith.index_cast %add3A_1283 : i32 to index
        %get3A_1285 = arith.constant 0 : index
        %get3A_1286 = tpu.vector_load %arg7[%get3A_1284, %get3A_1285] {strides = array<i32>} : memref<64x128xf32, #tpu.memory_space<vmem>>, vector<1x16xf32>,
        %get3A_1287 = vector.shape_cast %get3A_1286 : vector<1x16xf32> to vector<16xf32>
        %add3A_1288 = arith.addf %add3A_1242, %get3A_1287 : vector<16xf32>
        %get3A_1289 = arith.index_cast %add3A_1283 : i32 to index
        %get3A_1290 = arith.constant 16 : index
        %get3A_1291 = tpu.vector_load %arg7[%get3A_1289, %get3A_1290] {strides = array<i32>} : memref<64x128xf32, #tpu.memory_space<vmem>>, vector<1x16xf32>,
        %get3A_1292 = vector.shape_cast %get3A_1291 : vector<1x16xf32> to vector<16xf32>
        %add3A_1293 = arith.addf %add3A_1247, %get3A_1292 : vector<16xf32>
        %get3A_1294 = arith.index_cast %add3A_1283 : i32 to index
        %get3A_1295 = arith.constant 32 : index
        %get3A_1296 = tpu.vector_load %arg7[%get3A_1294, %get3A_1295] {strides = array<i32>} : memref<64x128xf32, #tpu.memory_space<vmem>>, vector<1x16xf32>,
        %get3A_1297 = vector.shape_cast %get3A_1296 : vector<1x16xf32> to vector<16xf32>
        %add3A_1298 = arith.addf %add3A_1252, %get3A_1297 : vector<16xf32>
        %get3A_1299 = arith.index_cast %add3A_1283 : i32 to index
        %get3A_1300 = arith.constant 48 : index
        %get3A_1301 = tpu.vector_load %arg7[%get3A_1299, %get3A_1300] {strides = array<i32>} : memref<64x128xf32, #tpu.memory_space<vmem>>, vector<1x16xf32>,
        %get3A_1302 = vector.shape_cast %get3A_1301 : vector<1x16xf32> to vector<16xf32>
        %add3A_1303 = arith.addf %add3A_1257, %get3A_1302 : vector<16xf32>
        %get3A_1304 = arith.index_cast %add3A_1283 : i32 to index
        %get3A_1305 = arith.constant 64 : index
        %get3A_1306 = tpu.vector_load %arg7[%get3A_1304, %get3A_1305] {strides = array<i32>} : memref<64x128xf32, #tpu.memory_space<vmem>>, vector<1x16xf32>,
        %get3A_1307 = vector.shape_cast %get3A_1306 : vector<1x16xf32> to vector<16xf32>
        %add3A_1308 = arith.addf %add3A_1262, %get3A_1307 : vector<16xf32>
        %get3A_1309 = arith.index_cast %add3A_1283 : i32 to index
        %get3A_1310 = arith.constant 80 : index
        %get3A_1311 = tpu.vector_load %arg7[%get3A_1309, %get3A_1310] {strides = array<i32>} : memref<64x128xf32, #tpu.memory_space<vmem>>, vector<1x16xf32>,
        %get3A_1312 = vector.shape_cast %get3A_1311 : vector<1x16xf32> to vector<16xf32>
        %add3A_1313 = arith.addf %add3A_1267, %get3A_1312 : vector<16xf32>
        %get3A_1314 = arith.index_cast %add3A_1283 : i32 to index
        %get3A_1315 = arith.constant 96 : index
        %get3A_1316 = tpu.vector_load %arg7[%get3A_1314, %get3A_1315] {strides = array<i32>} : memref<64x128xf32, #tpu.memory_space<vmem>>, vector<1x16xf32>,
        %get3A_1317 = vector.shape_cast %get3A_1316 : vector<1x16xf32> to vector<16xf32>
        %add3A_1318 = arith.addf %add3A_1272, %get3A_1317 : vector<16xf32>
        %get3A_1319 = arith.index_cast %add3A_1283 : i32 to index
        %get3A_1320 = arith.constant 112 : index
        %get3A_1321 = tpu.vector_load %arg7[%get3A_1319, %get3A_1320] {strides = array<i32>} : memref<64x128xf32, #tpu.memory_space<vmem>>, vector<1x16xf32>,
        %get3A_1322 = vector.shape_cast %get3A_1321 : vector<1x16xf32> to vector<16xf32>
        %add3A_1323 = arith.addf %add3A_1277, %get3A_1322 : vector<16xf32>
        %mul3A_1324 = arith.constant 8 : i32
        %mul3A_1325 = arith.muli %scan3A_1132, %mul3A_1324 : i32
        %add3A_1326 = arith.constant 0 : i32
        %add3A_1327 = arith.addi %add3A_1326, %mul3A_1325 : i32
        %add3A_1328 = arith.constant 4 : i32
        %add3A_1329 = arith.addi %add3A_1327, %add3A_1328 : i32
        %get3A_1330 = arith.index_cast %add3A_1329 : i32 to index
        %get3A_1331 = arith.constant 0 : index
        %get3A_1332 = tpu.vector_load %arg7[%get3A_1330, %get3A_1331] {strides = array<i32>} : memref<64x128xf32, #tpu.memory_space<vmem>>, vector<1x16xf32>,
        %get3A_1333 = vector.shape_cast %get3A_1332 : vector<1x16xf32> to vector<16xf32>
        %add3A_1334 = arith.addf %add3A_1288, %get3A_1333 : vector<16xf32>
        %get3A_1335 = arith.index_cast %add3A_1329 : i32 to index
        %get3A_1336 = arith.constant 16 : index
        %get3A_1337 = tpu.vector_load %arg7[%get3A_1335, %get3A_1336] {strides = array<i32>} : memref<64x128xf32, #tpu.memory_space<vmem>>, vector<1x16xf32>,
        %get3A_1338 = vector.shape_cast %get3A_1337 : vector<1x16xf32> to vector<16xf32>
        %add3A_1339 = arith.addf %add3A_1293, %get3A_1338 : vector<16xf32>
        %get3A_1340 = arith.index_cast %add3A_1329 : i32 to index
        %get3A_1341 = arith.constant 32 : index
        %get3A_1342 = tpu.vector_load %arg7[%get3A_1340, %get3A_1341] {strides = array<i32>} : memref<64x128xf32, #tpu.memory_space<vmem>>, vector<1x16xf32>,
        %get3A_1343 = vector.shape_cast %get3A_1342 : vector<1x16xf32> to vector<16xf32>
        %add3A_1344 = arith.addf %add3A_1298, %get3A_1343 : vector<16xf32>
        %get3A_1345 = arith.index_cast %add3A_1329 : i32 to index
        %get3A_1346 = arith.constant 48 : index
        %get3A_1347 = tpu.vector_load %arg7[%get3A_1345, %get3A_1346] {strides = array<i32>} : memref<64x128xf32, #tpu.memory_space<vmem>>, vector<1x16xf32>,
        %get3A_1348 = vector.shape_cast %get3A_1347 : vector<1x16xf32> to vector<16xf32>
        %add3A_1349 = arith.addf %add3A_1303, %get3A_1348 : vector<16xf32>
        %get3A_1350 = arith.index_cast %add3A_1329 : i32 to index
        %get3A_1351 = arith.constant 64 : index
        %get3A_1352 = tpu.vector_load %arg7[%get3A_1350, %get3A_1351] {strides = array<i32>} : memref<64x128xf32, #tpu.memory_space<vmem>>, vector<1x16xf32>,
        %get3A_1353 = vector.shape_cast %get3A_1352 : vector<1x16xf32> to vector<16xf32>
        %add3A_1354 = arith.addf %add3A_1308, %get3A_1353 : vector<16xf32>
        %get3A_1355 = arith.index_cast %add3A_1329 : i32 to index
        %get3A_1356 = arith.constant 80 : index
        %get3A_1357 = tpu.vector_load %arg7[%get3A_1355, %get3A_1356] {strides = array<i32>} : memref<64x128xf32, #tpu.memory_space<vmem>>, vector<1x16xf32>,
        %get3A_1358 = vector.shape_cast %get3A_1357 : vector<1x16xf32> to vector<16xf32>
        %add3A_1359 = arith.addf %add3A_1313, %get3A_1358 : vector<16xf32>
        %get3A_1360 = arith.index_cast %add3A_1329 : i32 to index
        %get3A_1361 = arith.constant 96 : index
        %get3A_1362 = tpu.vector_load %arg7[%get3A_1360, %get3A_1361] {strides = array<i32>} : memref<64x128xf32, #tpu.memory_space<vmem>>, vector<1x16xf32>,
        %get3A_1363 = vector.shape_cast %get3A_1362 : vector<1x16xf32> to vector<16xf32>
        %add3A_1364 = arith.addf %add3A_1318, %get3A_1363 : vector<16xf32>
        %get3A_1365 = arith.index_cast %add3A_1329 : i32 to index
        %get3A_1366 = arith.constant 112 : index
        %get3A_1367 = tpu.vector_load %arg7[%get3A_1365, %get3A_1366] {strides = array<i32>} : memref<64x128xf32, #tpu.memory_space<vmem>>, vector<1x16xf32>,
        %get3A_1368 = vector.shape_cast %get3A_1367 : vector<1x16xf32> to vector<16xf32>
        %add3A_1369 = arith.addf %add3A_1323, %get3A_1368 : vector<16xf32>
        %mul3A_1370 = arith.constant 8 : i32
        %mul3A_1371 = arith.muli %scan3A_1132, %mul3A_1370 : i32
        %add3A_1372 = arith.constant 0 : i32
        %add3A_1373 = arith.addi %add3A_1372, %mul3A_1371 : i32
        %add3A_1374 = arith.constant 5 : i32
        %add3A_1375 = arith.addi %add3A_1373, %add3A_1374 : i32
        %get3A_1376 = arith.index_cast %add3A_1375 : i32 to index
        %get3A_1377 = arith.constant 0 : index
        %get3A_1378 = tpu.vector_load %arg7[%get3A_1376, %get3A_1377] {strides = array<i32>} : memref<64x128xf32, #tpu.memory_space<vmem>>, vector<1x16xf32>,
        %get3A_1379 = vector.shape_cast %get3A_1378 : vector<1x16xf32> to vector<16xf32>
        %add3A_1380 = arith.addf %add3A_1334, %get3A_1379 : vector<16xf32>
        %get3A_1381 = arith.index_cast %add3A_1375 : i32 to index
        %get3A_1382 = arith.constant 16 : index
        %get3A_1383 = tpu.vector_load %arg7[%get3A_1381, %get3A_1382] {strides = array<i32>} : memref<64x128xf32, #tpu.memory_space<vmem>>, vector<1x16xf32>,
        %get3A_1384 = vector.shape_cast %get3A_1383 : vector<1x16xf32> to vector<16xf32>
        %add3A_1385 = arith.addf %add3A_1339, %get3A_1384 : vector<16xf32>
        %get3A_1386 = arith.index_cast %add3A_1375 : i32 to index
        %get3A_1387 = arith.constant 32 : index
        %get3A_1388 = tpu.vector_load %arg7[%get3A_1386, %get3A_1387] {strides = array<i32>} : memref<64x128xf32, #tpu.memory_space<vmem>>, vector<1x16xf32>,
        %get3A_1389 = vector.shape_cast %get3A_1388 : vector<1x16xf32> to vector<16xf32>
        %add3A_1390 = arith.addf %add3A_1344, %get3A_1389 : vector<16xf32>
        %get3A_1391 = arith.index_cast %add3A_1375 : i32 to index
        %get3A_1392 = arith.constant 48 : index
        %get3A_1393 = tpu.vector_load %arg7[%get3A_1391, %get3A_1392] {strides = array<i32>} : memref<64x128xf32, #tpu.memory_space<vmem>>, vector<1x16xf32>,
        %get3A_1394 = vector.shape_cast %get3A_1393 : vector<1x16xf32> to vector<16xf32>
        %add3A_1395 = arith.addf %add3A_1349, %get3A_1394 : vector<16xf32>
        %get3A_1396 = arith.index_cast %add3A_1375 : i32 to index
        %get3A_1397 = arith.constant 64 : index
        %get3A_1398 = tpu.vector_load %arg7[%get3A_1396, %get3A_1397] {strides = array<i32>} : memref<64x128xf32, #tpu.memory_space<vmem>>, vector<1x16xf32>,
        %get3A_1399 = vector.shape_cast %get3A_1398 : vector<1x16xf32> to vector<16xf32>
        %add3A_1400 = arith.addf %add3A_1354, %get3A_1399 : vector<16xf32>
        %get3A_1401 = arith.index_cast %add3A_1375 : i32 to index
        %get3A_1402 = arith.constant 80 : index
        %get3A_1403 = tpu.vector_load %arg7[%get3A_1401, %get3A_1402] {strides = array<i32>} : memref<64x128xf32, #tpu.memory_space<vmem>>, vector<1x16xf32>,
        %get3A_1404 = vector.shape_cast %get3A_1403 : vector<1x16xf32> to vector<16xf32>
        %add3A_1405 = arith.addf %add3A_1359, %get3A_1404 : vector<16xf32>
        %get3A_1406 = arith.index_cast %add3A_1375 : i32 to index
        %get3A_1407 = arith.constant 96 : index
        %get3A_1408 = tpu.vector_load %arg7[%get3A_1406, %get3A_1407] {strides = array<i32>} : memref<64x128xf32, #tpu.memory_space<vmem>>, vector<1x16xf32>,
        %get3A_1409 = vector.shape_cast %get3A_1408 : vector<1x16xf32> to vector<16xf32>
        %add3A_1410 = arith.addf %add3A_1364, %get3A_1409 : vector<16xf32>
        %get3A_1411 = arith.index_cast %add3A_1375 : i32 to index
        %get3A_1412 = arith.constant 112 : index
        %get3A_1413 = tpu.vector_load %arg7[%get3A_1411, %get3A_1412] {strides = array<i32>} : memref<64x128xf32, #tpu.memory_space<vmem>>, vector<1x16xf32>,
        %get3A_1414 = vector.shape_cast %get3A_1413 : vector<1x16xf32> to vector<16xf32>
        %add3A_1415 = arith.addf %add3A_1369, %get3A_1414 : vector<16xf32>
        %mul3A_1416 = arith.constant 8 : i32
        %mul3A_1417 = arith.muli %scan3A_1132, %mul3A_1416 : i32
        %add3A_1418 = arith.constant 0 : i32
        %add3A_1419 = arith.addi %add3A_1418, %mul3A_1417 : i32
        %add3A_1420 = arith.constant 6 : i32
        %add3A_1421 = arith.addi %add3A_1419, %add3A_1420 : i32
        %get3A_1422 = arith.index_cast %add3A_1421 : i32 to index
        %get3A_1423 = arith.constant 0 : index
        %get3A_1424 = tpu.vector_load %arg7[%get3A_1422, %get3A_1423] {strides = array<i32>} : memref<64x128xf32, #tpu.memory_space<vmem>>, vector<1x16xf32>,
        %get3A_1425 = vector.shape_cast %get3A_1424 : vector<1x16xf32> to vector<16xf32>
        %add3A_1426 = arith.addf %add3A_1380, %get3A_1425 : vector<16xf32>
        %get3A_1427 = arith.index_cast %add3A_1421 : i32 to index
        %get3A_1428 = arith.constant 16 : index
        %get3A_1429 = tpu.vector_load %arg7[%get3A_1427, %get3A_1428] {strides = array<i32>} : memref<64x128xf32, #tpu.memory_space<vmem>>, vector<1x16xf32>,
        %get3A_1430 = vector.shape_cast %get3A_1429 : vector<1x16xf32> to vector<16xf32>
        %add3A_1431 = arith.addf %add3A_1385, %get3A_1430 : vector<16xf32>
        %get3A_1432 = arith.index_cast %add3A_1421 : i32 to index
        %get3A_1433 = arith.constant 32 : index
        %get3A_1434 = tpu.vector_load %arg7[%get3A_1432, %get3A_1433] {strides = array<i32>} : memref<64x128xf32, #tpu.memory_space<vmem>>, vector<1x16xf32>,
        %get3A_1435 = vector.shape_cast %get3A_1434 : vector<1x16xf32> to vector<16xf32>
        %add3A_1436 = arith.addf %add3A_1390, %get3A_1435 : vector<16xf32>
        %get3A_1437 = arith.index_cast %add3A_1421 : i32 to index
        %get3A_1438 = arith.constant 48 : index
        %get3A_1439 = tpu.vector_load %arg7[%get3A_1437, %get3A_1438] {strides = array<i32>} : memref<64x128xf32, #tpu.memory_space<vmem>>, vector<1x16xf32>,
        %get3A_1440 = vector.shape_cast %get3A_1439 : vector<1x16xf32> to vector<16xf32>
        %add3A_1441 = arith.addf %add3A_1395, %get3A_1440 : vector<16xf32>
        %get3A_1442 = arith.index_cast %add3A_1421 : i32 to index
        %get3A_1443 = arith.constant 64 : index
        %get3A_1444 = tpu.vector_load %arg7[%get3A_1442, %get3A_1443] {strides = array<i32>} : memref<64x128xf32, #tpu.memory_space<vmem>>, vector<1x16xf32>,
        %get3A_1445 = vector.shape_cast %get3A_1444 : vector<1x16xf32> to vector<16xf32>
        %add3A_1446 = arith.addf %add3A_1400, %get3A_1445 : vector<16xf32>
        %get3A_1447 = arith.index_cast %add3A_1421 : i32 to index
        %get3A_1448 = arith.constant 80 : index
        %get3A_1449 = tpu.vector_load %arg7[%get3A_1447, %get3A_1448] {strides = array<i32>} : memref<64x128xf32, #tpu.memory_space<vmem>>, vector<1x16xf32>,
        %get3A_1450 = vector.shape_cast %get3A_1449 : vector<1x16xf32> to vector<16xf32>
        %add3A_1451 = arith.addf %add3A_1405, %get3A_1450 : vector<16xf32>
        %get3A_1452 = arith.index_cast %add3A_1421 : i32 to index
        %get3A_1453 = arith.constant 96 : index
        %get3A_1454 = tpu.vector_load %arg7[%get3A_1452, %get3A_1453] {strides = array<i32>} : memref<64x128xf32, #tpu.memory_space<vmem>>, vector<1x16xf32>,
        %get3A_1455 = vector.shape_cast %get3A_1454 : vector<1x16xf32> to vector<16xf32>
        %add3A_1456 = arith.addf %add3A_1410, %get3A_1455 : vector<16xf32>
        %get3A_1457 = arith.index_cast %add3A_1421 : i32 to index
        %get3A_1458 = arith.constant 112 : index
        %get3A_1459 = tpu.vector_load %arg7[%get3A_1457, %get3A_1458] {strides = array<i32>} : memref<64x128xf32, #tpu.memory_space<vmem>>, vector<1x16xf32>,
        %get3A_1460 = vector.shape_cast %get3A_1459 : vector<1x16xf32> to vector<16xf32>
        %add3A_1461 = arith.addf %add3A_1415, %get3A_1460 : vector<16xf32>
        %mul3A_1462 = arith.constant 8 : i32
        %mul3A_1463 = arith.muli %scan3A_1132, %mul3A_1462 : i32
        %add3A_1464 = arith.constant 0 : i32
        %add3A_1465 = arith.addi %add3A_1464, %mul3A_1463 : i32
        %add3A_1466 = arith.constant 7 : i32
        %add3A_1467 = arith.addi %add3A_1465, %add3A_1466 : i32
        %get3A_1468 = arith.index_cast %add3A_1467 : i32 to index
        %get3A_1469 = arith.constant 0 : index
        %get3A_1470 = tpu.vector_load %arg7[%get3A_1468, %get3A_1469] {strides = array<i32>} : memref<64x128xf32, #tpu.memory_space<vmem>>, vector<1x16xf32>,
        %get3A_1471 = vector.shape_cast %get3A_1470 : vector<1x16xf32> to vector<16xf32>
        %add3A_1472 = arith.addf %add3A_1426, %get3A_1471 : vector<16xf32>
        %get3A_1473 = arith.index_cast %add3A_1467 : i32 to index
        %get3A_1474 = arith.constant 16 : index
        %get3A_1475 = tpu.vector_load %arg7[%get3A_1473, %get3A_1474] {strides = array<i32>} : memref<64x128xf32, #tpu.memory_space<vmem>>, vector<1x16xf32>,
        %get3A_1476 = vector.shape_cast %get3A_1475 : vector<1x16xf32> to vector<16xf32>
        %add3A_1477 = arith.addf %add3A_1431, %get3A_1476 : vector<16xf32>
        %get3A_1478 = arith.index_cast %add3A_1467 : i32 to index
        %get3A_1479 = arith.constant 32 : index
        %get3A_1480 = tpu.vector_load %arg7[%get3A_1478, %get3A_1479] {strides = array<i32>} : memref<64x128xf32, #tpu.memory_space<vmem>>, vector<1x16xf32>,
        %get3A_1481 = vector.shape_cast %get3A_1480 : vector<1x16xf32> to vector<16xf32>
        %add3A_1482 = arith.addf %add3A_1436, %get3A_1481 : vector<16xf32>
        %get3A_1483 = arith.index_cast %add3A_1467 : i32 to index
        %get3A_1484 = arith.constant 48 : index
        %get3A_1485 = tpu.vector_load %arg7[%get3A_1483, %get3A_1484] {strides = array<i32>} : memref<64x128xf32, #tpu.memory_space<vmem>>, vector<1x16xf32>,
        %get3A_1486 = vector.shape_cast %get3A_1485 : vector<1x16xf32> to vector<16xf32>
        %add3A_1487 = arith.addf %add3A_1441, %get3A_1486 : vector<16xf32>
        %get3A_1488 = arith.index_cast %add3A_1467 : i32 to index
        %get3A_1489 = arith.constant 64 : index
        %get3A_1490 = tpu.vector_load %arg7[%get3A_1488, %get3A_1489] {strides = array<i32>} : memref<64x128xf32, #tpu.memory_space<vmem>>, vector<1x16xf32>,
        %get3A_1491 = vector.shape_cast %get3A_1490 : vector<1x16xf32> to vector<16xf32>
        %add3A_1492 = arith.addf %add3A_1446, %get3A_1491 : vector<16xf32>
        %get3A_1493 = arith.index_cast %add3A_1467 : i32 to index
        %get3A_1494 = arith.constant 80 : index
        %get3A_1495 = tpu.vector_load %arg7[%get3A_1493, %get3A_1494] {strides = array<i32>} : memref<64x128xf32, #tpu.memory_space<vmem>>, vector<1x16xf32>,
        %get3A_1496 = vector.shape_cast %get3A_1495 : vector<1x16xf32> to vector<16xf32>
        %add3A_1497 = arith.addf %add3A_1451, %get3A_1496 : vector<16xf32>
        %get3A_1498 = arith.index_cast %add3A_1467 : i32 to index
        %get3A_1499 = arith.constant 96 : index
        %get3A_1500 = tpu.vector_load %arg7[%get3A_1498, %get3A_1499] {strides = array<i32>} : memref<64x128xf32, #tpu.memory_space<vmem>>, vector<1x16xf32>,
        %get3A_1501 = vector.shape_cast %get3A_1500 : vector<1x16xf32> to vector<16xf32>
        %add3A_1502 = arith.addf %add3A_1456, %get3A_1501 : vector<16xf32>
        %get3A_1503 = arith.index_cast %add3A_1467 : i32 to index
        %get3A_1504 = arith.constant 112 : index
        %get3A_1505 = tpu.vector_load %arg7[%get3A_1503, %get3A_1504] {strides = array<i32>} : memref<64x128xf32, #tpu.memory_space<vmem>>, vector<1x16xf32>,
        %get3A_1506 = vector.shape_cast %get3A_1505 : vector<1x16xf32> to vector<16xf32>
        %add3A_1507 = arith.addf %add3A_1461, %get3A_1506 : vector<16xf32>
        scf.yield %add3A_1472, %add3A_1477, %add3A_1482, %add3A_1487, %add3A_1492, %add3A_1497, %add3A_1502, %add3A_1507 : vector<16xf32>, vector<16xf32>, vector<16xf32>, vector<16xf32>, vector<16xf32>, vector<16xf32>, vector<16xf32>, vector<16xf32>
      }
      %scan3A_225 = arith.constant 8 : i32
      %mul3A_226 = arith.constant 1.562500e-02 : f32
      %mul3A_227 = vector.broadcast %mul3A_226 : f32 to vector<16xf32>
      %mul3A_228 = arith.mulf %scan3A_224#0, %mul3A_227 : vector<16xf32>
      %mul3A_229 = arith.constant 1 : i32
      %mul3A_230 = arith.muli %add3A_188, %mul3A_229 : i32
      %add3A_231 = arith.constant 0 : i32
      %add3A_232 = arith.addi %mul3A_230, %add3A_231 : i32
      %swap3A_233 = arith.index_cast %add3A_232 : i32 to index
      %swap3A_234 = arith.constant 0 : index
      %swap3A_235 = tpu.vector_load %arg14[%swap3A_233, %swap3A_234] {strides = array<i32>} : memref<128x128xf32, #tpu.memory_space<vmem>>, vector<1x16xf32>,
      %swap3A_236 = vector.shape_cast %swap3A_235 : vector<1x16xf32> to vector<16xf32>
      %swap3A_237 = vector.shape_cast %mul3A_228 : vector<16xf32> to vector<1x16xf32>
      tpu.vector_store %arg14[%swap3A_233, %swap3A_234], %swap3A_237 {strides = array<i32>} : memref<128x128xf32, #tpu.memory_space<vmem>>, vector<1x16xf32>,
      %mul3A_238 = arith.constant 1.562500e-02 : f32
      %mul3A_239 = vector.broadcast %mul3A_238 : f32 to vector<16xf32>
      %mul3A_240 = arith.mulf %scan3A_224#1, %mul3A_239 : vector<16xf32>
      %mul3A_241 = arith.constant 1 : i32
      %mul3A_242 = arith.muli %add3A_188, %mul3A_241 : i32
      %add3A_243 = arith.constant 0 : i32
      %add3A_244 = arith.addi %mul3A_242, %add3A_243 : i32
      %swap3A_245 = arith.index_cast %add3A_244 : i32 to index
      %swap3A_246 = arith.constant 16 : index
      %swap3A_247 = tpu.vector_load %arg14[%swap3A_245, %swap3A_246] {strides = array<i32>} : memref<128x128xf32, #tpu.memory_space<vmem>>, vector<1x16xf32>,
      %swap3A_248 = vector.shape_cast %swap3A_247 : vector<1x16xf32> to vector<16xf32>
      %swap3A_249 = vector.shape_cast %mul3A_240 : vector<16xf32> to vector<1x16xf32>
      tpu.vector_store %arg14[%swap3A_245, %swap3A_246], %swap3A_249 {strides = array<i32>} : memref<128x128xf32, #tpu.memory_space<vmem>>, vector<1x16xf32>,
      %mul3A_250 = arith.constant 1.562500e-02 : f32
      %mul3A_251 = vector.broadcast %mul3A_250 : f32 to vector<16xf32>
      %mul3A_252 = arith.mulf %scan3A_224#2, %mul3A_251 : vector<16xf32>
      %mul3A_253 = arith.constant 1 : i32
      %mul3A_254 = arith.muli %add3A_188, %mul3A_253 : i32
      %add3A_255 = arith.constant 0 : i32
      %add3A_256 = arith.addi %mul3A_254, %add3A_255 : i32
      %swap3A_257 = arith.index_cast %add3A_256 : i32 to index
      %swap3A_258 = arith.constant 32 : index
      %swap3A_259 = tpu.vector_load %arg14[%swap3A_257, %swap3A_258] {strides = array<i32>} : memref<128x128xf32, #tpu.memory_space<vmem>>, vector<1x16xf32>,
      %swap3A_260 = vector.shape_cast %swap3A_259 : vector<1x16xf32> to vector<16xf32>
      %swap3A_261 = vector.shape_cast %mul3A_252 : vector<16xf32> to vector<1x16xf32>
      tpu.vector_store %arg14[%swap3A_257, %swap3A_258], %swap3A_261 {strides = array<i32>} : memref<128x128xf32, #tpu.memory_space<vmem>>, vector<1x16xf32>,
      %mul3A_262 = arith.constant 1.562500e-02 : f32
      %mul3A_263 = vector.broadcast %mul3A_262 : f32 to vector<16xf32>
      %mul3A_264 = arith.mulf %scan3A_224#3, %mul3A_263 : vector<16xf32>
      %mul3A_265 = arith.constant 1 : i32
      %mul3A_266 = arith.muli %add3A_188, %mul3A_265 : i32
      %add3A_267 = arith.constant 0 : i32
      %add3A_268 = arith.addi %mul3A_266, %add3A_267 : i32
      %swap3A_269 = arith.index_cast %add3A_268 : i32 to index
      %swap3A_270 = arith.constant 48 : index
      %swap3A_271 = tpu.vector_load %arg14[%swap3A_269, %swap3A_270] {strides = array<i32>} : memref<128x128xf32, #tpu.memory_space<vmem>>, vector<1x16xf32>,
      %swap3A_272 = vector.shape_cast %swap3A_271 : vector<1x16xf32> to vector<16xf32>
      %swap3A_273 = vector.shape_cast %mul3A_264 : vector<16xf32> to vector<1x16xf32>
      tpu.vector_store %arg14[%swap3A_269, %swap3A_270], %swap3A_273 {strides = array<i32>} : memref<128x128xf32, #tpu.memory_space<vmem>>, vector<1x16xf32>,
      %mul3A_274 = arith.constant 1.562500e-02 : f32
      %mul3A_275 = vector.broadcast %mul3A_274 : f32 to vector<16xf32>
      %mul3A_276 = arith.mulf %scan3A_224#4, %mul3A_275 : vector<16xf32>
      %mul3A_277 = arith.constant 1 : i32
      %mul3A_278 = arith.muli %add3A_188, %mul3A_277 : i32
      %add3A_279 = arith.constant 0 : i32
      %add3A_280 = arith.addi %mul3A_278, %add3A_279 : i32
      %swap3A_281 = arith.index_cast %add3A_280 : i32 to index
      %swap3A_282 = arith.constant 64 : index
      %swap3A_283 = tpu.vector_load %arg14[%swap3A_281, %swap3A_282] {strides = array<i32>} : memref<128x128xf32, #tpu.memory_space<vmem>>, vector<1x16xf32>,
      %swap3A_284 = vector.shape_cast %swap3A_283 : vector<1x16xf32> to vector<16xf32>
      %swap3A_285 = vector.shape_cast %mul3A_276 : vector<16xf32> to vector<1x16xf32>
      tpu.vector_store %arg14[%swap3A_281, %swap3A_282], %swap3A_285 {strides = array<i32>} : memref<128x128xf32, #tpu.memory_space<vmem>>, vector<1x16xf32>,
      %mul3A_286 = arith.constant 1.562500e-02 : f32
      %mul3A_287 = vector.broadcast %mul3A_286 : f32 to vector<16xf32>
      %mul3A_288 = arith.mulf %scan3A_224#5, %mul3A_287 : vector<16xf32>
      %mul3A_289 = arith.constant 1 : i32
      %mul3A_290 = arith.muli %add3A_188, %mul3A_289 : i32
      %add3A_291 = arith.constant 0 : i32
      %add3A_292 = arith.addi %mul3A_290, %add3A_291 : i32
      %swap3A_293 = arith.index_cast %add3A_292 : i32 to index
      %swap3A_294 = arith.constant 80 : index
      %swap3A_295 = tpu.vector_load %arg14[%swap3A_293, %swap3A_294] {strides = array<i32>} : memref<128x128xf32, #tpu.memory_space<vmem>>, vector<1x16xf32>,
      %swap3A_296 = vector.shape_cast %swap3A_295 : vector<1x16xf32> to vector<16xf32>
      %swap3A_297 = vector.shape_cast %mul3A_288 : vector<16xf32> to vector<1x16xf32>
      tpu.vector_store %arg14[%swap3A_293, %swap3A_294], %swap3A_297 {strides = array<i32>} : memref<128x128xf32, #tpu.memory_space<vmem>>, vector<1x16xf32>,
      %mul3A_298 = arith.constant 1.562500e-02 : f32
      %mul3A_299 = vector.broadcast %mul3A_298 : f32 to vector<16xf32>
      %mul3A_300 = arith.mulf %scan3A_224#6, %mul3A_299 : vector<16xf32>
      %mul3A_301 = arith.constant 1 : i32
      %mul3A_302 = arith.muli %add3A_188, %mul3A_301 : i32
      %add3A_303 = arith.constant 0 : i32
      %add3A_304 = arith.addi %mul3A_302, %add3A_303 : i32
      %swap3A_305 = arith.index_cast %add3A_304 : i32 to index
      %swap3A_306 = arith.constant 96 : index
      %swap3A_307 = tpu.vector_load %arg14[%swap3A_305, %swap3A_306] {strides = array<i32>} : memref<128x128xf32, #tpu.memory_space<vmem>>, vector<1x16xf32>,
      %swap3A_308 = vector.shape_cast %swap3A_307 : vector<1x16xf32> to vector<16xf32>
      %swap3A_309 = vector.shape_cast %mul3A_300 : vector<16xf32> to vector<1x16xf32>
      tpu.vector_store %arg14[%swap3A_305, %swap3A_306], %swap3A_309 {strides = array<i32>} : memref<128x128xf32, #tpu.memory_space<vmem>>, vector<1x16xf32>,
      %mul3A_310 = arith.constant 1.562500e-02 : f32
      %mul3A_311 = vector.broadcast %mul3A_310 : f32 to vector<16xf32>
      %mul3A_312 = arith.mulf %scan3A_224#7, %mul3A_311 : vector<16xf32>
      %mul3A_313 = arith.constant 1 : i32
      %mul3A_314 = arith.muli %add3A_188, %mul3A_313 : i32
      %add3A_315 = arith.constant 0 : i32
      %add3A_316 = arith.addi %mul3A_314, %add3A_315 : i32
      %swap3A_317 = arith.index_cast %add3A_316 : i32 to index
      %swap3A_318 = arith.constant 112 : index
      %swap3A_319 = tpu.vector_load %arg14[%swap3A_317, %swap3A_318] {strides = array<i32>} : memref<128x128xf32, #tpu.memory_space<vmem>>, vector<1x16xf32>,
      %swap3A_320 = vector.shape_cast %swap3A_319 : vector<1x16xf32> to vector<16xf32>
      %swap3A_321 = vector.shape_cast %mul3A_312 : vector<16xf32> to vector<1x16xf32>
      tpu.vector_store %arg14[%swap3A_317, %swap3A_318], %swap3A_321 {strides = array<i32>} : memref<128x128xf32, #tpu.memory_space<vmem>>, vector<1x16xf32>,
      %add3A_322 = arith.constant 2 : i32
      %add3A_323 = arith.addi %mul3A_58, %add3A_322 : i32
      %add3A_324 = arith.constant 8 : i32
      %add3A_325 = arith.addi %add3A_323, %add3A_324 : i32
      %sub3A_326 = arith.constant 1 : i32
      %sub3A_327 = arith.subi %add3A_325, %sub3A_326 : i32
      %lt3A_328 = arith.constant 128 : i32
      %lt3A_329 = arith.cmpi slt, %sub3A_327, %lt3A_328 : i32
      %convert_element_type3A_330 = arith.extui %lt3A_329 : i1 to i32
      %cond3A_331 = arith.constant 0 : i32
      %cond3A_332 = arith.cmpi ne, %convert_element_type3A_330, %cond3A_331 : i32
      scf.if %cond3A_332 {
        %dma_start3A_1132 = arith.constant 0 : i32
        %dma_start3A_1133 = tpu.memref_slice %arg5[%sub3A_327, %dma_start3A_1132] : memref<128x64xi32, #tpu.memory_space<vmem>> -> memref<1x64xi32, #tpu.memory_space<vmem>>
        %dma_start3A_1134 = tpu.memref_squeeze %dma_start3A_1133 : memref<1x64xi32, #tpu.memory_space<vmem>> -> memref<64xi32, #tpu.memory_space<vmem>>
        %dma_start3A_1135 = arith.constant 0 : i32
        %dma_start3A_1136 = arith.constant 0 : i32
        %dma_start3A_1137 = tpu.memref_slice %arg2[%dma_start3A_1135, %dma_start3A_1136] : memref<100000x128xf32, #tpu.memory_space<hbm>> -> memref<100000x128xf32, #tpu.memory_space<hbm>>
        tpu.enqueue_indirect_dma source(%dma_start3A_1137 : memref<100000x128xf32, #tpu.memory_space<hbm>>) target(%arg7 : memref<64x128xf32, #tpu.memory_space<vmem>>) offsets(%dma_start3A_1134 : memref<64xi32, #tpu.memory_space<vmem>>) semaphore(%arg16 : memref<!tpu.dma_semaphore, #tpu.memory_space<semaphore_mem>>)
      } else {
      }
      %dma_wait3A_333 = arith.constant 0 : i32
      %dma_wait3A_334 = tpu.memref_slice %arg5[%add3A_323, %dma_wait3A_333] : memref<128x64xi32, #tpu.memory_space<vmem>> -> memref<1x64xi32, #tpu.memory_space<vmem>>
      %dma_wait3A_335 = tpu.memref_squeeze %dma_wait3A_334 : memref<1x64xi32, #tpu.memory_space<vmem>> -> memref<64xi32, #tpu.memory_space<vmem>>
      %dma_wait3A_336 = arith.constant 0 : i32
      %dma_wait3A_337 = arith.constant 0 : i32
      %dma_wait3A_338 = tpu.memref_slice %arg2[%dma_wait3A_336, %dma_wait3A_337] : memref<100000x128xf32, #tpu.memory_space<hbm>> -> memref<100000x128xf32, #tpu.memory_space<hbm>>
      tpu.wait_indirect_dma semaphore(%arg17 : memref<!tpu.dma_semaphore, #tpu.memory_space<semaphore_mem>>) src(%dma_wait3A_338 : memref<100000x128xf32, #tpu.memory_space<hbm>>) dst(%arg8 : memref<64x128xf32, #tpu.memory_space<vmem>>)
      %broadcast_in_dim3A_339 = arith.constant 0.000000e+00 : f32
      %broadcast_in_dim3A_340 = vector.broadcast %broadcast_in_dim3A_339 : f32 to vector<16xf32>
      %broadcast_in_dim3A_341 = arith.constant 0.000000e+00 : f32
      %broadcast_in_dim3A_342 = vector.broadcast %broadcast_in_dim3A_341 : f32 to vector<16xf32>
      %broadcast_in_dim3A_343 = arith.constant 0.000000e+00 : f32
      %broadcast_in_dim3A_344 = vector.broadcast %broadcast_in_dim3A_343 : f32 to vector<16xf32>
      %broadcast_in_dim3A_345 = arith.constant 0.000000e+00 : f32
      %broadcast_in_dim3A_346 = vector.broadcast %broadcast_in_dim3A_345 : f32 to vector<16xf32>
      %broadcast_in_dim3A_347 = arith.constant 0.000000e+00 : f32
      %broadcast_in_dim3A_348 = vector.broadcast %broadcast_in_dim3A_347 : f32 to vector<16xf32>
      %broadcast_in_dim3A_349 = arith.constant 0.000000e+00 : f32
      %broadcast_in_dim3A_350 = vector.broadcast %broadcast_in_dim3A_349 : f32 to vector<16xf32>
      %broadcast_in_dim3A_351 = arith.constant 0.000000e+00 : f32
      %broadcast_in_dim3A_352 = vector.broadcast %broadcast_in_dim3A_351 : f32 to vector<16xf32>
      %broadcast_in_dim3A_353 = arith.constant 0.000000e+00 : f32
      %broadcast_in_dim3A_354 = vector.broadcast %broadcast_in_dim3A_353 : f32 to vector<16xf32>
      %scan3A_355 = arith.constant 0 : i32
      %scan3A_356 = arith.constant 8 : i32
      %scan3A_357 = arith.addi %scan3A_355, %scan3A_356 : i32
      %scan3A_358 = arith.constant 1 : i32
      %scan3A_359:8 = scf.for %scan3A_1132 = %scan3A_355 to %scan3A_357 step %scan3A_358 iter_args(%scan3A_1133 = %broadcast_in_dim3A_340, %scan3A_1134 = %broadcast_in_dim3A_342, %scan3A_1135 = %broadcast_in_dim3A_344, %scan3A_1136 = %broadcast_in_dim3A_346, %scan3A_1137 = %broadcast_in_dim3A_348, %scan3A_1138 = %broadcast_in_dim3A_350, %scan3A_1139 = %broadcast_in_dim3A_352, %scan3A_1140 = %broadcast_in_dim3A_354) -> (vector<16xf32>, vector<16xf32>, vector<16xf32>, vector<16xf32>, vector<16xf32>, vector<16xf32>, vector<16xf32>, vector<16xf32>)  : i32 {
        %mul3A_1141 = arith.constant 8 : i32
        %mul3A_1142 = arith.muli %scan3A_1132, %mul3A_1141 : i32
        %add3A_1143 = arith.constant 0 : i32
        %add3A_1144 = arith.addi %add3A_1143, %mul3A_1142 : i32
        %add3A_1145 = arith.constant 0 : i32
        %add3A_1146 = arith.addi %add3A_1144, %add3A_1145 : i32
        %get3A = arith.index_cast %add3A_1146 : i32 to index
        %get3A_1147 = arith.constant 0 : index
        %get3A_1148 = tpu.vector_load %arg8[%get3A, %get3A_1147] {strides = array<i32>} : memref<64x128xf32, #tpu.memory_space<vmem>>, vector<1x16xf32>,
        %get3A_1149 = vector.shape_cast %get3A_1148 : vector<1x16xf32> to vector<16xf32>
        %add3A_1150 = arith.addf %scan3A_1133, %get3A_1149 : vector<16xf32>
        %get3A_1151 = arith.index_cast %add3A_1146 : i32 to index
        %get3A_1152 = arith.constant 16 : index
        %get3A_1153 = tpu.vector_load %arg8[%get3A_1151, %get3A_1152] {strides = array<i32>} : memref<64x128xf32, #tpu.memory_space<vmem>>, vector<1x16xf32>,
        %get3A_1154 = vector.shape_cast %get3A_1153 : vector<1x16xf32> to vector<16xf32>
        %add3A_1155 = arith.addf %scan3A_1134, %get3A_1154 : vector<16xf32>
        %get3A_1156 = arith.index_cast %add3A_1146 : i32 to index
        %get3A_1157 = arith.constant 32 : index
        %get3A_1158 = tpu.vector_load %arg8[%get3A_1156, %get3A_1157] {strides = array<i32>} : memref<64x128xf32, #tpu.memory_space<vmem>>, vector<1x16xf32>,
        %get3A_1159 = vector.shape_cast %get3A_1158 : vector<1x16xf32> to vector<16xf32>
        %add3A_1160 = arith.addf %scan3A_1135, %get3A_1159 : vector<16xf32>
        %get3A_1161 = arith.index_cast %add3A_1146 : i32 to index
        %get3A_1162 = arith.constant 48 : index
        %get3A_1163 = tpu.vector_load %arg8[%get3A_1161, %get3A_1162] {strides = array<i32>} : memref<64x128xf32, #tpu.memory_space<vmem>>, vector<1x16xf32>,
        %get3A_1164 = vector.shape_cast %get3A_1163 : vector<1x16xf32> to vector<16xf32>
        %add3A_1165 = arith.addf %scan3A_1136, %get3A_1164 : vector<16xf32>
        %get3A_1166 = arith.index_cast %add3A_1146 : i32 to index
        %get3A_1167 = arith.constant 64 : index
        %get3A_1168 = tpu.vector_load %arg8[%get3A_1166, %get3A_1167] {strides = array<i32>} : memref<64x128xf32, #tpu.memory_space<vmem>>, vector<1x16xf32>,
        %get3A_1169 = vector.shape_cast %get3A_1168 : vector<1x16xf32> to vector<16xf32>
        %add3A_1170 = arith.addf %scan3A_1137, %get3A_1169 : vector<16xf32>
        %get3A_1171 = arith.index_cast %add3A_1146 : i32 to index
        %get3A_1172 = arith.constant 80 : index
        %get3A_1173 = tpu.vector_load %arg8[%get3A_1171, %get3A_1172] {strides = array<i32>} : memref<64x128xf32, #tpu.memory_space<vmem>>, vector<1x16xf32>,
        %get3A_1174 = vector.shape_cast %get3A_1173 : vector<1x16xf32> to vector<16xf32>
        %add3A_1175 = arith.addf %scan3A_1138, %get3A_1174 : vector<16xf32>
        %get3A_1176 = arith.index_cast %add3A_1146 : i32 to index
        %get3A_1177 = arith.constant 96 : index
        %get3A_1178 = tpu.vector_load %arg8[%get3A_1176, %get3A_1177] {strides = array<i32>} : memref<64x128xf32, #tpu.memory_space<vmem>>, vector<1x16xf32>,
        %get3A_1179 = vector.shape_cast %get3A_1178 : vector<1x16xf32> to vector<16xf32>
        %add3A_1180 = arith.addf %scan3A_1139, %get3A_1179 : vector<16xf32>
        %get3A_1181 = arith.index_cast %add3A_1146 : i32 to index
        %get3A_1182 = arith.constant 112 : index
        %get3A_1183 = tpu.vector_load %arg8[%get3A_1181, %get3A_1182] {strides = array<i32>} : memref<64x128xf32, #tpu.memory_space<vmem>>, vector<1x16xf32>,
        %get3A_1184 = vector.shape_cast %get3A_1183 : vector<1x16xf32> to vector<16xf32>
        %add3A_1185 = arith.addf %scan3A_1140, %get3A_1184 : vector<16xf32>
        %mul3A_1186 = arith.constant 8 : i32
        %mul3A_1187 = arith.muli %scan3A_1132, %mul3A_1186 : i32
        %add3A_1188 = arith.constant 0 : i32
        %add3A_1189 = arith.addi %add3A_1188, %mul3A_1187 : i32
        %add3A_1190 = arith.constant 1 : i32
        %add3A_1191 = arith.addi %add3A_1189, %add3A_1190 : i32
        %get3A_1192 = arith.index_cast %add3A_1191 : i32 to index
        %get3A_1193 = arith.constant 0 : index
        %get3A_1194 = tpu.vector_load %arg8[%get3A_1192, %get3A_1193] {strides = array<i32>} : memref<64x128xf32, #tpu.memory_space<vmem>>, vector<1x16xf32>,
        %get3A_1195 = vector.shape_cast %get3A_1194 : vector<1x16xf32> to vector<16xf32>
        %add3A_1196 = arith.addf %add3A_1150, %get3A_1195 : vector<16xf32>
        %get3A_1197 = arith.index_cast %add3A_1191 : i32 to index
        %get3A_1198 = arith.constant 16 : index
        %get3A_1199 = tpu.vector_load %arg8[%get3A_1197, %get3A_1198] {strides = array<i32>} : memref<64x128xf32, #tpu.memory_space<vmem>>, vector<1x16xf32>,
        %get3A_1200 = vector.shape_cast %get3A_1199 : vector<1x16xf32> to vector<16xf32>
        %add3A_1201 = arith.addf %add3A_1155, %get3A_1200 : vector<16xf32>
        %get3A_1202 = arith.index_cast %add3A_1191 : i32 to index
        %get3A_1203 = arith.constant 32 : index
        %get3A_1204 = tpu.vector_load %arg8[%get3A_1202, %get3A_1203] {strides = array<i32>} : memref<64x128xf32, #tpu.memory_space<vmem>>, vector<1x16xf32>,
        %get3A_1205 = vector.shape_cast %get3A_1204 : vector<1x16xf32> to vector<16xf32>
        %add3A_1206 = arith.addf %add3A_1160, %get3A_1205 : vector<16xf32>
        %get3A_1207 = arith.index_cast %add3A_1191 : i32 to index
        %get3A_1208 = arith.constant 48 : index
        %get3A_1209 = tpu.vector_load %arg8[%get3A_1207, %get3A_1208] {strides = array<i32>} : memref<64x128xf32, #tpu.memory_space<vmem>>, vector<1x16xf32>,
        %get3A_1210 = vector.shape_cast %get3A_1209 : vector<1x16xf32> to vector<16xf32>
        %add3A_1211 = arith.addf %add3A_1165, %get3A_1210 : vector<16xf32>
        %get3A_1212 = arith.index_cast %add3A_1191 : i32 to index
        %get3A_1213 = arith.constant 64 : index
        %get3A_1214 = tpu.vector_load %arg8[%get3A_1212, %get3A_1213] {strides = array<i32>} : memref<64x128xf32, #tpu.memory_space<vmem>>, vector<1x16xf32>,
        %get3A_1215 = vector.shape_cast %get3A_1214 : vector<1x16xf32> to vector<16xf32>
        %add3A_1216 = arith.addf %add3A_1170, %get3A_1215 : vector<16xf32>
        %get3A_1217 = arith.index_cast %add3A_1191 : i32 to index
        %get3A_1218 = arith.constant 80 : index
        %get3A_1219 = tpu.vector_load %arg8[%get3A_1217, %get3A_1218] {strides = array<i32>} : memref<64x128xf32, #tpu.memory_space<vmem>>, vector<1x16xf32>,
        %get3A_1220 = vector.shape_cast %get3A_1219 : vector<1x16xf32> to vector<16xf32>
        %add3A_1221 = arith.addf %add3A_1175, %get3A_1220 : vector<16xf32>
        %get3A_1222 = arith.index_cast %add3A_1191 : i32 to index
        %get3A_1223 = arith.constant 96 : index
        %get3A_1224 = tpu.vector_load %arg8[%get3A_1222, %get3A_1223] {strides = array<i32>} : memref<64x128xf32, #tpu.memory_space<vmem>>, vector<1x16xf32>,
        %get3A_1225 = vector.shape_cast %get3A_1224 : vector<1x16xf32> to vector<16xf32>
        %add3A_1226 = arith.addf %add3A_1180, %get3A_1225 : vector<16xf32>
        %get3A_1227 = arith.index_cast %add3A_1191 : i32 to index
        %get3A_1228 = arith.constant 112 : index
        %get3A_1229 = tpu.vector_load %arg8[%get3A_1227, %get3A_1228] {strides = array<i32>} : memref<64x128xf32, #tpu.memory_space<vmem>>, vector<1x16xf32>,
        %get3A_1230 = vector.shape_cast %get3A_1229 : vector<1x16xf32> to vector<16xf32>
        %add3A_1231 = arith.addf %add3A_1185, %get3A_1230 : vector<16xf32>
        %mul3A_1232 = arith.constant 8 : i32
        %mul3A_1233 = arith.muli %scan3A_1132, %mul3A_1232 : i32
        %add3A_1234 = arith.constant 0 : i32
        %add3A_1235 = arith.addi %add3A_1234, %mul3A_1233 : i32
        %add3A_1236 = arith.constant 2 : i32
        %add3A_1237 = arith.addi %add3A_1235, %add3A_1236 : i32
        %get3A_1238 = arith.index_cast %add3A_1237 : i32 to index
        %get3A_1239 = arith.constant 0 : index
        %get3A_1240 = tpu.vector_load %arg8[%get3A_1238, %get3A_1239] {strides = array<i32>} : memref<64x128xf32, #tpu.memory_space<vmem>>, vector<1x16xf32>,
        %get3A_1241 = vector.shape_cast %get3A_1240 : vector<1x16xf32> to vector<16xf32>
        %add3A_1242 = arith.addf %add3A_1196, %get3A_1241 : vector<16xf32>
        %get3A_1243 = arith.index_cast %add3A_1237 : i32 to index
        %get3A_1244 = arith.constant 16 : index
        %get3A_1245 = tpu.vector_load %arg8[%get3A_1243, %get3A_1244] {strides = array<i32>} : memref<64x128xf32, #tpu.memory_space<vmem>>, vector<1x16xf32>,
        %get3A_1246 = vector.shape_cast %get3A_1245 : vector<1x16xf32> to vector<16xf32>
        %add3A_1247 = arith.addf %add3A_1201, %get3A_1246 : vector<16xf32>
        %get3A_1248 = arith.index_cast %add3A_1237 : i32 to index
        %get3A_1249 = arith.constant 32 : index
        %get3A_1250 = tpu.vector_load %arg8[%get3A_1248, %get3A_1249] {strides = array<i32>} : memref<64x128xf32, #tpu.memory_space<vmem>>, vector<1x16xf32>,
        %get3A_1251 = vector.shape_cast %get3A_1250 : vector<1x16xf32> to vector<16xf32>
        %add3A_1252 = arith.addf %add3A_1206, %get3A_1251 : vector<16xf32>
        %get3A_1253 = arith.index_cast %add3A_1237 : i32 to index
        %get3A_1254 = arith.constant 48 : index
        %get3A_1255 = tpu.vector_load %arg8[%get3A_1253, %get3A_1254] {strides = array<i32>} : memref<64x128xf32, #tpu.memory_space<vmem>>, vector<1x16xf32>,
        %get3A_1256 = vector.shape_cast %get3A_1255 : vector<1x16xf32> to vector<16xf32>
        %add3A_1257 = arith.addf %add3A_1211, %get3A_1256 : vector<16xf32>
        %get3A_1258 = arith.index_cast %add3A_1237 : i32 to index
        %get3A_1259 = arith.constant 64 : index
        %get3A_1260 = tpu.vector_load %arg8[%get3A_1258, %get3A_1259] {strides = array<i32>} : memref<64x128xf32, #tpu.memory_space<vmem>>, vector<1x16xf32>,
        %get3A_1261 = vector.shape_cast %get3A_1260 : vector<1x16xf32> to vector<16xf32>
        %add3A_1262 = arith.addf %add3A_1216, %get3A_1261 : vector<16xf32>
        %get3A_1263 = arith.index_cast %add3A_1237 : i32 to index
        %get3A_1264 = arith.constant 80 : index
        %get3A_1265 = tpu.vector_load %arg8[%get3A_1263, %get3A_1264] {strides = array<i32>} : memref<64x128xf32, #tpu.memory_space<vmem>>, vector<1x16xf32>,
        %get3A_1266 = vector.shape_cast %get3A_1265 : vector<1x16xf32> to vector<16xf32>
        %add3A_1267 = arith.addf %add3A_1221, %get3A_1266 : vector<16xf32>
        %get3A_1268 = arith.index_cast %add3A_1237 : i32 to index
        %get3A_1269 = arith.constant 96 : index
        %get3A_1270 = tpu.vector_load %arg8[%get3A_1268, %get3A_1269] {strides = array<i32>} : memref<64x128xf32, #tpu.memory_space<vmem>>, vector<1x16xf32>,
        %get3A_1271 = vector.shape_cast %get3A_1270 : vector<1x16xf32> to vector<16xf32>
        %add3A_1272 = arith.addf %add3A_1226, %get3A_1271 : vector<16xf32>
        %get3A_1273 = arith.index_cast %add3A_1237 : i32 to index
        %get3A_1274 = arith.constant 112 : index
        %get3A_1275 = tpu.vector_load %arg8[%get3A_1273, %get3A_1274] {strides = array<i32>} : memref<64x128xf32, #tpu.memory_space<vmem>>, vector<1x16xf32>,
        %get3A_1276 = vector.shape_cast %get3A_1275 : vector<1x16xf32> to vector<16xf32>
        %add3A_1277 = arith.addf %add3A_1231, %get3A_1276 : vector<16xf32>
        %mul3A_1278 = arith.constant 8 : i32
        %mul3A_1279 = arith.muli %scan3A_1132, %mul3A_1278 : i32
        %add3A_1280 = arith.constant 0 : i32
        %add3A_1281 = arith.addi %add3A_1280, %mul3A_1279 : i32
        %add3A_1282 = arith.constant 3 : i32
        %add3A_1283 = arith.addi %add3A_1281, %add3A_1282 : i32
        %get3A_1284 = arith.index_cast %add3A_1283 : i32 to index
        %get3A_1285 = arith.constant 0 : index
        %get3A_1286 = tpu.vector_load %arg8[%get3A_1284, %get3A_1285] {strides = array<i32>} : memref<64x128xf32, #tpu.memory_space<vmem>>, vector<1x16xf32>,
        %get3A_1287 = vector.shape_cast %get3A_1286 : vector<1x16xf32> to vector<16xf32>
        %add3A_1288 = arith.addf %add3A_1242, %get3A_1287 : vector<16xf32>
        %get3A_1289 = arith.index_cast %add3A_1283 : i32 to index
        %get3A_1290 = arith.constant 16 : index
        %get3A_1291 = tpu.vector_load %arg8[%get3A_1289, %get3A_1290] {strides = array<i32>} : memref<64x128xf32, #tpu.memory_space<vmem>>, vector<1x16xf32>,
        %get3A_1292 = vector.shape_cast %get3A_1291 : vector<1x16xf32> to vector<16xf32>
        %add3A_1293 = arith.addf %add3A_1247, %get3A_1292 : vector<16xf32>
        %get3A_1294 = arith.index_cast %add3A_1283 : i32 to index
        %get3A_1295 = arith.constant 32 : index
        %get3A_1296 = tpu.vector_load %arg8[%get3A_1294, %get3A_1295] {strides = array<i32>} : memref<64x128xf32, #tpu.memory_space<vmem>>, vector<1x16xf32>,
        %get3A_1297 = vector.shape_cast %get3A_1296 : vector<1x16xf32> to vector<16xf32>
        %add3A_1298 = arith.addf %add3A_1252, %get3A_1297 : vector<16xf32>
        %get3A_1299 = arith.index_cast %add3A_1283 : i32 to index
        %get3A_1300 = arith.constant 48 : index
        %get3A_1301 = tpu.vector_load %arg8[%get3A_1299, %get3A_1300] {strides = array<i32>} : memref<64x128xf32, #tpu.memory_space<vmem>>, vector<1x16xf32>,
        %get3A_1302 = vector.shape_cast %get3A_1301 : vector<1x16xf32> to vector<16xf32>
        %add3A_1303 = arith.addf %add3A_1257, %get3A_1302 : vector<16xf32>
        %get3A_1304 = arith.index_cast %add3A_1283 : i32 to index
        %get3A_1305 = arith.constant 64 : index
        %get3A_1306 = tpu.vector_load %arg8[%get3A_1304, %get3A_1305] {strides = array<i32>} : memref<64x128xf32, #tpu.memory_space<vmem>>, vector<1x16xf32>,
        %get3A_1307 = vector.shape_cast %get3A_1306 : vector<1x16xf32> to vector<16xf32>
        %add3A_1308 = arith.addf %add3A_1262, %get3A_1307 : vector<16xf32>
        %get3A_1309 = arith.index_cast %add3A_1283 : i32 to index
        %get3A_1310 = arith.constant 80 : index
        %get3A_1311 = tpu.vector_load %arg8[%get3A_1309, %get3A_1310] {strides = array<i32>} : memref<64x128xf32, #tpu.memory_space<vmem>>, vector<1x16xf32>,
        %get3A_1312 = vector.shape_cast %get3A_1311 : vector<1x16xf32> to vector<16xf32>
        %add3A_1313 = arith.addf %add3A_1267, %get3A_1312 : vector<16xf32>
        %get3A_1314 = arith.index_cast %add3A_1283 : i32 to index
        %get3A_1315 = arith.constant 96 : index
        %get3A_1316 = tpu.vector_load %arg8[%get3A_1314, %get3A_1315] {strides = array<i32>} : memref<64x128xf32, #tpu.memory_space<vmem>>, vector<1x16xf32>,
        %get3A_1317 = vector.shape_cast %get3A_1316 : vector<1x16xf32> to vector<16xf32>
        %add3A_1318 = arith.addf %add3A_1272, %get3A_1317 : vector<16xf32>
        %get3A_1319 = arith.index_cast %add3A_1283 : i32 to index
        %get3A_1320 = arith.constant 112 : index
        %get3A_1321 = tpu.vector_load %arg8[%get3A_1319, %get3A_1320] {strides = array<i32>} : memref<64x128xf32, #tpu.memory_space<vmem>>, vector<1x16xf32>,
        %get3A_1322 = vector.shape_cast %get3A_1321 : vector<1x16xf32> to vector<16xf32>
        %add3A_1323 = arith.addf %add3A_1277, %get3A_1322 : vector<16xf32>
        %mul3A_1324 = arith.constant 8 : i32
        %mul3A_1325 = arith.muli %scan3A_1132, %mul3A_1324 : i32
        %add3A_1326 = arith.constant 0 : i32
        %add3A_1327 = arith.addi %add3A_1326, %mul3A_1325 : i32
        %add3A_1328 = arith.constant 4 : i32
        %add3A_1329 = arith.addi %add3A_1327, %add3A_1328 : i32
        %get3A_1330 = arith.index_cast %add3A_1329 : i32 to index
        %get3A_1331 = arith.constant 0 : index
        %get3A_1332 = tpu.vector_load %arg8[%get3A_1330, %get3A_1331] {strides = array<i32>} : memref<64x128xf32, #tpu.memory_space<vmem>>, vector<1x16xf32>,
        %get3A_1333 = vector.shape_cast %get3A_1332 : vector<1x16xf32> to vector<16xf32>
        %add3A_1334 = arith.addf %add3A_1288, %get3A_1333 : vector<16xf32>
        %get3A_1335 = arith.index_cast %add3A_1329 : i32 to index
        %get3A_1336 = arith.constant 16 : index
        %get3A_1337 = tpu.vector_load %arg8[%get3A_1335, %get3A_1336] {strides = array<i32>} : memref<64x128xf32, #tpu.memory_space<vmem>>, vector<1x16xf32>,
        %get3A_1338 = vector.shape_cast %get3A_1337 : vector<1x16xf32> to vector<16xf32>
        %add3A_1339 = arith.addf %add3A_1293, %get3A_1338 : vector<16xf32>
        %get3A_1340 = arith.index_cast %add3A_1329 : i32 to index
        %get3A_1341 = arith.constant 32 : index
        %get3A_1342 = tpu.vector_load %arg8[%get3A_1340, %get3A_1341] {strides = array<i32>} : memref<64x128xf32, #tpu.memory_space<vmem>>, vector<1x16xf32>,
        %get3A_1343 = vector.shape_cast %get3A_1342 : vector<1x16xf32> to vector<16xf32>
        %add3A_1344 = arith.addf %add3A_1298, %get3A_1343 : vector<16xf32>
        %get3A_1345 = arith.index_cast %add3A_1329 : i32 to index
        %get3A_1346 = arith.constant 48 : index
        %get3A_1347 = tpu.vector_load %arg8[%get3A_1345, %get3A_1346] {strides = array<i32>} : memref<64x128xf32, #tpu.memory_space<vmem>>, vector<1x16xf32>,
        %get3A_1348 = vector.shape_cast %get3A_1347 : vector<1x16xf32> to vector<16xf32>
        %add3A_1349 = arith.addf %add3A_1303, %get3A_1348 : vector<16xf32>
        %get3A_1350 = arith.index_cast %add3A_1329 : i32 to index
        %get3A_1351 = arith.constant 64 : index
        %get3A_1352 = tpu.vector_load %arg8[%get3A_1350, %get3A_1351] {strides = array<i32>} : memref<64x128xf32, #tpu.memory_space<vmem>>, vector<1x16xf32>,
        %get3A_1353 = vector.shape_cast %get3A_1352 : vector<1x16xf32> to vector<16xf32>
        %add3A_1354 = arith.addf %add3A_1308, %get3A_1353 : vector<16xf32>
        %get3A_1355 = arith.index_cast %add3A_1329 : i32 to index
        %get3A_1356 = arith.constant 80 : index
        %get3A_1357 = tpu.vector_load %arg8[%get3A_1355, %get3A_1356] {strides = array<i32>} : memref<64x128xf32, #tpu.memory_space<vmem>>, vector<1x16xf32>,
        %get3A_1358 = vector.shape_cast %get3A_1357 : vector<1x16xf32> to vector<16xf32>
        %add3A_1359 = arith.addf %add3A_1313, %get3A_1358 : vector<16xf32>
        %get3A_1360 = arith.index_cast %add3A_1329 : i32 to index
        %get3A_1361 = arith.constant 96 : index
        %get3A_1362 = tpu.vector_load %arg8[%get3A_1360, %get3A_1361] {strides = array<i32>} : memref<64x128xf32, #tpu.memory_space<vmem>>, vector<1x16xf32>,
        %get3A_1363 = vector.shape_cast %get3A_1362 : vector<1x16xf32> to vector<16xf32>
        %add3A_1364 = arith.addf %add3A_1318, %get3A_1363 : vector<16xf32>
        %get3A_1365 = arith.index_cast %add3A_1329 : i32 to index
        %get3A_1366 = arith.constant 112 : index
        %get3A_1367 = tpu.vector_load %arg8[%get3A_1365, %get3A_1366] {strides = array<i32>} : memref<64x128xf32, #tpu.memory_space<vmem>>, vector<1x16xf32>,
        %get3A_1368 = vector.shape_cast %get3A_1367 : vector<1x16xf32> to vector<16xf32>
        %add3A_1369 = arith.addf %add3A_1323, %get3A_1368 : vector<16xf32>
        %mul3A_1370 = arith.constant 8 : i32
        %mul3A_1371 = arith.muli %scan3A_1132, %mul3A_1370 : i32
        %add3A_1372 = arith.constant 0 : i32
        %add3A_1373 = arith.addi %add3A_1372, %mul3A_1371 : i32
        %add3A_1374 = arith.constant 5 : i32
        %add3A_1375 = arith.addi %add3A_1373, %add3A_1374 : i32
        %get3A_1376 = arith.index_cast %add3A_1375 : i32 to index
        %get3A_1377 = arith.constant 0 : index
        %get3A_1378 = tpu.vector_load %arg8[%get3A_1376, %get3A_1377] {strides = array<i32>} : memref<64x128xf32, #tpu.memory_space<vmem>>, vector<1x16xf32>,
        %get3A_1379 = vector.shape_cast %get3A_1378 : vector<1x16xf32> to vector<16xf32>
        %add3A_1380 = arith.addf %add3A_1334, %get3A_1379 : vector<16xf32>
        %get3A_1381 = arith.index_cast %add3A_1375 : i32 to index
        %get3A_1382 = arith.constant 16 : index
        %get3A_1383 = tpu.vector_load %arg8[%get3A_1381, %get3A_1382] {strides = array<i32>} : memref<64x128xf32, #tpu.memory_space<vmem>>, vector<1x16xf32>,
        %get3A_1384 = vector.shape_cast %get3A_1383 : vector<1x16xf32> to vector<16xf32>
        %add3A_1385 = arith.addf %add3A_1339, %get3A_1384 : vector<16xf32>
        %get3A_1386 = arith.index_cast %add3A_1375 : i32 to index
        %get3A_1387 = arith.constant 32 : index
        %get3A_1388 = tpu.vector_load %arg8[%get3A_1386, %get3A_1387] {strides = array<i32>} : memref<64x128xf32, #tpu.memory_space<vmem>>, vector<1x16xf32>,
        %get3A_1389 = vector.shape_cast %get3A_1388 : vector<1x16xf32> to vector<16xf32>
        %add3A_1390 = arith.addf %add3A_1344, %get3A_1389 : vector<16xf32>
        %get3A_1391 = arith.index_cast %add3A_1375 : i32 to index
        %get3A_1392 = arith.constant 48 : index
        %get3A_1393 = tpu.vector_load %arg8[%get3A_1391, %get3A_1392] {strides = array<i32>} : memref<64x128xf32, #tpu.memory_space<vmem>>, vector<1x16xf32>,
        %get3A_1394 = vector.shape_cast %get3A_1393 : vector<1x16xf32> to vector<16xf32>
        %add3A_1395 = arith.addf %add3A_1349, %get3A_1394 : vector<16xf32>
        %get3A_1396 = arith.index_cast %add3A_1375 : i32 to index
        %get3A_1397 = arith.constant 64 : index
        %get3A_1398 = tpu.vector_load %arg8[%get3A_1396, %get3A_1397] {strides = array<i32>} : memref<64x128xf32, #tpu.memory_space<vmem>>, vector<1x16xf32>,
        %get3A_1399 = vector.shape_cast %get3A_1398 : vector<1x16xf32> to vector<16xf32>
        %add3A_1400 = arith.addf %add3A_1354, %get3A_1399 : vector<16xf32>
        %get3A_1401 = arith.index_cast %add3A_1375 : i32 to index
        %get3A_1402 = arith.constant 80 : index
        %get3A_1403 = tpu.vector_load %arg8[%get3A_1401, %get3A_1402] {strides = array<i32>} : memref<64x128xf32, #tpu.memory_space<vmem>>, vector<1x16xf32>,
        %get3A_1404 = vector.shape_cast %get3A_1403 : vector<1x16xf32> to vector<16xf32>
        %add3A_1405 = arith.addf %add3A_1359, %get3A_1404 : vector<16xf32>
        %get3A_1406 = arith.index_cast %add3A_1375 : i32 to index
        %get3A_1407 = arith.constant 96 : index
        %get3A_1408 = tpu.vector_load %arg8[%get3A_1406, %get3A_1407] {strides = array<i32>} : memref<64x128xf32, #tpu.memory_space<vmem>>, vector<1x16xf32>,
        %get3A_1409 = vector.shape_cast %get3A_1408 : vector<1x16xf32> to vector<16xf32>
        %add3A_1410 = arith.addf %add3A_1364, %get3A_1409 : vector<16xf32>
        %get3A_1411 = arith.index_cast %add3A_1375 : i32 to index
        %get3A_1412 = arith.constant 112 : index
        %get3A_1413 = tpu.vector_load %arg8[%get3A_1411, %get3A_1412] {strides = array<i32>} : memref<64x128xf32, #tpu.memory_space<vmem>>, vector<1x16xf32>,
        %get3A_1414 = vector.shape_cast %get3A_1413 : vector<1x16xf32> to vector<16xf32>
        %add3A_1415 = arith.addf %add3A_1369, %get3A_1414 : vector<16xf32>
        %mul3A_1416 = arith.constant 8 : i32
        %mul3A_1417 = arith.muli %scan3A_1132, %mul3A_1416 : i32
        %add3A_1418 = arith.constant 0 : i32
        %add3A_1419 = arith.addi %add3A_1418, %mul3A_1417 : i32
        %add3A_1420 = arith.constant 6 : i32
        %add3A_1421 = arith.addi %add3A_1419, %add3A_1420 : i32
        %get3A_1422 = arith.index_cast %add3A_1421 : i32 to index
        %get3A_1423 = arith.constant 0 : index
        %get3A_1424 = tpu.vector_load %arg8[%get3A_1422, %get3A_1423] {strides = array<i32>} : memref<64x128xf32, #tpu.memory_space<vmem>>, vector<1x16xf32>,
        %get3A_1425 = vector.shape_cast %get3A_1424 : vector<1x16xf32> to vector<16xf32>
        %add3A_1426 = arith.addf %add3A_1380, %get3A_1425 : vector<16xf32>
        %get3A_1427 = arith.index_cast %add3A_1421 : i32 to index
        %get3A_1428 = arith.constant 16 : index
        %get3A_1429 = tpu.vector_load %arg8[%get3A_1427, %get3A_1428] {strides = array<i32>} : memref<64x128xf32, #tpu.memory_space<vmem>>, vector<1x16xf32>,
        %get3A_1430 = vector.shape_cast %get3A_1429 : vector<1x16xf32> to vector<16xf32>
        %add3A_1431 = arith.addf %add3A_1385, %get3A_1430 : vector<16xf32>
        %get3A_1432 = arith.index_cast %add3A_1421 : i32 to index
        %get3A_1433 = arith.constant 32 : index
        %get3A_1434 = tpu.vector_load %arg8[%get3A_1432, %get3A_1433] {strides = array<i32>} : memref<64x128xf32, #tpu.memory_space<vmem>>, vector<1x16xf32>,
        %get3A_1435 = vector.shape_cast %get3A_1434 : vector<1x16xf32> to vector<16xf32>
        %add3A_1436 = arith.addf %add3A_1390, %get3A_1435 : vector<16xf32>
        %get3A_1437 = arith.index_cast %add3A_1421 : i32 to index
        %get3A_1438 = arith.constant 48 : index
        %get3A_1439 = tpu.vector_load %arg8[%get3A_1437, %get3A_1438] {strides = array<i32>} : memref<64x128xf32, #tpu.memory_space<vmem>>, vector<1x16xf32>,
        %get3A_1440 = vector.shape_cast %get3A_1439 : vector<1x16xf32> to vector<16xf32>
        %add3A_1441 = arith.addf %add3A_1395, %get3A_1440 : vector<16xf32>
        %get3A_1442 = arith.index_cast %add3A_1421 : i32 to index
        %get3A_1443 = arith.constant 64 : index
        %get3A_1444 = tpu.vector_load %arg8[%get3A_1442, %get3A_1443] {strides = array<i32>} : memref<64x128xf32, #tpu.memory_space<vmem>>, vector<1x16xf32>,
        %get3A_1445 = vector.shape_cast %get3A_1444 : vector<1x16xf32> to vector<16xf32>
        %add3A_1446 = arith.addf %add3A_1400, %get3A_1445 : vector<16xf32>
        %get3A_1447 = arith.index_cast %add3A_1421 : i32 to index
        %get3A_1448 = arith.constant 80 : index
        %get3A_1449 = tpu.vector_load %arg8[%get3A_1447, %get3A_1448] {strides = array<i32>} : memref<64x128xf32, #tpu.memory_space<vmem>>, vector<1x16xf32>,
        %get3A_1450 = vector.shape_cast %get3A_1449 : vector<1x16xf32> to vector<16xf32>
        %add3A_1451 = arith.addf %add3A_1405, %get3A_1450 : vector<16xf32>
        %get3A_1452 = arith.index_cast %add3A_1421 : i32 to index
        %get3A_1453 = arith.constant 96 : index
        %get3A_1454 = tpu.vector_load %arg8[%get3A_1452, %get3A_1453] {strides = array<i32>} : memref<64x128xf32, #tpu.memory_space<vmem>>, vector<1x16xf32>,
        %get3A_1455 = vector.shape_cast %get3A_1454 : vector<1x16xf32> to vector<16xf32>
        %add3A_1456 = arith.addf %add3A_1410, %get3A_1455 : vector<16xf32>
        %get3A_1457 = arith.index_cast %add3A_1421 : i32 to index
        %get3A_1458 = arith.constant 112 : index
        %get3A_1459 = tpu.vector_load %arg8[%get3A_1457, %get3A_1458] {strides = array<i32>} : memref<64x128xf32, #tpu.memory_space<vmem>>, vector<1x16xf32>,
        %get3A_1460 = vector.shape_cast %get3A_1459 : vector<1x16xf32> to vector<16xf32>
        %add3A_1461 = arith.addf %add3A_1415, %get3A_1460 : vector<16xf32>
        %mul3A_1462 = arith.constant 8 : i32
        %mul3A_1463 = arith.muli %scan3A_1132, %mul3A_1462 : i32
        %add3A_1464 = arith.constant 0 : i32
        %add3A_1465 = arith.addi %add3A_1464, %mul3A_1463 : i32
        %add3A_1466 = arith.constant 7 : i32
        %add3A_1467 = arith.addi %add3A_1465, %add3A_1466 : i32
        %get3A_1468 = arith.index_cast %add3A_1467 : i32 to index
        %get3A_1469 = arith.constant 0 : index
        %get3A_1470 = tpu.vector_load %arg8[%get3A_1468, %get3A_1469] {strides = array<i32>} : memref<64x128xf32, #tpu.memory_space<vmem>>, vector<1x16xf32>,
        %get3A_1471 = vector.shape_cast %get3A_1470 : vector<1x16xf32> to vector<16xf32>
        %add3A_1472 = arith.addf %add3A_1426, %get3A_1471 : vector<16xf32>
        %get3A_1473 = arith.index_cast %add3A_1467 : i32 to index
        %get3A_1474 = arith.constant 16 : index
        %get3A_1475 = tpu.vector_load %arg8[%get3A_1473, %get3A_1474] {strides = array<i32>} : memref<64x128xf32, #tpu.memory_space<vmem>>, vector<1x16xf32>,
        %get3A_1476 = vector.shape_cast %get3A_1475 : vector<1x16xf32> to vector<16xf32>
        %add3A_1477 = arith.addf %add3A_1431, %get3A_1476 : vector<16xf32>
        %get3A_1478 = arith.index_cast %add3A_1467 : i32 to index
        %get3A_1479 = arith.constant 32 : index
        %get3A_1480 = tpu.vector_load %arg8[%get3A_1478, %get3A_1479] {strides = array<i32>} : memref<64x128xf32, #tpu.memory_space<vmem>>, vector<1x16xf32>,
        %get3A_1481 = vector.shape_cast %get3A_1480 : vector<1x16xf32> to vector<16xf32>
        %add3A_1482 = arith.addf %add3A_1436, %get3A_1481 : vector<16xf32>
        %get3A_1483 = arith.index_cast %add3A_1467 : i32 to index
        %get3A_1484 = arith.constant 48 : index
        %get3A_1485 = tpu.vector_load %arg8[%get3A_1483, %get3A_1484] {strides = array<i32>} : memref<64x128xf32, #tpu.memory_space<vmem>>, vector<1x16xf32>,
        %get3A_1486 = vector.shape_cast %get3A_1485 : vector<1x16xf32> to vector<16xf32>
        %add3A_1487 = arith.addf %add3A_1441, %get3A_1486 : vector<16xf32>
        %get3A_1488 = arith.index_cast %add3A_1467 : i32 to index
        %get3A_1489 = arith.constant 64 : index
        %get3A_1490 = tpu.vector_load %arg8[%get3A_1488, %get3A_1489] {strides = array<i32>} : memref<64x128xf32, #tpu.memory_space<vmem>>, vector<1x16xf32>,
        %get3A_1491 = vector.shape_cast %get3A_1490 : vector<1x16xf32> to vector<16xf32>
        %add3A_1492 = arith.addf %add3A_1446, %get3A_1491 : vector<16xf32>
        %get3A_1493 = arith.index_cast %add3A_1467 : i32 to index
        %get3A_1494 = arith.constant 80 : index
        %get3A_1495 = tpu.vector_load %arg8[%get3A_1493, %get3A_1494] {strides = array<i32>} : memref<64x128xf32, #tpu.memory_space<vmem>>, vector<1x16xf32>,
        %get3A_1496 = vector.shape_cast %get3A_1495 : vector<1x16xf32> to vector<16xf32>
        %add3A_1497 = arith.addf %add3A_1451, %get3A_1496 : vector<16xf32>
        %get3A_1498 = arith.index_cast %add3A_1467 : i32 to index
        %get3A_1499 = arith.constant 96 : index
        %get3A_1500 = tpu.vector_load %arg8[%get3A_1498, %get3A_1499] {strides = array<i32>} : memref<64x128xf32, #tpu.memory_space<vmem>>, vector<1x16xf32>,
        %get3A_1501 = vector.shape_cast %get3A_1500 : vector<1x16xf32> to vector<16xf32>
        %add3A_1502 = arith.addf %add3A_1456, %get3A_1501 : vector<16xf32>
        %get3A_1503 = arith.index_cast %add3A_1467 : i32 to index
        %get3A_1504 = arith.constant 112 : index
        %get3A_1505 = tpu.vector_load %arg8[%get3A_1503, %get3A_1504] {strides = array<i32>} : memref<64x128xf32, #tpu.memory_space<vmem>>, vector<1x16xf32>,
        %get3A_1506 = vector.shape_cast %get3A_1505 : vector<1x16xf32> to vector<16xf32>
        %add3A_1507 = arith.addf %add3A_1461, %get3A_1506 : vector<16xf32>
        scf.yield %add3A_1472, %add3A_1477, %add3A_1482, %add3A_1487, %add3A_1492, %add3A_1497, %add3A_1502, %add3A_1507 : vector<16xf32>, vector<16xf32>, vector<16xf32>, vector<16xf32>, vector<16xf32>, vector<16xf32>, vector<16xf32>, vector<16xf32>
      }
      %scan3A_360 = arith.constant 8 : i32
      %mul3A_361 = arith.constant 1.562500e-02 : f32
      %mul3A_362 = vector.broadcast %mul3A_361 : f32 to vector<16xf32>
      %mul3A_363 = arith.mulf %scan3A_359#0, %mul3A_362 : vector<16xf32>
      %mul3A_364 = arith.constant 1 : i32
      %mul3A_365 = arith.muli %add3A_323, %mul3A_364 : i32
      %add3A_366 = arith.constant 0 : i32
      %add3A_367 = arith.addi %mul3A_365, %add3A_366 : i32
      %swap3A_368 = arith.index_cast %add3A_367 : i32 to index
      %swap3A_369 = arith.constant 0 : index
      %swap3A_370 = tpu.vector_load %arg14[%swap3A_368, %swap3A_369] {strides = array<i32>} : memref<128x128xf32, #tpu.memory_space<vmem>>, vector<1x16xf32>,
      %swap3A_371 = vector.shape_cast %swap3A_370 : vector<1x16xf32> to vector<16xf32>
      %swap3A_372 = vector.shape_cast %mul3A_363 : vector<16xf32> to vector<1x16xf32>
      tpu.vector_store %arg14[%swap3A_368, %swap3A_369], %swap3A_372 {strides = array<i32>} : memref<128x128xf32, #tpu.memory_space<vmem>>, vector<1x16xf32>,
      %mul3A_373 = arith.constant 1.562500e-02 : f32
      %mul3A_374 = vector.broadcast %mul3A_373 : f32 to vector<16xf32>
      %mul3A_375 = arith.mulf %scan3A_359#1, %mul3A_374 : vector<16xf32>
      %mul3A_376 = arith.constant 1 : i32
      %mul3A_377 = arith.muli %add3A_323, %mul3A_376 : i32
      %add3A_378 = arith.constant 0 : i32
      %add3A_379 = arith.addi %mul3A_377, %add3A_378 : i32
      %swap3A_380 = arith.index_cast %add3A_379 : i32 to index
      %swap3A_381 = arith.constant 16 : index
      %swap3A_382 = tpu.vector_load %arg14[%swap3A_380, %swap3A_381] {strides = array<i32>} : memref<128x128xf32, #tpu.memory_space<vmem>>, vector<1x16xf32>,
      %swap3A_383 = vector.shape_cast %swap3A_382 : vector<1x16xf32> to vector<16xf32>
      %swap3A_384 = vector.shape_cast %mul3A_375 : vector<16xf32> to vector<1x16xf32>
      tpu.vector_store %arg14[%swap3A_380, %swap3A_381], %swap3A_384 {strides = array<i32>} : memref<128x128xf32, #tpu.memory_space<vmem>>, vector<1x16xf32>,
      %mul3A_385 = arith.constant 1.562500e-02 : f32
      %mul3A_386 = vector.broadcast %mul3A_385 : f32 to vector<16xf32>
      %mul3A_387 = arith.mulf %scan3A_359#2, %mul3A_386 : vector<16xf32>
      %mul3A_388 = arith.constant 1 : i32
      %mul3A_389 = arith.muli %add3A_323, %mul3A_388 : i32
      %add3A_390 = arith.constant 0 : i32
      %add3A_391 = arith.addi %mul3A_389, %add3A_390 : i32
      %swap3A_392 = arith.index_cast %add3A_391 : i32 to index
      %swap3A_393 = arith.constant 32 : index
      %swap3A_394 = tpu.vector_load %arg14[%swap3A_392, %swap3A_393] {strides = array<i32>} : memref<128x128xf32, #tpu.memory_space<vmem>>, vector<1x16xf32>,
      %swap3A_395 = vector.shape_cast %swap3A_394 : vector<1x16xf32> to vector<16xf32>
      %swap3A_396 = vector.shape_cast %mul3A_387 : vector<16xf32> to vector<1x16xf32>
      tpu.vector_store %arg14[%swap3A_392, %swap3A_393], %swap3A_396 {strides = array<i32>} : memref<128x128xf32, #tpu.memory_space<vmem>>, vector<1x16xf32>,
      %mul3A_397 = arith.constant 1.562500e-02 : f32
      %mul3A_398 = vector.broadcast %mul3A_397 : f32 to vector<16xf32>
      %mul3A_399 = arith.mulf %scan3A_359#3, %mul3A_398 : vector<16xf32>
      %mul3A_400 = arith.constant 1 : i32
      %mul3A_401 = arith.muli %add3A_323, %mul3A_400 : i32
      %add3A_402 = arith.constant 0 : i32
      %add3A_403 = arith.addi %mul3A_401, %add3A_402 : i32
      %swap3A_404 = arith.index_cast %add3A_403 : i32 to index
      %swap3A_405 = arith.constant 48 : index
      %swap3A_406 = tpu.vector_load %arg14[%swap3A_404, %swap3A_405] {strides = array<i32>} : memref<128x128xf32, #tpu.memory_space<vmem>>, vector<1x16xf32>,
      %swap3A_407 = vector.shape_cast %swap3A_406 : vector<1x16xf32> to vector<16xf32>
      %swap3A_408 = vector.shape_cast %mul3A_399 : vector<16xf32> to vector<1x16xf32>
      tpu.vector_store %arg14[%swap3A_404, %swap3A_405], %swap3A_408 {strides = array<i32>} : memref<128x128xf32, #tpu.memory_space<vmem>>, vector<1x16xf32>,
      %mul3A_409 = arith.constant 1.562500e-02 : f32
      %mul3A_410 = vector.broadcast %mul3A_409 : f32 to vector<16xf32>
      %mul3A_411 = arith.mulf %scan3A_359#4, %mul3A_410 : vector<16xf32>
      %mul3A_412 = arith.constant 1 : i32
      %mul3A_413 = arith.muli %add3A_323, %mul3A_412 : i32
      %add3A_414 = arith.constant 0 : i32
      %add3A_415 = arith.addi %mul3A_413, %add3A_414 : i32
      %swap3A_416 = arith.index_cast %add3A_415 : i32 to index
      %swap3A_417 = arith.constant 64 : index
      %swap3A_418 = tpu.vector_load %arg14[%swap3A_416, %swap3A_417] {strides = array<i32>} : memref<128x128xf32, #tpu.memory_space<vmem>>, vector<1x16xf32>,
      %swap3A_419 = vector.shape_cast %swap3A_418 : vector<1x16xf32> to vector<16xf32>
      %swap3A_420 = vector.shape_cast %mul3A_411 : vector<16xf32> to vector<1x16xf32>
      tpu.vector_store %arg14[%swap3A_416, %swap3A_417], %swap3A_420 {strides = array<i32>} : memref<128x128xf32, #tpu.memory_space<vmem>>, vector<1x16xf32>,
      %mul3A_421 = arith.constant 1.562500e-02 : f32
      %mul3A_422 = vector.broadcast %mul3A_421 : f32 to vector<16xf32>
      %mul3A_423 = arith.mulf %scan3A_359#5, %mul3A_422 : vector<16xf32>
      %mul3A_424 = arith.constant 1 : i32
      %mul3A_425 = arith.muli %add3A_323, %mul3A_424 : i32
      %add3A_426 = arith.constant 0 : i32
      %add3A_427 = arith.addi %mul3A_425, %add3A_426 : i32
      %swap3A_428 = arith.index_cast %add3A_427 : i32 to index
      %swap3A_429 = arith.constant 80 : index
      %swap3A_430 = tpu.vector_load %arg14[%swap3A_428, %swap3A_429] {strides = array<i32>} : memref<128x128xf32, #tpu.memory_space<vmem>>, vector<1x16xf32>,
      %swap3A_431 = vector.shape_cast %swap3A_430 : vector<1x16xf32> to vector<16xf32>
      %swap3A_432 = vector.shape_cast %mul3A_423 : vector<16xf32> to vector<1x16xf32>
      tpu.vector_store %arg14[%swap3A_428, %swap3A_429], %swap3A_432 {strides = array<i32>} : memref<128x128xf32, #tpu.memory_space<vmem>>, vector<1x16xf32>,
      %mul3A_433 = arith.constant 1.562500e-02 : f32
      %mul3A_434 = vector.broadcast %mul3A_433 : f32 to vector<16xf32>
      %mul3A_435 = arith.mulf %scan3A_359#6, %mul3A_434 : vector<16xf32>
      %mul3A_436 = arith.constant 1 : i32
      %mul3A_437 = arith.muli %add3A_323, %mul3A_436 : i32
      %add3A_438 = arith.constant 0 : i32
      %add3A_439 = arith.addi %mul3A_437, %add3A_438 : i32
      %swap3A_440 = arith.index_cast %add3A_439 : i32 to index
      %swap3A_441 = arith.constant 96 : index
      %swap3A_442 = tpu.vector_load %arg14[%swap3A_440, %swap3A_441] {strides = array<i32>} : memref<128x128xf32, #tpu.memory_space<vmem>>, vector<1x16xf32>,
      %swap3A_443 = vector.shape_cast %swap3A_442 : vector<1x16xf32> to vector<16xf32>
      %swap3A_444 = vector.shape_cast %mul3A_435 : vector<16xf32> to vector<1x16xf32>
      tpu.vector_store %arg14[%swap3A_440, %swap3A_441], %swap3A_444 {strides = array<i32>} : memref<128x128xf32, #tpu.memory_space<vmem>>, vector<1x16xf32>,
      %mul3A_445 = arith.constant 1.562500e-02 : f32
      %mul3A_446 = vector.broadcast %mul3A_445 : f32 to vector<16xf32>
      %mul3A_447 = arith.mulf %scan3A_359#7, %mul3A_446 : vector<16xf32>
      %mul3A_448 = arith.constant 1 : i32
      %mul3A_449 = arith.muli %add3A_323, %mul3A_448 : i32
      %add3A_450 = arith.constant 0 : i32
      %add3A_451 = arith.addi %mul3A_449, %add3A_450 : i32
      %swap3A_452 = arith.index_cast %add3A_451 : i32 to index
      %swap3A_453 = arith.constant 112 : index
      %swap3A_454 = tpu.vector_load %arg14[%swap3A_452, %swap3A_453] {strides = array<i32>} : memref<128x128xf32, #tpu.memory_space<vmem>>, vector<1x16xf32>,
      %swap3A_455 = vector.shape_cast %swap3A_454 : vector<1x16xf32> to vector<16xf32>
      %swap3A_456 = vector.shape_cast %mul3A_447 : vector<16xf32> to vector<1x16xf32>
      tpu.vector_store %arg14[%swap3A_452, %swap3A_453], %swap3A_456 {strides = array<i32>} : memref<128x128xf32, #tpu.memory_space<vmem>>, vector<1x16xf32>,
      %add3A_457 = arith.constant 3 : i32
      %add3A_458 = arith.addi %mul3A_58, %add3A_457 : i32
      %add3A_459 = arith.constant 8 : i32
      %add3A_460 = arith.addi %add3A_458, %add3A_459 : i32
      %sub3A_461 = arith.constant 1 : i32
      %sub3A_462 = arith.subi %add3A_460, %sub3A_461 : i32
      %lt3A_463 = arith.constant 128 : i32
      %lt3A_464 = arith.cmpi slt, %sub3A_462, %lt3A_463 : i32
      %convert_element_type3A_465 = arith.extui %lt3A_464 : i1 to i32
      %cond3A_466 = arith.constant 0 : i32
      %cond3A_467 = arith.cmpi ne, %convert_element_type3A_465, %cond3A_466 : i32
      scf.if %cond3A_467 {
        %dma_start3A_1132 = arith.constant 0 : i32
        %dma_start3A_1133 = tpu.memref_slice %arg5[%sub3A_462, %dma_start3A_1132] : memref<128x64xi32, #tpu.memory_space<vmem>> -> memref<1x64xi32, #tpu.memory_space<vmem>>
        %dma_start3A_1134 = tpu.memref_squeeze %dma_start3A_1133 : memref<1x64xi32, #tpu.memory_space<vmem>> -> memref<64xi32, #tpu.memory_space<vmem>>
        %dma_start3A_1135 = arith.constant 0 : i32
        %dma_start3A_1136 = arith.constant 0 : i32
        %dma_start3A_1137 = tpu.memref_slice %arg2[%dma_start3A_1135, %dma_start3A_1136] : memref<100000x128xf32, #tpu.memory_space<hbm>> -> memref<100000x128xf32, #tpu.memory_space<hbm>>
        tpu.enqueue_indirect_dma source(%dma_start3A_1137 : memref<100000x128xf32, #tpu.memory_space<hbm>>) target(%arg8 : memref<64x128xf32, #tpu.memory_space<vmem>>) offsets(%dma_start3A_1134 : memref<64xi32, #tpu.memory_space<vmem>>) semaphore(%arg17 : memref<!tpu.dma_semaphore, #tpu.memory_space<semaphore_mem>>)
      } else {
      }
      %dma_wait3A_468 = arith.constant 0 : i32
      %dma_wait3A_469 = tpu.memref_slice %arg5[%add3A_458, %dma_wait3A_468] : memref<128x64xi32, #tpu.memory_space<vmem>> -> memref<1x64xi32, #tpu.memory_space<vmem>>
      %dma_wait3A_470 = tpu.memref_squeeze %dma_wait3A_469 : memref<1x64xi32, #tpu.memory_space<vmem>> -> memref<64xi32, #tpu.memory_space<vmem>>
      %dma_wait3A_471 = arith.constant 0 : i32
      %dma_wait3A_472 = arith.constant 0 : i32
      %dma_wait3A_473 = tpu.memref_slice %arg2[%dma_wait3A_471, %dma_wait3A_472] : memref<100000x128xf32, #tpu.memory_space<hbm>> -> memref<100000x128xf32, #tpu.memory_space<hbm>>
      tpu.wait_indirect_dma semaphore(%arg18 : memref<!tpu.dma_semaphore, #tpu.memory_space<semaphore_mem>>) src(%dma_wait3A_473 : memref<100000x128xf32, #tpu.memory_space<hbm>>) dst(%arg9 : memref<64x128xf32, #tpu.memory_space<vmem>>)
      %broadcast_in_dim3A_474 = arith.constant 0.000000e+00 : f32
      %broadcast_in_dim3A_475 = vector.broadcast %broadcast_in_dim3A_474 : f32 to vector<16xf32>
      %broadcast_in_dim3A_476 = arith.constant 0.000000e+00 : f32
      %broadcast_in_dim3A_477 = vector.broadcast %broadcast_in_dim3A_476 : f32 to vector<16xf32>
      %broadcast_in_dim3A_478 = arith.constant 0.000000e+00 : f32
      %broadcast_in_dim3A_479 = vector.broadcast %broadcast_in_dim3A_478 : f32 to vector<16xf32>
      %broadcast_in_dim3A_480 = arith.constant 0.000000e+00 : f32
      %broadcast_in_dim3A_481 = vector.broadcast %broadcast_in_dim3A_480 : f32 to vector<16xf32>
      %broadcast_in_dim3A_482 = arith.constant 0.000000e+00 : f32
      %broadcast_in_dim3A_483 = vector.broadcast %broadcast_in_dim3A_482 : f32 to vector<16xf32>
      %broadcast_in_dim3A_484 = arith.constant 0.000000e+00 : f32
      %broadcast_in_dim3A_485 = vector.broadcast %broadcast_in_dim3A_484 : f32 to vector<16xf32>
      %broadcast_in_dim3A_486 = arith.constant 0.000000e+00 : f32
      %broadcast_in_dim3A_487 = vector.broadcast %broadcast_in_dim3A_486 : f32 to vector<16xf32>
      %broadcast_in_dim3A_488 = arith.constant 0.000000e+00 : f32
      %broadcast_in_dim3A_489 = vector.broadcast %broadcast_in_dim3A_488 : f32 to vector<16xf32>
      %scan3A_490 = arith.constant 0 : i32
      %scan3A_491 = arith.constant 8 : i32
      %scan3A_492 = arith.addi %scan3A_490, %scan3A_491 : i32
      %scan3A_493 = arith.constant 1 : i32
      %scan3A_494:8 = scf.for %scan3A_1132 = %scan3A_490 to %scan3A_492 step %scan3A_493 iter_args(%scan3A_1133 = %broadcast_in_dim3A_475, %scan3A_1134 = %broadcast_in_dim3A_477, %scan3A_1135 = %broadcast_in_dim3A_479, %scan3A_1136 = %broadcast_in_dim3A_481, %scan3A_1137 = %broadcast_in_dim3A_483, %scan3A_1138 = %broadcast_in_dim3A_485, %scan3A_1139 = %broadcast_in_dim3A_487, %scan3A_1140 = %broadcast_in_dim3A_489) -> (vector<16xf32>, vector<16xf32>, vector<16xf32>, vector<16xf32>, vector<16xf32>, vector<16xf32>, vector<16xf32>, vector<16xf32>)  : i32 {
        %mul3A_1141 = arith.constant 8 : i32
        %mul3A_1142 = arith.muli %scan3A_1132, %mul3A_1141 : i32
        %add3A_1143 = arith.constant 0 : i32
        %add3A_1144 = arith.addi %add3A_1143, %mul3A_1142 : i32
        %add3A_1145 = arith.constant 0 : i32
        %add3A_1146 = arith.addi %add3A_1144, %add3A_1145 : i32
        %get3A = arith.index_cast %add3A_1146 : i32 to index
        %get3A_1147 = arith.constant 0 : index
        %get3A_1148 = tpu.vector_load %arg9[%get3A, %get3A_1147] {strides = array<i32>} : memref<64x128xf32, #tpu.memory_space<vmem>>, vector<1x16xf32>,
        %get3A_1149 = vector.shape_cast %get3A_1148 : vector<1x16xf32> to vector<16xf32>
        %add3A_1150 = arith.addf %scan3A_1133, %get3A_1149 : vector<16xf32>
        %get3A_1151 = arith.index_cast %add3A_1146 : i32 to index
        %get3A_1152 = arith.constant 16 : index
        %get3A_1153 = tpu.vector_load %arg9[%get3A_1151, %get3A_1152] {strides = array<i32>} : memref<64x128xf32, #tpu.memory_space<vmem>>, vector<1x16xf32>,
        %get3A_1154 = vector.shape_cast %get3A_1153 : vector<1x16xf32> to vector<16xf32>
        %add3A_1155 = arith.addf %scan3A_1134, %get3A_1154 : vector<16xf32>
        %get3A_1156 = arith.index_cast %add3A_1146 : i32 to index
        %get3A_1157 = arith.constant 32 : index
        %get3A_1158 = tpu.vector_load %arg9[%get3A_1156, %get3A_1157] {strides = array<i32>} : memref<64x128xf32, #tpu.memory_space<vmem>>, vector<1x16xf32>,
        %get3A_1159 = vector.shape_cast %get3A_1158 : vector<1x16xf32> to vector<16xf32>
        %add3A_1160 = arith.addf %scan3A_1135, %get3A_1159 : vector<16xf32>
        %get3A_1161 = arith.index_cast %add3A_1146 : i32 to index
        %get3A_1162 = arith.constant 48 : index
        %get3A_1163 = tpu.vector_load %arg9[%get3A_1161, %get3A_1162] {strides = array<i32>} : memref<64x128xf32, #tpu.memory_space<vmem>>, vector<1x16xf32>,
        %get3A_1164 = vector.shape_cast %get3A_1163 : vector<1x16xf32> to vector<16xf32>
        %add3A_1165 = arith.addf %scan3A_1136, %get3A_1164 : vector<16xf32>
        %get3A_1166 = arith.index_cast %add3A_1146 : i32 to index
        %get3A_1167 = arith.constant 64 : index
        %get3A_1168 = tpu.vector_load %arg9[%get3A_1166, %get3A_1167] {strides = array<i32>} : memref<64x128xf32, #tpu.memory_space<vmem>>, vector<1x16xf32>,
        %get3A_1169 = vector.shape_cast %get3A_1168 : vector<1x16xf32> to vector<16xf32>
        %add3A_1170 = arith.addf %scan3A_1137, %get3A_1169 : vector<16xf32>
        %get3A_1171 = arith.index_cast %add3A_1146 : i32 to index
        %get3A_1172 = arith.constant 80 : index
        %get3A_1173 = tpu.vector_load %arg9[%get3A_1171, %get3A_1172] {strides = array<i32>} : memref<64x128xf32, #tpu.memory_space<vmem>>, vector<1x16xf32>,
        %get3A_1174 = vector.shape_cast %get3A_1173 : vector<1x16xf32> to vector<16xf32>
        %add3A_1175 = arith.addf %scan3A_1138, %get3A_1174 : vector<16xf32>
        %get3A_1176 = arith.index_cast %add3A_1146 : i32 to index
        %get3A_1177 = arith.constant 96 : index
        %get3A_1178 = tpu.vector_load %arg9[%get3A_1176, %get3A_1177] {strides = array<i32>} : memref<64x128xf32, #tpu.memory_space<vmem>>, vector<1x16xf32>,
        %get3A_1179 = vector.shape_cast %get3A_1178 : vector<1x16xf32> to vector<16xf32>
        %add3A_1180 = arith.addf %scan3A_1139, %get3A_1179 : vector<16xf32>
        %get3A_1181 = arith.index_cast %add3A_1146 : i32 to index
        %get3A_1182 = arith.constant 112 : index
        %get3A_1183 = tpu.vector_load %arg9[%get3A_1181, %get3A_1182] {strides = array<i32>} : memref<64x128xf32, #tpu.memory_space<vmem>>, vector<1x16xf32>,
        %get3A_1184 = vector.shape_cast %get3A_1183 : vector<1x16xf32> to vector<16xf32>
        %add3A_1185 = arith.addf %scan3A_1140, %get3A_1184 : vector<16xf32>
        %mul3A_1186 = arith.constant 8 : i32
        %mul3A_1187 = arith.muli %scan3A_1132, %mul3A_1186 : i32
        %add3A_1188 = arith.constant 0 : i32
        %add3A_1189 = arith.addi %add3A_1188, %mul3A_1187 : i32
        %add3A_1190 = arith.constant 1 : i32
        %add3A_1191 = arith.addi %add3A_1189, %add3A_1190 : i32
        %get3A_1192 = arith.index_cast %add3A_1191 : i32 to index
        %get3A_1193 = arith.constant 0 : index
        %get3A_1194 = tpu.vector_load %arg9[%get3A_1192, %get3A_1193] {strides = array<i32>} : memref<64x128xf32, #tpu.memory_space<vmem>>, vector<1x16xf32>,
        %get3A_1195 = vector.shape_cast %get3A_1194 : vector<1x16xf32> to vector<16xf32>
        %add3A_1196 = arith.addf %add3A_1150, %get3A_1195 : vector<16xf32>
        %get3A_1197 = arith.index_cast %add3A_1191 : i32 to index
        %get3A_1198 = arith.constant 16 : index
        %get3A_1199 = tpu.vector_load %arg9[%get3A_1197, %get3A_1198] {strides = array<i32>} : memref<64x128xf32, #tpu.memory_space<vmem>>, vector<1x16xf32>,
        %get3A_1200 = vector.shape_cast %get3A_1199 : vector<1x16xf32> to vector<16xf32>
        %add3A_1201 = arith.addf %add3A_1155, %get3A_1200 : vector<16xf32>
        %get3A_1202 = arith.index_cast %add3A_1191 : i32 to index
        %get3A_1203 = arith.constant 32 : index
        %get3A_1204 = tpu.vector_load %arg9[%get3A_1202, %get3A_1203] {strides = array<i32>} : memref<64x128xf32, #tpu.memory_space<vmem>>, vector<1x16xf32>,
        %get3A_1205 = vector.shape_cast %get3A_1204 : vector<1x16xf32> to vector<16xf32>
        %add3A_1206 = arith.addf %add3A_1160, %get3A_1205 : vector<16xf32>
        %get3A_1207 = arith.index_cast %add3A_1191 : i32 to index
        %get3A_1208 = arith.constant 48 : index
        %get3A_1209 = tpu.vector_load %arg9[%get3A_1207, %get3A_1208] {strides = array<i32>} : memref<64x128xf32, #tpu.memory_space<vmem>>, vector<1x16xf32>,
        %get3A_1210 = vector.shape_cast %get3A_1209 : vector<1x16xf32> to vector<16xf32>
        %add3A_1211 = arith.addf %add3A_1165, %get3A_1210 : vector<16xf32>
        %get3A_1212 = arith.index_cast %add3A_1191 : i32 to index
        %get3A_1213 = arith.constant 64 : index
        %get3A_1214 = tpu.vector_load %arg9[%get3A_1212, %get3A_1213] {strides = array<i32>} : memref<64x128xf32, #tpu.memory_space<vmem>>, vector<1x16xf32>,
        %get3A_1215 = vector.shape_cast %get3A_1214 : vector<1x16xf32> to vector<16xf32>
        %add3A_1216 = arith.addf %add3A_1170, %get3A_1215 : vector<16xf32>
        %get3A_1217 = arith.index_cast %add3A_1191 : i32 to index
        %get3A_1218 = arith.constant 80 : index
        %get3A_1219 = tpu.vector_load %arg9[%get3A_1217, %get3A_1218] {strides = array<i32>} : memref<64x128xf32, #tpu.memory_space<vmem>>, vector<1x16xf32>,
        %get3A_1220 = vector.shape_cast %get3A_1219 : vector<1x16xf32> to vector<16xf32>
        %add3A_1221 = arith.addf %add3A_1175, %get3A_1220 : vector<16xf32>
        %get3A_1222 = arith.index_cast %add3A_1191 : i32 to index
        %get3A_1223 = arith.constant 96 : index
        %get3A_1224 = tpu.vector_load %arg9[%get3A_1222, %get3A_1223] {strides = array<i32>} : memref<64x128xf32, #tpu.memory_space<vmem>>, vector<1x16xf32>,
        %get3A_1225 = vector.shape_cast %get3A_1224 : vector<1x16xf32> to vector<16xf32>
        %add3A_1226 = arith.addf %add3A_1180, %get3A_1225 : vector<16xf32>
        %get3A_1227 = arith.index_cast %add3A_1191 : i32 to index
        %get3A_1228 = arith.constant 112 : index
        %get3A_1229 = tpu.vector_load %arg9[%get3A_1227, %get3A_1228] {strides = array<i32>} : memref<64x128xf32, #tpu.memory_space<vmem>>, vector<1x16xf32>,
        %get3A_1230 = vector.shape_cast %get3A_1229 : vector<1x16xf32> to vector<16xf32>
        %add3A_1231 = arith.addf %add3A_1185, %get3A_1230 : vector<16xf32>
        %mul3A_1232 = arith.constant 8 : i32
        %mul3A_1233 = arith.muli %scan3A_1132, %mul3A_1232 : i32
        %add3A_1234 = arith.constant 0 : i32
        %add3A_1235 = arith.addi %add3A_1234, %mul3A_1233 : i32
        %add3A_1236 = arith.constant 2 : i32
        %add3A_1237 = arith.addi %add3A_1235, %add3A_1236 : i32
        %get3A_1238 = arith.index_cast %add3A_1237 : i32 to index
        %get3A_1239 = arith.constant 0 : index
        %get3A_1240 = tpu.vector_load %arg9[%get3A_1238, %get3A_1239] {strides = array<i32>} : memref<64x128xf32, #tpu.memory_space<vmem>>, vector<1x16xf32>,
        %get3A_1241 = vector.shape_cast %get3A_1240 : vector<1x16xf32> to vector<16xf32>
        %add3A_1242 = arith.addf %add3A_1196, %get3A_1241 : vector<16xf32>
        %get3A_1243 = arith.index_cast %add3A_1237 : i32 to index
        %get3A_1244 = arith.constant 16 : index
        %get3A_1245 = tpu.vector_load %arg9[%get3A_1243, %get3A_1244] {strides = array<i32>} : memref<64x128xf32, #tpu.memory_space<vmem>>, vector<1x16xf32>,
        %get3A_1246 = vector.shape_cast %get3A_1245 : vector<1x16xf32> to vector<16xf32>
        %add3A_1247 = arith.addf %add3A_1201, %get3A_1246 : vector<16xf32>
        %get3A_1248 = arith.index_cast %add3A_1237 : i32 to index
        %get3A_1249 = arith.constant 32 : index
        %get3A_1250 = tpu.vector_load %arg9[%get3A_1248, %get3A_1249] {strides = array<i32>} : memref<64x128xf32, #tpu.memory_space<vmem>>, vector<1x16xf32>,
        %get3A_1251 = vector.shape_cast %get3A_1250 : vector<1x16xf32> to vector<16xf32>
        %add3A_1252 = arith.addf %add3A_1206, %get3A_1251 : vector<16xf32>
        %get3A_1253 = arith.index_cast %add3A_1237 : i32 to index
        %get3A_1254 = arith.constant 48 : index
        %get3A_1255 = tpu.vector_load %arg9[%get3A_1253, %get3A_1254] {strides = array<i32>} : memref<64x128xf32, #tpu.memory_space<vmem>>, vector<1x16xf32>,
        %get3A_1256 = vector.shape_cast %get3A_1255 : vector<1x16xf32> to vector<16xf32>
        %add3A_1257 = arith.addf %add3A_1211, %get3A_1256 : vector<16xf32>
        %get3A_1258 = arith.index_cast %add3A_1237 : i32 to index
        %get3A_1259 = arith.constant 64 : index
        %get3A_1260 = tpu.vector_load %arg9[%get3A_1258, %get3A_1259] {strides = array<i32>} : memref<64x128xf32, #tpu.memory_space<vmem>>, vector<1x16xf32>,
        %get3A_1261 = vector.shape_cast %get3A_1260 : vector<1x16xf32> to vector<16xf32>
        %add3A_1262 = arith.addf %add3A_1216, %get3A_1261 : vector<16xf32>
        %get3A_1263 = arith.index_cast %add3A_1237 : i32 to index
        %get3A_1264 = arith.constant 80 : index
        %get3A_1265 = tpu.vector_load %arg9[%get3A_1263, %get3A_1264] {strides = array<i32>} : memref<64x128xf32, #tpu.memory_space<vmem>>, vector<1x16xf32>,
        %get3A_1266 = vector.shape_cast %get3A_1265 : vector<1x16xf32> to vector<16xf32>
        %add3A_1267 = arith.addf %add3A_1221, %get3A_1266 : vector<16xf32>
        %get3A_1268 = arith.index_cast %add3A_1237 : i32 to index
        %get3A_1269 = arith.constant 96 : index
        %get3A_1270 = tpu.vector_load %arg9[%get3A_1268, %get3A_1269] {strides = array<i32>} : memref<64x128xf32, #tpu.memory_space<vmem>>, vector<1x16xf32>,
        %get3A_1271 = vector.shape_cast %get3A_1270 : vector<1x16xf32> to vector<16xf32>
        %add3A_1272 = arith.addf %add3A_1226, %get3A_1271 : vector<16xf32>
        %get3A_1273 = arith.index_cast %add3A_1237 : i32 to index
        %get3A_1274 = arith.constant 112 : index
        %get3A_1275 = tpu.vector_load %arg9[%get3A_1273, %get3A_1274] {strides = array<i32>} : memref<64x128xf32, #tpu.memory_space<vmem>>, vector<1x16xf32>,
        %get3A_1276 = vector.shape_cast %get3A_1275 : vector<1x16xf32> to vector<16xf32>
        %add3A_1277 = arith.addf %add3A_1231, %get3A_1276 : vector<16xf32>
        %mul3A_1278 = arith.constant 8 : i32
        %mul3A_1279 = arith.muli %scan3A_1132, %mul3A_1278 : i32
        %add3A_1280 = arith.constant 0 : i32
        %add3A_1281 = arith.addi %add3A_1280, %mul3A_1279 : i32
        %add3A_1282 = arith.constant 3 : i32
        %add3A_1283 = arith.addi %add3A_1281, %add3A_1282 : i32
        %get3A_1284 = arith.index_cast %add3A_1283 : i32 to index
        %get3A_1285 = arith.constant 0 : index
        %get3A_1286 = tpu.vector_load %arg9[%get3A_1284, %get3A_1285] {strides = array<i32>} : memref<64x128xf32, #tpu.memory_space<vmem>>, vector<1x16xf32>,
        %get3A_1287 = vector.shape_cast %get3A_1286 : vector<1x16xf32> to vector<16xf32>
        %add3A_1288 = arith.addf %add3A_1242, %get3A_1287 : vector<16xf32>
        %get3A_1289 = arith.index_cast %add3A_1283 : i32 to index
        %get3A_1290 = arith.constant 16 : index
        %get3A_1291 = tpu.vector_load %arg9[%get3A_1289, %get3A_1290] {strides = array<i32>} : memref<64x128xf32, #tpu.memory_space<vmem>>, vector<1x16xf32>,
        %get3A_1292 = vector.shape_cast %get3A_1291 : vector<1x16xf32> to vector<16xf32>
        %add3A_1293 = arith.addf %add3A_1247, %get3A_1292 : vector<16xf32>
        %get3A_1294 = arith.index_cast %add3A_1283 : i32 to index
        %get3A_1295 = arith.constant 32 : index
        %get3A_1296 = tpu.vector_load %arg9[%get3A_1294, %get3A_1295] {strides = array<i32>} : memref<64x128xf32, #tpu.memory_space<vmem>>, vector<1x16xf32>,
        %get3A_1297 = vector.shape_cast %get3A_1296 : vector<1x16xf32> to vector<16xf32>
        %add3A_1298 = arith.addf %add3A_1252, %get3A_1297 : vector<16xf32>
        %get3A_1299 = arith.index_cast %add3A_1283 : i32 to index
        %get3A_1300 = arith.constant 48 : index
        %get3A_1301 = tpu.vector_load %arg9[%get3A_1299, %get3A_1300] {strides = array<i32>} : memref<64x128xf32, #tpu.memory_space<vmem>>, vector<1x16xf32>,
        %get3A_1302 = vector.shape_cast %get3A_1301 : vector<1x16xf32> to vector<16xf32>
        %add3A_1303 = arith.addf %add3A_1257, %get3A_1302 : vector<16xf32>
        %get3A_1304 = arith.index_cast %add3A_1283 : i32 to index
        %get3A_1305 = arith.constant 64 : index
        %get3A_1306 = tpu.vector_load %arg9[%get3A_1304, %get3A_1305] {strides = array<i32>} : memref<64x128xf32, #tpu.memory_space<vmem>>, vector<1x16xf32>,
        %get3A_1307 = vector.shape_cast %get3A_1306 : vector<1x16xf32> to vector<16xf32>
        %add3A_1308 = arith.addf %add3A_1262, %get3A_1307 : vector<16xf32>
        %get3A_1309 = arith.index_cast %add3A_1283 : i32 to index
        %get3A_1310 = arith.constant 80 : index
        %get3A_1311 = tpu.vector_load %arg9[%get3A_1309, %get3A_1310] {strides = array<i32>} : memref<64x128xf32, #tpu.memory_space<vmem>>, vector<1x16xf32>,
        %get3A_1312 = vector.shape_cast %get3A_1311 : vector<1x16xf32> to vector<16xf32>
        %add3A_1313 = arith.addf %add3A_1267, %get3A_1312 : vector<16xf32>
        %get3A_1314 = arith.index_cast %add3A_1283 : i32 to index
        %get3A_1315 = arith.constant 96 : index
        %get3A_1316 = tpu.vector_load %arg9[%get3A_1314, %get3A_1315] {strides = array<i32>} : memref<64x128xf32, #tpu.memory_space<vmem>>, vector<1x16xf32>,
        %get3A_1317 = vector.shape_cast %get3A_1316 : vector<1x16xf32> to vector<16xf32>
        %add3A_1318 = arith.addf %add3A_1272, %get3A_1317 : vector<16xf32>
        %get3A_1319 = arith.index_cast %add3A_1283 : i32 to index
        %get3A_1320 = arith.constant 112 : index
        %get3A_1321 = tpu.vector_load %arg9[%get3A_1319, %get3A_1320] {strides = array<i32>} : memref<64x128xf32, #tpu.memory_space<vmem>>, vector<1x16xf32>,
        %get3A_1322 = vector.shape_cast %get3A_1321 : vector<1x16xf32> to vector<16xf32>
        %add3A_1323 = arith.addf %add3A_1277, %get3A_1322 : vector<16xf32>
        %mul3A_1324 = arith.constant 8 : i32
        %mul3A_1325 = arith.muli %scan3A_1132, %mul3A_1324 : i32
        %add3A_1326 = arith.constant 0 : i32
        %add3A_1327 = arith.addi %add3A_1326, %mul3A_1325 : i32
        %add3A_1328 = arith.constant 4 : i32
        %add3A_1329 = arith.addi %add3A_1327, %add3A_1328 : i32
        %get3A_1330 = arith.index_cast %add3A_1329 : i32 to index
        %get3A_1331 = arith.constant 0 : index
        %get3A_1332 = tpu.vector_load %arg9[%get3A_1330, %get3A_1331] {strides = array<i32>} : memref<64x128xf32, #tpu.memory_space<vmem>>, vector<1x16xf32>,
        %get3A_1333 = vector.shape_cast %get3A_1332 : vector<1x16xf32> to vector<16xf32>
        %add3A_1334 = arith.addf %add3A_1288, %get3A_1333 : vector<16xf32>
        %get3A_1335 = arith.index_cast %add3A_1329 : i32 to index
        %get3A_1336 = arith.constant 16 : index
        %get3A_1337 = tpu.vector_load %arg9[%get3A_1335, %get3A_1336] {strides = array<i32>} : memref<64x128xf32, #tpu.memory_space<vmem>>, vector<1x16xf32>,
        %get3A_1338 = vector.shape_cast %get3A_1337 : vector<1x16xf32> to vector<16xf32>
        %add3A_1339 = arith.addf %add3A_1293, %get3A_1338 : vector<16xf32>
        %get3A_1340 = arith.index_cast %add3A_1329 : i32 to index
        %get3A_1341 = arith.constant 32 : index
        %get3A_1342 = tpu.vector_load %arg9[%get3A_1340, %get3A_1341] {strides = array<i32>} : memref<64x128xf32, #tpu.memory_space<vmem>>, vector<1x16xf32>,
        %get3A_1343 = vector.shape_cast %get3A_1342 : vector<1x16xf32> to vector<16xf32>
        %add3A_1344 = arith.addf %add3A_1298, %get3A_1343 : vector<16xf32>
        %get3A_1345 = arith.index_cast %add3A_1329 : i32 to index
        %get3A_1346 = arith.constant 48 : index
        %get3A_1347 = tpu.vector_load %arg9[%get3A_1345, %get3A_1346] {strides = array<i32>} : memref<64x128xf32, #tpu.memory_space<vmem>>, vector<1x16xf32>,
        %get3A_1348 = vector.shape_cast %get3A_1347 : vector<1x16xf32> to vector<16xf32>
        %add3A_1349 = arith.addf %add3A_1303, %get3A_1348 : vector<16xf32>
        %get3A_1350 = arith.index_cast %add3A_1329 : i32 to index
        %get3A_1351 = arith.constant 64 : index
        %get3A_1352 = tpu.vector_load %arg9[%get3A_1350, %get3A_1351] {strides = array<i32>} : memref<64x128xf32, #tpu.memory_space<vmem>>, vector<1x16xf32>,
        %get3A_1353 = vector.shape_cast %get3A_1352 : vector<1x16xf32> to vector<16xf32>
        %add3A_1354 = arith.addf %add3A_1308, %get3A_1353 : vector<16xf32>
        %get3A_1355 = arith.index_cast %add3A_1329 : i32 to index
        %get3A_1356 = arith.constant 80 : index
        %get3A_1357 = tpu.vector_load %arg9[%get3A_1355, %get3A_1356] {strides = array<i32>} : memref<64x128xf32, #tpu.memory_space<vmem>>, vector<1x16xf32>,
        %get3A_1358 = vector.shape_cast %get3A_1357 : vector<1x16xf32> to vector<16xf32>
        %add3A_1359 = arith.addf %add3A_1313, %get3A_1358 : vector<16xf32>
        %get3A_1360 = arith.index_cast %add3A_1329 : i32 to index
        %get3A_1361 = arith.constant 96 : index
        %get3A_1362 = tpu.vector_load %arg9[%get3A_1360, %get3A_1361] {strides = array<i32>} : memref<64x128xf32, #tpu.memory_space<vmem>>, vector<1x16xf32>,
        %get3A_1363 = vector.shape_cast %get3A_1362 : vector<1x16xf32> to vector<16xf32>
        %add3A_1364 = arith.addf %add3A_1318, %get3A_1363 : vector<16xf32>
        %get3A_1365 = arith.index_cast %add3A_1329 : i32 to index
        %get3A_1366 = arith.constant 112 : index
        %get3A_1367 = tpu.vector_load %arg9[%get3A_1365, %get3A_1366] {strides = array<i32>} : memref<64x128xf32, #tpu.memory_space<vmem>>, vector<1x16xf32>,
        %get3A_1368 = vector.shape_cast %get3A_1367 : vector<1x16xf32> to vector<16xf32>
        %add3A_1369 = arith.addf %add3A_1323, %get3A_1368 : vector<16xf32>
        %mul3A_1370 = arith.constant 8 : i32
        %mul3A_1371 = arith.muli %scan3A_1132, %mul3A_1370 : i32
        %add3A_1372 = arith.constant 0 : i32
        %add3A_1373 = arith.addi %add3A_1372, %mul3A_1371 : i32
        %add3A_1374 = arith.constant 5 : i32
        %add3A_1375 = arith.addi %add3A_1373, %add3A_1374 : i32
        %get3A_1376 = arith.index_cast %add3A_1375 : i32 to index
        %get3A_1377 = arith.constant 0 : index
        %get3A_1378 = tpu.vector_load %arg9[%get3A_1376, %get3A_1377] {strides = array<i32>} : memref<64x128xf32, #tpu.memory_space<vmem>>, vector<1x16xf32>,
        %get3A_1379 = vector.shape_cast %get3A_1378 : vector<1x16xf32> to vector<16xf32>
        %add3A_1380 = arith.addf %add3A_1334, %get3A_1379 : vector<16xf32>
        %get3A_1381 = arith.index_cast %add3A_1375 : i32 to index
        %get3A_1382 = arith.constant 16 : index
        %get3A_1383 = tpu.vector_load %arg9[%get3A_1381, %get3A_1382] {strides = array<i32>} : memref<64x128xf32, #tpu.memory_space<vmem>>, vector<1x16xf32>,
        %get3A_1384 = vector.shape_cast %get3A_1383 : vector<1x16xf32> to vector<16xf32>
        %add3A_1385 = arith.addf %add3A_1339, %get3A_1384 : vector<16xf32>
        %get3A_1386 = arith.index_cast %add3A_1375 : i32 to index
        %get3A_1387 = arith.constant 32 : index
        %get3A_1388 = tpu.vector_load %arg9[%get3A_1386, %get3A_1387] {strides = array<i32>} : memref<64x128xf32, #tpu.memory_space<vmem>>, vector<1x16xf32>,
        %get3A_1389 = vector.shape_cast %get3A_1388 : vector<1x16xf32> to vector<16xf32>
        %add3A_1390 = arith.addf %add3A_1344, %get3A_1389 : vector<16xf32>
        %get3A_1391 = arith.index_cast %add3A_1375 : i32 to index
        %get3A_1392 = arith.constant 48 : index
        %get3A_1393 = tpu.vector_load %arg9[%get3A_1391, %get3A_1392] {strides = array<i32>} : memref<64x128xf32, #tpu.memory_space<vmem>>, vector<1x16xf32>,
        %get3A_1394 = vector.shape_cast %get3A_1393 : vector<1x16xf32> to vector<16xf32>
        %add3A_1395 = arith.addf %add3A_1349, %get3A_1394 : vector<16xf32>
        %get3A_1396 = arith.index_cast %add3A_1375 : i32 to index
        %get3A_1397 = arith.constant 64 : index
        %get3A_1398 = tpu.vector_load %arg9[%get3A_1396, %get3A_1397] {strides = array<i32>} : memref<64x128xf32, #tpu.memory_space<vmem>>, vector<1x16xf32>,
        %get3A_1399 = vector.shape_cast %get3A_1398 : vector<1x16xf32> to vector<16xf32>
        %add3A_1400 = arith.addf %add3A_1354, %get3A_1399 : vector<16xf32>
        %get3A_1401 = arith.index_cast %add3A_1375 : i32 to index
        %get3A_1402 = arith.constant 80 : index
        %get3A_1403 = tpu.vector_load %arg9[%get3A_1401, %get3A_1402] {strides = array<i32>} : memref<64x128xf32, #tpu.memory_space<vmem>>, vector<1x16xf32>,
        %get3A_1404 = vector.shape_cast %get3A_1403 : vector<1x16xf32> to vector<16xf32>
        %add3A_1405 = arith.addf %add3A_1359, %get3A_1404 : vector<16xf32>
        %get3A_1406 = arith.index_cast %add3A_1375 : i32 to index
        %get3A_1407 = arith.constant 96 : index
        %get3A_1408 = tpu.vector_load %arg9[%get3A_1406, %get3A_1407] {strides = array<i32>} : memref<64x128xf32, #tpu.memory_space<vmem>>, vector<1x16xf32>,
        %get3A_1409 = vector.shape_cast %get3A_1408 : vector<1x16xf32> to vector<16xf32>
        %add3A_1410 = arith.addf %add3A_1364, %get3A_1409 : vector<16xf32>
        %get3A_1411 = arith.index_cast %add3A_1375 : i32 to index
        %get3A_1412 = arith.constant 112 : index
        %get3A_1413 = tpu.vector_load %arg9[%get3A_1411, %get3A_1412] {strides = array<i32>} : memref<64x128xf32, #tpu.memory_space<vmem>>, vector<1x16xf32>,
        %get3A_1414 = vector.shape_cast %get3A_1413 : vector<1x16xf32> to vector<16xf32>
        %add3A_1415 = arith.addf %add3A_1369, %get3A_1414 : vector<16xf32>
        %mul3A_1416 = arith.constant 8 : i32
        %mul3A_1417 = arith.muli %scan3A_1132, %mul3A_1416 : i32
        %add3A_1418 = arith.constant 0 : i32
        %add3A_1419 = arith.addi %add3A_1418, %mul3A_1417 : i32
        %add3A_1420 = arith.constant 6 : i32
        %add3A_1421 = arith.addi %add3A_1419, %add3A_1420 : i32
        %get3A_1422 = arith.index_cast %add3A_1421 : i32 to index
        %get3A_1423 = arith.constant 0 : index
        %get3A_1424 = tpu.vector_load %arg9[%get3A_1422, %get3A_1423] {strides = array<i32>} : memref<64x128xf32, #tpu.memory_space<vmem>>, vector<1x16xf32>,
        %get3A_1425 = vector.shape_cast %get3A_1424 : vector<1x16xf32> to vector<16xf32>
        %add3A_1426 = arith.addf %add3A_1380, %get3A_1425 : vector<16xf32>
        %get3A_1427 = arith.index_cast %add3A_1421 : i32 to index
        %get3A_1428 = arith.constant 16 : index
        %get3A_1429 = tpu.vector_load %arg9[%get3A_1427, %get3A_1428] {strides = array<i32>} : memref<64x128xf32, #tpu.memory_space<vmem>>, vector<1x16xf32>,
        %get3A_1430 = vector.shape_cast %get3A_1429 : vector<1x16xf32> to vector<16xf32>
        %add3A_1431 = arith.addf %add3A_1385, %get3A_1430 : vector<16xf32>
        %get3A_1432 = arith.index_cast %add3A_1421 : i32 to index
        %get3A_1433 = arith.constant 32 : index
        %get3A_1434 = tpu.vector_load %arg9[%get3A_1432, %get3A_1433] {strides = array<i32>} : memref<64x128xf32, #tpu.memory_space<vmem>>, vector<1x16xf32>,
        %get3A_1435 = vector.shape_cast %get3A_1434 : vector<1x16xf32> to vector<16xf32>
        %add3A_1436 = arith.addf %add3A_1390, %get3A_1435 : vector<16xf32>
        %get3A_1437 = arith.index_cast %add3A_1421 : i32 to index
        %get3A_1438 = arith.constant 48 : index
        %get3A_1439 = tpu.vector_load %arg9[%get3A_1437, %get3A_1438] {strides = array<i32>} : memref<64x128xf32, #tpu.memory_space<vmem>>, vector<1x16xf32>,
        %get3A_1440 = vector.shape_cast %get3A_1439 : vector<1x16xf32> to vector<16xf32>
        %add3A_1441 = arith.addf %add3A_1395, %get3A_1440 : vector<16xf32>
        %get3A_1442 = arith.index_cast %add3A_1421 : i32 to index
        %get3A_1443 = arith.constant 64 : index
        %get3A_1444 = tpu.vector_load %arg9[%get3A_1442, %get3A_1443] {strides = array<i32>} : memref<64x128xf32, #tpu.memory_space<vmem>>, vector<1x16xf32>,
        %get3A_1445 = vector.shape_cast %get3A_1444 : vector<1x16xf32> to vector<16xf32>
        %add3A_1446 = arith.addf %add3A_1400, %get3A_1445 : vector<16xf32>
        %get3A_1447 = arith.index_cast %add3A_1421 : i32 to index
        %get3A_1448 = arith.constant 80 : index
        %get3A_1449 = tpu.vector_load %arg9[%get3A_1447, %get3A_1448] {strides = array<i32>} : memref<64x128xf32, #tpu.memory_space<vmem>>, vector<1x16xf32>,
        %get3A_1450 = vector.shape_cast %get3A_1449 : vector<1x16xf32> to vector<16xf32>
        %add3A_1451 = arith.addf %add3A_1405, %get3A_1450 : vector<16xf32>
        %get3A_1452 = arith.index_cast %add3A_1421 : i32 to index
        %get3A_1453 = arith.constant 96 : index
        %get3A_1454 = tpu.vector_load %arg9[%get3A_1452, %get3A_1453] {strides = array<i32>} : memref<64x128xf32, #tpu.memory_space<vmem>>, vector<1x16xf32>,
        %get3A_1455 = vector.shape_cast %get3A_1454 : vector<1x16xf32> to vector<16xf32>
        %add3A_1456 = arith.addf %add3A_1410, %get3A_1455 : vector<16xf32>
        %get3A_1457 = arith.index_cast %add3A_1421 : i32 to index
        %get3A_1458 = arith.constant 112 : index
        %get3A_1459 = tpu.vector_load %arg9[%get3A_1457, %get3A_1458] {strides = array<i32>} : memref<64x128xf32, #tpu.memory_space<vmem>>, vector<1x16xf32>,
        %get3A_1460 = vector.shape_cast %get3A_1459 : vector<1x16xf32> to vector<16xf32>
        %add3A_1461 = arith.addf %add3A_1415, %get3A_1460 : vector<16xf32>
        %mul3A_1462 = arith.constant 8 : i32
        %mul3A_1463 = arith.muli %scan3A_1132, %mul3A_1462 : i32
        %add3A_1464 = arith.constant 0 : i32
        %add3A_1465 = arith.addi %add3A_1464, %mul3A_1463 : i32
        %add3A_1466 = arith.constant 7 : i32
        %add3A_1467 = arith.addi %add3A_1465, %add3A_1466 : i32
        %get3A_1468 = arith.index_cast %add3A_1467 : i32 to index
        %get3A_1469 = arith.constant 0 : index
        %get3A_1470 = tpu.vector_load %arg9[%get3A_1468, %get3A_1469] {strides = array<i32>} : memref<64x128xf32, #tpu.memory_space<vmem>>, vector<1x16xf32>,
        %get3A_1471 = vector.shape_cast %get3A_1470 : vector<1x16xf32> to vector<16xf32>
        %add3A_1472 = arith.addf %add3A_1426, %get3A_1471 : vector<16xf32>
        %get3A_1473 = arith.index_cast %add3A_1467 : i32 to index
        %get3A_1474 = arith.constant 16 : index
        %get3A_1475 = tpu.vector_load %arg9[%get3A_1473, %get3A_1474] {strides = array<i32>} : memref<64x128xf32, #tpu.memory_space<vmem>>, vector<1x16xf32>,
        %get3A_1476 = vector.shape_cast %get3A_1475 : vector<1x16xf32> to vector<16xf32>
        %add3A_1477 = arith.addf %add3A_1431, %get3A_1476 : vector<16xf32>
        %get3A_1478 = arith.index_cast %add3A_1467 : i32 to index
        %get3A_1479 = arith.constant 32 : index
        %get3A_1480 = tpu.vector_load %arg9[%get3A_1478, %get3A_1479] {strides = array<i32>} : memref<64x128xf32, #tpu.memory_space<vmem>>, vector<1x16xf32>,
        %get3A_1481 = vector.shape_cast %get3A_1480 : vector<1x16xf32> to vector<16xf32>
        %add3A_1482 = arith.addf %add3A_1436, %get3A_1481 : vector<16xf32>
        %get3A_1483 = arith.index_cast %add3A_1467 : i32 to index
        %get3A_1484 = arith.constant 48 : index
        %get3A_1485 = tpu.vector_load %arg9[%get3A_1483, %get3A_1484] {strides = array<i32>} : memref<64x128xf32, #tpu.memory_space<vmem>>, vector<1x16xf32>,
        %get3A_1486 = vector.shape_cast %get3A_1485 : vector<1x16xf32> to vector<16xf32>
        %add3A_1487 = arith.addf %add3A_1441, %get3A_1486 : vector<16xf32>
        %get3A_1488 = arith.index_cast %add3A_1467 : i32 to index
        %get3A_1489 = arith.constant 64 : index
        %get3A_1490 = tpu.vector_load %arg9[%get3A_1488, %get3A_1489] {strides = array<i32>} : memref<64x128xf32, #tpu.memory_space<vmem>>, vector<1x16xf32>,
        %get3A_1491 = vector.shape_cast %get3A_1490 : vector<1x16xf32> to vector<16xf32>
        %add3A_1492 = arith.addf %add3A_1446, %get3A_1491 : vector<16xf32>
        %get3A_1493 = arith.index_cast %add3A_1467 : i32 to index
        %get3A_1494 = arith.constant 80 : index
        %get3A_1495 = tpu.vector_load %arg9[%get3A_1493, %get3A_1494] {strides = array<i32>} : memref<64x128xf32, #tpu.memory_space<vmem>>, vector<1x16xf32>,
        %get3A_1496 = vector.shape_cast %get3A_1495 : vector<1x16xf32> to vector<16xf32>
        %add3A_1497 = arith.addf %add3A_1451, %get3A_1496 : vector<16xf32>
        %get3A_1498 = arith.index_cast %add3A_1467 : i32 to index
        %get3A_1499 = arith.constant 96 : index
        %get3A_1500 = tpu.vector_load %arg9[%get3A_1498, %get3A_1499] {strides = array<i32>} : memref<64x128xf32, #tpu.memory_space<vmem>>, vector<1x16xf32>,
        %get3A_1501 = vector.shape_cast %get3A_1500 : vector<1x16xf32> to vector<16xf32>
        %add3A_1502 = arith.addf %add3A_1456, %get3A_1501 : vector<16xf32>
        %get3A_1503 = arith.index_cast %add3A_1467 : i32 to index
        %get3A_1504 = arith.constant 112 : index
        %get3A_1505 = tpu.vector_load %arg9[%get3A_1503, %get3A_1504] {strides = array<i32>} : memref<64x128xf32, #tpu.memory_space<vmem>>, vector<1x16xf32>,
        %get3A_1506 = vector.shape_cast %get3A_1505 : vector<1x16xf32> to vector<16xf32>
        %add3A_1507 = arith.addf %add3A_1461, %get3A_1506 : vector<16xf32>
        scf.yield %add3A_1472, %add3A_1477, %add3A_1482, %add3A_1487, %add3A_1492, %add3A_1497, %add3A_1502, %add3A_1507 : vector<16xf32>, vector<16xf32>, vector<16xf32>, vector<16xf32>, vector<16xf32>, vector<16xf32>, vector<16xf32>, vector<16xf32>
      }
      %scan3A_495 = arith.constant 8 : i32
      %mul3A_496 = arith.constant 1.562500e-02 : f32
      %mul3A_497 = vector.broadcast %mul3A_496 : f32 to vector<16xf32>
      %mul3A_498 = arith.mulf %scan3A_494#0, %mul3A_497 : vector<16xf32>
      %mul3A_499 = arith.constant 1 : i32
      %mul3A_500 = arith.muli %add3A_458, %mul3A_499 : i32
      %add3A_501 = arith.constant 0 : i32
      %add3A_502 = arith.addi %mul3A_500, %add3A_501 : i32
      %swap3A_503 = arith.index_cast %add3A_502 : i32 to index
      %swap3A_504 = arith.constant 0 : index
      %swap3A_505 = tpu.vector_load %arg14[%swap3A_503, %swap3A_504] {strides = array<i32>} : memref<128x128xf32, #tpu.memory_space<vmem>>, vector<1x16xf32>,
      %swap3A_506 = vector.shape_cast %swap3A_505 : vector<1x16xf32> to vector<16xf32>
      %swap3A_507 = vector.shape_cast %mul3A_498 : vector<16xf32> to vector<1x16xf32>
      tpu.vector_store %arg14[%swap3A_503, %swap3A_504], %swap3A_507 {strides = array<i32>} : memref<128x128xf32, #tpu.memory_space<vmem>>, vector<1x16xf32>,
      %mul3A_508 = arith.constant 1.562500e-02 : f32
      %mul3A_509 = vector.broadcast %mul3A_508 : f32 to vector<16xf32>
      %mul3A_510 = arith.mulf %scan3A_494#1, %mul3A_509 : vector<16xf32>
      %mul3A_511 = arith.constant 1 : i32
      %mul3A_512 = arith.muli %add3A_458, %mul3A_511 : i32
      %add3A_513 = arith.constant 0 : i32
      %add3A_514 = arith.addi %mul3A_512, %add3A_513 : i32
      %swap3A_515 = arith.index_cast %add3A_514 : i32 to index
      %swap3A_516 = arith.constant 16 : index
      %swap3A_517 = tpu.vector_load %arg14[%swap3A_515, %swap3A_516] {strides = array<i32>} : memref<128x128xf32, #tpu.memory_space<vmem>>, vector<1x16xf32>,
      %swap3A_518 = vector.shape_cast %swap3A_517 : vector<1x16xf32> to vector<16xf32>
      %swap3A_519 = vector.shape_cast %mul3A_510 : vector<16xf32> to vector<1x16xf32>
      tpu.vector_store %arg14[%swap3A_515, %swap3A_516], %swap3A_519 {strides = array<i32>} : memref<128x128xf32, #tpu.memory_space<vmem>>, vector<1x16xf32>,
      %mul3A_520 = arith.constant 1.562500e-02 : f32
      %mul3A_521 = vector.broadcast %mul3A_520 : f32 to vector<16xf32>
      %mul3A_522 = arith.mulf %scan3A_494#2, %mul3A_521 : vector<16xf32>
      %mul3A_523 = arith.constant 1 : i32
      %mul3A_524 = arith.muli %add3A_458, %mul3A_523 : i32
      %add3A_525 = arith.constant 0 : i32
      %add3A_526 = arith.addi %mul3A_524, %add3A_525 : i32
      %swap3A_527 = arith.index_cast %add3A_526 : i32 to index
      %swap3A_528 = arith.constant 32 : index
      %swap3A_529 = tpu.vector_load %arg14[%swap3A_527, %swap3A_528] {strides = array<i32>} : memref<128x128xf32, #tpu.memory_space<vmem>>, vector<1x16xf32>,
      %swap3A_530 = vector.shape_cast %swap3A_529 : vector<1x16xf32> to vector<16xf32>
      %swap3A_531 = vector.shape_cast %mul3A_522 : vector<16xf32> to vector<1x16xf32>
      tpu.vector_store %arg14[%swap3A_527, %swap3A_528], %swap3A_531 {strides = array<i32>} : memref<128x128xf32, #tpu.memory_space<vmem>>, vector<1x16xf32>,
      %mul3A_532 = arith.constant 1.562500e-02 : f32
      %mul3A_533 = vector.broadcast %mul3A_532 : f32 to vector<16xf32>
      %mul3A_534 = arith.mulf %scan3A_494#3, %mul3A_533 : vector<16xf32>
      %mul3A_535 = arith.constant 1 : i32
      %mul3A_536 = arith.muli %add3A_458, %mul3A_535 : i32
      %add3A_537 = arith.constant 0 : i32
      %add3A_538 = arith.addi %mul3A_536, %add3A_537 : i32
      %swap3A_539 = arith.index_cast %add3A_538 : i32 to index
      %swap3A_540 = arith.constant 48 : index
      %swap3A_541 = tpu.vector_load %arg14[%swap3A_539, %swap3A_540] {strides = array<i32>} : memref<128x128xf32, #tpu.memory_space<vmem>>, vector<1x16xf32>,
      %swap3A_542 = vector.shape_cast %swap3A_541 : vector<1x16xf32> to vector<16xf32>
      %swap3A_543 = vector.shape_cast %mul3A_534 : vector<16xf32> to vector<1x16xf32>
      tpu.vector_store %arg14[%swap3A_539, %swap3A_540], %swap3A_543 {strides = array<i32>} : memref<128x128xf32, #tpu.memory_space<vmem>>, vector<1x16xf32>,
      %mul3A_544 = arith.constant 1.562500e-02 : f32
      %mul3A_545 = vector.broadcast %mul3A_544 : f32 to vector<16xf32>
      %mul3A_546 = arith.mulf %scan3A_494#4, %mul3A_545 : vector<16xf32>
      %mul3A_547 = arith.constant 1 : i32
      %mul3A_548 = arith.muli %add3A_458, %mul3A_547 : i32
      %add3A_549 = arith.constant 0 : i32
      %add3A_550 = arith.addi %mul3A_548, %add3A_549 : i32
      %swap3A_551 = arith.index_cast %add3A_550 : i32 to index
      %swap3A_552 = arith.constant 64 : index
      %swap3A_553 = tpu.vector_load %arg14[%swap3A_551, %swap3A_552] {strides = array<i32>} : memref<128x128xf32, #tpu.memory_space<vmem>>, vector<1x16xf32>,
      %swap3A_554 = vector.shape_cast %swap3A_553 : vector<1x16xf32> to vector<16xf32>
      %swap3A_555 = vector.shape_cast %mul3A_546 : vector<16xf32> to vector<1x16xf32>
      tpu.vector_store %arg14[%swap3A_551, %swap3A_552], %swap3A_555 {strides = array<i32>} : memref<128x128xf32, #tpu.memory_space<vmem>>, vector<1x16xf32>,
      %mul3A_556 = arith.constant 1.562500e-02 : f32
      %mul3A_557 = vector.broadcast %mul3A_556 : f32 to vector<16xf32>
      %mul3A_558 = arith.mulf %scan3A_494#5, %mul3A_557 : vector<16xf32>
      %mul3A_559 = arith.constant 1 : i32
      %mul3A_560 = arith.muli %add3A_458, %mul3A_559 : i32
      %add3A_561 = arith.constant 0 : i32
      %add3A_562 = arith.addi %mul3A_560, %add3A_561 : i32
      %swap3A_563 = arith.index_cast %add3A_562 : i32 to index
      %swap3A_564 = arith.constant 80 : index
      %swap3A_565 = tpu.vector_load %arg14[%swap3A_563, %swap3A_564] {strides = array<i32>} : memref<128x128xf32, #tpu.memory_space<vmem>>, vector<1x16xf32>,
      %swap3A_566 = vector.shape_cast %swap3A_565 : vector<1x16xf32> to vector<16xf32>
      %swap3A_567 = vector.shape_cast %mul3A_558 : vector<16xf32> to vector<1x16xf32>
      tpu.vector_store %arg14[%swap3A_563, %swap3A_564], %swap3A_567 {strides = array<i32>} : memref<128x128xf32, #tpu.memory_space<vmem>>, vector<1x16xf32>,
      %mul3A_568 = arith.constant 1.562500e-02 : f32
      %mul3A_569 = vector.broadcast %mul3A_568 : f32 to vector<16xf32>
      %mul3A_570 = arith.mulf %scan3A_494#6, %mul3A_569 : vector<16xf32>
      %mul3A_571 = arith.constant 1 : i32
      %mul3A_572 = arith.muli %add3A_458, %mul3A_571 : i32
      %add3A_573 = arith.constant 0 : i32
      %add3A_574 = arith.addi %mul3A_572, %add3A_573 : i32
      %swap3A_575 = arith.index_cast %add3A_574 : i32 to index
      %swap3A_576 = arith.constant 96 : index
      %swap3A_577 = tpu.vector_load %arg14[%swap3A_575, %swap3A_576] {strides = array<i32>} : memref<128x128xf32, #tpu.memory_space<vmem>>, vector<1x16xf32>,
      %swap3A_578 = vector.shape_cast %swap3A_577 : vector<1x16xf32> to vector<16xf32>
      %swap3A_579 = vector.shape_cast %mul3A_570 : vector<16xf32> to vector<1x16xf32>
      tpu.vector_store %arg14[%swap3A_575, %swap3A_576], %swap3A_579 {strides = array<i32>} : memref<128x128xf32, #tpu.memory_space<vmem>>, vector<1x16xf32>,
      %mul3A_580 = arith.constant 1.562500e-02 : f32
      %mul3A_581 = vector.broadcast %mul3A_580 : f32 to vector<16xf32>
      %mul3A_582 = arith.mulf %scan3A_494#7, %mul3A_581 : vector<16xf32>
      %mul3A_583 = arith.constant 1 : i32
      %mul3A_584 = arith.muli %add3A_458, %mul3A_583 : i32
      %add3A_585 = arith.constant 0 : i32
      %add3A_586 = arith.addi %mul3A_584, %add3A_585 : i32
      %swap3A_587 = arith.index_cast %add3A_586 : i32 to index
      %swap3A_588 = arith.constant 112 : index
      %swap3A_589 = tpu.vector_load %arg14[%swap3A_587, %swap3A_588] {strides = array<i32>} : memref<128x128xf32, #tpu.memory_space<vmem>>, vector<1x16xf32>,
      %swap3A_590 = vector.shape_cast %swap3A_589 : vector<1x16xf32> to vector<16xf32>
      %swap3A_591 = vector.shape_cast %mul3A_582 : vector<16xf32> to vector<1x16xf32>
      tpu.vector_store %arg14[%swap3A_587, %swap3A_588], %swap3A_591 {strides = array<i32>} : memref<128x128xf32, #tpu.memory_space<vmem>>, vector<1x16xf32>,
      %add3A_592 = arith.constant 4 : i32
      %add3A_593 = arith.addi %mul3A_58, %add3A_592 : i32
      %add3A_594 = arith.constant 8 : i32
      %add3A_595 = arith.addi %add3A_593, %add3A_594 : i32
      %sub3A_596 = arith.constant 1 : i32
      %sub3A_597 = arith.subi %add3A_595, %sub3A_596 : i32
      %lt3A_598 = arith.constant 128 : i32
      %lt3A_599 = arith.cmpi slt, %sub3A_597, %lt3A_598 : i32
      %convert_element_type3A_600 = arith.extui %lt3A_599 : i1 to i32
      %cond3A_601 = arith.constant 0 : i32
      %cond3A_602 = arith.cmpi ne, %convert_element_type3A_600, %cond3A_601 : i32
      scf.if %cond3A_602 {
        %dma_start3A_1132 = arith.constant 0 : i32
        %dma_start3A_1133 = tpu.memref_slice %arg5[%sub3A_597, %dma_start3A_1132] : memref<128x64xi32, #tpu.memory_space<vmem>> -> memref<1x64xi32, #tpu.memory_space<vmem>>
        %dma_start3A_1134 = tpu.memref_squeeze %dma_start3A_1133 : memref<1x64xi32, #tpu.memory_space<vmem>> -> memref<64xi32, #tpu.memory_space<vmem>>
        %dma_start3A_1135 = arith.constant 0 : i32
        %dma_start3A_1136 = arith.constant 0 : i32
        %dma_start3A_1137 = tpu.memref_slice %arg2[%dma_start3A_1135, %dma_start3A_1136] : memref<100000x128xf32, #tpu.memory_space<hbm>> -> memref<100000x128xf32, #tpu.memory_space<hbm>>
        tpu.enqueue_indirect_dma source(%dma_start3A_1137 : memref<100000x128xf32, #tpu.memory_space<hbm>>) target(%arg9 : memref<64x128xf32, #tpu.memory_space<vmem>>) offsets(%dma_start3A_1134 : memref<64xi32, #tpu.memory_space<vmem>>) semaphore(%arg18 : memref<!tpu.dma_semaphore, #tpu.memory_space<semaphore_mem>>)
      } else {
      }
      %dma_wait3A_603 = arith.constant 0 : i32
      %dma_wait3A_604 = tpu.memref_slice %arg5[%add3A_593, %dma_wait3A_603] : memref<128x64xi32, #tpu.memory_space<vmem>> -> memref<1x64xi32, #tpu.memory_space<vmem>>
      %dma_wait3A_605 = tpu.memref_squeeze %dma_wait3A_604 : memref<1x64xi32, #tpu.memory_space<vmem>> -> memref<64xi32, #tpu.memory_space<vmem>>
      %dma_wait3A_606 = arith.constant 0 : i32
      %dma_wait3A_607 = arith.constant 0 : i32
      %dma_wait3A_608 = tpu.memref_slice %arg2[%dma_wait3A_606, %dma_wait3A_607] : memref<100000x128xf32, #tpu.memory_space<hbm>> -> memref<100000x128xf32, #tpu.memory_space<hbm>>
      tpu.wait_indirect_dma semaphore(%arg19 : memref<!tpu.dma_semaphore, #tpu.memory_space<semaphore_mem>>) src(%dma_wait3A_608 : memref<100000x128xf32, #tpu.memory_space<hbm>>) dst(%arg10 : memref<64x128xf32, #tpu.memory_space<vmem>>)
      %broadcast_in_dim3A_609 = arith.constant 0.000000e+00 : f32
      %broadcast_in_dim3A_610 = vector.broadcast %broadcast_in_dim3A_609 : f32 to vector<16xf32>
      %broadcast_in_dim3A_611 = arith.constant 0.000000e+00 : f32
      %broadcast_in_dim3A_612 = vector.broadcast %broadcast_in_dim3A_611 : f32 to vector<16xf32>
      %broadcast_in_dim3A_613 = arith.constant 0.000000e+00 : f32
      %broadcast_in_dim3A_614 = vector.broadcast %broadcast_in_dim3A_613 : f32 to vector<16xf32>
      %broadcast_in_dim3A_615 = arith.constant 0.000000e+00 : f32
      %broadcast_in_dim3A_616 = vector.broadcast %broadcast_in_dim3A_615 : f32 to vector<16xf32>
      %broadcast_in_dim3A_617 = arith.constant 0.000000e+00 : f32
      %broadcast_in_dim3A_618 = vector.broadcast %broadcast_in_dim3A_617 : f32 to vector<16xf32>
      %broadcast_in_dim3A_619 = arith.constant 0.000000e+00 : f32
      %broadcast_in_dim3A_620 = vector.broadcast %broadcast_in_dim3A_619 : f32 to vector<16xf32>
      %broadcast_in_dim3A_621 = arith.constant 0.000000e+00 : f32
      %broadcast_in_dim3A_622 = vector.broadcast %broadcast_in_dim3A_621 : f32 to vector<16xf32>
      %broadcast_in_dim3A_623 = arith.constant 0.000000e+00 : f32
      %broadcast_in_dim3A_624 = vector.broadcast %broadcast_in_dim3A_623 : f32 to vector<16xf32>
      %scan3A_625 = arith.constant 0 : i32
      %scan3A_626 = arith.constant 8 : i32
      %scan3A_627 = arith.addi %scan3A_625, %scan3A_626 : i32
      %scan3A_628 = arith.constant 1 : i32
      %scan3A_629:8 = scf.for %scan3A_1132 = %scan3A_625 to %scan3A_627 step %scan3A_628 iter_args(%scan3A_1133 = %broadcast_in_dim3A_610, %scan3A_1134 = %broadcast_in_dim3A_612, %scan3A_1135 = %broadcast_in_dim3A_614, %scan3A_1136 = %broadcast_in_dim3A_616, %scan3A_1137 = %broadcast_in_dim3A_618, %scan3A_1138 = %broadcast_in_dim3A_620, %scan3A_1139 = %broadcast_in_dim3A_622, %scan3A_1140 = %broadcast_in_dim3A_624) -> (vector<16xf32>, vector<16xf32>, vector<16xf32>, vector<16xf32>, vector<16xf32>, vector<16xf32>, vector<16xf32>, vector<16xf32>)  : i32 {
        %mul3A_1141 = arith.constant 8 : i32
        %mul3A_1142 = arith.muli %scan3A_1132, %mul3A_1141 : i32
        %add3A_1143 = arith.constant 0 : i32
        %add3A_1144 = arith.addi %add3A_1143, %mul3A_1142 : i32
        %add3A_1145 = arith.constant 0 : i32
        %add3A_1146 = arith.addi %add3A_1144, %add3A_1145 : i32
        %get3A = arith.index_cast %add3A_1146 : i32 to index
        %get3A_1147 = arith.constant 0 : index
        %get3A_1148 = tpu.vector_load %arg10[%get3A, %get3A_1147] {strides = array<i32>} : memref<64x128xf32, #tpu.memory_space<vmem>>, vector<1x16xf32>,
        %get3A_1149 = vector.shape_cast %get3A_1148 : vector<1x16xf32> to vector<16xf32>
        %add3A_1150 = arith.addf %scan3A_1133, %get3A_1149 : vector<16xf32>
        %get3A_1151 = arith.index_cast %add3A_1146 : i32 to index
        %get3A_1152 = arith.constant 16 : index
        %get3A_1153 = tpu.vector_load %arg10[%get3A_1151, %get3A_1152] {strides = array<i32>} : memref<64x128xf32, #tpu.memory_space<vmem>>, vector<1x16xf32>,
        %get3A_1154 = vector.shape_cast %get3A_1153 : vector<1x16xf32> to vector<16xf32>
        %add3A_1155 = arith.addf %scan3A_1134, %get3A_1154 : vector<16xf32>
        %get3A_1156 = arith.index_cast %add3A_1146 : i32 to index
        %get3A_1157 = arith.constant 32 : index
        %get3A_1158 = tpu.vector_load %arg10[%get3A_1156, %get3A_1157] {strides = array<i32>} : memref<64x128xf32, #tpu.memory_space<vmem>>, vector<1x16xf32>,
        %get3A_1159 = vector.shape_cast %get3A_1158 : vector<1x16xf32> to vector<16xf32>
        %add3A_1160 = arith.addf %scan3A_1135, %get3A_1159 : vector<16xf32>
        %get3A_1161 = arith.index_cast %add3A_1146 : i32 to index
        %get3A_1162 = arith.constant 48 : index
        %get3A_1163 = tpu.vector_load %arg10[%get3A_1161, %get3A_1162] {strides = array<i32>} : memref<64x128xf32, #tpu.memory_space<vmem>>, vector<1x16xf32>,
        %get3A_1164 = vector.shape_cast %get3A_1163 : vector<1x16xf32> to vector<16xf32>
        %add3A_1165 = arith.addf %scan3A_1136, %get3A_1164 : vector<16xf32>
        %get3A_1166 = arith.index_cast %add3A_1146 : i32 to index
        %get3A_1167 = arith.constant 64 : index
        %get3A_1168 = tpu.vector_load %arg10[%get3A_1166, %get3A_1167] {strides = array<i32>} : memref<64x128xf32, #tpu.memory_space<vmem>>, vector<1x16xf32>,
        %get3A_1169 = vector.shape_cast %get3A_1168 : vector<1x16xf32> to vector<16xf32>
        %add3A_1170 = arith.addf %scan3A_1137, %get3A_1169 : vector<16xf32>
        %get3A_1171 = arith.index_cast %add3A_1146 : i32 to index
        %get3A_1172 = arith.constant 80 : index
        %get3A_1173 = tpu.vector_load %arg10[%get3A_1171, %get3A_1172] {strides = array<i32>} : memref<64x128xf32, #tpu.memory_space<vmem>>, vector<1x16xf32>,
        %get3A_1174 = vector.shape_cast %get3A_1173 : vector<1x16xf32> to vector<16xf32>
        %add3A_1175 = arith.addf %scan3A_1138, %get3A_1174 : vector<16xf32>
        %get3A_1176 = arith.index_cast %add3A_1146 : i32 to index
        %get3A_1177 = arith.constant 96 : index
        %get3A_1178 = tpu.vector_load %arg10[%get3A_1176, %get3A_1177] {strides = array<i32>} : memref<64x128xf32, #tpu.memory_space<vmem>>, vector<1x16xf32>,
        %get3A_1179 = vector.shape_cast %get3A_1178 : vector<1x16xf32> to vector<16xf32>
        %add3A_1180 = arith.addf %scan3A_1139, %get3A_1179 : vector<16xf32>
        %get3A_1181 = arith.index_cast %add3A_1146 : i32 to index
        %get3A_1182 = arith.constant 112 : index
        %get3A_1183 = tpu.vector_load %arg10[%get3A_1181, %get3A_1182] {strides = array<i32>} : memref<64x128xf32, #tpu.memory_space<vmem>>, vector<1x16xf32>,
        %get3A_1184 = vector.shape_cast %get3A_1183 : vector<1x16xf32> to vector<16xf32>
        %add3A_1185 = arith.addf %scan3A_1140, %get3A_1184 : vector<16xf32>
        %mul3A_1186 = arith.constant 8 : i32
        %mul3A_1187 = arith.muli %scan3A_1132, %mul3A_1186 : i32
        %add3A_1188 = arith.constant 0 : i32
        %add3A_1189 = arith.addi %add3A_1188, %mul3A_1187 : i32
        %add3A_1190 = arith.constant 1 : i32
        %add3A_1191 = arith.addi %add3A_1189, %add3A_1190 : i32
        %get3A_1192 = arith.index_cast %add3A_1191 : i32 to index
        %get3A_1193 = arith.constant 0 : index
        %get3A_1194 = tpu.vector_load %arg10[%get3A_1192, %get3A_1193] {strides = array<i32>} : memref<64x128xf32, #tpu.memory_space<vmem>>, vector<1x16xf32>,
        %get3A_1195 = vector.shape_cast %get3A_1194 : vector<1x16xf32> to vector<16xf32>
        %add3A_1196 = arith.addf %add3A_1150, %get3A_1195 : vector<16xf32>
        %get3A_1197 = arith.index_cast %add3A_1191 : i32 to index
        %get3A_1198 = arith.constant 16 : index
        %get3A_1199 = tpu.vector_load %arg10[%get3A_1197, %get3A_1198] {strides = array<i32>} : memref<64x128xf32, #tpu.memory_space<vmem>>, vector<1x16xf32>,
        %get3A_1200 = vector.shape_cast %get3A_1199 : vector<1x16xf32> to vector<16xf32>
        %add3A_1201 = arith.addf %add3A_1155, %get3A_1200 : vector<16xf32>
        %get3A_1202 = arith.index_cast %add3A_1191 : i32 to index
        %get3A_1203 = arith.constant 32 : index
        %get3A_1204 = tpu.vector_load %arg10[%get3A_1202, %get3A_1203] {strides = array<i32>} : memref<64x128xf32, #tpu.memory_space<vmem>>, vector<1x16xf32>,
        %get3A_1205 = vector.shape_cast %get3A_1204 : vector<1x16xf32> to vector<16xf32>
        %add3A_1206 = arith.addf %add3A_1160, %get3A_1205 : vector<16xf32>
        %get3A_1207 = arith.index_cast %add3A_1191 : i32 to index
        %get3A_1208 = arith.constant 48 : index
        %get3A_1209 = tpu.vector_load %arg10[%get3A_1207, %get3A_1208] {strides = array<i32>} : memref<64x128xf32, #tpu.memory_space<vmem>>, vector<1x16xf32>,
        %get3A_1210 = vector.shape_cast %get3A_1209 : vector<1x16xf32> to vector<16xf32>
        %add3A_1211 = arith.addf %add3A_1165, %get3A_1210 : vector<16xf32>
        %get3A_1212 = arith.index_cast %add3A_1191 : i32 to index
        %get3A_1213 = arith.constant 64 : index
        %get3A_1214 = tpu.vector_load %arg10[%get3A_1212, %get3A_1213] {strides = array<i32>} : memref<64x128xf32, #tpu.memory_space<vmem>>, vector<1x16xf32>,
        %get3A_1215 = vector.shape_cast %get3A_1214 : vector<1x16xf32> to vector<16xf32>
        %add3A_1216 = arith.addf %add3A_1170, %get3A_1215 : vector<16xf32>
        %get3A_1217 = arith.index_cast %add3A_1191 : i32 to index
        %get3A_1218 = arith.constant 80 : index
        %get3A_1219 = tpu.vector_load %arg10[%get3A_1217, %get3A_1218] {strides = array<i32>} : memref<64x128xf32, #tpu.memory_space<vmem>>, vector<1x16xf32>,
        %get3A_1220 = vector.shape_cast %get3A_1219 : vector<1x16xf32> to vector<16xf32>
        %add3A_1221 = arith.addf %add3A_1175, %get3A_1220 : vector<16xf32>
        %get3A_1222 = arith.index_cast %add3A_1191 : i32 to index
        %get3A_1223 = arith.constant 96 : index
        %get3A_1224 = tpu.vector_load %arg10[%get3A_1222, %get3A_1223] {strides = array<i32>} : memref<64x128xf32, #tpu.memory_space<vmem>>, vector<1x16xf32>,
        %get3A_1225 = vector.shape_cast %get3A_1224 : vector<1x16xf32> to vector<16xf32>
        %add3A_1226 = arith.addf %add3A_1180, %get3A_1225 : vector<16xf32>
        %get3A_1227 = arith.index_cast %add3A_1191 : i32 to index
        %get3A_1228 = arith.constant 112 : index
        %get3A_1229 = tpu.vector_load %arg10[%get3A_1227, %get3A_1228] {strides = array<i32>} : memref<64x128xf32, #tpu.memory_space<vmem>>, vector<1x16xf32>,
        %get3A_1230 = vector.shape_cast %get3A_1229 : vector<1x16xf32> to vector<16xf32>
        %add3A_1231 = arith.addf %add3A_1185, %get3A_1230 : vector<16xf32>
        %mul3A_1232 = arith.constant 8 : i32
        %mul3A_1233 = arith.muli %scan3A_1132, %mul3A_1232 : i32
        %add3A_1234 = arith.constant 0 : i32
        %add3A_1235 = arith.addi %add3A_1234, %mul3A_1233 : i32
        %add3A_1236 = arith.constant 2 : i32
        %add3A_1237 = arith.addi %add3A_1235, %add3A_1236 : i32
        %get3A_1238 = arith.index_cast %add3A_1237 : i32 to index
        %get3A_1239 = arith.constant 0 : index
        %get3A_1240 = tpu.vector_load %arg10[%get3A_1238, %get3A_1239] {strides = array<i32>} : memref<64x128xf32, #tpu.memory_space<vmem>>, vector<1x16xf32>,
        %get3A_1241 = vector.shape_cast %get3A_1240 : vector<1x16xf32> to vector<16xf32>
        %add3A_1242 = arith.addf %add3A_1196, %get3A_1241 : vector<16xf32>
        %get3A_1243 = arith.index_cast %add3A_1237 : i32 to index
        %get3A_1244 = arith.constant 16 : index
        %get3A_1245 = tpu.vector_load %arg10[%get3A_1243, %get3A_1244] {strides = array<i32>} : memref<64x128xf32, #tpu.memory_space<vmem>>, vector<1x16xf32>,
        %get3A_1246 = vector.shape_cast %get3A_1245 : vector<1x16xf32> to vector<16xf32>
        %add3A_1247 = arith.addf %add3A_1201, %get3A_1246 : vector<16xf32>
        %get3A_1248 = arith.index_cast %add3A_1237 : i32 to index
        %get3A_1249 = arith.constant 32 : index
        %get3A_1250 = tpu.vector_load %arg10[%get3A_1248, %get3A_1249] {strides = array<i32>} : memref<64x128xf32, #tpu.memory_space<vmem>>, vector<1x16xf32>,
        %get3A_1251 = vector.shape_cast %get3A_1250 : vector<1x16xf32> to vector<16xf32>
        %add3A_1252 = arith.addf %add3A_1206, %get3A_1251 : vector<16xf32>
        %get3A_1253 = arith.index_cast %add3A_1237 : i32 to index
        %get3A_1254 = arith.constant 48 : index
        %get3A_1255 = tpu.vector_load %arg10[%get3A_1253, %get3A_1254] {strides = array<i32>} : memref<64x128xf32, #tpu.memory_space<vmem>>, vector<1x16xf32>,
        %get3A_1256 = vector.shape_cast %get3A_1255 : vector<1x16xf32> to vector<16xf32>
        %add3A_1257 = arith.addf %add3A_1211, %get3A_1256 : vector<16xf32>
        %get3A_1258 = arith.index_cast %add3A_1237 : i32 to index
        %get3A_1259 = arith.constant 64 : index
        %get3A_1260 = tpu.vector_load %arg10[%get3A_1258, %get3A_1259] {strides = array<i32>} : memref<64x128xf32, #tpu.memory_space<vmem>>, vector<1x16xf32>,
        %get3A_1261 = vector.shape_cast %get3A_1260 : vector<1x16xf32> to vector<16xf32>
        %add3A_1262 = arith.addf %add3A_1216, %get3A_1261 : vector<16xf32>
        %get3A_1263 = arith.index_cast %add3A_1237 : i32 to index
        %get3A_1264 = arith.constant 80 : index
        %get3A_1265 = tpu.vector_load %arg10[%get3A_1263, %get3A_1264] {strides = array<i32>} : memref<64x128xf32, #tpu.memory_space<vmem>>, vector<1x16xf32>,
        %get3A_1266 = vector.shape_cast %get3A_1265 : vector<1x16xf32> to vector<16xf32>
        %add3A_1267 = arith.addf %add3A_1221, %get3A_1266 : vector<16xf32>
        %get3A_1268 = arith.index_cast %add3A_1237 : i32 to index
        %get3A_1269 = arith.constant 96 : index
        %get3A_1270 = tpu.vector_load %arg10[%get3A_1268, %get3A_1269] {strides = array<i32>} : memref<64x128xf32, #tpu.memory_space<vmem>>, vector<1x16xf32>,
        %get3A_1271 = vector.shape_cast %get3A_1270 : vector<1x16xf32> to vector<16xf32>
        %add3A_1272 = arith.addf %add3A_1226, %get3A_1271 : vector<16xf32>
        %get3A_1273 = arith.index_cast %add3A_1237 : i32 to index
        %get3A_1274 = arith.constant 112 : index
        %get3A_1275 = tpu.vector_load %arg10[%get3A_1273, %get3A_1274] {strides = array<i32>} : memref<64x128xf32, #tpu.memory_space<vmem>>, vector<1x16xf32>,
        %get3A_1276 = vector.shape_cast %get3A_1275 : vector<1x16xf32> to vector<16xf32>
        %add3A_1277 = arith.addf %add3A_1231, %get3A_1276 : vector<16xf32>
        %mul3A_1278 = arith.constant 8 : i32
        %mul3A_1279 = arith.muli %scan3A_1132, %mul3A_1278 : i32
        %add3A_1280 = arith.constant 0 : i32
        %add3A_1281 = arith.addi %add3A_1280, %mul3A_1279 : i32
        %add3A_1282 = arith.constant 3 : i32
        %add3A_1283 = arith.addi %add3A_1281, %add3A_1282 : i32
        %get3A_1284 = arith.index_cast %add3A_1283 : i32 to index
        %get3A_1285 = arith.constant 0 : index
        %get3A_1286 = tpu.vector_load %arg10[%get3A_1284, %get3A_1285] {strides = array<i32>} : memref<64x128xf32, #tpu.memory_space<vmem>>, vector<1x16xf32>,
        %get3A_1287 = vector.shape_cast %get3A_1286 : vector<1x16xf32> to vector<16xf32>
        %add3A_1288 = arith.addf %add3A_1242, %get3A_1287 : vector<16xf32>
        %get3A_1289 = arith.index_cast %add3A_1283 : i32 to index
        %get3A_1290 = arith.constant 16 : index
        %get3A_1291 = tpu.vector_load %arg10[%get3A_1289, %get3A_1290] {strides = array<i32>} : memref<64x128xf32, #tpu.memory_space<vmem>>, vector<1x16xf32>,
        %get3A_1292 = vector.shape_cast %get3A_1291 : vector<1x16xf32> to vector<16xf32>
        %add3A_1293 = arith.addf %add3A_1247, %get3A_1292 : vector<16xf32>
        %get3A_1294 = arith.index_cast %add3A_1283 : i32 to index
        %get3A_1295 = arith.constant 32 : index
        %get3A_1296 = tpu.vector_load %arg10[%get3A_1294, %get3A_1295] {strides = array<i32>} : memref<64x128xf32, #tpu.memory_space<vmem>>, vector<1x16xf32>,
        %get3A_1297 = vector.shape_cast %get3A_1296 : vector<1x16xf32> to vector<16xf32>
        %add3A_1298 = arith.addf %add3A_1252, %get3A_1297 : vector<16xf32>
        %get3A_1299 = arith.index_cast %add3A_1283 : i32 to index
        %get3A_1300 = arith.constant 48 : index
        %get3A_1301 = tpu.vector_load %arg10[%get3A_1299, %get3A_1300] {strides = array<i32>} : memref<64x128xf32, #tpu.memory_space<vmem>>, vector<1x16xf32>,
        %get3A_1302 = vector.shape_cast %get3A_1301 : vector<1x16xf32> to vector<16xf32>
        %add3A_1303 = arith.addf %add3A_1257, %get3A_1302 : vector<16xf32>
        %get3A_1304 = arith.index_cast %add3A_1283 : i32 to index
        %get3A_1305 = arith.constant 64 : index
        %get3A_1306 = tpu.vector_load %arg10[%get3A_1304, %get3A_1305] {strides = array<i32>} : memref<64x128xf32, #tpu.memory_space<vmem>>, vector<1x16xf32>,
        %get3A_1307 = vector.shape_cast %get3A_1306 : vector<1x16xf32> to vector<16xf32>
        %add3A_1308 = arith.addf %add3A_1262, %get3A_1307 : vector<16xf32>
        %get3A_1309 = arith.index_cast %add3A_1283 : i32 to index
        %get3A_1310 = arith.constant 80 : index
        %get3A_1311 = tpu.vector_load %arg10[%get3A_1309, %get3A_1310] {strides = array<i32>} : memref<64x128xf32, #tpu.memory_space<vmem>>, vector<1x16xf32>,
        %get3A_1312 = vector.shape_cast %get3A_1311 : vector<1x16xf32> to vector<16xf32>
        %add3A_1313 = arith.addf %add3A_1267, %get3A_1312 : vector<16xf32>
        %get3A_1314 = arith.index_cast %add3A_1283 : i32 to index
        %get3A_1315 = arith.constant 96 : index
        %get3A_1316 = tpu.vector_load %arg10[%get3A_1314, %get3A_1315] {strides = array<i32>} : memref<64x128xf32, #tpu.memory_space<vmem>>, vector<1x16xf32>,
        %get3A_1317 = vector.shape_cast %get3A_1316 : vector<1x16xf32> to vector<16xf32>
        %add3A_1318 = arith.addf %add3A_1272, %get3A_1317 : vector<16xf32>
        %get3A_1319 = arith.index_cast %add3A_1283 : i32 to index
        %get3A_1320 = arith.constant 112 : index
        %get3A_1321 = tpu.vector_load %arg10[%get3A_1319, %get3A_1320] {strides = array<i32>} : memref<64x128xf32, #tpu.memory_space<vmem>>, vector<1x16xf32>,
        %get3A_1322 = vector.shape_cast %get3A_1321 : vector<1x16xf32> to vector<16xf32>
        %add3A_1323 = arith.addf %add3A_1277, %get3A_1322 : vector<16xf32>
        %mul3A_1324 = arith.constant 8 : i32
        %mul3A_1325 = arith.muli %scan3A_1132, %mul3A_1324 : i32
        %add3A_1326 = arith.constant 0 : i32
        %add3A_1327 = arith.addi %add3A_1326, %mul3A_1325 : i32
        %add3A_1328 = arith.constant 4 : i32
        %add3A_1329 = arith.addi %add3A_1327, %add3A_1328 : i32
        %get3A_1330 = arith.index_cast %add3A_1329 : i32 to index
        %get3A_1331 = arith.constant 0 : index
        %get3A_1332 = tpu.vector_load %arg10[%get3A_1330, %get3A_1331] {strides = array<i32>} : memref<64x128xf32, #tpu.memory_space<vmem>>, vector<1x16xf32>,
        %get3A_1333 = vector.shape_cast %get3A_1332 : vector<1x16xf32> to vector<16xf32>
        %add3A_1334 = arith.addf %add3A_1288, %get3A_1333 : vector<16xf32>
        %get3A_1335 = arith.index_cast %add3A_1329 : i32 to index
        %get3A_1336 = arith.constant 16 : index
        %get3A_1337 = tpu.vector_load %arg10[%get3A_1335, %get3A_1336] {strides = array<i32>} : memref<64x128xf32, #tpu.memory_space<vmem>>, vector<1x16xf32>,
        %get3A_1338 = vector.shape_cast %get3A_1337 : vector<1x16xf32> to vector<16xf32>
        %add3A_1339 = arith.addf %add3A_1293, %get3A_1338 : vector<16xf32>
        %get3A_1340 = arith.index_cast %add3A_1329 : i32 to index
        %get3A_1341 = arith.constant 32 : index
        %get3A_1342 = tpu.vector_load %arg10[%get3A_1340, %get3A_1341] {strides = array<i32>} : memref<64x128xf32, #tpu.memory_space<vmem>>, vector<1x16xf32>,
        %get3A_1343 = vector.shape_cast %get3A_1342 : vector<1x16xf32> to vector<16xf32>
        %add3A_1344 = arith.addf %add3A_1298, %get3A_1343 : vector<16xf32>
        %get3A_1345 = arith.index_cast %add3A_1329 : i32 to index
        %get3A_1346 = arith.constant 48 : index
        %get3A_1347 = tpu.vector_load %arg10[%get3A_1345, %get3A_1346] {strides = array<i32>} : memref<64x128xf32, #tpu.memory_space<vmem>>, vector<1x16xf32>,
        %get3A_1348 = vector.shape_cast %get3A_1347 : vector<1x16xf32> to vector<16xf32>
        %add3A_1349 = arith.addf %add3A_1303, %get3A_1348 : vector<16xf32>
        %get3A_1350 = arith.index_cast %add3A_1329 : i32 to index
        %get3A_1351 = arith.constant 64 : index
        %get3A_1352 = tpu.vector_load %arg10[%get3A_1350, %get3A_1351] {strides = array<i32>} : memref<64x128xf32, #tpu.memory_space<vmem>>, vector<1x16xf32>,
        %get3A_1353 = vector.shape_cast %get3A_1352 : vector<1x16xf32> to vector<16xf32>
        %add3A_1354 = arith.addf %add3A_1308, %get3A_1353 : vector<16xf32>
        %get3A_1355 = arith.index_cast %add3A_1329 : i32 to index
        %get3A_1356 = arith.constant 80 : index
        %get3A_1357 = tpu.vector_load %arg10[%get3A_1355, %get3A_1356] {strides = array<i32>} : memref<64x128xf32, #tpu.memory_space<vmem>>, vector<1x16xf32>,
        %get3A_1358 = vector.shape_cast %get3A_1357 : vector<1x16xf32> to vector<16xf32>
        %add3A_1359 = arith.addf %add3A_1313, %get3A_1358 : vector<16xf32>
        %get3A_1360 = arith.index_cast %add3A_1329 : i32 to index
        %get3A_1361 = arith.constant 96 : index
        %get3A_1362 = tpu.vector_load %arg10[%get3A_1360, %get3A_1361] {strides = array<i32>} : memref<64x128xf32, #tpu.memory_space<vmem>>, vector<1x16xf32>,
        %get3A_1363 = vector.shape_cast %get3A_1362 : vector<1x16xf32> to vector<16xf32>
        %add3A_1364 = arith.addf %add3A_1318, %get3A_1363 : vector<16xf32>
        %get3A_1365 = arith.index_cast %add3A_1329 : i32 to index
        %get3A_1366 = arith.constant 112 : index
        %get3A_1367 = tpu.vector_load %arg10[%get3A_1365, %get3A_1366] {strides = array<i32>} : memref<64x128xf32, #tpu.memory_space<vmem>>, vector<1x16xf32>,
        %get3A_1368 = vector.shape_cast %get3A_1367 : vector<1x16xf32> to vector<16xf32>
        %add3A_1369 = arith.addf %add3A_1323, %get3A_1368 : vector<16xf32>
        %mul3A_1370 = arith.constant 8 : i32
        %mul3A_1371 = arith.muli %scan3A_1132, %mul3A_1370 : i32
        %add3A_1372 = arith.constant 0 : i32
        %add3A_1373 = arith.addi %add3A_1372, %mul3A_1371 : i32
        %add3A_1374 = arith.constant 5 : i32
        %add3A_1375 = arith.addi %add3A_1373, %add3A_1374 : i32
        %get3A_1376 = arith.index_cast %add3A_1375 : i32 to index
        %get3A_1377 = arith.constant 0 : index
        %get3A_1378 = tpu.vector_load %arg10[%get3A_1376, %get3A_1377] {strides = array<i32>} : memref<64x128xf32, #tpu.memory_space<vmem>>, vector<1x16xf32>,
        %get3A_1379 = vector.shape_cast %get3A_1378 : vector<1x16xf32> to vector<16xf32>
        %add3A_1380 = arith.addf %add3A_1334, %get3A_1379 : vector<16xf32>
        %get3A_1381 = arith.index_cast %add3A_1375 : i32 to index
        %get3A_1382 = arith.constant 16 : index
        %get3A_1383 = tpu.vector_load %arg10[%get3A_1381, %get3A_1382] {strides = array<i32>} : memref<64x128xf32, #tpu.memory_space<vmem>>, vector<1x16xf32>,
        %get3A_1384 = vector.shape_cast %get3A_1383 : vector<1x16xf32> to vector<16xf32>
        %add3A_1385 = arith.addf %add3A_1339, %get3A_1384 : vector<16xf32>
        %get3A_1386 = arith.index_cast %add3A_1375 : i32 to index
        %get3A_1387 = arith.constant 32 : index
        %get3A_1388 = tpu.vector_load %arg10[%get3A_1386, %get3A_1387] {strides = array<i32>} : memref<64x128xf32, #tpu.memory_space<vmem>>, vector<1x16xf32>,
        %get3A_1389 = vector.shape_cast %get3A_1388 : vector<1x16xf32> to vector<16xf32>
        %add3A_1390 = arith.addf %add3A_1344, %get3A_1389 : vector<16xf32>
        %get3A_1391 = arith.index_cast %add3A_1375 : i32 to index
        %get3A_1392 = arith.constant 48 : index
        %get3A_1393 = tpu.vector_load %arg10[%get3A_1391, %get3A_1392] {strides = array<i32>} : memref<64x128xf32, #tpu.memory_space<vmem>>, vector<1x16xf32>,
        %get3A_1394 = vector.shape_cast %get3A_1393 : vector<1x16xf32> to vector<16xf32>
        %add3A_1395 = arith.addf %add3A_1349, %get3A_1394 : vector<16xf32>
        %get3A_1396 = arith.index_cast %add3A_1375 : i32 to index
        %get3A_1397 = arith.constant 64 : index
        %get3A_1398 = tpu.vector_load %arg10[%get3A_1396, %get3A_1397] {strides = array<i32>} : memref<64x128xf32, #tpu.memory_space<vmem>>, vector<1x16xf32>,
        %get3A_1399 = vector.shape_cast %get3A_1398 : vector<1x16xf32> to vector<16xf32>
        %add3A_1400 = arith.addf %add3A_1354, %get3A_1399 : vector<16xf32>
        %get3A_1401 = arith.index_cast %add3A_1375 : i32 to index
        %get3A_1402 = arith.constant 80 : index
        %get3A_1403 = tpu.vector_load %arg10[%get3A_1401, %get3A_1402] {strides = array<i32>} : memref<64x128xf32, #tpu.memory_space<vmem>>, vector<1x16xf32>,
        %get3A_1404 = vector.shape_cast %get3A_1403 : vector<1x16xf32> to vector<16xf32>
        %add3A_1405 = arith.addf %add3A_1359, %get3A_1404 : vector<16xf32>
        %get3A_1406 = arith.index_cast %add3A_1375 : i32 to index
        %get3A_1407 = arith.constant 96 : index
        %get3A_1408 = tpu.vector_load %arg10[%get3A_1406, %get3A_1407] {strides = array<i32>} : memref<64x128xf32, #tpu.memory_space<vmem>>, vector<1x16xf32>,
        %get3A_1409 = vector.shape_cast %get3A_1408 : vector<1x16xf32> to vector<16xf32>
        %add3A_1410 = arith.addf %add3A_1364, %get3A_1409 : vector<16xf32>
        %get3A_1411 = arith.index_cast %add3A_1375 : i32 to index
        %get3A_1412 = arith.constant 112 : index
        %get3A_1413 = tpu.vector_load %arg10[%get3A_1411, %get3A_1412] {strides = array<i32>} : memref<64x128xf32, #tpu.memory_space<vmem>>, vector<1x16xf32>,
        %get3A_1414 = vector.shape_cast %get3A_1413 : vector<1x16xf32> to vector<16xf32>
        %add3A_1415 = arith.addf %add3A_1369, %get3A_1414 : vector<16xf32>
        %mul3A_1416 = arith.constant 8 : i32
        %mul3A_1417 = arith.muli %scan3A_1132, %mul3A_1416 : i32
        %add3A_1418 = arith.constant 0 : i32
        %add3A_1419 = arith.addi %add3A_1418, %mul3A_1417 : i32
        %add3A_1420 = arith.constant 6 : i32
        %add3A_1421 = arith.addi %add3A_1419, %add3A_1420 : i32
        %get3A_1422 = arith.index_cast %add3A_1421 : i32 to index
        %get3A_1423 = arith.constant 0 : index
        %get3A_1424 = tpu.vector_load %arg10[%get3A_1422, %get3A_1423] {strides = array<i32>} : memref<64x128xf32, #tpu.memory_space<vmem>>, vector<1x16xf32>,
        %get3A_1425 = vector.shape_cast %get3A_1424 : vector<1x16xf32> to vector<16xf32>
        %add3A_1426 = arith.addf %add3A_1380, %get3A_1425 : vector<16xf32>
        %get3A_1427 = arith.index_cast %add3A_1421 : i32 to index
        %get3A_1428 = arith.constant 16 : index
        %get3A_1429 = tpu.vector_load %arg10[%get3A_1427, %get3A_1428] {strides = array<i32>} : memref<64x128xf32, #tpu.memory_space<vmem>>, vector<1x16xf32>,
        %get3A_1430 = vector.shape_cast %get3A_1429 : vector<1x16xf32> to vector<16xf32>
        %add3A_1431 = arith.addf %add3A_1385, %get3A_1430 : vector<16xf32>
        %get3A_1432 = arith.index_cast %add3A_1421 : i32 to index
        %get3A_1433 = arith.constant 32 : index
        %get3A_1434 = tpu.vector_load %arg10[%get3A_1432, %get3A_1433] {strides = array<i32>} : memref<64x128xf32, #tpu.memory_space<vmem>>, vector<1x16xf32>,
        %get3A_1435 = vector.shape_cast %get3A_1434 : vector<1x16xf32> to vector<16xf32>
        %add3A_1436 = arith.addf %add3A_1390, %get3A_1435 : vector<16xf32>
        %get3A_1437 = arith.index_cast %add3A_1421 : i32 to index
        %get3A_1438 = arith.constant 48 : index
        %get3A_1439 = tpu.vector_load %arg10[%get3A_1437, %get3A_1438] {strides = array<i32>} : memref<64x128xf32, #tpu.memory_space<vmem>>, vector<1x16xf32>,
        %get3A_1440 = vector.shape_cast %get3A_1439 : vector<1x16xf32> to vector<16xf32>
        %add3A_1441 = arith.addf %add3A_1395, %get3A_1440 : vector<16xf32>
        %get3A_1442 = arith.index_cast %add3A_1421 : i32 to index
        %get3A_1443 = arith.constant 64 : index
        %get3A_1444 = tpu.vector_load %arg10[%get3A_1442, %get3A_1443] {strides = array<i32>} : memref<64x128xf32, #tpu.memory_space<vmem>>, vector<1x16xf32>,
        %get3A_1445 = vector.shape_cast %get3A_1444 : vector<1x16xf32> to vector<16xf32>
        %add3A_1446 = arith.addf %add3A_1400, %get3A_1445 : vector<16xf32>
        %get3A_1447 = arith.index_cast %add3A_1421 : i32 to index
        %get3A_1448 = arith.constant 80 : index
        %get3A_1449 = tpu.vector_load %arg10[%get3A_1447, %get3A_1448] {strides = array<i32>} : memref<64x128xf32, #tpu.memory_space<vmem>>, vector<1x16xf32>,
        %get3A_1450 = vector.shape_cast %get3A_1449 : vector<1x16xf32> to vector<16xf32>
        %add3A_1451 = arith.addf %add3A_1405, %get3A_1450 : vector<16xf32>
        %get3A_1452 = arith.index_cast %add3A_1421 : i32 to index
        %get3A_1453 = arith.constant 96 : index
        %get3A_1454 = tpu.vector_load %arg10[%get3A_1452, %get3A_1453] {strides = array<i32>} : memref<64x128xf32, #tpu.memory_space<vmem>>, vector<1x16xf32>,
        %get3A_1455 = vector.shape_cast %get3A_1454 : vector<1x16xf32> to vector<16xf32>
        %add3A_1456 = arith.addf %add3A_1410, %get3A_1455 : vector<16xf32>
        %get3A_1457 = arith.index_cast %add3A_1421 : i32 to index
        %get3A_1458 = arith.constant 112 : index
        %get3A_1459 = tpu.vector_load %arg10[%get3A_1457, %get3A_1458] {strides = array<i32>} : memref<64x128xf32, #tpu.memory_space<vmem>>, vector<1x16xf32>,
        %get3A_1460 = vector.shape_cast %get3A_1459 : vector<1x16xf32> to vector<16xf32>
        %add3A_1461 = arith.addf %add3A_1415, %get3A_1460 : vector<16xf32>
        %mul3A_1462 = arith.constant 8 : i32
        %mul3A_1463 = arith.muli %scan3A_1132, %mul3A_1462 : i32
        %add3A_1464 = arith.constant 0 : i32
        %add3A_1465 = arith.addi %add3A_1464, %mul3A_1463 : i32
        %add3A_1466 = arith.constant 7 : i32
        %add3A_1467 = arith.addi %add3A_1465, %add3A_1466 : i32
        %get3A_1468 = arith.index_cast %add3A_1467 : i32 to index
        %get3A_1469 = arith.constant 0 : index
        %get3A_1470 = tpu.vector_load %arg10[%get3A_1468, %get3A_1469] {strides = array<i32>} : memref<64x128xf32, #tpu.memory_space<vmem>>, vector<1x16xf32>,
        %get3A_1471 = vector.shape_cast %get3A_1470 : vector<1x16xf32> to vector<16xf32>
        %add3A_1472 = arith.addf %add3A_1426, %get3A_1471 : vector<16xf32>
        %get3A_1473 = arith.index_cast %add3A_1467 : i32 to index
        %get3A_1474 = arith.constant 16 : index
        %get3A_1475 = tpu.vector_load %arg10[%get3A_1473, %get3A_1474] {strides = array<i32>} : memref<64x128xf32, #tpu.memory_space<vmem>>, vector<1x16xf32>,
        %get3A_1476 = vector.shape_cast %get3A_1475 : vector<1x16xf32> to vector<16xf32>
        %add3A_1477 = arith.addf %add3A_1431, %get3A_1476 : vector<16xf32>
        %get3A_1478 = arith.index_cast %add3A_1467 : i32 to index
        %get3A_1479 = arith.constant 32 : index
        %get3A_1480 = tpu.vector_load %arg10[%get3A_1478, %get3A_1479] {strides = array<i32>} : memref<64x128xf32, #tpu.memory_space<vmem>>, vector<1x16xf32>,
        %get3A_1481 = vector.shape_cast %get3A_1480 : vector<1x16xf32> to vector<16xf32>
        %add3A_1482 = arith.addf %add3A_1436, %get3A_1481 : vector<16xf32>
        %get3A_1483 = arith.index_cast %add3A_1467 : i32 to index
        %get3A_1484 = arith.constant 48 : index
        %get3A_1485 = tpu.vector_load %arg10[%get3A_1483, %get3A_1484] {strides = array<i32>} : memref<64x128xf32, #tpu.memory_space<vmem>>, vector<1x16xf32>,
        %get3A_1486 = vector.shape_cast %get3A_1485 : vector<1x16xf32> to vector<16xf32>
        %add3A_1487 = arith.addf %add3A_1441, %get3A_1486 : vector<16xf32>
        %get3A_1488 = arith.index_cast %add3A_1467 : i32 to index
        %get3A_1489 = arith.constant 64 : index
        %get3A_1490 = tpu.vector_load %arg10[%get3A_1488, %get3A_1489] {strides = array<i32>} : memref<64x128xf32, #tpu.memory_space<vmem>>, vector<1x16xf32>,
        %get3A_1491 = vector.shape_cast %get3A_1490 : vector<1x16xf32> to vector<16xf32>
        %add3A_1492 = arith.addf %add3A_1446, %get3A_1491 : vector<16xf32>
        %get3A_1493 = arith.index_cast %add3A_1467 : i32 to index
        %get3A_1494 = arith.constant 80 : index
        %get3A_1495 = tpu.vector_load %arg10[%get3A_1493, %get3A_1494] {strides = array<i32>} : memref<64x128xf32, #tpu.memory_space<vmem>>, vector<1x16xf32>,
        %get3A_1496 = vector.shape_cast %get3A_1495 : vector<1x16xf32> to vector<16xf32>
        %add3A_1497 = arith.addf %add3A_1451, %get3A_1496 : vector<16xf32>
        %get3A_1498 = arith.index_cast %add3A_1467 : i32 to index
        %get3A_1499 = arith.constant 96 : index
        %get3A_1500 = tpu.vector_load %arg10[%get3A_1498, %get3A_1499] {strides = array<i32>} : memref<64x128xf32, #tpu.memory_space<vmem>>, vector<1x16xf32>,
        %get3A_1501 = vector.shape_cast %get3A_1500 : vector<1x16xf32> to vector<16xf32>
        %add3A_1502 = arith.addf %add3A_1456, %get3A_1501 : vector<16xf32>
        %get3A_1503 = arith.index_cast %add3A_1467 : i32 to index
        %get3A_1504 = arith.constant 112 : index
        %get3A_1505 = tpu.vector_load %arg10[%get3A_1503, %get3A_1504] {strides = array<i32>} : memref<64x128xf32, #tpu.memory_space<vmem>>, vector<1x16xf32>,
        %get3A_1506 = vector.shape_cast %get3A_1505 : vector<1x16xf32> to vector<16xf32>
        %add3A_1507 = arith.addf %add3A_1461, %get3A_1506 : vector<16xf32>
        scf.yield %add3A_1472, %add3A_1477, %add3A_1482, %add3A_1487, %add3A_1492, %add3A_1497, %add3A_1502, %add3A_1507 : vector<16xf32>, vector<16xf32>, vector<16xf32>, vector<16xf32>, vector<16xf32>, vector<16xf32>, vector<16xf32>, vector<16xf32>
      }
      %scan3A_630 = arith.constant 8 : i32
      %mul3A_631 = arith.constant 1.562500e-02 : f32
      %mul3A_632 = vector.broadcast %mul3A_631 : f32 to vector<16xf32>
      %mul3A_633 = arith.mulf %scan3A_629#0, %mul3A_632 : vector<16xf32>
      %mul3A_634 = arith.constant 1 : i32
      %mul3A_635 = arith.muli %add3A_593, %mul3A_634 : i32
      %add3A_636 = arith.constant 0 : i32
      %add3A_637 = arith.addi %mul3A_635, %add3A_636 : i32
      %swap3A_638 = arith.index_cast %add3A_637 : i32 to index
      %swap3A_639 = arith.constant 0 : index
      %swap3A_640 = tpu.vector_load %arg14[%swap3A_638, %swap3A_639] {strides = array<i32>} : memref<128x128xf32, #tpu.memory_space<vmem>>, vector<1x16xf32>,
      %swap3A_641 = vector.shape_cast %swap3A_640 : vector<1x16xf32> to vector<16xf32>
      %swap3A_642 = vector.shape_cast %mul3A_633 : vector<16xf32> to vector<1x16xf32>
      tpu.vector_store %arg14[%swap3A_638, %swap3A_639], %swap3A_642 {strides = array<i32>} : memref<128x128xf32, #tpu.memory_space<vmem>>, vector<1x16xf32>,
      %mul3A_643 = arith.constant 1.562500e-02 : f32
      %mul3A_644 = vector.broadcast %mul3A_643 : f32 to vector<16xf32>
      %mul3A_645 = arith.mulf %scan3A_629#1, %mul3A_644 : vector<16xf32>
      %mul3A_646 = arith.constant 1 : i32
      %mul3A_647 = arith.muli %add3A_593, %mul3A_646 : i32
      %add3A_648 = arith.constant 0 : i32
      %add3A_649 = arith.addi %mul3A_647, %add3A_648 : i32
      %swap3A_650 = arith.index_cast %add3A_649 : i32 to index
      %swap3A_651 = arith.constant 16 : index
      %swap3A_652 = tpu.vector_load %arg14[%swap3A_650, %swap3A_651] {strides = array<i32>} : memref<128x128xf32, #tpu.memory_space<vmem>>, vector<1x16xf32>,
      %swap3A_653 = vector.shape_cast %swap3A_652 : vector<1x16xf32> to vector<16xf32>
      %swap3A_654 = vector.shape_cast %mul3A_645 : vector<16xf32> to vector<1x16xf32>
      tpu.vector_store %arg14[%swap3A_650, %swap3A_651], %swap3A_654 {strides = array<i32>} : memref<128x128xf32, #tpu.memory_space<vmem>>, vector<1x16xf32>,
      %mul3A_655 = arith.constant 1.562500e-02 : f32
      %mul3A_656 = vector.broadcast %mul3A_655 : f32 to vector<16xf32>
      %mul3A_657 = arith.mulf %scan3A_629#2, %mul3A_656 : vector<16xf32>
      %mul3A_658 = arith.constant 1 : i32
      %mul3A_659 = arith.muli %add3A_593, %mul3A_658 : i32
      %add3A_660 = arith.constant 0 : i32
      %add3A_661 = arith.addi %mul3A_659, %add3A_660 : i32
      %swap3A_662 = arith.index_cast %add3A_661 : i32 to index
      %swap3A_663 = arith.constant 32 : index
      %swap3A_664 = tpu.vector_load %arg14[%swap3A_662, %swap3A_663] {strides = array<i32>} : memref<128x128xf32, #tpu.memory_space<vmem>>, vector<1x16xf32>,
      %swap3A_665 = vector.shape_cast %swap3A_664 : vector<1x16xf32> to vector<16xf32>
      %swap3A_666 = vector.shape_cast %mul3A_657 : vector<16xf32> to vector<1x16xf32>
      tpu.vector_store %arg14[%swap3A_662, %swap3A_663], %swap3A_666 {strides = array<i32>} : memref<128x128xf32, #tpu.memory_space<vmem>>, vector<1x16xf32>,
      %mul3A_667 = arith.constant 1.562500e-02 : f32
      %mul3A_668 = vector.broadcast %mul3A_667 : f32 to vector<16xf32>
      %mul3A_669 = arith.mulf %scan3A_629#3, %mul3A_668 : vector<16xf32>
      %mul3A_670 = arith.constant 1 : i32
      %mul3A_671 = arith.muli %add3A_593, %mul3A_670 : i32
      %add3A_672 = arith.constant 0 : i32
      %add3A_673 = arith.addi %mul3A_671, %add3A_672 : i32
      %swap3A_674 = arith.index_cast %add3A_673 : i32 to index
      %swap3A_675 = arith.constant 48 : index
      %swap3A_676 = tpu.vector_load %arg14[%swap3A_674, %swap3A_675] {strides = array<i32>} : memref<128x128xf32, #tpu.memory_space<vmem>>, vector<1x16xf32>,
      %swap3A_677 = vector.shape_cast %swap3A_676 : vector<1x16xf32> to vector<16xf32>
      %swap3A_678 = vector.shape_cast %mul3A_669 : vector<16xf32> to vector<1x16xf32>
      tpu.vector_store %arg14[%swap3A_674, %swap3A_675], %swap3A_678 {strides = array<i32>} : memref<128x128xf32, #tpu.memory_space<vmem>>, vector<1x16xf32>,
      %mul3A_679 = arith.constant 1.562500e-02 : f32
      %mul3A_680 = vector.broadcast %mul3A_679 : f32 to vector<16xf32>
      %mul3A_681 = arith.mulf %scan3A_629#4, %mul3A_680 : vector<16xf32>
      %mul3A_682 = arith.constant 1 : i32
      %mul3A_683 = arith.muli %add3A_593, %mul3A_682 : i32
      %add3A_684 = arith.constant 0 : i32
      %add3A_685 = arith.addi %mul3A_683, %add3A_684 : i32
      %swap3A_686 = arith.index_cast %add3A_685 : i32 to index
      %swap3A_687 = arith.constant 64 : index
      %swap3A_688 = tpu.vector_load %arg14[%swap3A_686, %swap3A_687] {strides = array<i32>} : memref<128x128xf32, #tpu.memory_space<vmem>>, vector<1x16xf32>,
      %swap3A_689 = vector.shape_cast %swap3A_688 : vector<1x16xf32> to vector<16xf32>
      %swap3A_690 = vector.shape_cast %mul3A_681 : vector<16xf32> to vector<1x16xf32>
      tpu.vector_store %arg14[%swap3A_686, %swap3A_687], %swap3A_690 {strides = array<i32>} : memref<128x128xf32, #tpu.memory_space<vmem>>, vector<1x16xf32>,
      %mul3A_691 = arith.constant 1.562500e-02 : f32
      %mul3A_692 = vector.broadcast %mul3A_691 : f32 to vector<16xf32>
      %mul3A_693 = arith.mulf %scan3A_629#5, %mul3A_692 : vector<16xf32>
      %mul3A_694 = arith.constant 1 : i32
      %mul3A_695 = arith.muli %add3A_593, %mul3A_694 : i32
      %add3A_696 = arith.constant 0 : i32
      %add3A_697 = arith.addi %mul3A_695, %add3A_696 : i32
      %swap3A_698 = arith.index_cast %add3A_697 : i32 to index
      %swap3A_699 = arith.constant 80 : index
      %swap3A_700 = tpu.vector_load %arg14[%swap3A_698, %swap3A_699] {strides = array<i32>} : memref<128x128xf32, #tpu.memory_space<vmem>>, vector<1x16xf32>,
      %swap3A_701 = vector.shape_cast %swap3A_700 : vector<1x16xf32> to vector<16xf32>
      %swap3A_702 = vector.shape_cast %mul3A_693 : vector<16xf32> to vector<1x16xf32>
      tpu.vector_store %arg14[%swap3A_698, %swap3A_699], %swap3A_702 {strides = array<i32>} : memref<128x128xf32, #tpu.memory_space<vmem>>, vector<1x16xf32>,
      %mul3A_703 = arith.constant 1.562500e-02 : f32
      %mul3A_704 = vector.broadcast %mul3A_703 : f32 to vector<16xf32>
      %mul3A_705 = arith.mulf %scan3A_629#6, %mul3A_704 : vector<16xf32>
      %mul3A_706 = arith.constant 1 : i32
      %mul3A_707 = arith.muli %add3A_593, %mul3A_706 : i32
      %add3A_708 = arith.constant 0 : i32
      %add3A_709 = arith.addi %mul3A_707, %add3A_708 : i32
      %swap3A_710 = arith.index_cast %add3A_709 : i32 to index
      %swap3A_711 = arith.constant 96 : index
      %swap3A_712 = tpu.vector_load %arg14[%swap3A_710, %swap3A_711] {strides = array<i32>} : memref<128x128xf32, #tpu.memory_space<vmem>>, vector<1x16xf32>,
      %swap3A_713 = vector.shape_cast %swap3A_712 : vector<1x16xf32> to vector<16xf32>
      %swap3A_714 = vector.shape_cast %mul3A_705 : vector<16xf32> to vector<1x16xf32>
      tpu.vector_store %arg14[%swap3A_710, %swap3A_711], %swap3A_714 {strides = array<i32>} : memref<128x128xf32, #tpu.memory_space<vmem>>, vector<1x16xf32>,
      %mul3A_715 = arith.constant 1.562500e-02 : f32
      %mul3A_716 = vector.broadcast %mul3A_715 : f32 to vector<16xf32>
      %mul3A_717 = arith.mulf %scan3A_629#7, %mul3A_716 : vector<16xf32>
      %mul3A_718 = arith.constant 1 : i32
      %mul3A_719 = arith.muli %add3A_593, %mul3A_718 : i32
      %add3A_720 = arith.constant 0 : i32
      %add3A_721 = arith.addi %mul3A_719, %add3A_720 : i32
      %swap3A_722 = arith.index_cast %add3A_721 : i32 to index
      %swap3A_723 = arith.constant 112 : index
      %swap3A_724 = tpu.vector_load %arg14[%swap3A_722, %swap3A_723] {strides = array<i32>} : memref<128x128xf32, #tpu.memory_space<vmem>>, vector<1x16xf32>,
      %swap3A_725 = vector.shape_cast %swap3A_724 : vector<1x16xf32> to vector<16xf32>
      %swap3A_726 = vector.shape_cast %mul3A_717 : vector<16xf32> to vector<1x16xf32>
      tpu.vector_store %arg14[%swap3A_722, %swap3A_723], %swap3A_726 {strides = array<i32>} : memref<128x128xf32, #tpu.memory_space<vmem>>, vector<1x16xf32>,
      %add3A_727 = arith.constant 5 : i32
      %add3A_728 = arith.addi %mul3A_58, %add3A_727 : i32
      %add3A_729 = arith.constant 8 : i32
      %add3A_730 = arith.addi %add3A_728, %add3A_729 : i32
      %sub3A_731 = arith.constant 1 : i32
      %sub3A_732 = arith.subi %add3A_730, %sub3A_731 : i32
      %lt3A_733 = arith.constant 128 : i32
      %lt3A_734 = arith.cmpi slt, %sub3A_732, %lt3A_733 : i32
      %convert_element_type3A_735 = arith.extui %lt3A_734 : i1 to i32
      %cond3A_736 = arith.constant 0 : i32
      %cond3A_737 = arith.cmpi ne, %convert_element_type3A_735, %cond3A_736 : i32
      scf.if %cond3A_737 {
        %dma_start3A_1132 = arith.constant 0 : i32
        %dma_start3A_1133 = tpu.memref_slice %arg5[%sub3A_732, %dma_start3A_1132] : memref<128x64xi32, #tpu.memory_space<vmem>> -> memref<1x64xi32, #tpu.memory_space<vmem>>
        %dma_start3A_1134 = tpu.memref_squeeze %dma_start3A_1133 : memref<1x64xi32, #tpu.memory_space<vmem>> -> memref<64xi32, #tpu.memory_space<vmem>>
        %dma_start3A_1135 = arith.constant 0 : i32
        %dma_start3A_1136 = arith.constant 0 : i32
        %dma_start3A_1137 = tpu.memref_slice %arg2[%dma_start3A_1135, %dma_start3A_1136] : memref<100000x128xf32, #tpu.memory_space<hbm>> -> memref<100000x128xf32, #tpu.memory_space<hbm>>
        tpu.enqueue_indirect_dma source(%dma_start3A_1137 : memref<100000x128xf32, #tpu.memory_space<hbm>>) target(%arg10 : memref<64x128xf32, #tpu.memory_space<vmem>>) offsets(%dma_start3A_1134 : memref<64xi32, #tpu.memory_space<vmem>>) semaphore(%arg19 : memref<!tpu.dma_semaphore, #tpu.memory_space<semaphore_mem>>)
      } else {
      }
      %dma_wait3A_738 = arith.constant 0 : i32
      %dma_wait3A_739 = tpu.memref_slice %arg5[%add3A_728, %dma_wait3A_738] : memref<128x64xi32, #tpu.memory_space<vmem>> -> memref<1x64xi32, #tpu.memory_space<vmem>>
      %dma_wait3A_740 = tpu.memref_squeeze %dma_wait3A_739 : memref<1x64xi32, #tpu.memory_space<vmem>> -> memref<64xi32, #tpu.memory_space<vmem>>
      %dma_wait3A_741 = arith.constant 0 : i32
      %dma_wait3A_742 = arith.constant 0 : i32
      %dma_wait3A_743 = tpu.memref_slice %arg2[%dma_wait3A_741, %dma_wait3A_742] : memref<100000x128xf32, #tpu.memory_space<hbm>> -> memref<100000x128xf32, #tpu.memory_space<hbm>>
      tpu.wait_indirect_dma semaphore(%arg20 : memref<!tpu.dma_semaphore, #tpu.memory_space<semaphore_mem>>) src(%dma_wait3A_743 : memref<100000x128xf32, #tpu.memory_space<hbm>>) dst(%arg11 : memref<64x128xf32, #tpu.memory_space<vmem>>)
      %broadcast_in_dim3A_744 = arith.constant 0.000000e+00 : f32
      %broadcast_in_dim3A_745 = vector.broadcast %broadcast_in_dim3A_744 : f32 to vector<16xf32>
      %broadcast_in_dim3A_746 = arith.constant 0.000000e+00 : f32
      %broadcast_in_dim3A_747 = vector.broadcast %broadcast_in_dim3A_746 : f32 to vector<16xf32>
      %broadcast_in_dim3A_748 = arith.constant 0.000000e+00 : f32
      %broadcast_in_dim3A_749 = vector.broadcast %broadcast_in_dim3A_748 : f32 to vector<16xf32>
      %broadcast_in_dim3A_750 = arith.constant 0.000000e+00 : f32
      %broadcast_in_dim3A_751 = vector.broadcast %broadcast_in_dim3A_750 : f32 to vector<16xf32>
      %broadcast_in_dim3A_752 = arith.constant 0.000000e+00 : f32
      %broadcast_in_dim3A_753 = vector.broadcast %broadcast_in_dim3A_752 : f32 to vector<16xf32>
      %broadcast_in_dim3A_754 = arith.constant 0.000000e+00 : f32
      %broadcast_in_dim3A_755 = vector.broadcast %broadcast_in_dim3A_754 : f32 to vector<16xf32>
      %broadcast_in_dim3A_756 = arith.constant 0.000000e+00 : f32
      %broadcast_in_dim3A_757 = vector.broadcast %broadcast_in_dim3A_756 : f32 to vector<16xf32>
      %broadcast_in_dim3A_758 = arith.constant 0.000000e+00 : f32
      %broadcast_in_dim3A_759 = vector.broadcast %broadcast_in_dim3A_758 : f32 to vector<16xf32>
      %scan3A_760 = arith.constant 0 : i32
      %scan3A_761 = arith.constant 8 : i32
      %scan3A_762 = arith.addi %scan3A_760, %scan3A_761 : i32
      %scan3A_763 = arith.constant 1 : i32
      %scan3A_764:8 = scf.for %scan3A_1132 = %scan3A_760 to %scan3A_762 step %scan3A_763 iter_args(%scan3A_1133 = %broadcast_in_dim3A_745, %scan3A_1134 = %broadcast_in_dim3A_747, %scan3A_1135 = %broadcast_in_dim3A_749, %scan3A_1136 = %broadcast_in_dim3A_751, %scan3A_1137 = %broadcast_in_dim3A_753, %scan3A_1138 = %broadcast_in_dim3A_755, %scan3A_1139 = %broadcast_in_dim3A_757, %scan3A_1140 = %broadcast_in_dim3A_759) -> (vector<16xf32>, vector<16xf32>, vector<16xf32>, vector<16xf32>, vector<16xf32>, vector<16xf32>, vector<16xf32>, vector<16xf32>)  : i32 {
        %mul3A_1141 = arith.constant 8 : i32
        %mul3A_1142 = arith.muli %scan3A_1132, %mul3A_1141 : i32
        %add3A_1143 = arith.constant 0 : i32
        %add3A_1144 = arith.addi %add3A_1143, %mul3A_1142 : i32
        %add3A_1145 = arith.constant 0 : i32
        %add3A_1146 = arith.addi %add3A_1144, %add3A_1145 : i32
        %get3A = arith.index_cast %add3A_1146 : i32 to index
        %get3A_1147 = arith.constant 0 : index
        %get3A_1148 = tpu.vector_load %arg11[%get3A, %get3A_1147] {strides = array<i32>} : memref<64x128xf32, #tpu.memory_space<vmem>>, vector<1x16xf32>,
        %get3A_1149 = vector.shape_cast %get3A_1148 : vector<1x16xf32> to vector<16xf32>
        %add3A_1150 = arith.addf %scan3A_1133, %get3A_1149 : vector<16xf32>
        %get3A_1151 = arith.index_cast %add3A_1146 : i32 to index
        %get3A_1152 = arith.constant 16 : index
        %get3A_1153 = tpu.vector_load %arg11[%get3A_1151, %get3A_1152] {strides = array<i32>} : memref<64x128xf32, #tpu.memory_space<vmem>>, vector<1x16xf32>,
        %get3A_1154 = vector.shape_cast %get3A_1153 : vector<1x16xf32> to vector<16xf32>
        %add3A_1155 = arith.addf %scan3A_1134, %get3A_1154 : vector<16xf32>
        %get3A_1156 = arith.index_cast %add3A_1146 : i32 to index
        %get3A_1157 = arith.constant 32 : index
        %get3A_1158 = tpu.vector_load %arg11[%get3A_1156, %get3A_1157] {strides = array<i32>} : memref<64x128xf32, #tpu.memory_space<vmem>>, vector<1x16xf32>,
        %get3A_1159 = vector.shape_cast %get3A_1158 : vector<1x16xf32> to vector<16xf32>
        %add3A_1160 = arith.addf %scan3A_1135, %get3A_1159 : vector<16xf32>
        %get3A_1161 = arith.index_cast %add3A_1146 : i32 to index
        %get3A_1162 = arith.constant 48 : index
        %get3A_1163 = tpu.vector_load %arg11[%get3A_1161, %get3A_1162] {strides = array<i32>} : memref<64x128xf32, #tpu.memory_space<vmem>>, vector<1x16xf32>,
        %get3A_1164 = vector.shape_cast %get3A_1163 : vector<1x16xf32> to vector<16xf32>
        %add3A_1165 = arith.addf %scan3A_1136, %get3A_1164 : vector<16xf32>
        %get3A_1166 = arith.index_cast %add3A_1146 : i32 to index
        %get3A_1167 = arith.constant 64 : index
        %get3A_1168 = tpu.vector_load %arg11[%get3A_1166, %get3A_1167] {strides = array<i32>} : memref<64x128xf32, #tpu.memory_space<vmem>>, vector<1x16xf32>,
        %get3A_1169 = vector.shape_cast %get3A_1168 : vector<1x16xf32> to vector<16xf32>
        %add3A_1170 = arith.addf %scan3A_1137, %get3A_1169 : vector<16xf32>
        %get3A_1171 = arith.index_cast %add3A_1146 : i32 to index
        %get3A_1172 = arith.constant 80 : index
        %get3A_1173 = tpu.vector_load %arg11[%get3A_1171, %get3A_1172] {strides = array<i32>} : memref<64x128xf32, #tpu.memory_space<vmem>>, vector<1x16xf32>,
        %get3A_1174 = vector.shape_cast %get3A_1173 : vector<1x16xf32> to vector<16xf32>
        %add3A_1175 = arith.addf %scan3A_1138, %get3A_1174 : vector<16xf32>
        %get3A_1176 = arith.index_cast %add3A_1146 : i32 to index
        %get3A_1177 = arith.constant 96 : index
        %get3A_1178 = tpu.vector_load %arg11[%get3A_1176, %get3A_1177] {strides = array<i32>} : memref<64x128xf32, #tpu.memory_space<vmem>>, vector<1x16xf32>,
        %get3A_1179 = vector.shape_cast %get3A_1178 : vector<1x16xf32> to vector<16xf32>
        %add3A_1180 = arith.addf %scan3A_1139, %get3A_1179 : vector<16xf32>
        %get3A_1181 = arith.index_cast %add3A_1146 : i32 to index
        %get3A_1182 = arith.constant 112 : index
        %get3A_1183 = tpu.vector_load %arg11[%get3A_1181, %get3A_1182] {strides = array<i32>} : memref<64x128xf32, #tpu.memory_space<vmem>>, vector<1x16xf32>,
        %get3A_1184 = vector.shape_cast %get3A_1183 : vector<1x16xf32> to vector<16xf32>
        %add3A_1185 = arith.addf %scan3A_1140, %get3A_1184 : vector<16xf32>
        %mul3A_1186 = arith.constant 8 : i32
        %mul3A_1187 = arith.muli %scan3A_1132, %mul3A_1186 : i32
        %add3A_1188 = arith.constant 0 : i32
        %add3A_1189 = arith.addi %add3A_1188, %mul3A_1187 : i32
        %add3A_1190 = arith.constant 1 : i32
        %add3A_1191 = arith.addi %add3A_1189, %add3A_1190 : i32
        %get3A_1192 = arith.index_cast %add3A_1191 : i32 to index
        %get3A_1193 = arith.constant 0 : index
        %get3A_1194 = tpu.vector_load %arg11[%get3A_1192, %get3A_1193] {strides = array<i32>} : memref<64x128xf32, #tpu.memory_space<vmem>>, vector<1x16xf32>,
        %get3A_1195 = vector.shape_cast %get3A_1194 : vector<1x16xf32> to vector<16xf32>
        %add3A_1196 = arith.addf %add3A_1150, %get3A_1195 : vector<16xf32>
        %get3A_1197 = arith.index_cast %add3A_1191 : i32 to index
        %get3A_1198 = arith.constant 16 : index
        %get3A_1199 = tpu.vector_load %arg11[%get3A_1197, %get3A_1198] {strides = array<i32>} : memref<64x128xf32, #tpu.memory_space<vmem>>, vector<1x16xf32>,
        %get3A_1200 = vector.shape_cast %get3A_1199 : vector<1x16xf32> to vector<16xf32>
        %add3A_1201 = arith.addf %add3A_1155, %get3A_1200 : vector<16xf32>
        %get3A_1202 = arith.index_cast %add3A_1191 : i32 to index
        %get3A_1203 = arith.constant 32 : index
        %get3A_1204 = tpu.vector_load %arg11[%get3A_1202, %get3A_1203] {strides = array<i32>} : memref<64x128xf32, #tpu.memory_space<vmem>>, vector<1x16xf32>,
        %get3A_1205 = vector.shape_cast %get3A_1204 : vector<1x16xf32> to vector<16xf32>
        %add3A_1206 = arith.addf %add3A_1160, %get3A_1205 : vector<16xf32>
        %get3A_1207 = arith.index_cast %add3A_1191 : i32 to index
        %get3A_1208 = arith.constant 48 : index
        %get3A_1209 = tpu.vector_load %arg11[%get3A_1207, %get3A_1208] {strides = array<i32>} : memref<64x128xf32, #tpu.memory_space<vmem>>, vector<1x16xf32>,
        %get3A_1210 = vector.shape_cast %get3A_1209 : vector<1x16xf32> to vector<16xf32>
        %add3A_1211 = arith.addf %add3A_1165, %get3A_1210 : vector<16xf32>
        %get3A_1212 = arith.index_cast %add3A_1191 : i32 to index
        %get3A_1213 = arith.constant 64 : index
        %get3A_1214 = tpu.vector_load %arg11[%get3A_1212, %get3A_1213] {strides = array<i32>} : memref<64x128xf32, #tpu.memory_space<vmem>>, vector<1x16xf32>,
        %get3A_1215 = vector.shape_cast %get3A_1214 : vector<1x16xf32> to vector<16xf32>
        %add3A_1216 = arith.addf %add3A_1170, %get3A_1215 : vector<16xf32>
        %get3A_1217 = arith.index_cast %add3A_1191 : i32 to index
        %get3A_1218 = arith.constant 80 : index
        %get3A_1219 = tpu.vector_load %arg11[%get3A_1217, %get3A_1218] {strides = array<i32>} : memref<64x128xf32, #tpu.memory_space<vmem>>, vector<1x16xf32>,
        %get3A_1220 = vector.shape_cast %get3A_1219 : vector<1x16xf32> to vector<16xf32>
        %add3A_1221 = arith.addf %add3A_1175, %get3A_1220 : vector<16xf32>
        %get3A_1222 = arith.index_cast %add3A_1191 : i32 to index
        %get3A_1223 = arith.constant 96 : index
        %get3A_1224 = tpu.vector_load %arg11[%get3A_1222, %get3A_1223] {strides = array<i32>} : memref<64x128xf32, #tpu.memory_space<vmem>>, vector<1x16xf32>,
        %get3A_1225 = vector.shape_cast %get3A_1224 : vector<1x16xf32> to vector<16xf32>
        %add3A_1226 = arith.addf %add3A_1180, %get3A_1225 : vector<16xf32>
        %get3A_1227 = arith.index_cast %add3A_1191 : i32 to index
        %get3A_1228 = arith.constant 112 : index
        %get3A_1229 = tpu.vector_load %arg11[%get3A_1227, %get3A_1228] {strides = array<i32>} : memref<64x128xf32, #tpu.memory_space<vmem>>, vector<1x16xf32>,
        %get3A_1230 = vector.shape_cast %get3A_1229 : vector<1x16xf32> to vector<16xf32>
        %add3A_1231 = arith.addf %add3A_1185, %get3A_1230 : vector<16xf32>
        %mul3A_1232 = arith.constant 8 : i32
        %mul3A_1233 = arith.muli %scan3A_1132, %mul3A_1232 : i32
        %add3A_1234 = arith.constant 0 : i32
        %add3A_1235 = arith.addi %add3A_1234, %mul3A_1233 : i32
        %add3A_1236 = arith.constant 2 : i32
        %add3A_1237 = arith.addi %add3A_1235, %add3A_1236 : i32
        %get3A_1238 = arith.index_cast %add3A_1237 : i32 to index
        %get3A_1239 = arith.constant 0 : index
        %get3A_1240 = tpu.vector_load %arg11[%get3A_1238, %get3A_1239] {strides = array<i32>} : memref<64x128xf32, #tpu.memory_space<vmem>>, vector<1x16xf32>,
        %get3A_1241 = vector.shape_cast %get3A_1240 : vector<1x16xf32> to vector<16xf32>
        %add3A_1242 = arith.addf %add3A_1196, %get3A_1241 : vector<16xf32>
        %get3A_1243 = arith.index_cast %add3A_1237 : i32 to index
        %get3A_1244 = arith.constant 16 : index
        %get3A_1245 = tpu.vector_load %arg11[%get3A_1243, %get3A_1244] {strides = array<i32>} : memref<64x128xf32, #tpu.memory_space<vmem>>, vector<1x16xf32>,
        %get3A_1246 = vector.shape_cast %get3A_1245 : vector<1x16xf32> to vector<16xf32>
        %add3A_1247 = arith.addf %add3A_1201, %get3A_1246 : vector<16xf32>
        %get3A_1248 = arith.index_cast %add3A_1237 : i32 to index
        %get3A_1249 = arith.constant 32 : index
        %get3A_1250 = tpu.vector_load %arg11[%get3A_1248, %get3A_1249] {strides = array<i32>} : memref<64x128xf32, #tpu.memory_space<vmem>>, vector<1x16xf32>,
        %get3A_1251 = vector.shape_cast %get3A_1250 : vector<1x16xf32> to vector<16xf32>
        %add3A_1252 = arith.addf %add3A_1206, %get3A_1251 : vector<16xf32>
        %get3A_1253 = arith.index_cast %add3A_1237 : i32 to index
        %get3A_1254 = arith.constant 48 : index
        %get3A_1255 = tpu.vector_load %arg11[%get3A_1253, %get3A_1254] {strides = array<i32>} : memref<64x128xf32, #tpu.memory_space<vmem>>, vector<1x16xf32>,
        %get3A_1256 = vector.shape_cast %get3A_1255 : vector<1x16xf32> to vector<16xf32>
        %add3A_1257 = arith.addf %add3A_1211, %get3A_1256 : vector<16xf32>
        %get3A_1258 = arith.index_cast %add3A_1237 : i32 to index
        %get3A_1259 = arith.constant 64 : index
        %get3A_1260 = tpu.vector_load %arg11[%get3A_1258, %get3A_1259] {strides = array<i32>} : memref<64x128xf32, #tpu.memory_space<vmem>>, vector<1x16xf32>,
        %get3A_1261 = vector.shape_cast %get3A_1260 : vector<1x16xf32> to vector<16xf32>
        %add3A_1262 = arith.addf %add3A_1216, %get3A_1261 : vector<16xf32>
        %get3A_1263 = arith.index_cast %add3A_1237 : i32 to index
        %get3A_1264 = arith.constant 80 : index
        %get3A_1265 = tpu.vector_load %arg11[%get3A_1263, %get3A_1264] {strides = array<i32>} : memref<64x128xf32, #tpu.memory_space<vmem>>, vector<1x16xf32>,
        %get3A_1266 = vector.shape_cast %get3A_1265 : vector<1x16xf32> to vector<16xf32>
        %add3A_1267 = arith.addf %add3A_1221, %get3A_1266 : vector<16xf32>
        %get3A_1268 = arith.index_cast %add3A_1237 : i32 to index
        %get3A_1269 = arith.constant 96 : index
        %get3A_1270 = tpu.vector_load %arg11[%get3A_1268, %get3A_1269] {strides = array<i32>} : memref<64x128xf32, #tpu.memory_space<vmem>>, vector<1x16xf32>,
        %get3A_1271 = vector.shape_cast %get3A_1270 : vector<1x16xf32> to vector<16xf32>
        %add3A_1272 = arith.addf %add3A_1226, %get3A_1271 : vector<16xf32>
        %get3A_1273 = arith.index_cast %add3A_1237 : i32 to index
        %get3A_1274 = arith.constant 112 : index
        %get3A_1275 = tpu.vector_load %arg11[%get3A_1273, %get3A_1274] {strides = array<i32>} : memref<64x128xf32, #tpu.memory_space<vmem>>, vector<1x16xf32>,
        %get3A_1276 = vector.shape_cast %get3A_1275 : vector<1x16xf32> to vector<16xf32>
        %add3A_1277 = arith.addf %add3A_1231, %get3A_1276 : vector<16xf32>
        %mul3A_1278 = arith.constant 8 : i32
        %mul3A_1279 = arith.muli %scan3A_1132, %mul3A_1278 : i32
        %add3A_1280 = arith.constant 0 : i32
        %add3A_1281 = arith.addi %add3A_1280, %mul3A_1279 : i32
        %add3A_1282 = arith.constant 3 : i32
        %add3A_1283 = arith.addi %add3A_1281, %add3A_1282 : i32
        %get3A_1284 = arith.index_cast %add3A_1283 : i32 to index
        %get3A_1285 = arith.constant 0 : index
        %get3A_1286 = tpu.vector_load %arg11[%get3A_1284, %get3A_1285] {strides = array<i32>} : memref<64x128xf32, #tpu.memory_space<vmem>>, vector<1x16xf32>,
        %get3A_1287 = vector.shape_cast %get3A_1286 : vector<1x16xf32> to vector<16xf32>
        %add3A_1288 = arith.addf %add3A_1242, %get3A_1287 : vector<16xf32>
        %get3A_1289 = arith.index_cast %add3A_1283 : i32 to index
        %get3A_1290 = arith.constant 16 : index
        %get3A_1291 = tpu.vector_load %arg11[%get3A_1289, %get3A_1290] {strides = array<i32>} : memref<64x128xf32, #tpu.memory_space<vmem>>, vector<1x16xf32>,
        %get3A_1292 = vector.shape_cast %get3A_1291 : vector<1x16xf32> to vector<16xf32>
        %add3A_1293 = arith.addf %add3A_1247, %get3A_1292 : vector<16xf32>
        %get3A_1294 = arith.index_cast %add3A_1283 : i32 to index
        %get3A_1295 = arith.constant 32 : index
        %get3A_1296 = tpu.vector_load %arg11[%get3A_1294, %get3A_1295] {strides = array<i32>} : memref<64x128xf32, #tpu.memory_space<vmem>>, vector<1x16xf32>,
        %get3A_1297 = vector.shape_cast %get3A_1296 : vector<1x16xf32> to vector<16xf32>
        %add3A_1298 = arith.addf %add3A_1252, %get3A_1297 : vector<16xf32>
        %get3A_1299 = arith.index_cast %add3A_1283 : i32 to index
        %get3A_1300 = arith.constant 48 : index
        %get3A_1301 = tpu.vector_load %arg11[%get3A_1299, %get3A_1300] {strides = array<i32>} : memref<64x128xf32, #tpu.memory_space<vmem>>, vector<1x16xf32>,
        %get3A_1302 = vector.shape_cast %get3A_1301 : vector<1x16xf32> to vector<16xf32>
        %add3A_1303 = arith.addf %add3A_1257, %get3A_1302 : vector<16xf32>
        %get3A_1304 = arith.index_cast %add3A_1283 : i32 to index
        %get3A_1305 = arith.constant 64 : index
        %get3A_1306 = tpu.vector_load %arg11[%get3A_1304, %get3A_1305] {strides = array<i32>} : memref<64x128xf32, #tpu.memory_space<vmem>>, vector<1x16xf32>,
        %get3A_1307 = vector.shape_cast %get3A_1306 : vector<1x16xf32> to vector<16xf32>
        %add3A_1308 = arith.addf %add3A_1262, %get3A_1307 : vector<16xf32>
        %get3A_1309 = arith.index_cast %add3A_1283 : i32 to index
        %get3A_1310 = arith.constant 80 : index
        %get3A_1311 = tpu.vector_load %arg11[%get3A_1309, %get3A_1310] {strides = array<i32>} : memref<64x128xf32, #tpu.memory_space<vmem>>, vector<1x16xf32>,
        %get3A_1312 = vector.shape_cast %get3A_1311 : vector<1x16xf32> to vector<16xf32>
        %add3A_1313 = arith.addf %add3A_1267, %get3A_1312 : vector<16xf32>
        %get3A_1314 = arith.index_cast %add3A_1283 : i32 to index
        %get3A_1315 = arith.constant 96 : index
        %get3A_1316 = tpu.vector_load %arg11[%get3A_1314, %get3A_1315] {strides = array<i32>} : memref<64x128xf32, #tpu.memory_space<vmem>>, vector<1x16xf32>,
        %get3A_1317 = vector.shape_cast %get3A_1316 : vector<1x16xf32> to vector<16xf32>
        %add3A_1318 = arith.addf %add3A_1272, %get3A_1317 : vector<16xf32>
        %get3A_1319 = arith.index_cast %add3A_1283 : i32 to index
        %get3A_1320 = arith.constant 112 : index
        %get3A_1321 = tpu.vector_load %arg11[%get3A_1319, %get3A_1320] {strides = array<i32>} : memref<64x128xf32, #tpu.memory_space<vmem>>, vector<1x16xf32>,
        %get3A_1322 = vector.shape_cast %get3A_1321 : vector<1x16xf32> to vector<16xf32>
        %add3A_1323 = arith.addf %add3A_1277, %get3A_1322 : vector<16xf32>
        %mul3A_1324 = arith.constant 8 : i32
        %mul3A_1325 = arith.muli %scan3A_1132, %mul3A_1324 : i32
        %add3A_1326 = arith.constant 0 : i32
        %add3A_1327 = arith.addi %add3A_1326, %mul3A_1325 : i32
        %add3A_1328 = arith.constant 4 : i32
        %add3A_1329 = arith.addi %add3A_1327, %add3A_1328 : i32
        %get3A_1330 = arith.index_cast %add3A_1329 : i32 to index
        %get3A_1331 = arith.constant 0 : index
        %get3A_1332 = tpu.vector_load %arg11[%get3A_1330, %get3A_1331] {strides = array<i32>} : memref<64x128xf32, #tpu.memory_space<vmem>>, vector<1x16xf32>,
        %get3A_1333 = vector.shape_cast %get3A_1332 : vector<1x16xf32> to vector<16xf32>
        %add3A_1334 = arith.addf %add3A_1288, %get3A_1333 : vector<16xf32>
        %get3A_1335 = arith.index_cast %add3A_1329 : i32 to index
        %get3A_1336 = arith.constant 16 : index
        %get3A_1337 = tpu.vector_load %arg11[%get3A_1335, %get3A_1336] {strides = array<i32>} : memref<64x128xf32, #tpu.memory_space<vmem>>, vector<1x16xf32>,
        %get3A_1338 = vector.shape_cast %get3A_1337 : vector<1x16xf32> to vector<16xf32>
        %add3A_1339 = arith.addf %add3A_1293, %get3A_1338 : vector<16xf32>
        %get3A_1340 = arith.index_cast %add3A_1329 : i32 to index
        %get3A_1341 = arith.constant 32 : index
        %get3A_1342 = tpu.vector_load %arg11[%get3A_1340, %get3A_1341] {strides = array<i32>} : memref<64x128xf32, #tpu.memory_space<vmem>>, vector<1x16xf32>,
        %get3A_1343 = vector.shape_cast %get3A_1342 : vector<1x16xf32> to vector<16xf32>
        %add3A_1344 = arith.addf %add3A_1298, %get3A_1343 : vector<16xf32>
        %get3A_1345 = arith.index_cast %add3A_1329 : i32 to index
        %get3A_1346 = arith.constant 48 : index
        %get3A_1347 = tpu.vector_load %arg11[%get3A_1345, %get3A_1346] {strides = array<i32>} : memref<64x128xf32, #tpu.memory_space<vmem>>, vector<1x16xf32>,
        %get3A_1348 = vector.shape_cast %get3A_1347 : vector<1x16xf32> to vector<16xf32>
        %add3A_1349 = arith.addf %add3A_1303, %get3A_1348 : vector<16xf32>
        %get3A_1350 = arith.index_cast %add3A_1329 : i32 to index
        %get3A_1351 = arith.constant 64 : index
        %get3A_1352 = tpu.vector_load %arg11[%get3A_1350, %get3A_1351] {strides = array<i32>} : memref<64x128xf32, #tpu.memory_space<vmem>>, vector<1x16xf32>,
        %get3A_1353 = vector.shape_cast %get3A_1352 : vector<1x16xf32> to vector<16xf32>
        %add3A_1354 = arith.addf %add3A_1308, %get3A_1353 : vector<16xf32>
        %get3A_1355 = arith.index_cast %add3A_1329 : i32 to index
        %get3A_1356 = arith.constant 80 : index
        %get3A_1357 = tpu.vector_load %arg11[%get3A_1355, %get3A_1356] {strides = array<i32>} : memref<64x128xf32, #tpu.memory_space<vmem>>, vector<1x16xf32>,
        %get3A_1358 = vector.shape_cast %get3A_1357 : vector<1x16xf32> to vector<16xf32>
        %add3A_1359 = arith.addf %add3A_1313, %get3A_1358 : vector<16xf32>
        %get3A_1360 = arith.index_cast %add3A_1329 : i32 to index
        %get3A_1361 = arith.constant 96 : index
        %get3A_1362 = tpu.vector_load %arg11[%get3A_1360, %get3A_1361] {strides = array<i32>} : memref<64x128xf32, #tpu.memory_space<vmem>>, vector<1x16xf32>,
        %get3A_1363 = vector.shape_cast %get3A_1362 : vector<1x16xf32> to vector<16xf32>
        %add3A_1364 = arith.addf %add3A_1318, %get3A_1363 : vector<16xf32>
        %get3A_1365 = arith.index_cast %add3A_1329 : i32 to index
        %get3A_1366 = arith.constant 112 : index
        %get3A_1367 = tpu.vector_load %arg11[%get3A_1365, %get3A_1366] {strides = array<i32>} : memref<64x128xf32, #tpu.memory_space<vmem>>, vector<1x16xf32>,
        %get3A_1368 = vector.shape_cast %get3A_1367 : vector<1x16xf32> to vector<16xf32>
        %add3A_1369 = arith.addf %add3A_1323, %get3A_1368 : vector<16xf32>
        %mul3A_1370 = arith.constant 8 : i32
        %mul3A_1371 = arith.muli %scan3A_1132, %mul3A_1370 : i32
        %add3A_1372 = arith.constant 0 : i32
        %add3A_1373 = arith.addi %add3A_1372, %mul3A_1371 : i32
        %add3A_1374 = arith.constant 5 : i32
        %add3A_1375 = arith.addi %add3A_1373, %add3A_1374 : i32
        %get3A_1376 = arith.index_cast %add3A_1375 : i32 to index
        %get3A_1377 = arith.constant 0 : index
        %get3A_1378 = tpu.vector_load %arg11[%get3A_1376, %get3A_1377] {strides = array<i32>} : memref<64x128xf32, #tpu.memory_space<vmem>>, vector<1x16xf32>,
        %get3A_1379 = vector.shape_cast %get3A_1378 : vector<1x16xf32> to vector<16xf32>
        %add3A_1380 = arith.addf %add3A_1334, %get3A_1379 : vector<16xf32>
        %get3A_1381 = arith.index_cast %add3A_1375 : i32 to index
        %get3A_1382 = arith.constant 16 : index
        %get3A_1383 = tpu.vector_load %arg11[%get3A_1381, %get3A_1382] {strides = array<i32>} : memref<64x128xf32, #tpu.memory_space<vmem>>, vector<1x16xf32>,
        %get3A_1384 = vector.shape_cast %get3A_1383 : vector<1x16xf32> to vector<16xf32>
        %add3A_1385 = arith.addf %add3A_1339, %get3A_1384 : vector<16xf32>
        %get3A_1386 = arith.index_cast %add3A_1375 : i32 to index
        %get3A_1387 = arith.constant 32 : index
        %get3A_1388 = tpu.vector_load %arg11[%get3A_1386, %get3A_1387] {strides = array<i32>} : memref<64x128xf32, #tpu.memory_space<vmem>>, vector<1x16xf32>,
        %get3A_1389 = vector.shape_cast %get3A_1388 : vector<1x16xf32> to vector<16xf32>
        %add3A_1390 = arith.addf %add3A_1344, %get3A_1389 : vector<16xf32>
        %get3A_1391 = arith.index_cast %add3A_1375 : i32 to index
        %get3A_1392 = arith.constant 48 : index
        %get3A_1393 = tpu.vector_load %arg11[%get3A_1391, %get3A_1392] {strides = array<i32>} : memref<64x128xf32, #tpu.memory_space<vmem>>, vector<1x16xf32>,
        %get3A_1394 = vector.shape_cast %get3A_1393 : vector<1x16xf32> to vector<16xf32>
        %add3A_1395 = arith.addf %add3A_1349, %get3A_1394 : vector<16xf32>
        %get3A_1396 = arith.index_cast %add3A_1375 : i32 to index
        %get3A_1397 = arith.constant 64 : index
        %get3A_1398 = tpu.vector_load %arg11[%get3A_1396, %get3A_1397] {strides = array<i32>} : memref<64x128xf32, #tpu.memory_space<vmem>>, vector<1x16xf32>,
        %get3A_1399 = vector.shape_cast %get3A_1398 : vector<1x16xf32> to vector<16xf32>
        %add3A_1400 = arith.addf %add3A_1354, %get3A_1399 : vector<16xf32>
        %get3A_1401 = arith.index_cast %add3A_1375 : i32 to index
        %get3A_1402 = arith.constant 80 : index
        %get3A_1403 = tpu.vector_load %arg11[%get3A_1401, %get3A_1402] {strides = array<i32>} : memref<64x128xf32, #tpu.memory_space<vmem>>, vector<1x16xf32>,
        %get3A_1404 = vector.shape_cast %get3A_1403 : vector<1x16xf32> to vector<16xf32>
        %add3A_1405 = arith.addf %add3A_1359, %get3A_1404 : vector<16xf32>
        %get3A_1406 = arith.index_cast %add3A_1375 : i32 to index
        %get3A_1407 = arith.constant 96 : index
        %get3A_1408 = tpu.vector_load %arg11[%get3A_1406, %get3A_1407] {strides = array<i32>} : memref<64x128xf32, #tpu.memory_space<vmem>>, vector<1x16xf32>,
        %get3A_1409 = vector.shape_cast %get3A_1408 : vector<1x16xf32> to vector<16xf32>
        %add3A_1410 = arith.addf %add3A_1364, %get3A_1409 : vector<16xf32>
        %get3A_1411 = arith.index_cast %add3A_1375 : i32 to index
        %get3A_1412 = arith.constant 112 : index
        %get3A_1413 = tpu.vector_load %arg11[%get3A_1411, %get3A_1412] {strides = array<i32>} : memref<64x128xf32, #tpu.memory_space<vmem>>, vector<1x16xf32>,
        %get3A_1414 = vector.shape_cast %get3A_1413 : vector<1x16xf32> to vector<16xf32>
        %add3A_1415 = arith.addf %add3A_1369, %get3A_1414 : vector<16xf32>
        %mul3A_1416 = arith.constant 8 : i32
        %mul3A_1417 = arith.muli %scan3A_1132, %mul3A_1416 : i32
        %add3A_1418 = arith.constant 0 : i32
        %add3A_1419 = arith.addi %add3A_1418, %mul3A_1417 : i32
        %add3A_1420 = arith.constant 6 : i32
        %add3A_1421 = arith.addi %add3A_1419, %add3A_1420 : i32
        %get3A_1422 = arith.index_cast %add3A_1421 : i32 to index
        %get3A_1423 = arith.constant 0 : index
        %get3A_1424 = tpu.vector_load %arg11[%get3A_1422, %get3A_1423] {strides = array<i32>} : memref<64x128xf32, #tpu.memory_space<vmem>>, vector<1x16xf32>,
        %get3A_1425 = vector.shape_cast %get3A_1424 : vector<1x16xf32> to vector<16xf32>
        %add3A_1426 = arith.addf %add3A_1380, %get3A_1425 : vector<16xf32>
        %get3A_1427 = arith.index_cast %add3A_1421 : i32 to index
        %get3A_1428 = arith.constant 16 : index
        %get3A_1429 = tpu.vector_load %arg11[%get3A_1427, %get3A_1428] {strides = array<i32>} : memref<64x128xf32, #tpu.memory_space<vmem>>, vector<1x16xf32>,
        %get3A_1430 = vector.shape_cast %get3A_1429 : vector<1x16xf32> to vector<16xf32>
        %add3A_1431 = arith.addf %add3A_1385, %get3A_1430 : vector<16xf32>
        %get3A_1432 = arith.index_cast %add3A_1421 : i32 to index
        %get3A_1433 = arith.constant 32 : index
        %get3A_1434 = tpu.vector_load %arg11[%get3A_1432, %get3A_1433] {strides = array<i32>} : memref<64x128xf32, #tpu.memory_space<vmem>>, vector<1x16xf32>,
        %get3A_1435 = vector.shape_cast %get3A_1434 : vector<1x16xf32> to vector<16xf32>
        %add3A_1436 = arith.addf %add3A_1390, %get3A_1435 : vector<16xf32>
        %get3A_1437 = arith.index_cast %add3A_1421 : i32 to index
        %get3A_1438 = arith.constant 48 : index
        %get3A_1439 = tpu.vector_load %arg11[%get3A_1437, %get3A_1438] {strides = array<i32>} : memref<64x128xf32, #tpu.memory_space<vmem>>, vector<1x16xf32>,
        %get3A_1440 = vector.shape_cast %get3A_1439 : vector<1x16xf32> to vector<16xf32>
        %add3A_1441 = arith.addf %add3A_1395, %get3A_1440 : vector<16xf32>
        %get3A_1442 = arith.index_cast %add3A_1421 : i32 to index
        %get3A_1443 = arith.constant 64 : index
        %get3A_1444 = tpu.vector_load %arg11[%get3A_1442, %get3A_1443] {strides = array<i32>} : memref<64x128xf32, #tpu.memory_space<vmem>>, vector<1x16xf32>,
        %get3A_1445 = vector.shape_cast %get3A_1444 : vector<1x16xf32> to vector<16xf32>
        %add3A_1446 = arith.addf %add3A_1400, %get3A_1445 : vector<16xf32>
        %get3A_1447 = arith.index_cast %add3A_1421 : i32 to index
        %get3A_1448 = arith.constant 80 : index
        %get3A_1449 = tpu.vector_load %arg11[%get3A_1447, %get3A_1448] {strides = array<i32>} : memref<64x128xf32, #tpu.memory_space<vmem>>, vector<1x16xf32>,
        %get3A_1450 = vector.shape_cast %get3A_1449 : vector<1x16xf32> to vector<16xf32>
        %add3A_1451 = arith.addf %add3A_1405, %get3A_1450 : vector<16xf32>
        %get3A_1452 = arith.index_cast %add3A_1421 : i32 to index
        %get3A_1453 = arith.constant 96 : index
        %get3A_1454 = tpu.vector_load %arg11[%get3A_1452, %get3A_1453] {strides = array<i32>} : memref<64x128xf32, #tpu.memory_space<vmem>>, vector<1x16xf32>,
        %get3A_1455 = vector.shape_cast %get3A_1454 : vector<1x16xf32> to vector<16xf32>
        %add3A_1456 = arith.addf %add3A_1410, %get3A_1455 : vector<16xf32>
        %get3A_1457 = arith.index_cast %add3A_1421 : i32 to index
        %get3A_1458 = arith.constant 112 : index
        %get3A_1459 = tpu.vector_load %arg11[%get3A_1457, %get3A_1458] {strides = array<i32>} : memref<64x128xf32, #tpu.memory_space<vmem>>, vector<1x16xf32>,
        %get3A_1460 = vector.shape_cast %get3A_1459 : vector<1x16xf32> to vector<16xf32>
        %add3A_1461 = arith.addf %add3A_1415, %get3A_1460 : vector<16xf32>
        %mul3A_1462 = arith.constant 8 : i32
        %mul3A_1463 = arith.muli %scan3A_1132, %mul3A_1462 : i32
        %add3A_1464 = arith.constant 0 : i32
        %add3A_1465 = arith.addi %add3A_1464, %mul3A_1463 : i32
        %add3A_1466 = arith.constant 7 : i32
        %add3A_1467 = arith.addi %add3A_1465, %add3A_1466 : i32
        %get3A_1468 = arith.index_cast %add3A_1467 : i32 to index
        %get3A_1469 = arith.constant 0 : index
        %get3A_1470 = tpu.vector_load %arg11[%get3A_1468, %get3A_1469] {strides = array<i32>} : memref<64x128xf32, #tpu.memory_space<vmem>>, vector<1x16xf32>,
        %get3A_1471 = vector.shape_cast %get3A_1470 : vector<1x16xf32> to vector<16xf32>
        %add3A_1472 = arith.addf %add3A_1426, %get3A_1471 : vector<16xf32>
        %get3A_1473 = arith.index_cast %add3A_1467 : i32 to index
        %get3A_1474 = arith.constant 16 : index
        %get3A_1475 = tpu.vector_load %arg11[%get3A_1473, %get3A_1474] {strides = array<i32>} : memref<64x128xf32, #tpu.memory_space<vmem>>, vector<1x16xf32>,
        %get3A_1476 = vector.shape_cast %get3A_1475 : vector<1x16xf32> to vector<16xf32>
        %add3A_1477 = arith.addf %add3A_1431, %get3A_1476 : vector<16xf32>
        %get3A_1478 = arith.index_cast %add3A_1467 : i32 to index
        %get3A_1479 = arith.constant 32 : index
        %get3A_1480 = tpu.vector_load %arg11[%get3A_1478, %get3A_1479] {strides = array<i32>} : memref<64x128xf32, #tpu.memory_space<vmem>>, vector<1x16xf32>,
        %get3A_1481 = vector.shape_cast %get3A_1480 : vector<1x16xf32> to vector<16xf32>
        %add3A_1482 = arith.addf %add3A_1436, %get3A_1481 : vector<16xf32>
        %get3A_1483 = arith.index_cast %add3A_1467 : i32 to index
        %get3A_1484 = arith.constant 48 : index
        %get3A_1485 = tpu.vector_load %arg11[%get3A_1483, %get3A_1484] {strides = array<i32>} : memref<64x128xf32, #tpu.memory_space<vmem>>, vector<1x16xf32>,
        %get3A_1486 = vector.shape_cast %get3A_1485 : vector<1x16xf32> to vector<16xf32>
        %add3A_1487 = arith.addf %add3A_1441, %get3A_1486 : vector<16xf32>
        %get3A_1488 = arith.index_cast %add3A_1467 : i32 to index
        %get3A_1489 = arith.constant 64 : index
        %get3A_1490 = tpu.vector_load %arg11[%get3A_1488, %get3A_1489] {strides = array<i32>} : memref<64x128xf32, #tpu.memory_space<vmem>>, vector<1x16xf32>,
        %get3A_1491 = vector.shape_cast %get3A_1490 : vector<1x16xf32> to vector<16xf32>
        %add3A_1492 = arith.addf %add3A_1446, %get3A_1491 : vector<16xf32>
        %get3A_1493 = arith.index_cast %add3A_1467 : i32 to index
        %get3A_1494 = arith.constant 80 : index
        %get3A_1495 = tpu.vector_load %arg11[%get3A_1493, %get3A_1494] {strides = array<i32>} : memref<64x128xf32, #tpu.memory_space<vmem>>, vector<1x16xf32>,
        %get3A_1496 = vector.shape_cast %get3A_1495 : vector<1x16xf32> to vector<16xf32>
        %add3A_1497 = arith.addf %add3A_1451, %get3A_1496 : vector<16xf32>
        %get3A_1498 = arith.index_cast %add3A_1467 : i32 to index
        %get3A_1499 = arith.constant 96 : index
        %get3A_1500 = tpu.vector_load %arg11[%get3A_1498, %get3A_1499] {strides = array<i32>} : memref<64x128xf32, #tpu.memory_space<vmem>>, vector<1x16xf32>,
        %get3A_1501 = vector.shape_cast %get3A_1500 : vector<1x16xf32> to vector<16xf32>
        %add3A_1502 = arith.addf %add3A_1456, %get3A_1501 : vector<16xf32>
        %get3A_1503 = arith.index_cast %add3A_1467 : i32 to index
        %get3A_1504 = arith.constant 112 : index
        %get3A_1505 = tpu.vector_load %arg11[%get3A_1503, %get3A_1504] {strides = array<i32>} : memref<64x128xf32, #tpu.memory_space<vmem>>, vector<1x16xf32>,
        %get3A_1506 = vector.shape_cast %get3A_1505 : vector<1x16xf32> to vector<16xf32>
        %add3A_1507 = arith.addf %add3A_1461, %get3A_1506 : vector<16xf32>
        scf.yield %add3A_1472, %add3A_1477, %add3A_1482, %add3A_1487, %add3A_1492, %add3A_1497, %add3A_1502, %add3A_1507 : vector<16xf32>, vector<16xf32>, vector<16xf32>, vector<16xf32>, vector<16xf32>, vector<16xf32>, vector<16xf32>, vector<16xf32>
      }
      %scan3A_765 = arith.constant 8 : i32
      %mul3A_766 = arith.constant 1.562500e-02 : f32
      %mul3A_767 = vector.broadcast %mul3A_766 : f32 to vector<16xf32>
      %mul3A_768 = arith.mulf %scan3A_764#0, %mul3A_767 : vector<16xf32>
      %mul3A_769 = arith.constant 1 : i32
      %mul3A_770 = arith.muli %add3A_728, %mul3A_769 : i32
      %add3A_771 = arith.constant 0 : i32
      %add3A_772 = arith.addi %mul3A_770, %add3A_771 : i32
      %swap3A_773 = arith.index_cast %add3A_772 : i32 to index
      %swap3A_774 = arith.constant 0 : index
      %swap3A_775 = tpu.vector_load %arg14[%swap3A_773, %swap3A_774] {strides = array<i32>} : memref<128x128xf32, #tpu.memory_space<vmem>>, vector<1x16xf32>,
      %swap3A_776 = vector.shape_cast %swap3A_775 : vector<1x16xf32> to vector<16xf32>
      %swap3A_777 = vector.shape_cast %mul3A_768 : vector<16xf32> to vector<1x16xf32>
      tpu.vector_store %arg14[%swap3A_773, %swap3A_774], %swap3A_777 {strides = array<i32>} : memref<128x128xf32, #tpu.memory_space<vmem>>, vector<1x16xf32>,
      %mul3A_778 = arith.constant 1.562500e-02 : f32
      %mul3A_779 = vector.broadcast %mul3A_778 : f32 to vector<16xf32>
      %mul3A_780 = arith.mulf %scan3A_764#1, %mul3A_779 : vector<16xf32>
      %mul3A_781 = arith.constant 1 : i32
      %mul3A_782 = arith.muli %add3A_728, %mul3A_781 : i32
      %add3A_783 = arith.constant 0 : i32
      %add3A_784 = arith.addi %mul3A_782, %add3A_783 : i32
      %swap3A_785 = arith.index_cast %add3A_784 : i32 to index
      %swap3A_786 = arith.constant 16 : index
      %swap3A_787 = tpu.vector_load %arg14[%swap3A_785, %swap3A_786] {strides = array<i32>} : memref<128x128xf32, #tpu.memory_space<vmem>>, vector<1x16xf32>,
      %swap3A_788 = vector.shape_cast %swap3A_787 : vector<1x16xf32> to vector<16xf32>
      %swap3A_789 = vector.shape_cast %mul3A_780 : vector<16xf32> to vector<1x16xf32>
      tpu.vector_store %arg14[%swap3A_785, %swap3A_786], %swap3A_789 {strides = array<i32>} : memref<128x128xf32, #tpu.memory_space<vmem>>, vector<1x16xf32>,
      %mul3A_790 = arith.constant 1.562500e-02 : f32
      %mul3A_791 = vector.broadcast %mul3A_790 : f32 to vector<16xf32>
      %mul3A_792 = arith.mulf %scan3A_764#2, %mul3A_791 : vector<16xf32>
      %mul3A_793 = arith.constant 1 : i32
      %mul3A_794 = arith.muli %add3A_728, %mul3A_793 : i32
      %add3A_795 = arith.constant 0 : i32
      %add3A_796 = arith.addi %mul3A_794, %add3A_795 : i32
      %swap3A_797 = arith.index_cast %add3A_796 : i32 to index
      %swap3A_798 = arith.constant 32 : index
      %swap3A_799 = tpu.vector_load %arg14[%swap3A_797, %swap3A_798] {strides = array<i32>} : memref<128x128xf32, #tpu.memory_space<vmem>>, vector<1x16xf32>,
      %swap3A_800 = vector.shape_cast %swap3A_799 : vector<1x16xf32> to vector<16xf32>
      %swap3A_801 = vector.shape_cast %mul3A_792 : vector<16xf32> to vector<1x16xf32>
      tpu.vector_store %arg14[%swap3A_797, %swap3A_798], %swap3A_801 {strides = array<i32>} : memref<128x128xf32, #tpu.memory_space<vmem>>, vector<1x16xf32>,
      %mul3A_802 = arith.constant 1.562500e-02 : f32
      %mul3A_803 = vector.broadcast %mul3A_802 : f32 to vector<16xf32>
      %mul3A_804 = arith.mulf %scan3A_764#3, %mul3A_803 : vector<16xf32>
      %mul3A_805 = arith.constant 1 : i32
      %mul3A_806 = arith.muli %add3A_728, %mul3A_805 : i32
      %add3A_807 = arith.constant 0 : i32
      %add3A_808 = arith.addi %mul3A_806, %add3A_807 : i32
      %swap3A_809 = arith.index_cast %add3A_808 : i32 to index
      %swap3A_810 = arith.constant 48 : index
      %swap3A_811 = tpu.vector_load %arg14[%swap3A_809, %swap3A_810] {strides = array<i32>} : memref<128x128xf32, #tpu.memory_space<vmem>>, vector<1x16xf32>,
      %swap3A_812 = vector.shape_cast %swap3A_811 : vector<1x16xf32> to vector<16xf32>
      %swap3A_813 = vector.shape_cast %mul3A_804 : vector<16xf32> to vector<1x16xf32>
      tpu.vector_store %arg14[%swap3A_809, %swap3A_810], %swap3A_813 {strides = array<i32>} : memref<128x128xf32, #tpu.memory_space<vmem>>, vector<1x16xf32>,
      %mul3A_814 = arith.constant 1.562500e-02 : f32
      %mul3A_815 = vector.broadcast %mul3A_814 : f32 to vector<16xf32>
      %mul3A_816 = arith.mulf %scan3A_764#4, %mul3A_815 : vector<16xf32>
      %mul3A_817 = arith.constant 1 : i32
      %mul3A_818 = arith.muli %add3A_728, %mul3A_817 : i32
      %add3A_819 = arith.constant 0 : i32
      %add3A_820 = arith.addi %mul3A_818, %add3A_819 : i32
      %swap3A_821 = arith.index_cast %add3A_820 : i32 to index
      %swap3A_822 = arith.constant 64 : index
      %swap3A_823 = tpu.vector_load %arg14[%swap3A_821, %swap3A_822] {strides = array<i32>} : memref<128x128xf32, #tpu.memory_space<vmem>>, vector<1x16xf32>,
      %swap3A_824 = vector.shape_cast %swap3A_823 : vector<1x16xf32> to vector<16xf32>
      %swap3A_825 = vector.shape_cast %mul3A_816 : vector<16xf32> to vector<1x16xf32>
      tpu.vector_store %arg14[%swap3A_821, %swap3A_822], %swap3A_825 {strides = array<i32>} : memref<128x128xf32, #tpu.memory_space<vmem>>, vector<1x16xf32>,
      %mul3A_826 = arith.constant 1.562500e-02 : f32
      %mul3A_827 = vector.broadcast %mul3A_826 : f32 to vector<16xf32>
      %mul3A_828 = arith.mulf %scan3A_764#5, %mul3A_827 : vector<16xf32>
      %mul3A_829 = arith.constant 1 : i32
      %mul3A_830 = arith.muli %add3A_728, %mul3A_829 : i32
      %add3A_831 = arith.constant 0 : i32
      %add3A_832 = arith.addi %mul3A_830, %add3A_831 : i32
      %swap3A_833 = arith.index_cast %add3A_832 : i32 to index
      %swap3A_834 = arith.constant 80 : index
      %swap3A_835 = tpu.vector_load %arg14[%swap3A_833, %swap3A_834] {strides = array<i32>} : memref<128x128xf32, #tpu.memory_space<vmem>>, vector<1x16xf32>,
      %swap3A_836 = vector.shape_cast %swap3A_835 : vector<1x16xf32> to vector<16xf32>
      %swap3A_837 = vector.shape_cast %mul3A_828 : vector<16xf32> to vector<1x16xf32>
      tpu.vector_store %arg14[%swap3A_833, %swap3A_834], %swap3A_837 {strides = array<i32>} : memref<128x128xf32, #tpu.memory_space<vmem>>, vector<1x16xf32>,
      %mul3A_838 = arith.constant 1.562500e-02 : f32
      %mul3A_839 = vector.broadcast %mul3A_838 : f32 to vector<16xf32>
      %mul3A_840 = arith.mulf %scan3A_764#6, %mul3A_839 : vector<16xf32>
      %mul3A_841 = arith.constant 1 : i32
      %mul3A_842 = arith.muli %add3A_728, %mul3A_841 : i32
      %add3A_843 = arith.constant 0 : i32
      %add3A_844 = arith.addi %mul3A_842, %add3A_843 : i32
      %swap3A_845 = arith.index_cast %add3A_844 : i32 to index
      %swap3A_846 = arith.constant 96 : index
      %swap3A_847 = tpu.vector_load %arg14[%swap3A_845, %swap3A_846] {strides = array<i32>} : memref<128x128xf32, #tpu.memory_space<vmem>>, vector<1x16xf32>,
      %swap3A_848 = vector.shape_cast %swap3A_847 : vector<1x16xf32> to vector<16xf32>
      %swap3A_849 = vector.shape_cast %mul3A_840 : vector<16xf32> to vector<1x16xf32>
      tpu.vector_store %arg14[%swap3A_845, %swap3A_846], %swap3A_849 {strides = array<i32>} : memref<128x128xf32, #tpu.memory_space<vmem>>, vector<1x16xf32>,
      %mul3A_850 = arith.constant 1.562500e-02 : f32
      %mul3A_851 = vector.broadcast %mul3A_850 : f32 to vector<16xf32>
      %mul3A_852 = arith.mulf %scan3A_764#7, %mul3A_851 : vector<16xf32>
      %mul3A_853 = arith.constant 1 : i32
      %mul3A_854 = arith.muli %add3A_728, %mul3A_853 : i32
      %add3A_855 = arith.constant 0 : i32
      %add3A_856 = arith.addi %mul3A_854, %add3A_855 : i32
      %swap3A_857 = arith.index_cast %add3A_856 : i32 to index
      %swap3A_858 = arith.constant 112 : index
      %swap3A_859 = tpu.vector_load %arg14[%swap3A_857, %swap3A_858] {strides = array<i32>} : memref<128x128xf32, #tpu.memory_space<vmem>>, vector<1x16xf32>,
      %swap3A_860 = vector.shape_cast %swap3A_859 : vector<1x16xf32> to vector<16xf32>
      %swap3A_861 = vector.shape_cast %mul3A_852 : vector<16xf32> to vector<1x16xf32>
      tpu.vector_store %arg14[%swap3A_857, %swap3A_858], %swap3A_861 {strides = array<i32>} : memref<128x128xf32, #tpu.memory_space<vmem>>, vector<1x16xf32>,
      %add3A_862 = arith.constant 6 : i32
      %add3A_863 = arith.addi %mul3A_58, %add3A_862 : i32
      %add3A_864 = arith.constant 8 : i32
      %add3A_865 = arith.addi %add3A_863, %add3A_864 : i32
      %sub3A_866 = arith.constant 1 : i32
      %sub3A_867 = arith.subi %add3A_865, %sub3A_866 : i32
      %lt3A_868 = arith.constant 128 : i32
      %lt3A_869 = arith.cmpi slt, %sub3A_867, %lt3A_868 : i32
      %convert_element_type3A_870 = arith.extui %lt3A_869 : i1 to i32
      %cond3A_871 = arith.constant 0 : i32
      %cond3A_872 = arith.cmpi ne, %convert_element_type3A_870, %cond3A_871 : i32
      scf.if %cond3A_872 {
        %dma_start3A_1132 = arith.constant 0 : i32
        %dma_start3A_1133 = tpu.memref_slice %arg5[%sub3A_867, %dma_start3A_1132] : memref<128x64xi32, #tpu.memory_space<vmem>> -> memref<1x64xi32, #tpu.memory_space<vmem>>
        %dma_start3A_1134 = tpu.memref_squeeze %dma_start3A_1133 : memref<1x64xi32, #tpu.memory_space<vmem>> -> memref<64xi32, #tpu.memory_space<vmem>>
        %dma_start3A_1135 = arith.constant 0 : i32
        %dma_start3A_1136 = arith.constant 0 : i32
        %dma_start3A_1137 = tpu.memref_slice %arg2[%dma_start3A_1135, %dma_start3A_1136] : memref<100000x128xf32, #tpu.memory_space<hbm>> -> memref<100000x128xf32, #tpu.memory_space<hbm>>
        tpu.enqueue_indirect_dma source(%dma_start3A_1137 : memref<100000x128xf32, #tpu.memory_space<hbm>>) target(%arg11 : memref<64x128xf32, #tpu.memory_space<vmem>>) offsets(%dma_start3A_1134 : memref<64xi32, #tpu.memory_space<vmem>>) semaphore(%arg20 : memref<!tpu.dma_semaphore, #tpu.memory_space<semaphore_mem>>)
      } else {
      }
      %dma_wait3A_873 = arith.constant 0 : i32
      %dma_wait3A_874 = tpu.memref_slice %arg5[%add3A_863, %dma_wait3A_873] : memref<128x64xi32, #tpu.memory_space<vmem>> -> memref<1x64xi32, #tpu.memory_space<vmem>>
      %dma_wait3A_875 = tpu.memref_squeeze %dma_wait3A_874 : memref<1x64xi32, #tpu.memory_space<vmem>> -> memref<64xi32, #tpu.memory_space<vmem>>
      %dma_wait3A_876 = arith.constant 0 : i32
      %dma_wait3A_877 = arith.constant 0 : i32
      %dma_wait3A_878 = tpu.memref_slice %arg2[%dma_wait3A_876, %dma_wait3A_877] : memref<100000x128xf32, #tpu.memory_space<hbm>> -> memref<100000x128xf32, #tpu.memory_space<hbm>>
      tpu.wait_indirect_dma semaphore(%arg21 : memref<!tpu.dma_semaphore, #tpu.memory_space<semaphore_mem>>) src(%dma_wait3A_878 : memref<100000x128xf32, #tpu.memory_space<hbm>>) dst(%arg12 : memref<64x128xf32, #tpu.memory_space<vmem>>)
      %broadcast_in_dim3A_879 = arith.constant 0.000000e+00 : f32
      %broadcast_in_dim3A_880 = vector.broadcast %broadcast_in_dim3A_879 : f32 to vector<16xf32>
      %broadcast_in_dim3A_881 = arith.constant 0.000000e+00 : f32
      %broadcast_in_dim3A_882 = vector.broadcast %broadcast_in_dim3A_881 : f32 to vector<16xf32>
      %broadcast_in_dim3A_883 = arith.constant 0.000000e+00 : f32
      %broadcast_in_dim3A_884 = vector.broadcast %broadcast_in_dim3A_883 : f32 to vector<16xf32>
      %broadcast_in_dim3A_885 = arith.constant 0.000000e+00 : f32
      %broadcast_in_dim3A_886 = vector.broadcast %broadcast_in_dim3A_885 : f32 to vector<16xf32>
      %broadcast_in_dim3A_887 = arith.constant 0.000000e+00 : f32
      %broadcast_in_dim3A_888 = vector.broadcast %broadcast_in_dim3A_887 : f32 to vector<16xf32>
      %broadcast_in_dim3A_889 = arith.constant 0.000000e+00 : f32
      %broadcast_in_dim3A_890 = vector.broadcast %broadcast_in_dim3A_889 : f32 to vector<16xf32>
      %broadcast_in_dim3A_891 = arith.constant 0.000000e+00 : f32
      %broadcast_in_dim3A_892 = vector.broadcast %broadcast_in_dim3A_891 : f32 to vector<16xf32>
      %broadcast_in_dim3A_893 = arith.constant 0.000000e+00 : f32
      %broadcast_in_dim3A_894 = vector.broadcast %broadcast_in_dim3A_893 : f32 to vector<16xf32>
      %scan3A_895 = arith.constant 0 : i32
      %scan3A_896 = arith.constant 8 : i32
      %scan3A_897 = arith.addi %scan3A_895, %scan3A_896 : i32
      %scan3A_898 = arith.constant 1 : i32
      %scan3A_899:8 = scf.for %scan3A_1132 = %scan3A_895 to %scan3A_897 step %scan3A_898 iter_args(%scan3A_1133 = %broadcast_in_dim3A_880, %scan3A_1134 = %broadcast_in_dim3A_882, %scan3A_1135 = %broadcast_in_dim3A_884, %scan3A_1136 = %broadcast_in_dim3A_886, %scan3A_1137 = %broadcast_in_dim3A_888, %scan3A_1138 = %broadcast_in_dim3A_890, %scan3A_1139 = %broadcast_in_dim3A_892, %scan3A_1140 = %broadcast_in_dim3A_894) -> (vector<16xf32>, vector<16xf32>, vector<16xf32>, vector<16xf32>, vector<16xf32>, vector<16xf32>, vector<16xf32>, vector<16xf32>)  : i32 {
        %mul3A_1141 = arith.constant 8 : i32
        %mul3A_1142 = arith.muli %scan3A_1132, %mul3A_1141 : i32
        %add3A_1143 = arith.constant 0 : i32
        %add3A_1144 = arith.addi %add3A_1143, %mul3A_1142 : i32
        %add3A_1145 = arith.constant 0 : i32
        %add3A_1146 = arith.addi %add3A_1144, %add3A_1145 : i32
        %get3A = arith.index_cast %add3A_1146 : i32 to index
        %get3A_1147 = arith.constant 0 : index
        %get3A_1148 = tpu.vector_load %arg12[%get3A, %get3A_1147] {strides = array<i32>} : memref<64x128xf32, #tpu.memory_space<vmem>>, vector<1x16xf32>,
        %get3A_1149 = vector.shape_cast %get3A_1148 : vector<1x16xf32> to vector<16xf32>
        %add3A_1150 = arith.addf %scan3A_1133, %get3A_1149 : vector<16xf32>
        %get3A_1151 = arith.index_cast %add3A_1146 : i32 to index
        %get3A_1152 = arith.constant 16 : index
        %get3A_1153 = tpu.vector_load %arg12[%get3A_1151, %get3A_1152] {strides = array<i32>} : memref<64x128xf32, #tpu.memory_space<vmem>>, vector<1x16xf32>,
        %get3A_1154 = vector.shape_cast %get3A_1153 : vector<1x16xf32> to vector<16xf32>
        %add3A_1155 = arith.addf %scan3A_1134, %get3A_1154 : vector<16xf32>
        %get3A_1156 = arith.index_cast %add3A_1146 : i32 to index
        %get3A_1157 = arith.constant 32 : index
        %get3A_1158 = tpu.vector_load %arg12[%get3A_1156, %get3A_1157] {strides = array<i32>} : memref<64x128xf32, #tpu.memory_space<vmem>>, vector<1x16xf32>,
        %get3A_1159 = vector.shape_cast %get3A_1158 : vector<1x16xf32> to vector<16xf32>
        %add3A_1160 = arith.addf %scan3A_1135, %get3A_1159 : vector<16xf32>
        %get3A_1161 = arith.index_cast %add3A_1146 : i32 to index
        %get3A_1162 = arith.constant 48 : index
        %get3A_1163 = tpu.vector_load %arg12[%get3A_1161, %get3A_1162] {strides = array<i32>} : memref<64x128xf32, #tpu.memory_space<vmem>>, vector<1x16xf32>,
        %get3A_1164 = vector.shape_cast %get3A_1163 : vector<1x16xf32> to vector<16xf32>
        %add3A_1165 = arith.addf %scan3A_1136, %get3A_1164 : vector<16xf32>
        %get3A_1166 = arith.index_cast %add3A_1146 : i32 to index
        %get3A_1167 = arith.constant 64 : index
        %get3A_1168 = tpu.vector_load %arg12[%get3A_1166, %get3A_1167] {strides = array<i32>} : memref<64x128xf32, #tpu.memory_space<vmem>>, vector<1x16xf32>,
        %get3A_1169 = vector.shape_cast %get3A_1168 : vector<1x16xf32> to vector<16xf32>
        %add3A_1170 = arith.addf %scan3A_1137, %get3A_1169 : vector<16xf32>
        %get3A_1171 = arith.index_cast %add3A_1146 : i32 to index
        %get3A_1172 = arith.constant 80 : index
        %get3A_1173 = tpu.vector_load %arg12[%get3A_1171, %get3A_1172] {strides = array<i32>} : memref<64x128xf32, #tpu.memory_space<vmem>>, vector<1x16xf32>,
        %get3A_1174 = vector.shape_cast %get3A_1173 : vector<1x16xf32> to vector<16xf32>
        %add3A_1175 = arith.addf %scan3A_1138, %get3A_1174 : vector<16xf32>
        %get3A_1176 = arith.index_cast %add3A_1146 : i32 to index
        %get3A_1177 = arith.constant 96 : index
        %get3A_1178 = tpu.vector_load %arg12[%get3A_1176, %get3A_1177] {strides = array<i32>} : memref<64x128xf32, #tpu.memory_space<vmem>>, vector<1x16xf32>,
        %get3A_1179 = vector.shape_cast %get3A_1178 : vector<1x16xf32> to vector<16xf32>
        %add3A_1180 = arith.addf %scan3A_1139, %get3A_1179 : vector<16xf32>
        %get3A_1181 = arith.index_cast %add3A_1146 : i32 to index
        %get3A_1182 = arith.constant 112 : index
        %get3A_1183 = tpu.vector_load %arg12[%get3A_1181, %get3A_1182] {strides = array<i32>} : memref<64x128xf32, #tpu.memory_space<vmem>>, vector<1x16xf32>,
        %get3A_1184 = vector.shape_cast %get3A_1183 : vector<1x16xf32> to vector<16xf32>
        %add3A_1185 = arith.addf %scan3A_1140, %get3A_1184 : vector<16xf32>
        %mul3A_1186 = arith.constant 8 : i32
        %mul3A_1187 = arith.muli %scan3A_1132, %mul3A_1186 : i32
        %add3A_1188 = arith.constant 0 : i32
        %add3A_1189 = arith.addi %add3A_1188, %mul3A_1187 : i32
        %add3A_1190 = arith.constant 1 : i32
        %add3A_1191 = arith.addi %add3A_1189, %add3A_1190 : i32
        %get3A_1192 = arith.index_cast %add3A_1191 : i32 to index
        %get3A_1193 = arith.constant 0 : index
        %get3A_1194 = tpu.vector_load %arg12[%get3A_1192, %get3A_1193] {strides = array<i32>} : memref<64x128xf32, #tpu.memory_space<vmem>>, vector<1x16xf32>,
        %get3A_1195 = vector.shape_cast %get3A_1194 : vector<1x16xf32> to vector<16xf32>
        %add3A_1196 = arith.addf %add3A_1150, %get3A_1195 : vector<16xf32>
        %get3A_1197 = arith.index_cast %add3A_1191 : i32 to index
        %get3A_1198 = arith.constant 16 : index
        %get3A_1199 = tpu.vector_load %arg12[%get3A_1197, %get3A_1198] {strides = array<i32>} : memref<64x128xf32, #tpu.memory_space<vmem>>, vector<1x16xf32>,
        %get3A_1200 = vector.shape_cast %get3A_1199 : vector<1x16xf32> to vector<16xf32>
        %add3A_1201 = arith.addf %add3A_1155, %get3A_1200 : vector<16xf32>
        %get3A_1202 = arith.index_cast %add3A_1191 : i32 to index
        %get3A_1203 = arith.constant 32 : index
        %get3A_1204 = tpu.vector_load %arg12[%get3A_1202, %get3A_1203] {strides = array<i32>} : memref<64x128xf32, #tpu.memory_space<vmem>>, vector<1x16xf32>,
        %get3A_1205 = vector.shape_cast %get3A_1204 : vector<1x16xf32> to vector<16xf32>
        %add3A_1206 = arith.addf %add3A_1160, %get3A_1205 : vector<16xf32>
        %get3A_1207 = arith.index_cast %add3A_1191 : i32 to index
        %get3A_1208 = arith.constant 48 : index
        %get3A_1209 = tpu.vector_load %arg12[%get3A_1207, %get3A_1208] {strides = array<i32>} : memref<64x128xf32, #tpu.memory_space<vmem>>, vector<1x16xf32>,
        %get3A_1210 = vector.shape_cast %get3A_1209 : vector<1x16xf32> to vector<16xf32>
        %add3A_1211 = arith.addf %add3A_1165, %get3A_1210 : vector<16xf32>
        %get3A_1212 = arith.index_cast %add3A_1191 : i32 to index
        %get3A_1213 = arith.constant 64 : index
        %get3A_1214 = tpu.vector_load %arg12[%get3A_1212, %get3A_1213] {strides = array<i32>} : memref<64x128xf32, #tpu.memory_space<vmem>>, vector<1x16xf32>,
        %get3A_1215 = vector.shape_cast %get3A_1214 : vector<1x16xf32> to vector<16xf32>
        %add3A_1216 = arith.addf %add3A_1170, %get3A_1215 : vector<16xf32>
        %get3A_1217 = arith.index_cast %add3A_1191 : i32 to index
        %get3A_1218 = arith.constant 80 : index
        %get3A_1219 = tpu.vector_load %arg12[%get3A_1217, %get3A_1218] {strides = array<i32>} : memref<64x128xf32, #tpu.memory_space<vmem>>, vector<1x16xf32>,
        %get3A_1220 = vector.shape_cast %get3A_1219 : vector<1x16xf32> to vector<16xf32>
        %add3A_1221 = arith.addf %add3A_1175, %get3A_1220 : vector<16xf32>
        %get3A_1222 = arith.index_cast %add3A_1191 : i32 to index
        %get3A_1223 = arith.constant 96 : index
        %get3A_1224 = tpu.vector_load %arg12[%get3A_1222, %get3A_1223] {strides = array<i32>} : memref<64x128xf32, #tpu.memory_space<vmem>>, vector<1x16xf32>,
        %get3A_1225 = vector.shape_cast %get3A_1224 : vector<1x16xf32> to vector<16xf32>
        %add3A_1226 = arith.addf %add3A_1180, %get3A_1225 : vector<16xf32>
        %get3A_1227 = arith.index_cast %add3A_1191 : i32 to index
        %get3A_1228 = arith.constant 112 : index
        %get3A_1229 = tpu.vector_load %arg12[%get3A_1227, %get3A_1228] {strides = array<i32>} : memref<64x128xf32, #tpu.memory_space<vmem>>, vector<1x16xf32>,
        %get3A_1230 = vector.shape_cast %get3A_1229 : vector<1x16xf32> to vector<16xf32>
        %add3A_1231 = arith.addf %add3A_1185, %get3A_1230 : vector<16xf32>
        %mul3A_1232 = arith.constant 8 : i32
        %mul3A_1233 = arith.muli %scan3A_1132, %mul3A_1232 : i32
        %add3A_1234 = arith.constant 0 : i32
        %add3A_1235 = arith.addi %add3A_1234, %mul3A_1233 : i32
        %add3A_1236 = arith.constant 2 : i32
        %add3A_1237 = arith.addi %add3A_1235, %add3A_1236 : i32
        %get3A_1238 = arith.index_cast %add3A_1237 : i32 to index
        %get3A_1239 = arith.constant 0 : index
        %get3A_1240 = tpu.vector_load %arg12[%get3A_1238, %get3A_1239] {strides = array<i32>} : memref<64x128xf32, #tpu.memory_space<vmem>>, vector<1x16xf32>,
        %get3A_1241 = vector.shape_cast %get3A_1240 : vector<1x16xf32> to vector<16xf32>
        %add3A_1242 = arith.addf %add3A_1196, %get3A_1241 : vector<16xf32>
        %get3A_1243 = arith.index_cast %add3A_1237 : i32 to index
        %get3A_1244 = arith.constant 16 : index
        %get3A_1245 = tpu.vector_load %arg12[%get3A_1243, %get3A_1244] {strides = array<i32>} : memref<64x128xf32, #tpu.memory_space<vmem>>, vector<1x16xf32>,
        %get3A_1246 = vector.shape_cast %get3A_1245 : vector<1x16xf32> to vector<16xf32>
        %add3A_1247 = arith.addf %add3A_1201, %get3A_1246 : vector<16xf32>
        %get3A_1248 = arith.index_cast %add3A_1237 : i32 to index
        %get3A_1249 = arith.constant 32 : index
        %get3A_1250 = tpu.vector_load %arg12[%get3A_1248, %get3A_1249] {strides = array<i32>} : memref<64x128xf32, #tpu.memory_space<vmem>>, vector<1x16xf32>,
        %get3A_1251 = vector.shape_cast %get3A_1250 : vector<1x16xf32> to vector<16xf32>
        %add3A_1252 = arith.addf %add3A_1206, %get3A_1251 : vector<16xf32>
        %get3A_1253 = arith.index_cast %add3A_1237 : i32 to index
        %get3A_1254 = arith.constant 48 : index
        %get3A_1255 = tpu.vector_load %arg12[%get3A_1253, %get3A_1254] {strides = array<i32>} : memref<64x128xf32, #tpu.memory_space<vmem>>, vector<1x16xf32>,
        %get3A_1256 = vector.shape_cast %get3A_1255 : vector<1x16xf32> to vector<16xf32>
        %add3A_1257 = arith.addf %add3A_1211, %get3A_1256 : vector<16xf32>
        %get3A_1258 = arith.index_cast %add3A_1237 : i32 to index
        %get3A_1259 = arith.constant 64 : index
        %get3A_1260 = tpu.vector_load %arg12[%get3A_1258, %get3A_1259] {strides = array<i32>} : memref<64x128xf32, #tpu.memory_space<vmem>>, vector<1x16xf32>,
        %get3A_1261 = vector.shape_cast %get3A_1260 : vector<1x16xf32> to vector<16xf32>
        %add3A_1262 = arith.addf %add3A_1216, %get3A_1261 : vector<16xf32>
        %get3A_1263 = arith.index_cast %add3A_1237 : i32 to index
        %get3A_1264 = arith.constant 80 : index
        %get3A_1265 = tpu.vector_load %arg12[%get3A_1263, %get3A_1264] {strides = array<i32>} : memref<64x128xf32, #tpu.memory_space<vmem>>, vector<1x16xf32>,
        %get3A_1266 = vector.shape_cast %get3A_1265 : vector<1x16xf32> to vector<16xf32>
        %add3A_1267 = arith.addf %add3A_1221, %get3A_1266 : vector<16xf32>
        %get3A_1268 = arith.index_cast %add3A_1237 : i32 to index
        %get3A_1269 = arith.constant 96 : index
        %get3A_1270 = tpu.vector_load %arg12[%get3A_1268, %get3A_1269] {strides = array<i32>} : memref<64x128xf32, #tpu.memory_space<vmem>>, vector<1x16xf32>,
        %get3A_1271 = vector.shape_cast %get3A_1270 : vector<1x16xf32> to vector<16xf32>
        %add3A_1272 = arith.addf %add3A_1226, %get3A_1271 : vector<16xf32>
        %get3A_1273 = arith.index_cast %add3A_1237 : i32 to index
        %get3A_1274 = arith.constant 112 : index
        %get3A_1275 = tpu.vector_load %arg12[%get3A_1273, %get3A_1274] {strides = array<i32>} : memref<64x128xf32, #tpu.memory_space<vmem>>, vector<1x16xf32>,
        %get3A_1276 = vector.shape_cast %get3A_1275 : vector<1x16xf32> to vector<16xf32>
        %add3A_1277 = arith.addf %add3A_1231, %get3A_1276 : vector<16xf32>
        %mul3A_1278 = arith.constant 8 : i32
        %mul3A_1279 = arith.muli %scan3A_1132, %mul3A_1278 : i32
        %add3A_1280 = arith.constant 0 : i32
        %add3A_1281 = arith.addi %add3A_1280, %mul3A_1279 : i32
        %add3A_1282 = arith.constant 3 : i32
        %add3A_1283 = arith.addi %add3A_1281, %add3A_1282 : i32
        %get3A_1284 = arith.index_cast %add3A_1283 : i32 to index
        %get3A_1285 = arith.constant 0 : index
        %get3A_1286 = tpu.vector_load %arg12[%get3A_1284, %get3A_1285] {strides = array<i32>} : memref<64x128xf32, #tpu.memory_space<vmem>>, vector<1x16xf32>,
        %get3A_1287 = vector.shape_cast %get3A_1286 : vector<1x16xf32> to vector<16xf32>
        %add3A_1288 = arith.addf %add3A_1242, %get3A_1287 : vector<16xf32>
        %get3A_1289 = arith.index_cast %add3A_1283 : i32 to index
        %get3A_1290 = arith.constant 16 : index
        %get3A_1291 = tpu.vector_load %arg12[%get3A_1289, %get3A_1290] {strides = array<i32>} : memref<64x128xf32, #tpu.memory_space<vmem>>, vector<1x16xf32>,
        %get3A_1292 = vector.shape_cast %get3A_1291 : vector<1x16xf32> to vector<16xf32>
        %add3A_1293 = arith.addf %add3A_1247, %get3A_1292 : vector<16xf32>
        %get3A_1294 = arith.index_cast %add3A_1283 : i32 to index
        %get3A_1295 = arith.constant 32 : index
        %get3A_1296 = tpu.vector_load %arg12[%get3A_1294, %get3A_1295] {strides = array<i32>} : memref<64x128xf32, #tpu.memory_space<vmem>>, vector<1x16xf32>,
        %get3A_1297 = vector.shape_cast %get3A_1296 : vector<1x16xf32> to vector<16xf32>
        %add3A_1298 = arith.addf %add3A_1252, %get3A_1297 : vector<16xf32>
        %get3A_1299 = arith.index_cast %add3A_1283 : i32 to index
        %get3A_1300 = arith.constant 48 : index
        %get3A_1301 = tpu.vector_load %arg12[%get3A_1299, %get3A_1300] {strides = array<i32>} : memref<64x128xf32, #tpu.memory_space<vmem>>, vector<1x16xf32>,
        %get3A_1302 = vector.shape_cast %get3A_1301 : vector<1x16xf32> to vector<16xf32>
        %add3A_1303 = arith.addf %add3A_1257, %get3A_1302 : vector<16xf32>
        %get3A_1304 = arith.index_cast %add3A_1283 : i32 to index
        %get3A_1305 = arith.constant 64 : index
        %get3A_1306 = tpu.vector_load %arg12[%get3A_1304, %get3A_1305] {strides = array<i32>} : memref<64x128xf32, #tpu.memory_space<vmem>>, vector<1x16xf32>,
        %get3A_1307 = vector.shape_cast %get3A_1306 : vector<1x16xf32> to vector<16xf32>
        %add3A_1308 = arith.addf %add3A_1262, %get3A_1307 : vector<16xf32>
        %get3A_1309 = arith.index_cast %add3A_1283 : i32 to index
        %get3A_1310 = arith.constant 80 : index
        %get3A_1311 = tpu.vector_load %arg12[%get3A_1309, %get3A_1310] {strides = array<i32>} : memref<64x128xf32, #tpu.memory_space<vmem>>, vector<1x16xf32>,
        %get3A_1312 = vector.shape_cast %get3A_1311 : vector<1x16xf32> to vector<16xf32>
        %add3A_1313 = arith.addf %add3A_1267, %get3A_1312 : vector<16xf32>
        %get3A_1314 = arith.index_cast %add3A_1283 : i32 to index
        %get3A_1315 = arith.constant 96 : index
        %get3A_1316 = tpu.vector_load %arg12[%get3A_1314, %get3A_1315] {strides = array<i32>} : memref<64x128xf32, #tpu.memory_space<vmem>>, vector<1x16xf32>,
        %get3A_1317 = vector.shape_cast %get3A_1316 : vector<1x16xf32> to vector<16xf32>
        %add3A_1318 = arith.addf %add3A_1272, %get3A_1317 : vector<16xf32>
        %get3A_1319 = arith.index_cast %add3A_1283 : i32 to index
        %get3A_1320 = arith.constant 112 : index
        %get3A_1321 = tpu.vector_load %arg12[%get3A_1319, %get3A_1320] {strides = array<i32>} : memref<64x128xf32, #tpu.memory_space<vmem>>, vector<1x16xf32>,
        %get3A_1322 = vector.shape_cast %get3A_1321 : vector<1x16xf32> to vector<16xf32>
        %add3A_1323 = arith.addf %add3A_1277, %get3A_1322 : vector<16xf32>
        %mul3A_1324 = arith.constant 8 : i32
        %mul3A_1325 = arith.muli %scan3A_1132, %mul3A_1324 : i32
        %add3A_1326 = arith.constant 0 : i32
        %add3A_1327 = arith.addi %add3A_1326, %mul3A_1325 : i32
        %add3A_1328 = arith.constant 4 : i32
        %add3A_1329 = arith.addi %add3A_1327, %add3A_1328 : i32
        %get3A_1330 = arith.index_cast %add3A_1329 : i32 to index
        %get3A_1331 = arith.constant 0 : index
        %get3A_1332 = tpu.vector_load %arg12[%get3A_1330, %get3A_1331] {strides = array<i32>} : memref<64x128xf32, #tpu.memory_space<vmem>>, vector<1x16xf32>,
        %get3A_1333 = vector.shape_cast %get3A_1332 : vector<1x16xf32> to vector<16xf32>
        %add3A_1334 = arith.addf %add3A_1288, %get3A_1333 : vector<16xf32>
        %get3A_1335 = arith.index_cast %add3A_1329 : i32 to index
        %get3A_1336 = arith.constant 16 : index
        %get3A_1337 = tpu.vector_load %arg12[%get3A_1335, %get3A_1336] {strides = array<i32>} : memref<64x128xf32, #tpu.memory_space<vmem>>, vector<1x16xf32>,
        %get3A_1338 = vector.shape_cast %get3A_1337 : vector<1x16xf32> to vector<16xf32>
        %add3A_1339 = arith.addf %add3A_1293, %get3A_1338 : vector<16xf32>
        %get3A_1340 = arith.index_cast %add3A_1329 : i32 to index
        %get3A_1341 = arith.constant 32 : index
        %get3A_1342 = tpu.vector_load %arg12[%get3A_1340, %get3A_1341] {strides = array<i32>} : memref<64x128xf32, #tpu.memory_space<vmem>>, vector<1x16xf32>,
        %get3A_1343 = vector.shape_cast %get3A_1342 : vector<1x16xf32> to vector<16xf32>
        %add3A_1344 = arith.addf %add3A_1298, %get3A_1343 : vector<16xf32>
        %get3A_1345 = arith.index_cast %add3A_1329 : i32 to index
        %get3A_1346 = arith.constant 48 : index
        %get3A_1347 = tpu.vector_load %arg12[%get3A_1345, %get3A_1346] {strides = array<i32>} : memref<64x128xf32, #tpu.memory_space<vmem>>, vector<1x16xf32>,
        %get3A_1348 = vector.shape_cast %get3A_1347 : vector<1x16xf32> to vector<16xf32>
        %add3A_1349 = arith.addf %add3A_1303, %get3A_1348 : vector<16xf32>
        %get3A_1350 = arith.index_cast %add3A_1329 : i32 to index
        %get3A_1351 = arith.constant 64 : index
        %get3A_1352 = tpu.vector_load %arg12[%get3A_1350, %get3A_1351] {strides = array<i32>} : memref<64x128xf32, #tpu.memory_space<vmem>>, vector<1x16xf32>,
        %get3A_1353 = vector.shape_cast %get3A_1352 : vector<1x16xf32> to vector<16xf32>
        %add3A_1354 = arith.addf %add3A_1308, %get3A_1353 : vector<16xf32>
        %get3A_1355 = arith.index_cast %add3A_1329 : i32 to index
        %get3A_1356 = arith.constant 80 : index
        %get3A_1357 = tpu.vector_load %arg12[%get3A_1355, %get3A_1356] {strides = array<i32>} : memref<64x128xf32, #tpu.memory_space<vmem>>, vector<1x16xf32>,
        %get3A_1358 = vector.shape_cast %get3A_1357 : vector<1x16xf32> to vector<16xf32>
        %add3A_1359 = arith.addf %add3A_1313, %get3A_1358 : vector<16xf32>
        %get3A_1360 = arith.index_cast %add3A_1329 : i32 to index
        %get3A_1361 = arith.constant 96 : index
        %get3A_1362 = tpu.vector_load %arg12[%get3A_1360, %get3A_1361] {strides = array<i32>} : memref<64x128xf32, #tpu.memory_space<vmem>>, vector<1x16xf32>,
        %get3A_1363 = vector.shape_cast %get3A_1362 : vector<1x16xf32> to vector<16xf32>
        %add3A_1364 = arith.addf %add3A_1318, %get3A_1363 : vector<16xf32>
        %get3A_1365 = arith.index_cast %add3A_1329 : i32 to index
        %get3A_1366 = arith.constant 112 : index
        %get3A_1367 = tpu.vector_load %arg12[%get3A_1365, %get3A_1366] {strides = array<i32>} : memref<64x128xf32, #tpu.memory_space<vmem>>, vector<1x16xf32>,
        %get3A_1368 = vector.shape_cast %get3A_1367 : vector<1x16xf32> to vector<16xf32>
        %add3A_1369 = arith.addf %add3A_1323, %get3A_1368 : vector<16xf32>
        %mul3A_1370 = arith.constant 8 : i32
        %mul3A_1371 = arith.muli %scan3A_1132, %mul3A_1370 : i32
        %add3A_1372 = arith.constant 0 : i32
        %add3A_1373 = arith.addi %add3A_1372, %mul3A_1371 : i32
        %add3A_1374 = arith.constant 5 : i32
        %add3A_1375 = arith.addi %add3A_1373, %add3A_1374 : i32
        %get3A_1376 = arith.index_cast %add3A_1375 : i32 to index
        %get3A_1377 = arith.constant 0 : index
        %get3A_1378 = tpu.vector_load %arg12[%get3A_1376, %get3A_1377] {strides = array<i32>} : memref<64x128xf32, #tpu.memory_space<vmem>>, vector<1x16xf32>,
        %get3A_1379 = vector.shape_cast %get3A_1378 : vector<1x16xf32> to vector<16xf32>
        %add3A_1380 = arith.addf %add3A_1334, %get3A_1379 : vector<16xf32>
        %get3A_1381 = arith.index_cast %add3A_1375 : i32 to index
        %get3A_1382 = arith.constant 16 : index
        %get3A_1383 = tpu.vector_load %arg12[%get3A_1381, %get3A_1382] {strides = array<i32>} : memref<64x128xf32, #tpu.memory_space<vmem>>, vector<1x16xf32>,
        %get3A_1384 = vector.shape_cast %get3A_1383 : vector<1x16xf32> to vector<16xf32>
        %add3A_1385 = arith.addf %add3A_1339, %get3A_1384 : vector<16xf32>
        %get3A_1386 = arith.index_cast %add3A_1375 : i32 to index
        %get3A_1387 = arith.constant 32 : index
        %get3A_1388 = tpu.vector_load %arg12[%get3A_1386, %get3A_1387] {strides = array<i32>} : memref<64x128xf32, #tpu.memory_space<vmem>>, vector<1x16xf32>,
        %get3A_1389 = vector.shape_cast %get3A_1388 : vector<1x16xf32> to vector<16xf32>
        %add3A_1390 = arith.addf %add3A_1344, %get3A_1389 : vector<16xf32>
        %get3A_1391 = arith.index_cast %add3A_1375 : i32 to index
        %get3A_1392 = arith.constant 48 : index
        %get3A_1393 = tpu.vector_load %arg12[%get3A_1391, %get3A_1392] {strides = array<i32>} : memref<64x128xf32, #tpu.memory_space<vmem>>, vector<1x16xf32>,
        %get3A_1394 = vector.shape_cast %get3A_1393 : vector<1x16xf32> to vector<16xf32>
        %add3A_1395 = arith.addf %add3A_1349, %get3A_1394 : vector<16xf32>
        %get3A_1396 = arith.index_cast %add3A_1375 : i32 to index
        %get3A_1397 = arith.constant 64 : index
        %get3A_1398 = tpu.vector_load %arg12[%get3A_1396, %get3A_1397] {strides = array<i32>} : memref<64x128xf32, #tpu.memory_space<vmem>>, vector<1x16xf32>,
        %get3A_1399 = vector.shape_cast %get3A_1398 : vector<1x16xf32> to vector<16xf32>
        %add3A_1400 = arith.addf %add3A_1354, %get3A_1399 : vector<16xf32>
        %get3A_1401 = arith.index_cast %add3A_1375 : i32 to index
        %get3A_1402 = arith.constant 80 : index
        %get3A_1403 = tpu.vector_load %arg12[%get3A_1401, %get3A_1402] {strides = array<i32>} : memref<64x128xf32, #tpu.memory_space<vmem>>, vector<1x16xf32>,
        %get3A_1404 = vector.shape_cast %get3A_1403 : vector<1x16xf32> to vector<16xf32>
        %add3A_1405 = arith.addf %add3A_1359, %get3A_1404 : vector<16xf32>
        %get3A_1406 = arith.index_cast %add3A_1375 : i32 to index
        %get3A_1407 = arith.constant 96 : index
        %get3A_1408 = tpu.vector_load %arg12[%get3A_1406, %get3A_1407] {strides = array<i32>} : memref<64x128xf32, #tpu.memory_space<vmem>>, vector<1x16xf32>,
        %get3A_1409 = vector.shape_cast %get3A_1408 : vector<1x16xf32> to vector<16xf32>
        %add3A_1410 = arith.addf %add3A_1364, %get3A_1409 : vector<16xf32>
        %get3A_1411 = arith.index_cast %add3A_1375 : i32 to index
        %get3A_1412 = arith.constant 112 : index
        %get3A_1413 = tpu.vector_load %arg12[%get3A_1411, %get3A_1412] {strides = array<i32>} : memref<64x128xf32, #tpu.memory_space<vmem>>, vector<1x16xf32>,
        %get3A_1414 = vector.shape_cast %get3A_1413 : vector<1x16xf32> to vector<16xf32>
        %add3A_1415 = arith.addf %add3A_1369, %get3A_1414 : vector<16xf32>
        %mul3A_1416 = arith.constant 8 : i32
        %mul3A_1417 = arith.muli %scan3A_1132, %mul3A_1416 : i32
        %add3A_1418 = arith.constant 0 : i32
        %add3A_1419 = arith.addi %add3A_1418, %mul3A_1417 : i32
        %add3A_1420 = arith.constant 6 : i32
        %add3A_1421 = arith.addi %add3A_1419, %add3A_1420 : i32
        %get3A_1422 = arith.index_cast %add3A_1421 : i32 to index
        %get3A_1423 = arith.constant 0 : index
        %get3A_1424 = tpu.vector_load %arg12[%get3A_1422, %get3A_1423] {strides = array<i32>} : memref<64x128xf32, #tpu.memory_space<vmem>>, vector<1x16xf32>,
        %get3A_1425 = vector.shape_cast %get3A_1424 : vector<1x16xf32> to vector<16xf32>
        %add3A_1426 = arith.addf %add3A_1380, %get3A_1425 : vector<16xf32>
        %get3A_1427 = arith.index_cast %add3A_1421 : i32 to index
        %get3A_1428 = arith.constant 16 : index
        %get3A_1429 = tpu.vector_load %arg12[%get3A_1427, %get3A_1428] {strides = array<i32>} : memref<64x128xf32, #tpu.memory_space<vmem>>, vector<1x16xf32>,
        %get3A_1430 = vector.shape_cast %get3A_1429 : vector<1x16xf32> to vector<16xf32>
        %add3A_1431 = arith.addf %add3A_1385, %get3A_1430 : vector<16xf32>
        %get3A_1432 = arith.index_cast %add3A_1421 : i32 to index
        %get3A_1433 = arith.constant 32 : index
        %get3A_1434 = tpu.vector_load %arg12[%get3A_1432, %get3A_1433] {strides = array<i32>} : memref<64x128xf32, #tpu.memory_space<vmem>>, vector<1x16xf32>,
        %get3A_1435 = vector.shape_cast %get3A_1434 : vector<1x16xf32> to vector<16xf32>
        %add3A_1436 = arith.addf %add3A_1390, %get3A_1435 : vector<16xf32>
        %get3A_1437 = arith.index_cast %add3A_1421 : i32 to index
        %get3A_1438 = arith.constant 48 : index
        %get3A_1439 = tpu.vector_load %arg12[%get3A_1437, %get3A_1438] {strides = array<i32>} : memref<64x128xf32, #tpu.memory_space<vmem>>, vector<1x16xf32>,
        %get3A_1440 = vector.shape_cast %get3A_1439 : vector<1x16xf32> to vector<16xf32>
        %add3A_1441 = arith.addf %add3A_1395, %get3A_1440 : vector<16xf32>
        %get3A_1442 = arith.index_cast %add3A_1421 : i32 to index
        %get3A_1443 = arith.constant 64 : index
        %get3A_1444 = tpu.vector_load %arg12[%get3A_1442, %get3A_1443] {strides = array<i32>} : memref<64x128xf32, #tpu.memory_space<vmem>>, vector<1x16xf32>,
        %get3A_1445 = vector.shape_cast %get3A_1444 : vector<1x16xf32> to vector<16xf32>
        %add3A_1446 = arith.addf %add3A_1400, %get3A_1445 : vector<16xf32>
        %get3A_1447 = arith.index_cast %add3A_1421 : i32 to index
        %get3A_1448 = arith.constant 80 : index
        %get3A_1449 = tpu.vector_load %arg12[%get3A_1447, %get3A_1448] {strides = array<i32>} : memref<64x128xf32, #tpu.memory_space<vmem>>, vector<1x16xf32>,
        %get3A_1450 = vector.shape_cast %get3A_1449 : vector<1x16xf32> to vector<16xf32>
        %add3A_1451 = arith.addf %add3A_1405, %get3A_1450 : vector<16xf32>
        %get3A_1452 = arith.index_cast %add3A_1421 : i32 to index
        %get3A_1453 = arith.constant 96 : index
        %get3A_1454 = tpu.vector_load %arg12[%get3A_1452, %get3A_1453] {strides = array<i32>} : memref<64x128xf32, #tpu.memory_space<vmem>>, vector<1x16xf32>,
        %get3A_1455 = vector.shape_cast %get3A_1454 : vector<1x16xf32> to vector<16xf32>
        %add3A_1456 = arith.addf %add3A_1410, %get3A_1455 : vector<16xf32>
        %get3A_1457 = arith.index_cast %add3A_1421 : i32 to index
        %get3A_1458 = arith.constant 112 : index
        %get3A_1459 = tpu.vector_load %arg12[%get3A_1457, %get3A_1458] {strides = array<i32>} : memref<64x128xf32, #tpu.memory_space<vmem>>, vector<1x16xf32>,
        %get3A_1460 = vector.shape_cast %get3A_1459 : vector<1x16xf32> to vector<16xf32>
        %add3A_1461 = arith.addf %add3A_1415, %get3A_1460 : vector<16xf32>
        %mul3A_1462 = arith.constant 8 : i32
        %mul3A_1463 = arith.muli %scan3A_1132, %mul3A_1462 : i32
        %add3A_1464 = arith.constant 0 : i32
        %add3A_1465 = arith.addi %add3A_1464, %mul3A_1463 : i32
        %add3A_1466 = arith.constant 7 : i32
        %add3A_1467 = arith.addi %add3A_1465, %add3A_1466 : i32
        %get3A_1468 = arith.index_cast %add3A_1467 : i32 to index
        %get3A_1469 = arith.constant 0 : index
        %get3A_1470 = tpu.vector_load %arg12[%get3A_1468, %get3A_1469] {strides = array<i32>} : memref<64x128xf32, #tpu.memory_space<vmem>>, vector<1x16xf32>,
        %get3A_1471 = vector.shape_cast %get3A_1470 : vector<1x16xf32> to vector<16xf32>
        %add3A_1472 = arith.addf %add3A_1426, %get3A_1471 : vector<16xf32>
        %get3A_1473 = arith.index_cast %add3A_1467 : i32 to index
        %get3A_1474 = arith.constant 16 : index
        %get3A_1475 = tpu.vector_load %arg12[%get3A_1473, %get3A_1474] {strides = array<i32>} : memref<64x128xf32, #tpu.memory_space<vmem>>, vector<1x16xf32>,
        %get3A_1476 = vector.shape_cast %get3A_1475 : vector<1x16xf32> to vector<16xf32>
        %add3A_1477 = arith.addf %add3A_1431, %get3A_1476 : vector<16xf32>
        %get3A_1478 = arith.index_cast %add3A_1467 : i32 to index
        %get3A_1479 = arith.constant 32 : index
        %get3A_1480 = tpu.vector_load %arg12[%get3A_1478, %get3A_1479] {strides = array<i32>} : memref<64x128xf32, #tpu.memory_space<vmem>>, vector<1x16xf32>,
        %get3A_1481 = vector.shape_cast %get3A_1480 : vector<1x16xf32> to vector<16xf32>
        %add3A_1482 = arith.addf %add3A_1436, %get3A_1481 : vector<16xf32>
        %get3A_1483 = arith.index_cast %add3A_1467 : i32 to index
        %get3A_1484 = arith.constant 48 : index
        %get3A_1485 = tpu.vector_load %arg12[%get3A_1483, %get3A_1484] {strides = array<i32>} : memref<64x128xf32, #tpu.memory_space<vmem>>, vector<1x16xf32>,
        %get3A_1486 = vector.shape_cast %get3A_1485 : vector<1x16xf32> to vector<16xf32>
        %add3A_1487 = arith.addf %add3A_1441, %get3A_1486 : vector<16xf32>
        %get3A_1488 = arith.index_cast %add3A_1467 : i32 to index
        %get3A_1489 = arith.constant 64 : index
        %get3A_1490 = tpu.vector_load %arg12[%get3A_1488, %get3A_1489] {strides = array<i32>} : memref<64x128xf32, #tpu.memory_space<vmem>>, vector<1x16xf32>,
        %get3A_1491 = vector.shape_cast %get3A_1490 : vector<1x16xf32> to vector<16xf32>
        %add3A_1492 = arith.addf %add3A_1446, %get3A_1491 : vector<16xf32>
        %get3A_1493 = arith.index_cast %add3A_1467 : i32 to index
        %get3A_1494 = arith.constant 80 : index
        %get3A_1495 = tpu.vector_load %arg12[%get3A_1493, %get3A_1494] {strides = array<i32>} : memref<64x128xf32, #tpu.memory_space<vmem>>, vector<1x16xf32>,
        %get3A_1496 = vector.shape_cast %get3A_1495 : vector<1x16xf32> to vector<16xf32>
        %add3A_1497 = arith.addf %add3A_1451, %get3A_1496 : vector<16xf32>
        %get3A_1498 = arith.index_cast %add3A_1467 : i32 to index
        %get3A_1499 = arith.constant 96 : index
        %get3A_1500 = tpu.vector_load %arg12[%get3A_1498, %get3A_1499] {strides = array<i32>} : memref<64x128xf32, #tpu.memory_space<vmem>>, vector<1x16xf32>,
        %get3A_1501 = vector.shape_cast %get3A_1500 : vector<1x16xf32> to vector<16xf32>
        %add3A_1502 = arith.addf %add3A_1456, %get3A_1501 : vector<16xf32>
        %get3A_1503 = arith.index_cast %add3A_1467 : i32 to index
        %get3A_1504 = arith.constant 112 : index
        %get3A_1505 = tpu.vector_load %arg12[%get3A_1503, %get3A_1504] {strides = array<i32>} : memref<64x128xf32, #tpu.memory_space<vmem>>, vector<1x16xf32>,
        %get3A_1506 = vector.shape_cast %get3A_1505 : vector<1x16xf32> to vector<16xf32>
        %add3A_1507 = arith.addf %add3A_1461, %get3A_1506 : vector<16xf32>
        scf.yield %add3A_1472, %add3A_1477, %add3A_1482, %add3A_1487, %add3A_1492, %add3A_1497, %add3A_1502, %add3A_1507 : vector<16xf32>, vector<16xf32>, vector<16xf32>, vector<16xf32>, vector<16xf32>, vector<16xf32>, vector<16xf32>, vector<16xf32>
      }
      %scan3A_900 = arith.constant 8 : i32
      %mul3A_901 = arith.constant 1.562500e-02 : f32
      %mul3A_902 = vector.broadcast %mul3A_901 : f32 to vector<16xf32>
      %mul3A_903 = arith.mulf %scan3A_899#0, %mul3A_902 : vector<16xf32>
      %mul3A_904 = arith.constant 1 : i32
      %mul3A_905 = arith.muli %add3A_863, %mul3A_904 : i32
      %add3A_906 = arith.constant 0 : i32
      %add3A_907 = arith.addi %mul3A_905, %add3A_906 : i32
      %swap3A_908 = arith.index_cast %add3A_907 : i32 to index
      %swap3A_909 = arith.constant 0 : index
      %swap3A_910 = tpu.vector_load %arg14[%swap3A_908, %swap3A_909] {strides = array<i32>} : memref<128x128xf32, #tpu.memory_space<vmem>>, vector<1x16xf32>,
      %swap3A_911 = vector.shape_cast %swap3A_910 : vector<1x16xf32> to vector<16xf32>
      %swap3A_912 = vector.shape_cast %mul3A_903 : vector<16xf32> to vector<1x16xf32>
      tpu.vector_store %arg14[%swap3A_908, %swap3A_909], %swap3A_912 {strides = array<i32>} : memref<128x128xf32, #tpu.memory_space<vmem>>, vector<1x16xf32>,
      %mul3A_913 = arith.constant 1.562500e-02 : f32
      %mul3A_914 = vector.broadcast %mul3A_913 : f32 to vector<16xf32>
      %mul3A_915 = arith.mulf %scan3A_899#1, %mul3A_914 : vector<16xf32>
      %mul3A_916 = arith.constant 1 : i32
      %mul3A_917 = arith.muli %add3A_863, %mul3A_916 : i32
      %add3A_918 = arith.constant 0 : i32
      %add3A_919 = arith.addi %mul3A_917, %add3A_918 : i32
      %swap3A_920 = arith.index_cast %add3A_919 : i32 to index
      %swap3A_921 = arith.constant 16 : index
      %swap3A_922 = tpu.vector_load %arg14[%swap3A_920, %swap3A_921] {strides = array<i32>} : memref<128x128xf32, #tpu.memory_space<vmem>>, vector<1x16xf32>,
      %swap3A_923 = vector.shape_cast %swap3A_922 : vector<1x16xf32> to vector<16xf32>
      %swap3A_924 = vector.shape_cast %mul3A_915 : vector<16xf32> to vector<1x16xf32>
      tpu.vector_store %arg14[%swap3A_920, %swap3A_921], %swap3A_924 {strides = array<i32>} : memref<128x128xf32, #tpu.memory_space<vmem>>, vector<1x16xf32>,
      %mul3A_925 = arith.constant 1.562500e-02 : f32
      %mul3A_926 = vector.broadcast %mul3A_925 : f32 to vector<16xf32>
      %mul3A_927 = arith.mulf %scan3A_899#2, %mul3A_926 : vector<16xf32>
      %mul3A_928 = arith.constant 1 : i32
      %mul3A_929 = arith.muli %add3A_863, %mul3A_928 : i32
      %add3A_930 = arith.constant 0 : i32
      %add3A_931 = arith.addi %mul3A_929, %add3A_930 : i32
      %swap3A_932 = arith.index_cast %add3A_931 : i32 to index
      %swap3A_933 = arith.constant 32 : index
      %swap3A_934 = tpu.vector_load %arg14[%swap3A_932, %swap3A_933] {strides = array<i32>} : memref<128x128xf32, #tpu.memory_space<vmem>>, vector<1x16xf32>,
      %swap3A_935 = vector.shape_cast %swap3A_934 : vector<1x16xf32> to vector<16xf32>
      %swap3A_936 = vector.shape_cast %mul3A_927 : vector<16xf32> to vector<1x16xf32>
      tpu.vector_store %arg14[%swap3A_932, %swap3A_933], %swap3A_936 {strides = array<i32>} : memref<128x128xf32, #tpu.memory_space<vmem>>, vector<1x16xf32>,
      %mul3A_937 = arith.constant 1.562500e-02 : f32
      %mul3A_938 = vector.broadcast %mul3A_937 : f32 to vector<16xf32>
      %mul3A_939 = arith.mulf %scan3A_899#3, %mul3A_938 : vector<16xf32>
      %mul3A_940 = arith.constant 1 : i32
      %mul3A_941 = arith.muli %add3A_863, %mul3A_940 : i32
      %add3A_942 = arith.constant 0 : i32
      %add3A_943 = arith.addi %mul3A_941, %add3A_942 : i32
      %swap3A_944 = arith.index_cast %add3A_943 : i32 to index
      %swap3A_945 = arith.constant 48 : index
      %swap3A_946 = tpu.vector_load %arg14[%swap3A_944, %swap3A_945] {strides = array<i32>} : memref<128x128xf32, #tpu.memory_space<vmem>>, vector<1x16xf32>,
      %swap3A_947 = vector.shape_cast %swap3A_946 : vector<1x16xf32> to vector<16xf32>
      %swap3A_948 = vector.shape_cast %mul3A_939 : vector<16xf32> to vector<1x16xf32>
      tpu.vector_store %arg14[%swap3A_944, %swap3A_945], %swap3A_948 {strides = array<i32>} : memref<128x128xf32, #tpu.memory_space<vmem>>, vector<1x16xf32>,
      %mul3A_949 = arith.constant 1.562500e-02 : f32
      %mul3A_950 = vector.broadcast %mul3A_949 : f32 to vector<16xf32>
      %mul3A_951 = arith.mulf %scan3A_899#4, %mul3A_950 : vector<16xf32>
      %mul3A_952 = arith.constant 1 : i32
      %mul3A_953 = arith.muli %add3A_863, %mul3A_952 : i32
      %add3A_954 = arith.constant 0 : i32
      %add3A_955 = arith.addi %mul3A_953, %add3A_954 : i32
      %swap3A_956 = arith.index_cast %add3A_955 : i32 to index
      %swap3A_957 = arith.constant 64 : index
      %swap3A_958 = tpu.vector_load %arg14[%swap3A_956, %swap3A_957] {strides = array<i32>} : memref<128x128xf32, #tpu.memory_space<vmem>>, vector<1x16xf32>,
      %swap3A_959 = vector.shape_cast %swap3A_958 : vector<1x16xf32> to vector<16xf32>
      %swap3A_960 = vector.shape_cast %mul3A_951 : vector<16xf32> to vector<1x16xf32>
      tpu.vector_store %arg14[%swap3A_956, %swap3A_957], %swap3A_960 {strides = array<i32>} : memref<128x128xf32, #tpu.memory_space<vmem>>, vector<1x16xf32>,
      %mul3A_961 = arith.constant 1.562500e-02 : f32
      %mul3A_962 = vector.broadcast %mul3A_961 : f32 to vector<16xf32>
      %mul3A_963 = arith.mulf %scan3A_899#5, %mul3A_962 : vector<16xf32>
      %mul3A_964 = arith.constant 1 : i32
      %mul3A_965 = arith.muli %add3A_863, %mul3A_964 : i32
      %add3A_966 = arith.constant 0 : i32
      %add3A_967 = arith.addi %mul3A_965, %add3A_966 : i32
      %swap3A_968 = arith.index_cast %add3A_967 : i32 to index
      %swap3A_969 = arith.constant 80 : index
      %swap3A_970 = tpu.vector_load %arg14[%swap3A_968, %swap3A_969] {strides = array<i32>} : memref<128x128xf32, #tpu.memory_space<vmem>>, vector<1x16xf32>,
      %swap3A_971 = vector.shape_cast %swap3A_970 : vector<1x16xf32> to vector<16xf32>
      %swap3A_972 = vector.shape_cast %mul3A_963 : vector<16xf32> to vector<1x16xf32>
      tpu.vector_store %arg14[%swap3A_968, %swap3A_969], %swap3A_972 {strides = array<i32>} : memref<128x128xf32, #tpu.memory_space<vmem>>, vector<1x16xf32>,
      %mul3A_973 = arith.constant 1.562500e-02 : f32
      %mul3A_974 = vector.broadcast %mul3A_973 : f32 to vector<16xf32>
      %mul3A_975 = arith.mulf %scan3A_899#6, %mul3A_974 : vector<16xf32>
      %mul3A_976 = arith.constant 1 : i32
      %mul3A_977 = arith.muli %add3A_863, %mul3A_976 : i32
      %add3A_978 = arith.constant 0 : i32
      %add3A_979 = arith.addi %mul3A_977, %add3A_978 : i32
      %swap3A_980 = arith.index_cast %add3A_979 : i32 to index
      %swap3A_981 = arith.constant 96 : index
      %swap3A_982 = tpu.vector_load %arg14[%swap3A_980, %swap3A_981] {strides = array<i32>} : memref<128x128xf32, #tpu.memory_space<vmem>>, vector<1x16xf32>,
      %swap3A_983 = vector.shape_cast %swap3A_982 : vector<1x16xf32> to vector<16xf32>
      %swap3A_984 = vector.shape_cast %mul3A_975 : vector<16xf32> to vector<1x16xf32>
      tpu.vector_store %arg14[%swap3A_980, %swap3A_981], %swap3A_984 {strides = array<i32>} : memref<128x128xf32, #tpu.memory_space<vmem>>, vector<1x16xf32>,
      %mul3A_985 = arith.constant 1.562500e-02 : f32
      %mul3A_986 = vector.broadcast %mul3A_985 : f32 to vector<16xf32>
      %mul3A_987 = arith.mulf %scan3A_899#7, %mul3A_986 : vector<16xf32>
      %mul3A_988 = arith.constant 1 : i32
      %mul3A_989 = arith.muli %add3A_863, %mul3A_988 : i32
      %add3A_990 = arith.constant 0 : i32
      %add3A_991 = arith.addi %mul3A_989, %add3A_990 : i32
      %swap3A_992 = arith.index_cast %add3A_991 : i32 to index
      %swap3A_993 = arith.constant 112 : index
      %swap3A_994 = tpu.vector_load %arg14[%swap3A_992, %swap3A_993] {strides = array<i32>} : memref<128x128xf32, #tpu.memory_space<vmem>>, vector<1x16xf32>,
      %swap3A_995 = vector.shape_cast %swap3A_994 : vector<1x16xf32> to vector<16xf32>
      %swap3A_996 = vector.shape_cast %mul3A_987 : vector<16xf32> to vector<1x16xf32>
      tpu.vector_store %arg14[%swap3A_992, %swap3A_993], %swap3A_996 {strides = array<i32>} : memref<128x128xf32, #tpu.memory_space<vmem>>, vector<1x16xf32>,
      %add3A_997 = arith.constant 7 : i32
      %add3A_998 = arith.addi %mul3A_58, %add3A_997 : i32
      %add3A_999 = arith.constant 8 : i32
      %add3A_1000 = arith.addi %add3A_998, %add3A_999 : i32
      %sub3A_1001 = arith.constant 1 : i32
      %sub3A_1002 = arith.subi %add3A_1000, %sub3A_1001 : i32
      %lt3A_1003 = arith.constant 128 : i32
      %lt3A_1004 = arith.cmpi slt, %sub3A_1002, %lt3A_1003 : i32
      %convert_element_type3A_1005 = arith.extui %lt3A_1004 : i1 to i32
      %cond3A_1006 = arith.constant 0 : i32
      %cond3A_1007 = arith.cmpi ne, %convert_element_type3A_1005, %cond3A_1006 : i32
      scf.if %cond3A_1007 {
        %dma_start3A_1132 = arith.constant 0 : i32
        %dma_start3A_1133 = tpu.memref_slice %arg5[%sub3A_1002, %dma_start3A_1132] : memref<128x64xi32, #tpu.memory_space<vmem>> -> memref<1x64xi32, #tpu.memory_space<vmem>>
        %dma_start3A_1134 = tpu.memref_squeeze %dma_start3A_1133 : memref<1x64xi32, #tpu.memory_space<vmem>> -> memref<64xi32, #tpu.memory_space<vmem>>
        %dma_start3A_1135 = arith.constant 0 : i32
        %dma_start3A_1136 = arith.constant 0 : i32
        %dma_start3A_1137 = tpu.memref_slice %arg2[%dma_start3A_1135, %dma_start3A_1136] : memref<100000x128xf32, #tpu.memory_space<hbm>> -> memref<100000x128xf32, #tpu.memory_space<hbm>>
        tpu.enqueue_indirect_dma source(%dma_start3A_1137 : memref<100000x128xf32, #tpu.memory_space<hbm>>) target(%arg12 : memref<64x128xf32, #tpu.memory_space<vmem>>) offsets(%dma_start3A_1134 : memref<64xi32, #tpu.memory_space<vmem>>) semaphore(%arg21 : memref<!tpu.dma_semaphore, #tpu.memory_space<semaphore_mem>>)
      } else {
      }
      %dma_wait3A_1008 = arith.constant 0 : i32
      %dma_wait3A_1009 = tpu.memref_slice %arg5[%add3A_998, %dma_wait3A_1008] : memref<128x64xi32, #tpu.memory_space<vmem>> -> memref<1x64xi32, #tpu.memory_space<vmem>>
      %dma_wait3A_1010 = tpu.memref_squeeze %dma_wait3A_1009 : memref<1x64xi32, #tpu.memory_space<vmem>> -> memref<64xi32, #tpu.memory_space<vmem>>
      %dma_wait3A_1011 = arith.constant 0 : i32
      %dma_wait3A_1012 = arith.constant 0 : i32
      %dma_wait3A_1013 = tpu.memref_slice %arg2[%dma_wait3A_1011, %dma_wait3A_1012] : memref<100000x128xf32, #tpu.memory_space<hbm>> -> memref<100000x128xf32, #tpu.memory_space<hbm>>
      tpu.wait_indirect_dma semaphore(%arg22 : memref<!tpu.dma_semaphore, #tpu.memory_space<semaphore_mem>>) src(%dma_wait3A_1013 : memref<100000x128xf32, #tpu.memory_space<hbm>>) dst(%arg13 : memref<64x128xf32, #tpu.memory_space<vmem>>)
      %broadcast_in_dim3A_1014 = arith.constant 0.000000e+00 : f32
      %broadcast_in_dim3A_1015 = vector.broadcast %broadcast_in_dim3A_1014 : f32 to vector<16xf32>
      %broadcast_in_dim3A_1016 = arith.constant 0.000000e+00 : f32
      %broadcast_in_dim3A_1017 = vector.broadcast %broadcast_in_dim3A_1016 : f32 to vector<16xf32>
      %broadcast_in_dim3A_1018 = arith.constant 0.000000e+00 : f32
      %broadcast_in_dim3A_1019 = vector.broadcast %broadcast_in_dim3A_1018 : f32 to vector<16xf32>
      %broadcast_in_dim3A_1020 = arith.constant 0.000000e+00 : f32
      %broadcast_in_dim3A_1021 = vector.broadcast %broadcast_in_dim3A_1020 : f32 to vector<16xf32>
      %broadcast_in_dim3A_1022 = arith.constant 0.000000e+00 : f32
      %broadcast_in_dim3A_1023 = vector.broadcast %broadcast_in_dim3A_1022 : f32 to vector<16xf32>
      %broadcast_in_dim3A_1024 = arith.constant 0.000000e+00 : f32
      %broadcast_in_dim3A_1025 = vector.broadcast %broadcast_in_dim3A_1024 : f32 to vector<16xf32>
      %broadcast_in_dim3A_1026 = arith.constant 0.000000e+00 : f32
      %broadcast_in_dim3A_1027 = vector.broadcast %broadcast_in_dim3A_1026 : f32 to vector<16xf32>
      %broadcast_in_dim3A_1028 = arith.constant 0.000000e+00 : f32
      %broadcast_in_dim3A_1029 = vector.broadcast %broadcast_in_dim3A_1028 : f32 to vector<16xf32>
      %scan3A_1030 = arith.constant 0 : i32
      %scan3A_1031 = arith.constant 8 : i32
      %scan3A_1032 = arith.addi %scan3A_1030, %scan3A_1031 : i32
      %scan3A_1033 = arith.constant 1 : i32
      %scan3A_1034:8 = scf.for %scan3A_1132 = %scan3A_1030 to %scan3A_1032 step %scan3A_1033 iter_args(%scan3A_1133 = %broadcast_in_dim3A_1015, %scan3A_1134 = %broadcast_in_dim3A_1017, %scan3A_1135 = %broadcast_in_dim3A_1019, %scan3A_1136 = %broadcast_in_dim3A_1021, %scan3A_1137 = %broadcast_in_dim3A_1023, %scan3A_1138 = %broadcast_in_dim3A_1025, %scan3A_1139 = %broadcast_in_dim3A_1027, %scan3A_1140 = %broadcast_in_dim3A_1029) -> (vector<16xf32>, vector<16xf32>, vector<16xf32>, vector<16xf32>, vector<16xf32>, vector<16xf32>, vector<16xf32>, vector<16xf32>)  : i32 {
        %mul3A_1141 = arith.constant 8 : i32
        %mul3A_1142 = arith.muli %scan3A_1132, %mul3A_1141 : i32
        %add3A_1143 = arith.constant 0 : i32
        %add3A_1144 = arith.addi %add3A_1143, %mul3A_1142 : i32
        %add3A_1145 = arith.constant 0 : i32
        %add3A_1146 = arith.addi %add3A_1144, %add3A_1145 : i32
        %get3A = arith.index_cast %add3A_1146 : i32 to index
        %get3A_1147 = arith.constant 0 : index
        %get3A_1148 = tpu.vector_load %arg13[%get3A, %get3A_1147] {strides = array<i32>} : memref<64x128xf32, #tpu.memory_space<vmem>>, vector<1x16xf32>,
        %get3A_1149 = vector.shape_cast %get3A_1148 : vector<1x16xf32> to vector<16xf32>
        %add3A_1150 = arith.addf %scan3A_1133, %get3A_1149 : vector<16xf32>
        %get3A_1151 = arith.index_cast %add3A_1146 : i32 to index
        %get3A_1152 = arith.constant 16 : index
        %get3A_1153 = tpu.vector_load %arg13[%get3A_1151, %get3A_1152] {strides = array<i32>} : memref<64x128xf32, #tpu.memory_space<vmem>>, vector<1x16xf32>,
        %get3A_1154 = vector.shape_cast %get3A_1153 : vector<1x16xf32> to vector<16xf32>
        %add3A_1155 = arith.addf %scan3A_1134, %get3A_1154 : vector<16xf32>
        %get3A_1156 = arith.index_cast %add3A_1146 : i32 to index
        %get3A_1157 = arith.constant 32 : index
        %get3A_1158 = tpu.vector_load %arg13[%get3A_1156, %get3A_1157] {strides = array<i32>} : memref<64x128xf32, #tpu.memory_space<vmem>>, vector<1x16xf32>,
        %get3A_1159 = vector.shape_cast %get3A_1158 : vector<1x16xf32> to vector<16xf32>
        %add3A_1160 = arith.addf %scan3A_1135, %get3A_1159 : vector<16xf32>
        %get3A_1161 = arith.index_cast %add3A_1146 : i32 to index
        %get3A_1162 = arith.constant 48 : index
        %get3A_1163 = tpu.vector_load %arg13[%get3A_1161, %get3A_1162] {strides = array<i32>} : memref<64x128xf32, #tpu.memory_space<vmem>>, vector<1x16xf32>,
        %get3A_1164 = vector.shape_cast %get3A_1163 : vector<1x16xf32> to vector<16xf32>
        %add3A_1165 = arith.addf %scan3A_1136, %get3A_1164 : vector<16xf32>
        %get3A_1166 = arith.index_cast %add3A_1146 : i32 to index
        %get3A_1167 = arith.constant 64 : index
        %get3A_1168 = tpu.vector_load %arg13[%get3A_1166, %get3A_1167] {strides = array<i32>} : memref<64x128xf32, #tpu.memory_space<vmem>>, vector<1x16xf32>,
        %get3A_1169 = vector.shape_cast %get3A_1168 : vector<1x16xf32> to vector<16xf32>
        %add3A_1170 = arith.addf %scan3A_1137, %get3A_1169 : vector<16xf32>
        %get3A_1171 = arith.index_cast %add3A_1146 : i32 to index
        %get3A_1172 = arith.constant 80 : index
        %get3A_1173 = tpu.vector_load %arg13[%get3A_1171, %get3A_1172] {strides = array<i32>} : memref<64x128xf32, #tpu.memory_space<vmem>>, vector<1x16xf32>,
        %get3A_1174 = vector.shape_cast %get3A_1173 : vector<1x16xf32> to vector<16xf32>
        %add3A_1175 = arith.addf %scan3A_1138, %get3A_1174 : vector<16xf32>
        %get3A_1176 = arith.index_cast %add3A_1146 : i32 to index
        %get3A_1177 = arith.constant 96 : index
        %get3A_1178 = tpu.vector_load %arg13[%get3A_1176, %get3A_1177] {strides = array<i32>} : memref<64x128xf32, #tpu.memory_space<vmem>>, vector<1x16xf32>,
        %get3A_1179 = vector.shape_cast %get3A_1178 : vector<1x16xf32> to vector<16xf32>
        %add3A_1180 = arith.addf %scan3A_1139, %get3A_1179 : vector<16xf32>
        %get3A_1181 = arith.index_cast %add3A_1146 : i32 to index
        %get3A_1182 = arith.constant 112 : index
        %get3A_1183 = tpu.vector_load %arg13[%get3A_1181, %get3A_1182] {strides = array<i32>} : memref<64x128xf32, #tpu.memory_space<vmem>>, vector<1x16xf32>,
        %get3A_1184 = vector.shape_cast %get3A_1183 : vector<1x16xf32> to vector<16xf32>
        %add3A_1185 = arith.addf %scan3A_1140, %get3A_1184 : vector<16xf32>
        %mul3A_1186 = arith.constant 8 : i32
        %mul3A_1187 = arith.muli %scan3A_1132, %mul3A_1186 : i32
        %add3A_1188 = arith.constant 0 : i32
        %add3A_1189 = arith.addi %add3A_1188, %mul3A_1187 : i32
        %add3A_1190 = arith.constant 1 : i32
        %add3A_1191 = arith.addi %add3A_1189, %add3A_1190 : i32
        %get3A_1192 = arith.index_cast %add3A_1191 : i32 to index
        %get3A_1193 = arith.constant 0 : index
        %get3A_1194 = tpu.vector_load %arg13[%get3A_1192, %get3A_1193] {strides = array<i32>} : memref<64x128xf32, #tpu.memory_space<vmem>>, vector<1x16xf32>,
        %get3A_1195 = vector.shape_cast %get3A_1194 : vector<1x16xf32> to vector<16xf32>
        %add3A_1196 = arith.addf %add3A_1150, %get3A_1195 : vector<16xf32>
        %get3A_1197 = arith.index_cast %add3A_1191 : i32 to index
        %get3A_1198 = arith.constant 16 : index
        %get3A_1199 = tpu.vector_load %arg13[%get3A_1197, %get3A_1198] {strides = array<i32>} : memref<64x128xf32, #tpu.memory_space<vmem>>, vector<1x16xf32>,
        %get3A_1200 = vector.shape_cast %get3A_1199 : vector<1x16xf32> to vector<16xf32>
        %add3A_1201 = arith.addf %add3A_1155, %get3A_1200 : vector<16xf32>
        %get3A_1202 = arith.index_cast %add3A_1191 : i32 to index
        %get3A_1203 = arith.constant 32 : index
        %get3A_1204 = tpu.vector_load %arg13[%get3A_1202, %get3A_1203] {strides = array<i32>} : memref<64x128xf32, #tpu.memory_space<vmem>>, vector<1x16xf32>,
        %get3A_1205 = vector.shape_cast %get3A_1204 : vector<1x16xf32> to vector<16xf32>
        %add3A_1206 = arith.addf %add3A_1160, %get3A_1205 : vector<16xf32>
        %get3A_1207 = arith.index_cast %add3A_1191 : i32 to index
        %get3A_1208 = arith.constant 48 : index
        %get3A_1209 = tpu.vector_load %arg13[%get3A_1207, %get3A_1208] {strides = array<i32>} : memref<64x128xf32, #tpu.memory_space<vmem>>, vector<1x16xf32>,
        %get3A_1210 = vector.shape_cast %get3A_1209 : vector<1x16xf32> to vector<16xf32>
        %add3A_1211 = arith.addf %add3A_1165, %get3A_1210 : vector<16xf32>
        %get3A_1212 = arith.index_cast %add3A_1191 : i32 to index
        %get3A_1213 = arith.constant 64 : index
        %get3A_1214 = tpu.vector_load %arg13[%get3A_1212, %get3A_1213] {strides = array<i32>} : memref<64x128xf32, #tpu.memory_space<vmem>>, vector<1x16xf32>,
        %get3A_1215 = vector.shape_cast %get3A_1214 : vector<1x16xf32> to vector<16xf32>
        %add3A_1216 = arith.addf %add3A_1170, %get3A_1215 : vector<16xf32>
        %get3A_1217 = arith.index_cast %add3A_1191 : i32 to index
        %get3A_1218 = arith.constant 80 : index
        %get3A_1219 = tpu.vector_load %arg13[%get3A_1217, %get3A_1218] {strides = array<i32>} : memref<64x128xf32, #tpu.memory_space<vmem>>, vector<1x16xf32>,
        %get3A_1220 = vector.shape_cast %get3A_1219 : vector<1x16xf32> to vector<16xf32>
        %add3A_1221 = arith.addf %add3A_1175, %get3A_1220 : vector<16xf32>
        %get3A_1222 = arith.index_cast %add3A_1191 : i32 to index
        %get3A_1223 = arith.constant 96 : index
        %get3A_1224 = tpu.vector_load %arg13[%get3A_1222, %get3A_1223] {strides = array<i32>} : memref<64x128xf32, #tpu.memory_space<vmem>>, vector<1x16xf32>,
        %get3A_1225 = vector.shape_cast %get3A_1224 : vector<1x16xf32> to vector<16xf32>
        %add3A_1226 = arith.addf %add3A_1180, %get3A_1225 : vector<16xf32>
        %get3A_1227 = arith.index_cast %add3A_1191 : i32 to index
        %get3A_1228 = arith.constant 112 : index
        %get3A_1229 = tpu.vector_load %arg13[%get3A_1227, %get3A_1228] {strides = array<i32>} : memref<64x128xf32, #tpu.memory_space<vmem>>, vector<1x16xf32>,
        %get3A_1230 = vector.shape_cast %get3A_1229 : vector<1x16xf32> to vector<16xf32>
        %add3A_1231 = arith.addf %add3A_1185, %get3A_1230 : vector<16xf32>
        %mul3A_1232 = arith.constant 8 : i32
        %mul3A_1233 = arith.muli %scan3A_1132, %mul3A_1232 : i32
        %add3A_1234 = arith.constant 0 : i32
        %add3A_1235 = arith.addi %add3A_1234, %mul3A_1233 : i32
        %add3A_1236 = arith.constant 2 : i32
        %add3A_1237 = arith.addi %add3A_1235, %add3A_1236 : i32
        %get3A_1238 = arith.index_cast %add3A_1237 : i32 to index
        %get3A_1239 = arith.constant 0 : index
        %get3A_1240 = tpu.vector_load %arg13[%get3A_1238, %get3A_1239] {strides = array<i32>} : memref<64x128xf32, #tpu.memory_space<vmem>>, vector<1x16xf32>,
        %get3A_1241 = vector.shape_cast %get3A_1240 : vector<1x16xf32> to vector<16xf32>
        %add3A_1242 = arith.addf %add3A_1196, %get3A_1241 : vector<16xf32>
        %get3A_1243 = arith.index_cast %add3A_1237 : i32 to index
        %get3A_1244 = arith.constant 16 : index
        %get3A_1245 = tpu.vector_load %arg13[%get3A_1243, %get3A_1244] {strides = array<i32>} : memref<64x128xf32, #tpu.memory_space<vmem>>, vector<1x16xf32>,
        %get3A_1246 = vector.shape_cast %get3A_1245 : vector<1x16xf32> to vector<16xf32>
        %add3A_1247 = arith.addf %add3A_1201, %get3A_1246 : vector<16xf32>
        %get3A_1248 = arith.index_cast %add3A_1237 : i32 to index
        %get3A_1249 = arith.constant 32 : index
        %get3A_1250 = tpu.vector_load %arg13[%get3A_1248, %get3A_1249] {strides = array<i32>} : memref<64x128xf32, #tpu.memory_space<vmem>>, vector<1x16xf32>,
        %get3A_1251 = vector.shape_cast %get3A_1250 : vector<1x16xf32> to vector<16xf32>
        %add3A_1252 = arith.addf %add3A_1206, %get3A_1251 : vector<16xf32>
        %get3A_1253 = arith.index_cast %add3A_1237 : i32 to index
        %get3A_1254 = arith.constant 48 : index
        %get3A_1255 = tpu.vector_load %arg13[%get3A_1253, %get3A_1254] {strides = array<i32>} : memref<64x128xf32, #tpu.memory_space<vmem>>, vector<1x16xf32>,
        %get3A_1256 = vector.shape_cast %get3A_1255 : vector<1x16xf32> to vector<16xf32>
        %add3A_1257 = arith.addf %add3A_1211, %get3A_1256 : vector<16xf32>
        %get3A_1258 = arith.index_cast %add3A_1237 : i32 to index
        %get3A_1259 = arith.constant 64 : index
        %get3A_1260 = tpu.vector_load %arg13[%get3A_1258, %get3A_1259] {strides = array<i32>} : memref<64x128xf32, #tpu.memory_space<vmem>>, vector<1x16xf32>,
        %get3A_1261 = vector.shape_cast %get3A_1260 : vector<1x16xf32> to vector<16xf32>
        %add3A_1262 = arith.addf %add3A_1216, %get3A_1261 : vector<16xf32>
        %get3A_1263 = arith.index_cast %add3A_1237 : i32 to index
        %get3A_1264 = arith.constant 80 : index
        %get3A_1265 = tpu.vector_load %arg13[%get3A_1263, %get3A_1264] {strides = array<i32>} : memref<64x128xf32, #tpu.memory_space<vmem>>, vector<1x16xf32>,
        %get3A_1266 = vector.shape_cast %get3A_1265 : vector<1x16xf32> to vector<16xf32>
        %add3A_1267 = arith.addf %add3A_1221, %get3A_1266 : vector<16xf32>
        %get3A_1268 = arith.index_cast %add3A_1237 : i32 to index
        %get3A_1269 = arith.constant 96 : index
        %get3A_1270 = tpu.vector_load %arg13[%get3A_1268, %get3A_1269] {strides = array<i32>} : memref<64x128xf32, #tpu.memory_space<vmem>>, vector<1x16xf32>,
        %get3A_1271 = vector.shape_cast %get3A_1270 : vector<1x16xf32> to vector<16xf32>
        %add3A_1272 = arith.addf %add3A_1226, %get3A_1271 : vector<16xf32>
        %get3A_1273 = arith.index_cast %add3A_1237 : i32 to index
        %get3A_1274 = arith.constant 112 : index
        %get3A_1275 = tpu.vector_load %arg13[%get3A_1273, %get3A_1274] {strides = array<i32>} : memref<64x128xf32, #tpu.memory_space<vmem>>, vector<1x16xf32>,
        %get3A_1276 = vector.shape_cast %get3A_1275 : vector<1x16xf32> to vector<16xf32>
        %add3A_1277 = arith.addf %add3A_1231, %get3A_1276 : vector<16xf32>
        %mul3A_1278 = arith.constant 8 : i32
        %mul3A_1279 = arith.muli %scan3A_1132, %mul3A_1278 : i32
        %add3A_1280 = arith.constant 0 : i32
        %add3A_1281 = arith.addi %add3A_1280, %mul3A_1279 : i32
        %add3A_1282 = arith.constant 3 : i32
        %add3A_1283 = arith.addi %add3A_1281, %add3A_1282 : i32
        %get3A_1284 = arith.index_cast %add3A_1283 : i32 to index
        %get3A_1285 = arith.constant 0 : index
        %get3A_1286 = tpu.vector_load %arg13[%get3A_1284, %get3A_1285] {strides = array<i32>} : memref<64x128xf32, #tpu.memory_space<vmem>>, vector<1x16xf32>,
        %get3A_1287 = vector.shape_cast %get3A_1286 : vector<1x16xf32> to vector<16xf32>
        %add3A_1288 = arith.addf %add3A_1242, %get3A_1287 : vector<16xf32>
        %get3A_1289 = arith.index_cast %add3A_1283 : i32 to index
        %get3A_1290 = arith.constant 16 : index
        %get3A_1291 = tpu.vector_load %arg13[%get3A_1289, %get3A_1290] {strides = array<i32>} : memref<64x128xf32, #tpu.memory_space<vmem>>, vector<1x16xf32>,
        %get3A_1292 = vector.shape_cast %get3A_1291 : vector<1x16xf32> to vector<16xf32>
        %add3A_1293 = arith.addf %add3A_1247, %get3A_1292 : vector<16xf32>
        %get3A_1294 = arith.index_cast %add3A_1283 : i32 to index
        %get3A_1295 = arith.constant 32 : index
        %get3A_1296 = tpu.vector_load %arg13[%get3A_1294, %get3A_1295] {strides = array<i32>} : memref<64x128xf32, #tpu.memory_space<vmem>>, vector<1x16xf32>,
        %get3A_1297 = vector.shape_cast %get3A_1296 : vector<1x16xf32> to vector<16xf32>
        %add3A_1298 = arith.addf %add3A_1252, %get3A_1297 : vector<16xf32>
        %get3A_1299 = arith.index_cast %add3A_1283 : i32 to index
        %get3A_1300 = arith.constant 48 : index
        %get3A_1301 = tpu.vector_load %arg13[%get3A_1299, %get3A_1300] {strides = array<i32>} : memref<64x128xf32, #tpu.memory_space<vmem>>, vector<1x16xf32>,
        %get3A_1302 = vector.shape_cast %get3A_1301 : vector<1x16xf32> to vector<16xf32>
        %add3A_1303 = arith.addf %add3A_1257, %get3A_1302 : vector<16xf32>
        %get3A_1304 = arith.index_cast %add3A_1283 : i32 to index
        %get3A_1305 = arith.constant 64 : index
        %get3A_1306 = tpu.vector_load %arg13[%get3A_1304, %get3A_1305] {strides = array<i32>} : memref<64x128xf32, #tpu.memory_space<vmem>>, vector<1x16xf32>,
        %get3A_1307 = vector.shape_cast %get3A_1306 : vector<1x16xf32> to vector<16xf32>
        %add3A_1308 = arith.addf %add3A_1262, %get3A_1307 : vector<16xf32>
        %get3A_1309 = arith.index_cast %add3A_1283 : i32 to index
        %get3A_1310 = arith.constant 80 : index
        %get3A_1311 = tpu.vector_load %arg13[%get3A_1309, %get3A_1310] {strides = array<i32>} : memref<64x128xf32, #tpu.memory_space<vmem>>, vector<1x16xf32>,
        %get3A_1312 = vector.shape_cast %get3A_1311 : vector<1x16xf32> to vector<16xf32>
        %add3A_1313 = arith.addf %add3A_1267, %get3A_1312 : vector<16xf32>
        %get3A_1314 = arith.index_cast %add3A_1283 : i32 to index
        %get3A_1315 = arith.constant 96 : index
        %get3A_1316 = tpu.vector_load %arg13[%get3A_1314, %get3A_1315] {strides = array<i32>} : memref<64x128xf32, #tpu.memory_space<vmem>>, vector<1x16xf32>,
        %get3A_1317 = vector.shape_cast %get3A_1316 : vector<1x16xf32> to vector<16xf32>
        %add3A_1318 = arith.addf %add3A_1272, %get3A_1317 : vector<16xf32>
        %get3A_1319 = arith.index_cast %add3A_1283 : i32 to index
        %get3A_1320 = arith.constant 112 : index
        %get3A_1321 = tpu.vector_load %arg13[%get3A_1319, %get3A_1320] {strides = array<i32>} : memref<64x128xf32, #tpu.memory_space<vmem>>, vector<1x16xf32>,
        %get3A_1322 = vector.shape_cast %get3A_1321 : vector<1x16xf32> to vector<16xf32>
        %add3A_1323 = arith.addf %add3A_1277, %get3A_1322 : vector<16xf32>
        %mul3A_1324 = arith.constant 8 : i32
        %mul3A_1325 = arith.muli %scan3A_1132, %mul3A_1324 : i32
        %add3A_1326 = arith.constant 0 : i32
        %add3A_1327 = arith.addi %add3A_1326, %mul3A_1325 : i32
        %add3A_1328 = arith.constant 4 : i32
        %add3A_1329 = arith.addi %add3A_1327, %add3A_1328 : i32
        %get3A_1330 = arith.index_cast %add3A_1329 : i32 to index
        %get3A_1331 = arith.constant 0 : index
        %get3A_1332 = tpu.vector_load %arg13[%get3A_1330, %get3A_1331] {strides = array<i32>} : memref<64x128xf32, #tpu.memory_space<vmem>>, vector<1x16xf32>,
        %get3A_1333 = vector.shape_cast %get3A_1332 : vector<1x16xf32> to vector<16xf32>
        %add3A_1334 = arith.addf %add3A_1288, %get3A_1333 : vector<16xf32>
        %get3A_1335 = arith.index_cast %add3A_1329 : i32 to index
        %get3A_1336 = arith.constant 16 : index
        %get3A_1337 = tpu.vector_load %arg13[%get3A_1335, %get3A_1336] {strides = array<i32>} : memref<64x128xf32, #tpu.memory_space<vmem>>, vector<1x16xf32>,
        %get3A_1338 = vector.shape_cast %get3A_1337 : vector<1x16xf32> to vector<16xf32>
        %add3A_1339 = arith.addf %add3A_1293, %get3A_1338 : vector<16xf32>
        %get3A_1340 = arith.index_cast %add3A_1329 : i32 to index
        %get3A_1341 = arith.constant 32 : index
        %get3A_1342 = tpu.vector_load %arg13[%get3A_1340, %get3A_1341] {strides = array<i32>} : memref<64x128xf32, #tpu.memory_space<vmem>>, vector<1x16xf32>,
        %get3A_1343 = vector.shape_cast %get3A_1342 : vector<1x16xf32> to vector<16xf32>
        %add3A_1344 = arith.addf %add3A_1298, %get3A_1343 : vector<16xf32>
        %get3A_1345 = arith.index_cast %add3A_1329 : i32 to index
        %get3A_1346 = arith.constant 48 : index
        %get3A_1347 = tpu.vector_load %arg13[%get3A_1345, %get3A_1346] {strides = array<i32>} : memref<64x128xf32, #tpu.memory_space<vmem>>, vector<1x16xf32>,
        %get3A_1348 = vector.shape_cast %get3A_1347 : vector<1x16xf32> to vector<16xf32>
        %add3A_1349 = arith.addf %add3A_1303, %get3A_1348 : vector<16xf32>
        %get3A_1350 = arith.index_cast %add3A_1329 : i32 to index
        %get3A_1351 = arith.constant 64 : index
        %get3A_1352 = tpu.vector_load %arg13[%get3A_1350, %get3A_1351] {strides = array<i32>} : memref<64x128xf32, #tpu.memory_space<vmem>>, vector<1x16xf32>,
        %get3A_1353 = vector.shape_cast %get3A_1352 : vector<1x16xf32> to vector<16xf32>
        %add3A_1354 = arith.addf %add3A_1308, %get3A_1353 : vector<16xf32>
        %get3A_1355 = arith.index_cast %add3A_1329 : i32 to index
        %get3A_1356 = arith.constant 80 : index
        %get3A_1357 = tpu.vector_load %arg13[%get3A_1355, %get3A_1356] {strides = array<i32>} : memref<64x128xf32, #tpu.memory_space<vmem>>, vector<1x16xf32>,
        %get3A_1358 = vector.shape_cast %get3A_1357 : vector<1x16xf32> to vector<16xf32>
        %add3A_1359 = arith.addf %add3A_1313, %get3A_1358 : vector<16xf32>
        %get3A_1360 = arith.index_cast %add3A_1329 : i32 to index
        %get3A_1361 = arith.constant 96 : index
        %get3A_1362 = tpu.vector_load %arg13[%get3A_1360, %get3A_1361] {strides = array<i32>} : memref<64x128xf32, #tpu.memory_space<vmem>>, vector<1x16xf32>,
        %get3A_1363 = vector.shape_cast %get3A_1362 : vector<1x16xf32> to vector<16xf32>
        %add3A_1364 = arith.addf %add3A_1318, %get3A_1363 : vector<16xf32>
        %get3A_1365 = arith.index_cast %add3A_1329 : i32 to index
        %get3A_1366 = arith.constant 112 : index
        %get3A_1367 = tpu.vector_load %arg13[%get3A_1365, %get3A_1366] {strides = array<i32>} : memref<64x128xf32, #tpu.memory_space<vmem>>, vector<1x16xf32>,
        %get3A_1368 = vector.shape_cast %get3A_1367 : vector<1x16xf32> to vector<16xf32>
        %add3A_1369 = arith.addf %add3A_1323, %get3A_1368 : vector<16xf32>
        %mul3A_1370 = arith.constant 8 : i32
        %mul3A_1371 = arith.muli %scan3A_1132, %mul3A_1370 : i32
        %add3A_1372 = arith.constant 0 : i32
        %add3A_1373 = arith.addi %add3A_1372, %mul3A_1371 : i32
        %add3A_1374 = arith.constant 5 : i32
        %add3A_1375 = arith.addi %add3A_1373, %add3A_1374 : i32
        %get3A_1376 = arith.index_cast %add3A_1375 : i32 to index
        %get3A_1377 = arith.constant 0 : index
        %get3A_1378 = tpu.vector_load %arg13[%get3A_1376, %get3A_1377] {strides = array<i32>} : memref<64x128xf32, #tpu.memory_space<vmem>>, vector<1x16xf32>,
        %get3A_1379 = vector.shape_cast %get3A_1378 : vector<1x16xf32> to vector<16xf32>
        %add3A_1380 = arith.addf %add3A_1334, %get3A_1379 : vector<16xf32>
        %get3A_1381 = arith.index_cast %add3A_1375 : i32 to index
        %get3A_1382 = arith.constant 16 : index
        %get3A_1383 = tpu.vector_load %arg13[%get3A_1381, %get3A_1382] {strides = array<i32>} : memref<64x128xf32, #tpu.memory_space<vmem>>, vector<1x16xf32>,
        %get3A_1384 = vector.shape_cast %get3A_1383 : vector<1x16xf32> to vector<16xf32>
        %add3A_1385 = arith.addf %add3A_1339, %get3A_1384 : vector<16xf32>
        %get3A_1386 = arith.index_cast %add3A_1375 : i32 to index
        %get3A_1387 = arith.constant 32 : index
        %get3A_1388 = tpu.vector_load %arg13[%get3A_1386, %get3A_1387] {strides = array<i32>} : memref<64x128xf32, #tpu.memory_space<vmem>>, vector<1x16xf32>,
        %get3A_1389 = vector.shape_cast %get3A_1388 : vector<1x16xf32> to vector<16xf32>
        %add3A_1390 = arith.addf %add3A_1344, %get3A_1389 : vector<16xf32>
        %get3A_1391 = arith.index_cast %add3A_1375 : i32 to index
        %get3A_1392 = arith.constant 48 : index
        %get3A_1393 = tpu.vector_load %arg13[%get3A_1391, %get3A_1392] {strides = array<i32>} : memref<64x128xf32, #tpu.memory_space<vmem>>, vector<1x16xf32>,
        %get3A_1394 = vector.shape_cast %get3A_1393 : vector<1x16xf32> to vector<16xf32>
        %add3A_1395 = arith.addf %add3A_1349, %get3A_1394 : vector<16xf32>
        %get3A_1396 = arith.index_cast %add3A_1375 : i32 to index
        %get3A_1397 = arith.constant 64 : index
        %get3A_1398 = tpu.vector_load %arg13[%get3A_1396, %get3A_1397] {strides = array<i32>} : memref<64x128xf32, #tpu.memory_space<vmem>>, vector<1x16xf32>,
        %get3A_1399 = vector.shape_cast %get3A_1398 : vector<1x16xf32> to vector<16xf32>
        %add3A_1400 = arith.addf %add3A_1354, %get3A_1399 : vector<16xf32>
        %get3A_1401 = arith.index_cast %add3A_1375 : i32 to index
        %get3A_1402 = arith.constant 80 : index
        %get3A_1403 = tpu.vector_load %arg13[%get3A_1401, %get3A_1402] {strides = array<i32>} : memref<64x128xf32, #tpu.memory_space<vmem>>, vector<1x16xf32>,
        %get3A_1404 = vector.shape_cast %get3A_1403 : vector<1x16xf32> to vector<16xf32>
        %add3A_1405 = arith.addf %add3A_1359, %get3A_1404 : vector<16xf32>
        %get3A_1406 = arith.index_cast %add3A_1375 : i32 to index
        %get3A_1407 = arith.constant 96 : index
        %get3A_1408 = tpu.vector_load %arg13[%get3A_1406, %get3A_1407] {strides = array<i32>} : memref<64x128xf32, #tpu.memory_space<vmem>>, vector<1x16xf32>,
        %get3A_1409 = vector.shape_cast %get3A_1408 : vector<1x16xf32> to vector<16xf32>
        %add3A_1410 = arith.addf %add3A_1364, %get3A_1409 : vector<16xf32>
        %get3A_1411 = arith.index_cast %add3A_1375 : i32 to index
        %get3A_1412 = arith.constant 112 : index
        %get3A_1413 = tpu.vector_load %arg13[%get3A_1411, %get3A_1412] {strides = array<i32>} : memref<64x128xf32, #tpu.memory_space<vmem>>, vector<1x16xf32>,
        %get3A_1414 = vector.shape_cast %get3A_1413 : vector<1x16xf32> to vector<16xf32>
        %add3A_1415 = arith.addf %add3A_1369, %get3A_1414 : vector<16xf32>
        %mul3A_1416 = arith.constant 8 : i32
        %mul3A_1417 = arith.muli %scan3A_1132, %mul3A_1416 : i32
        %add3A_1418 = arith.constant 0 : i32
        %add3A_1419 = arith.addi %add3A_1418, %mul3A_1417 : i32
        %add3A_1420 = arith.constant 6 : i32
        %add3A_1421 = arith.addi %add3A_1419, %add3A_1420 : i32
        %get3A_1422 = arith.index_cast %add3A_1421 : i32 to index
        %get3A_1423 = arith.constant 0 : index
        %get3A_1424 = tpu.vector_load %arg13[%get3A_1422, %get3A_1423] {strides = array<i32>} : memref<64x128xf32, #tpu.memory_space<vmem>>, vector<1x16xf32>,
        %get3A_1425 = vector.shape_cast %get3A_1424 : vector<1x16xf32> to vector<16xf32>
        %add3A_1426 = arith.addf %add3A_1380, %get3A_1425 : vector<16xf32>
        %get3A_1427 = arith.index_cast %add3A_1421 : i32 to index
        %get3A_1428 = arith.constant 16 : index
        %get3A_1429 = tpu.vector_load %arg13[%get3A_1427, %get3A_1428] {strides = array<i32>} : memref<64x128xf32, #tpu.memory_space<vmem>>, vector<1x16xf32>,
        %get3A_1430 = vector.shape_cast %get3A_1429 : vector<1x16xf32> to vector<16xf32>
        %add3A_1431 = arith.addf %add3A_1385, %get3A_1430 : vector<16xf32>
        %get3A_1432 = arith.index_cast %add3A_1421 : i32 to index
        %get3A_1433 = arith.constant 32 : index
        %get3A_1434 = tpu.vector_load %arg13[%get3A_1432, %get3A_1433] {strides = array<i32>} : memref<64x128xf32, #tpu.memory_space<vmem>>, vector<1x16xf32>,
        %get3A_1435 = vector.shape_cast %get3A_1434 : vector<1x16xf32> to vector<16xf32>
        %add3A_1436 = arith.addf %add3A_1390, %get3A_1435 : vector<16xf32>
        %get3A_1437 = arith.index_cast %add3A_1421 : i32 to index
        %get3A_1438 = arith.constant 48 : index
        %get3A_1439 = tpu.vector_load %arg13[%get3A_1437, %get3A_1438] {strides = array<i32>} : memref<64x128xf32, #tpu.memory_space<vmem>>, vector<1x16xf32>,
        %get3A_1440 = vector.shape_cast %get3A_1439 : vector<1x16xf32> to vector<16xf32>
        %add3A_1441 = arith.addf %add3A_1395, %get3A_1440 : vector<16xf32>
        %get3A_1442 = arith.index_cast %add3A_1421 : i32 to index
        %get3A_1443 = arith.constant 64 : index
        %get3A_1444 = tpu.vector_load %arg13[%get3A_1442, %get3A_1443] {strides = array<i32>} : memref<64x128xf32, #tpu.memory_space<vmem>>, vector<1x16xf32>,
        %get3A_1445 = vector.shape_cast %get3A_1444 : vector<1x16xf32> to vector<16xf32>
        %add3A_1446 = arith.addf %add3A_1400, %get3A_1445 : vector<16xf32>
        %get3A_1447 = arith.index_cast %add3A_1421 : i32 to index
        %get3A_1448 = arith.constant 80 : index
        %get3A_1449 = tpu.vector_load %arg13[%get3A_1447, %get3A_1448] {strides = array<i32>} : memref<64x128xf32, #tpu.memory_space<vmem>>, vector<1x16xf32>,
        %get3A_1450 = vector.shape_cast %get3A_1449 : vector<1x16xf32> to vector<16xf32>
        %add3A_1451 = arith.addf %add3A_1405, %get3A_1450 : vector<16xf32>
        %get3A_1452 = arith.index_cast %add3A_1421 : i32 to index
        %get3A_1453 = arith.constant 96 : index
        %get3A_1454 = tpu.vector_load %arg13[%get3A_1452, %get3A_1453] {strides = array<i32>} : memref<64x128xf32, #tpu.memory_space<vmem>>, vector<1x16xf32>,
        %get3A_1455 = vector.shape_cast %get3A_1454 : vector<1x16xf32> to vector<16xf32>
        %add3A_1456 = arith.addf %add3A_1410, %get3A_1455 : vector<16xf32>
        %get3A_1457 = arith.index_cast %add3A_1421 : i32 to index
        %get3A_1458 = arith.constant 112 : index
        %get3A_1459 = tpu.vector_load %arg13[%get3A_1457, %get3A_1458] {strides = array<i32>} : memref<64x128xf32, #tpu.memory_space<vmem>>, vector<1x16xf32>,
        %get3A_1460 = vector.shape_cast %get3A_1459 : vector<1x16xf32> to vector<16xf32>
        %add3A_1461 = arith.addf %add3A_1415, %get3A_1460 : vector<16xf32>
        %mul3A_1462 = arith.constant 8 : i32
        %mul3A_1463 = arith.muli %scan3A_1132, %mul3A_1462 : i32
        %add3A_1464 = arith.constant 0 : i32
        %add3A_1465 = arith.addi %add3A_1464, %mul3A_1463 : i32
        %add3A_1466 = arith.constant 7 : i32
        %add3A_1467 = arith.addi %add3A_1465, %add3A_1466 : i32
        %get3A_1468 = arith.index_cast %add3A_1467 : i32 to index
        %get3A_1469 = arith.constant 0 : index
        %get3A_1470 = tpu.vector_load %arg13[%get3A_1468, %get3A_1469] {strides = array<i32>} : memref<64x128xf32, #tpu.memory_space<vmem>>, vector<1x16xf32>,
        %get3A_1471 = vector.shape_cast %get3A_1470 : vector<1x16xf32> to vector<16xf32>
        %add3A_1472 = arith.addf %add3A_1426, %get3A_1471 : vector<16xf32>
        %get3A_1473 = arith.index_cast %add3A_1467 : i32 to index
        %get3A_1474 = arith.constant 16 : index
        %get3A_1475 = tpu.vector_load %arg13[%get3A_1473, %get3A_1474] {strides = array<i32>} : memref<64x128xf32, #tpu.memory_space<vmem>>, vector<1x16xf32>,
        %get3A_1476 = vector.shape_cast %get3A_1475 : vector<1x16xf32> to vector<16xf32>
        %add3A_1477 = arith.addf %add3A_1431, %get3A_1476 : vector<16xf32>
        %get3A_1478 = arith.index_cast %add3A_1467 : i32 to index
        %get3A_1479 = arith.constant 32 : index
        %get3A_1480 = tpu.vector_load %arg13[%get3A_1478, %get3A_1479] {strides = array<i32>} : memref<64x128xf32, #tpu.memory_space<vmem>>, vector<1x16xf32>,
        %get3A_1481 = vector.shape_cast %get3A_1480 : vector<1x16xf32> to vector<16xf32>
        %add3A_1482 = arith.addf %add3A_1436, %get3A_1481 : vector<16xf32>
        %get3A_1483 = arith.index_cast %add3A_1467 : i32 to index
        %get3A_1484 = arith.constant 48 : index
        %get3A_1485 = tpu.vector_load %arg13[%get3A_1483, %get3A_1484] {strides = array<i32>} : memref<64x128xf32, #tpu.memory_space<vmem>>, vector<1x16xf32>,
        %get3A_1486 = vector.shape_cast %get3A_1485 : vector<1x16xf32> to vector<16xf32>
        %add3A_1487 = arith.addf %add3A_1441, %get3A_1486 : vector<16xf32>
        %get3A_1488 = arith.index_cast %add3A_1467 : i32 to index
        %get3A_1489 = arith.constant 64 : index
        %get3A_1490 = tpu.vector_load %arg13[%get3A_1488, %get3A_1489] {strides = array<i32>} : memref<64x128xf32, #tpu.memory_space<vmem>>, vector<1x16xf32>,
        %get3A_1491 = vector.shape_cast %get3A_1490 : vector<1x16xf32> to vector<16xf32>
        %add3A_1492 = arith.addf %add3A_1446, %get3A_1491 : vector<16xf32>
        %get3A_1493 = arith.index_cast %add3A_1467 : i32 to index
        %get3A_1494 = arith.constant 80 : index
        %get3A_1495 = tpu.vector_load %arg13[%get3A_1493, %get3A_1494] {strides = array<i32>} : memref<64x128xf32, #tpu.memory_space<vmem>>, vector<1x16xf32>,
        %get3A_1496 = vector.shape_cast %get3A_1495 : vector<1x16xf32> to vector<16xf32>
        %add3A_1497 = arith.addf %add3A_1451, %get3A_1496 : vector<16xf32>
        %get3A_1498 = arith.index_cast %add3A_1467 : i32 to index
        %get3A_1499 = arith.constant 96 : index
        %get3A_1500 = tpu.vector_load %arg13[%get3A_1498, %get3A_1499] {strides = array<i32>} : memref<64x128xf32, #tpu.memory_space<vmem>>, vector<1x16xf32>,
        %get3A_1501 = vector.shape_cast %get3A_1500 : vector<1x16xf32> to vector<16xf32>
        %add3A_1502 = arith.addf %add3A_1456, %get3A_1501 : vector<16xf32>
        %get3A_1503 = arith.index_cast %add3A_1467 : i32 to index
        %get3A_1504 = arith.constant 112 : index
        %get3A_1505 = tpu.vector_load %arg13[%get3A_1503, %get3A_1504] {strides = array<i32>} : memref<64x128xf32, #tpu.memory_space<vmem>>, vector<1x16xf32>,
        %get3A_1506 = vector.shape_cast %get3A_1505 : vector<1x16xf32> to vector<16xf32>
        %add3A_1507 = arith.addf %add3A_1461, %get3A_1506 : vector<16xf32>
        scf.yield %add3A_1472, %add3A_1477, %add3A_1482, %add3A_1487, %add3A_1492, %add3A_1497, %add3A_1502, %add3A_1507 : vector<16xf32>, vector<16xf32>, vector<16xf32>, vector<16xf32>, vector<16xf32>, vector<16xf32>, vector<16xf32>, vector<16xf32>
      }
      %scan3A_1035 = arith.constant 8 : i32
      %mul3A_1036 = arith.constant 1.562500e-02 : f32
      %mul3A_1037 = vector.broadcast %mul3A_1036 : f32 to vector<16xf32>
      %mul3A_1038 = arith.mulf %scan3A_1034#0, %mul3A_1037 : vector<16xf32>
      %mul3A_1039 = arith.constant 1 : i32
      %mul3A_1040 = arith.muli %add3A_998, %mul3A_1039 : i32
      %add3A_1041 = arith.constant 0 : i32
      %add3A_1042 = arith.addi %mul3A_1040, %add3A_1041 : i32
      %swap3A_1043 = arith.index_cast %add3A_1042 : i32 to index
      %swap3A_1044 = arith.constant 0 : index
      %swap3A_1045 = tpu.vector_load %arg14[%swap3A_1043, %swap3A_1044] {strides = array<i32>} : memref<128x128xf32, #tpu.memory_space<vmem>>, vector<1x16xf32>,
      %swap3A_1046 = vector.shape_cast %swap3A_1045 : vector<1x16xf32> to vector<16xf32>
      %swap3A_1047 = vector.shape_cast %mul3A_1038 : vector<16xf32> to vector<1x16xf32>
      tpu.vector_store %arg14[%swap3A_1043, %swap3A_1044], %swap3A_1047 {strides = array<i32>} : memref<128x128xf32, #tpu.memory_space<vmem>>, vector<1x16xf32>,
      %mul3A_1048 = arith.constant 1.562500e-02 : f32
      %mul3A_1049 = vector.broadcast %mul3A_1048 : f32 to vector<16xf32>
      %mul3A_1050 = arith.mulf %scan3A_1034#1, %mul3A_1049 : vector<16xf32>
      %mul3A_1051 = arith.constant 1 : i32
      %mul3A_1052 = arith.muli %add3A_998, %mul3A_1051 : i32
      %add3A_1053 = arith.constant 0 : i32
      %add3A_1054 = arith.addi %mul3A_1052, %add3A_1053 : i32
      %swap3A_1055 = arith.index_cast %add3A_1054 : i32 to index
      %swap3A_1056 = arith.constant 16 : index
      %swap3A_1057 = tpu.vector_load %arg14[%swap3A_1055, %swap3A_1056] {strides = array<i32>} : memref<128x128xf32, #tpu.memory_space<vmem>>, vector<1x16xf32>,
      %swap3A_1058 = vector.shape_cast %swap3A_1057 : vector<1x16xf32> to vector<16xf32>
      %swap3A_1059 = vector.shape_cast %mul3A_1050 : vector<16xf32> to vector<1x16xf32>
      tpu.vector_store %arg14[%swap3A_1055, %swap3A_1056], %swap3A_1059 {strides = array<i32>} : memref<128x128xf32, #tpu.memory_space<vmem>>, vector<1x16xf32>,
      %mul3A_1060 = arith.constant 1.562500e-02 : f32
      %mul3A_1061 = vector.broadcast %mul3A_1060 : f32 to vector<16xf32>
      %mul3A_1062 = arith.mulf %scan3A_1034#2, %mul3A_1061 : vector<16xf32>
      %mul3A_1063 = arith.constant 1 : i32
      %mul3A_1064 = arith.muli %add3A_998, %mul3A_1063 : i32
      %add3A_1065 = arith.constant 0 : i32
      %add3A_1066 = arith.addi %mul3A_1064, %add3A_1065 : i32
      %swap3A_1067 = arith.index_cast %add3A_1066 : i32 to index
      %swap3A_1068 = arith.constant 32 : index
      %swap3A_1069 = tpu.vector_load %arg14[%swap3A_1067, %swap3A_1068] {strides = array<i32>} : memref<128x128xf32, #tpu.memory_space<vmem>>, vector<1x16xf32>,
      %swap3A_1070 = vector.shape_cast %swap3A_1069 : vector<1x16xf32> to vector<16xf32>
      %swap3A_1071 = vector.shape_cast %mul3A_1062 : vector<16xf32> to vector<1x16xf32>
      tpu.vector_store %arg14[%swap3A_1067, %swap3A_1068], %swap3A_1071 {strides = array<i32>} : memref<128x128xf32, #tpu.memory_space<vmem>>, vector<1x16xf32>,
      %mul3A_1072 = arith.constant 1.562500e-02 : f32
      %mul3A_1073 = vector.broadcast %mul3A_1072 : f32 to vector<16xf32>
      %mul3A_1074 = arith.mulf %scan3A_1034#3, %mul3A_1073 : vector<16xf32>
      %mul3A_1075 = arith.constant 1 : i32
      %mul3A_1076 = arith.muli %add3A_998, %mul3A_1075 : i32
      %add3A_1077 = arith.constant 0 : i32
      %add3A_1078 = arith.addi %mul3A_1076, %add3A_1077 : i32
      %swap3A_1079 = arith.index_cast %add3A_1078 : i32 to index
      %swap3A_1080 = arith.constant 48 : index
      %swap3A_1081 = tpu.vector_load %arg14[%swap3A_1079, %swap3A_1080] {strides = array<i32>} : memref<128x128xf32, #tpu.memory_space<vmem>>, vector<1x16xf32>,
      %swap3A_1082 = vector.shape_cast %swap3A_1081 : vector<1x16xf32> to vector<16xf32>
      %swap3A_1083 = vector.shape_cast %mul3A_1074 : vector<16xf32> to vector<1x16xf32>
      tpu.vector_store %arg14[%swap3A_1079, %swap3A_1080], %swap3A_1083 {strides = array<i32>} : memref<128x128xf32, #tpu.memory_space<vmem>>, vector<1x16xf32>,
      %mul3A_1084 = arith.constant 1.562500e-02 : f32
      %mul3A_1085 = vector.broadcast %mul3A_1084 : f32 to vector<16xf32>
      %mul3A_1086 = arith.mulf %scan3A_1034#4, %mul3A_1085 : vector<16xf32>
      %mul3A_1087 = arith.constant 1 : i32
      %mul3A_1088 = arith.muli %add3A_998, %mul3A_1087 : i32
      %add3A_1089 = arith.constant 0 : i32
      %add3A_1090 = arith.addi %mul3A_1088, %add3A_1089 : i32
      %swap3A_1091 = arith.index_cast %add3A_1090 : i32 to index
      %swap3A_1092 = arith.constant 64 : index
      %swap3A_1093 = tpu.vector_load %arg14[%swap3A_1091, %swap3A_1092] {strides = array<i32>} : memref<128x128xf32, #tpu.memory_space<vmem>>, vector<1x16xf32>,
      %swap3A_1094 = vector.shape_cast %swap3A_1093 : vector<1x16xf32> to vector<16xf32>
      %swap3A_1095 = vector.shape_cast %mul3A_1086 : vector<16xf32> to vector<1x16xf32>
      tpu.vector_store %arg14[%swap3A_1091, %swap3A_1092], %swap3A_1095 {strides = array<i32>} : memref<128x128xf32, #tpu.memory_space<vmem>>, vector<1x16xf32>,
      %mul3A_1096 = arith.constant 1.562500e-02 : f32
      %mul3A_1097 = vector.broadcast %mul3A_1096 : f32 to vector<16xf32>
      %mul3A_1098 = arith.mulf %scan3A_1034#5, %mul3A_1097 : vector<16xf32>
      %mul3A_1099 = arith.constant 1 : i32
      %mul3A_1100 = arith.muli %add3A_998, %mul3A_1099 : i32
      %add3A_1101 = arith.constant 0 : i32
      %add3A_1102 = arith.addi %mul3A_1100, %add3A_1101 : i32
      %swap3A_1103 = arith.index_cast %add3A_1102 : i32 to index
      %swap3A_1104 = arith.constant 80 : index
      %swap3A_1105 = tpu.vector_load %arg14[%swap3A_1103, %swap3A_1104] {strides = array<i32>} : memref<128x128xf32, #tpu.memory_space<vmem>>, vector<1x16xf32>,
      %swap3A_1106 = vector.shape_cast %swap3A_1105 : vector<1x16xf32> to vector<16xf32>
      %swap3A_1107 = vector.shape_cast %mul3A_1098 : vector<16xf32> to vector<1x16xf32>
      tpu.vector_store %arg14[%swap3A_1103, %swap3A_1104], %swap3A_1107 {strides = array<i32>} : memref<128x128xf32, #tpu.memory_space<vmem>>, vector<1x16xf32>,
      %mul3A_1108 = arith.constant 1.562500e-02 : f32
      %mul3A_1109 = vector.broadcast %mul3A_1108 : f32 to vector<16xf32>
      %mul3A_1110 = arith.mulf %scan3A_1034#6, %mul3A_1109 : vector<16xf32>
      %mul3A_1111 = arith.constant 1 : i32
      %mul3A_1112 = arith.muli %add3A_998, %mul3A_1111 : i32
      %add3A_1113 = arith.constant 0 : i32
      %add3A_1114 = arith.addi %mul3A_1112, %add3A_1113 : i32
      %swap3A_1115 = arith.index_cast %add3A_1114 : i32 to index
      %swap3A_1116 = arith.constant 96 : index
      %swap3A_1117 = tpu.vector_load %arg14[%swap3A_1115, %swap3A_1116] {strides = array<i32>} : memref<128x128xf32, #tpu.memory_space<vmem>>, vector<1x16xf32>,
      %swap3A_1118 = vector.shape_cast %swap3A_1117 : vector<1x16xf32> to vector<16xf32>
      %swap3A_1119 = vector.shape_cast %mul3A_1110 : vector<16xf32> to vector<1x16xf32>
      tpu.vector_store %arg14[%swap3A_1115, %swap3A_1116], %swap3A_1119 {strides = array<i32>} : memref<128x128xf32, #tpu.memory_space<vmem>>, vector<1x16xf32>,
      %mul3A_1120 = arith.constant 1.562500e-02 : f32
      %mul3A_1121 = vector.broadcast %mul3A_1120 : f32 to vector<16xf32>
      %mul3A_1122 = arith.mulf %scan3A_1034#7, %mul3A_1121 : vector<16xf32>
      %mul3A_1123 = arith.constant 1 : i32
      %mul3A_1124 = arith.muli %add3A_998, %mul3A_1123 : i32
      %add3A_1125 = arith.constant 0 : i32
      %add3A_1126 = arith.addi %mul3A_1124, %add3A_1125 : i32
      %swap3A_1127 = arith.index_cast %add3A_1126 : i32 to index
      %swap3A_1128 = arith.constant 112 : index
      %swap3A_1129 = tpu.vector_load %arg14[%swap3A_1127, %swap3A_1128] {strides = array<i32>} : memref<128x128xf32, #tpu.memory_space<vmem>>, vector<1x16xf32>,
      %swap3A_1130 = vector.shape_cast %swap3A_1129 : vector<1x16xf32> to vector<16xf32>
      %swap3A_1131 = vector.shape_cast %mul3A_1122 : vector<16xf32> to vector<1x16xf32>
      tpu.vector_store %arg14[%swap3A_1127, %swap3A_1128], %swap3A_1131 {strides = array<i32>} : memref<128x128xf32, #tpu.memory_space<vmem>>, vector<1x16xf32>,
    }
    %scan3A_53 = arith.constant 16 : i32
    %mul3A_54 = arith.constant 128 : i32
    %mul3A_55 = arith.muli %add3A, %mul3A_54 : i32
    "tpu.region"() ({
      %run_scoped3A = tpu.sem_alloc : memref<!tpu.dma_semaphore, #tpu.memory_space<semaphore_mem>>
      %dma_start3A_56 = arith.constant 0 : i32
      %dma_start3A_57 = tpu.memref_slice %arg4[%mul3A_55, %dma_start3A_56] : memref<4096x128xf32, #tpu.memory_space<hbm>> -> memref<128x128xf32, #tpu.memory_space<hbm>>
      %dma_start3A_58 = arith.constant 0 : i32
      %dma_start3A_59 = tpu.memref_slice %arg4[%mul3A_55, %dma_start3A_58] : memref<4096x128xf32, #tpu.memory_space<hbm>> -> memref<128x128xf32, #tpu.memory_space<hbm>>
      tpu.enqueue_dma source(%arg14 : memref<128x128xf32, #tpu.memory_space<vmem>>) target(%dma_start3A_59 : memref<128x128xf32, #tpu.memory_space<hbm>>) target_semaphore(%run_scoped3A : memref<!tpu.dma_semaphore, #tpu.memory_space<semaphore_mem>>)
      %dma_wait3A = arith.constant 0 : i32
      %dma_wait3A_60 = tpu.memref_slice %arg4[%mul3A_55, %dma_wait3A] : memref<4096x128xf32, #tpu.memory_space<hbm>> -> memref<128x128xf32, #tpu.memory_space<hbm>>
      %dma_wait3A_61 = arith.constant 0 : i32
      %dma_wait3A_62 = tpu.memref_slice %arg4[%mul3A_55, %dma_wait3A_61] : memref<4096x128xf32, #tpu.memory_space<hbm>> -> memref<128x128xf32, #tpu.memory_space<hbm>>
      tpu.wait_dma2 semaphore(%run_scoped3A : memref<!tpu.dma_semaphore, #tpu.memory_space<semaphore_mem>>) src(%arg14 : memref<128x128xf32, #tpu.memory_space<vmem>>) dst(%dma_wait3A_62 : memref<128x128xf32, #tpu.memory_space<hbm>>)
      tpu.yield
    }) : () -> ()
    return
  }
}

</mosaic_0001>

<sc_bundles>
// kernel: kernel.3.cloned.1.call-start
scs
__scs_entry_jumppad:
0x0: {  	(pc) =	sbr.rel $0x88, $3  }
0x1: {  	(tag) =	ssettag $0x0;
	lr =	simm.s32 $0x1  }
0x2: {  	[smem:$0x3F9F] =	sst lr;
	_ =	strace $0xD0000000  }
0x3: {  	_ = 	snop  }
0x4: {  	_ = 	snop  }
0x5: {  	_ = 	snop  }
0x6: {  	_ = 	snop  }
0x7: {  	_ = 	snop  }
__scs_overlays_trampoline_lowered:
0x8: {  	[smem:$0x3FAE] =	sst s0  }
0x9: {  	[smem:$0x3FAF] =	sst s1  }
0xa: {  	[smem:$0x3FB0] =	sst s2  }
0xb: {  	[smem:$0x3FB1] =	sst s3  }
0xc: {  	[smem:$0x3FB2] =	sst s4  }
0xd: {  	[smem:$0x3FB3] =	sst s5  }
0xe: {  	[smem:$0x3FB4] =	sst s6  }
0xf: {  	[smem:$0x3FB5] =	sst s7  }
0x10: {  	[smem:$0x3FB6] =	sst s8  }
0x11: {  	[smem:$0x3FB7] =	sst s9;
	s0 =	simm.s32 @!p0 $0x0  }
0x12: {  	s1 =	sld [smem:$0x3F9D];
	s0 =	simm.s32 @p0 $0x1  }
0x13: {  	[smem:$0x3FB8] =	sst s0;
	s0 =	simm.s32 @!p1 $0x0  }
0x14: {  	s2 =	sld [smem:$0x3F9C];
	s0 =	simm.s32 @p1 $0x1  }
0x15: {  	[smem:$0x3FB9] =	sst s0;
	s0 =	simm.s32 @!p2 $0x0  }
0x16: {  	s3 =	sld [smem:$0x3FDB];
	s0 =	simm.s32 @p2 $0x1  }
0x17: {  	s4 =	simm.s32 $0x1BF5;
	[smem:$0x3FBB] =	sst s0  }
0x18: {  	s0 =	sld [smem:$0x3F9E];
	_ =	swait.ge [sflag:s4], $0x0  }
0x19: {  	s7 =	sld [smem:$0x3F9F]  }
0x1a: {  	s8 =	sadd.s32 $0xFFFFE003, lr  }
0x1b: {  	s9 =	sadd.s32 $0xFFFFFEF7, lr;
	s5 =	simm.s32 $0xFFFFFFFF;
	p2 =	slt.u32 s8, $0xFFFFF086  }
0x1c: {  	p1 =	slt.u32 s9, $0xF7A;
	s5 =	simm.s32 @!p2 $0x0  }
0x1d: {  	s5 =	simm.s32 @p1 $0x1;
	p0 =	seq.s32 s7, s2  }
0x1e: {  	s7 =	smul.u32 @!p0 $0xF7A, s2;
	p2 =	seq.s32 @!p0 s5, $0x0  }
0x1f: {  	s9 =	smul.u32 $0xF7A, s1;
	s8 =	simm.s32 @!p0 $0x1BF5;
	p2 =	por !p2, p0  }
0x20: {  	[sflag:s8] =	ssyncset.s32 @!p0 $0xFFFFF086;
	s6 =	sadd.s32 @!p0 s3, s7;
	s7 =	simm.s32 @!p0 $0x108  }
0x21: {  	s3 =	sadd.s32 s3, s9;
	s6 =	sadd.s32 @!p0 $0x88, s6;
	s7 =	simm.s32 @p2 $0x1082  }
0x22: {  	[simem:s7], [sflag:s8] =	dma.local @!p0 [hbm:s6], $0xF7A  }
0x23: {  	s9 =	sor.u32 $0xD0000000, s2;
	s6 =	simm.s32 $0x108;
	_ =	swait.ge @!p0 [sflag:s8], $0x0  }
0x24: {  	s3 =	sadd.s32 $0x88, s3;
	s6 =	simm.s32 @!p1 $0x1082;
	[sflag:s4] =	ssyncset.s32 $0xFFFFF086  }
0x25: {  	[simem:s6], [sflag:s4] =	dma.local [hbm:s3], $0xF7A  }
0x26: {  	[smem:$0x3F9F] =	sst s1;
	(tag) =	ssettag s2;
	_ =	strace s9  }
0x27: {  	s1 =	sld [smem:$0x3FAF]  }
0x28: {  	s2 =	sld [smem:$0x3FB0]  }
0x29: {  	s4 =	sld [smem:$0x3FB2]  }
0x2a: {  	p0 =	seq.s32 s5, $0x0;
	s5 =	sld [smem:$0x3FB3]  }
0x2b: {  	s6 =	sld [smem:$0x3FB4]  }
0x2c: {  	s7 =	sld [smem:$0x3FB5]  }
0x2d: {  	s3 =	simm.s32 $0x108;
	s8 =	sld [smem:$0x3FB6]  }
0x2e: {  	s3 =	simm.s32 @!p0 $0x1082;
	s9 =	sld [smem:$0x3FB7]  }
0x2f: {  	lr =	sadd.s32 s0, s3;
	s0 =	sld [smem:$0x3FAE]  }
0x30: {  	s3 =	sld [smem:$0x3FB1]  }
0x31: {  	[smem:$0x3FBA] =	sst s10  }
0x32: {  	s10 =	sld [smem:$0x3FB8];
	_ =	sdelay $0x3  }
0x33: {  	p0 =	seq.s32 s10, $0x1;
	s10 =	sld [smem:$0x3FBA];
	_ =	sdelay $0x3  }
0x34: {  	[smem:$0x3FBA] =	sst s10  }
0x35: {  	s10 =	sld [smem:$0x3FB9];
	_ =	sdelay $0x3  }
0x36: {  	p1 =	seq.s32 s10, $0x1;
	s10 =	sld [smem:$0x3FBA];
	_ =	sdelay $0x3  }
0x37: {  	[smem:$0x3FBA] =	sst s10  }
0x38: {  	s10 =	sld [smem:$0x3FBB]  }
0x39: {  	_ = 	snop;
	(pc) =	sbr.ind lr, $3  }
0x3a: {  	_ = 	snop  }
0x3b: {  	_ = 	snop  }
0x3c: {  	p2 =	seq.s32 s10, $0x1;
	s10 =	sld [smem:$0x3FBA]  }
0x3d: {  	_ =	shalt  }
0x3e: {  	_ =	shalt  }
0x3f: {  	_ =	shalt  }
0x40: {  	_ =	shalt  }
0x41: {  	_ =	shalt  }
0x42: {  	_ =	shalt  }
0x43: {  	_ =	shalt  }
0x44: {  	_ =	shalt  }
0x45: {  	_ =	shalt  }
0x46: {  	_ =	shalt  }
0x47: {  	_ =	shalt  }
0x48: {  	_ =	shalt  }
0x49: {  	_ =	shalt  }
0x4a: {  	_ =	shalt  }
0x4b: {  	_ =	shalt  }
0x4c: {  	_ =	shalt  }
0x4d: {  	_ =	shalt  }
0x4e: {  	_ =	shalt  }
0x4f: {  	_ =	shalt  }
0x50: {  	_ =	shalt  }
0x51: {  	_ =	shalt  }
0x52: {  	_ =	shalt  }
0x53: {  	_ =	shalt  }
0x54: {  	_ =	shalt  }
0x55: {  	_ =	shalt  }
0x56: {  	_ =	shalt  }
0x57: {  	_ =	shalt  }
0x58: {  	_ =	shalt  }
0x59: {  	_ =	shalt  }
0x5a: {  	_ =	shalt  }
0x5b: {  	_ =	shalt  }
0x5c: {  	_ =	shalt  }
0x5d: {  	_ =	shalt  }
0x5e: {  	_ =	shalt  }
0x5f: {  	_ =	shalt  }
0x60: {  	_ =	shalt  }
0x61: {  	_ =	shalt  }
0x62: {  	_ =	shalt  }
0x63: {  	_ =	shalt  }
0x64: {  	_ =	shalt  }
0x65: {  	_ =	shalt  }
0x66: {  	_ =	shalt  }
0x67: {  	_ =	shalt  }
0x68: {  	_ =	shalt  }
0x69: {  	_ =	shalt  }
0x6a: {  	_ =	shalt  }
0x6b: {  	_ =	shalt  }
0x6c: {  	_ =	shalt  }
0x6d: {  	_ =	shalt  }
0x6e: {  	_ =	shalt  }
0x6f: {  	_ =	shalt  }
0x70: {  	_ =	shalt  }
0x71: {  	_ =	shalt  }
0x72: {  	_ =	shalt  }
0x73: {  	_ =	shalt  }
0x74: {  	_ =	shalt  }
0x75: {  	_ =	shalt  }
0x76: {  	_ =	shalt  }
0x77: {  	_ =	shalt  }
0x78: {  	_ =	shalt  }
0x79: {  	_ =	shalt  }
0x7a: {  	_ =	shalt  }
0x7b: {  	_ =	shalt  }
0x7c: {  	_ =	shalt  }
0x7d: {  	_ =	shalt  }
0x7e: {  	_ =	shalt  }
0x7f: {  	_ =	shalt  }
0x80: {  	_ =	shalt  }
0x81: {  	_ =	shalt  }
0x82: {  	_ =	shalt  }
0x83: {  	_ =	shalt  }
0x84: {  	_ =	shalt  }
0x85: {  	_ =	shalt  }
0x86: {  	_ =	shalt  }
0x87: {  	_ =	shalt  }
.Lfunc_end0:
.L_simem_size_0:
called_computation_lowered:
.L_overlay_start_0:
0x88: {  	s2 =	sld [smem:$0x3FD9]  }
0x89: {  	s3 =	sld [smem:$0x3FFE];
	_ =	sdelay $0x1  }
0x8a: {  	s1 =	srdreg.scid  }
0x8b: {  	s0 =	sand.u32 $0x1, s1  }
0x8c: {  	s17 =	sshll.u32 s0, $0xA;
	s2 =	sadd.s32 s3, s2  }
0x8d: {  	s2 =	sadd.s32 s2, s17  }
0x8e: {  	[smem:$0x3FC6] =	sst s2  }
0x8f: {  	_ = 	snop  }
0x90: {  	s2 =	sld [smem:$0x3FC9]  }
0x91: {  	s18 =	sld [smem:$0x3FD0];
	(tm) =	ssettm $0x1  }
0x92: {  	s4 =	sld [smem:$0x3FFB];
	_ =	sdelay $0x3  }
0x93: {  	_ =	strace s4  }
0x94: {  	s4 =	sld [smem:$0x3FFC];
	_ =	sdelay $0x3  }
0x95: {  	_ =	strace s4  }
0x96: {  	s4 =	sld [smem:$0x3FFD];
	_ =	sdelay $0x3  }
0x97: {  	_ =	strace s4  }
0x98: {  	_ =	strace $0x8FFFFFFF  }
0x99: {  	s19 =	sld [smem:$0x3FDB];
	_ =	sdelay $0x1  }
0x9a: {  	s5 =	simm.s32 $_scs_section_size  }
0x9b: {  	s6 =	simm.s32 $_size__tile_overlayer_lowered;
	s7 =	simm.s32 $_tile_overlayer_lowered  }
0x9c: {  	s22 =	simm.s32 $0x1BFF;
	s21 =	sshll.u32 s7, $0x1;
	s4 =	sadd.s32 s5, s19  }
0x9d: {  	s8 =	simm.s32 $0x0;
	s20 =	sshll.u32 s6, $0x1;
	s6 =	sadd.s32 s21, s4  }
0x9e: {  	[timem:s8], [sflag:s22] =	dma.local [hbm:s6], s20  }
0x9f: {  	_ =	swait.ge [sflag:s22], s20  }
0xa0: {  	s5 =	ssub.s32 $0x0, s20;
	[sflag:s22] =	ssyncset.done $0x0  }
0xa1: {  	[sflag:s22] =	ssyncadd.s32 s5;
	_ =	sdelay $0x1  }
0xa2: {  	s23 =	simm.s32 $0x1B8B  }
0xa3: {  	_ =	swait.ge [sflag:s23], $0x1  }
0xa4: {  	[sflag:s23] =	ssyncset.done $0x0  }
0xa5: {  	s25 =	simm.s32 $0x1B8E;
	s24 =	sld [smem:$0x3FFE];
	[sflag:s23] =	ssyncadd.s32 $0xFFFFFFFF  }
0xa6: {  	s26 =	simm.s32 $execute0_lowered;
	[smem:$0x3FD2] =	sst s25  }
0xa7: {  	s6 =	sshll.u32 s26, $0x1;
	_ =	strace $0x80000046;
	[dreg:$0x1] =	wrdreg $0xFFFFFFFF  }
0xa8: {  	s28 =	simm.s32 $_size_execute0_lowered;
	s4 =	sadd.s32 s4, s6;
	[dreg:$0x0] =	wrdreg $0x0  }
0xa9: {  	s6 =	sshll.u32 s28, $0x1;
	[dreg:$0x2] =	wrdreg s4  }
0xaa: {  	[dreg:$0x3] =	wrdreg s6  }
0xab: {  	[dreg:$0x4] =	wrdreg $0xC0  }
0xac: {  	_ =	task [dreg:s8], $0x5FFFF  }
0xad: {  	[dreg:$0x1] =	wrdreg $0xFFFFFFFF  }
0xae: {  	[dreg:$0x0] =	wrdreg $0x60  }
0xaf: {  	[dreg:$0x2] =	wrdreg s2  }
0xb0: {  	[dreg:$0x3] =	wrdreg s24  }
0xb1: {  	[dreg:$0x4] =	wrdreg s18  }
0xb2: {  	[dreg:$0x5] =	wrdreg $0x9  }
0xb3: {  	_ =	task.clear_ibuf [dreg:s8], $0x6FFFF;
	_ =	strace $0x90000046  }
0xb4: {  	s29 =	simm.s32 $0x9;
	_ =	strace $0x80000048  }
0xb5: {  	_ =	swait.ge [sflag:s29], $0x1  }
0xb6: {  	[sflag:s29] =	ssyncadd.s32 $0xFFFFFFFF  }
0xb7: {  	_ =	strace $0x90000048  }
0xb8: {  	_ =	sfence  }
0xb9: {  	s30 =	sld [smem:$0x0];
	_ =	sdelay $0x2  }
0xba: {  	s31 =	sshll.u32 s1, $0xD;
	s1 =	sshrl.u32 s1, $0x2  }
0xbb: {  	s3 =	sand.u32 $0x4000, s31;
	s1 =	sadd.s32 s1, s30  }
0xbc: {  	s0 =	sor.u32 s3, s0;
	s1 =	sshll.u32 s1, $0x11  }
0xbd: {  	s0 =	sor.u32 s1, s0  }
0xbe: {  	s0 =	sadd.s32 $0x8F2B, s0  }
0xbf: {  	[sflag:s0] =	ssyncadd.remote.s32 $0x1  }
0xc0: {  	_ =	sfence.sel $0xFFFF  }
0xc1: {  	[dreg:$0x0] =	wrdreg $0xFFFFFFFF;
	(pc) =	sbr.abs _section_cstart, $3  }
0xc2: {  	[dreg:$0x1] =	wrdreg $0xFFFFFFFF  }
0xc3: {  	_ =	task.clear_ibuf [dreg:s8], $0x2FFFF;
	_ =	strace $0x9FFFFFFF  }
0xc4: {  	(tm) =	ssettm $0x7FFFFFFF  }
0xc5: {  	_ =	shalt  }
tec
execute0_lowered:
.L_overlay_start_1:
0x0: {  	(tag) =	ssettag $0x1  }
0x1: {  	s1 =	rddreg [dreg:$0x0]  }
0x2: {  	s0 =	rddreg [dreg:$0x1]  }
0x3: {  	s2 =	rddreg [dreg:$0x2]  }
0x4: {  	s3 =	srdreg.scid;
	s5 =	stileid.u32  }
0x5: {  	s7 =	simm.s32 $0x9;
	s8 =	simm.s32 $0x40;
	s16 =	simm.s32 $0x200  }
0x6: {  	s17 =	simm.s32 $0xC000;
	s18 =	simm.s32 $0x280;
	s19 =	simm.s32 $0xE000  }
0x7: {  	s20 =	simm.s32 $0x300;
	s21 =	simm.s32 $0x10000;
	s22 =	simm.s32 $0x12000  }
0x8: {  	s23 =	simm.s32 $0x1;
	s24 =	simm.s32 $0x2;
	s25 =	simm.s32 $0x3  }
0x9: {  	s28 =	simm.s32 $0x5;
	s29 =	simm.s32 $0x6;
	s30 =	simm.s32 $0x7  }
0xa: {  	s31 =	simm.s32 $0x8;
	s4 =	sand.u32 $0x1, s3;
	s3 =	simm.s32 $0x0  }
0xb: {  	s5 =	sshll.u32 s5, $0xC;
	s6 =	sshll.u32 s4, $0xB;
	s4 =	ssub.s32 $0x2, s4  }
0xc: {  	[smem:$0x7FF] =	sst s3;
	s5 =	sor.u32 s6, s5;
	s26 =	sshrl.u32 s4, $0x1  }
0xd: {  	_ =	strace $0x80000047;
	s0 =	sadd.s32 s5, s0;
	s6 =	ssub.s32 s4, s26  }
0xe: {  	s5 =	sadd.s32 s2, s5;
	s26 =	simm.s32 $0x4;
	s2 =	simm.s32 $0x0  }
0xf: {  	s4 =	sadd.s32 $0x400, s0;
	s6 =	smax.u32 s6, $0x1;
	s0 =	simm.s32 $0x14000  }
.LBB2_1:
0x10: {  	[tilespmem:s3], [sflag:$0x9] =	stream.linear.gather [hbm4b:s4+s3], $0x4000, $0x38;
	[tilespmem:$0x18000] =	vst v63  }
0x11: {  	_ =	swait.ge [sflag:s7], $0x4000  }
0x12: {  	[sflag:s7] =	ssyncset.done $0x0  }
0x13: {  	s9 =	simm.s32 $0x4000;
	[sflag:s7] =	ssyncadd.s32 $0xFFFFC000  }
0x14: {  	[tilespmem:s9], [sflag:$0x1] =	stream.indirect.gather [hbm4b:s1+s8], $0x80, s3, s8, $0xb8;
	[tilespmem:$0x18000] =	vst v63  }
0x15: {  	s11 =	simm.s32 $0x80;
	s10 =	simm.s32 $0x6000  }
0x16: {  	[tilespmem:s10], [sflag:$0x2] =	stream.indirect.gather [hbm4b:s1+s8], $0x80, s11, s8, $0xb8;
	[tilespmem:$0x18000] =	vst v63  }
0x17: {  	s12 =	simm.s32 $0x100;
	s13 =	simm.s32 $0x8000  }
0x18: {  	[tilespmem:s13], [sflag:$0x3] =	stream.indirect.gather [hbm4b:s1+s8], $0x80, s12, s8, $0xb8;
	[tilespmem:$0x18000] =	vst v63  }
0x19: {  	s14 =	simm.s32 $0x180;
	s15 =	simm.s32 $0xA000  }
0x1a: {  	[tilespmem:s15], [sflag:$0x4] =	stream.indirect.gather [hbm4b:s1+s8], $0x80, s14, s8, $0xb8;
	[tilespmem:$0x18000] =	vst v63  }
0x1b: {  	_ = 	snop  }
0x1c: {  	[tilespmem:s17], [sflag:$0x5] =	stream.indirect.gather [hbm4b:s1+s8], $0x80, s16, s8, $0xb8;
	[tilespmem:$0x18000] =	vst v63  }
0x1d: {  	_ = 	snop  }
0x1e: {  	[tilespmem:s19], [sflag:$0x6] =	stream.indirect.gather [hbm4b:s1+s8], $0x80, s18, s8, $0xb8;
	[tilespmem:$0x18000] =	vst v63  }
0x1f: {  	s9 =	simm.s32 $0x0  }
0x20: {  	[tilespmem:s21], [sflag:$0x7] =	stream.indirect.gather [hbm4b:s1+s8], $0x80, s20, s8, $0xb8;
	[tilespmem:$0x18000] =	vst v63  }
.LBB2_2:
0x21: {  	s12 =	sshll.u32 s9, $0xC  }
0x22: {  	s10 =	sor.u32 $0xE00, s12  }
0x23: {  	s10 =	sshra.s32 s10, $0x2  }
0x24: {  	[tilespmem:s22], [sflag:$0x8] =	stream.indirect.gather [hbm4b:s1+s8], $0x80, s10, s8, $0xb8;
	[tilespmem:$0x18000] =	vst v63  }
0x25: {  	_ =	swait.ge [sflag:s23], $0x2000  }
0x26: {  	[sflag:s23] =	ssyncset.done $0x0  }
0x27: {  	s11 =	simm.s32 $0x0;
	[sflag:s23] =	ssyncadd.s32 $0xFFFFE000  }
0x28: {  	v6 =	vld [tilespmem:s11+$0x4380]  }
0x29: {  	v7 =	vld [tilespmem:s11+$0x4390]  }
0x2a: {  	v8 =	vld [tilespmem:s11+$0x43A0]  }
0x2b: {  	v9 =	vld [tilespmem:s11+$0x43B0]  }
0x2c: {  	v0 =	vld [tilespmem:s11+$0x43C0]  }
0x2d: {  	v1 =	vld [tilespmem:s11+$0x43D0]  }
0x2e: {  	v14 =	vld [tilespmem:s11+$0x4300]  }
0x2f: {  	v16 =	vld [tilespmem:s11+$0x4310]  }
0x30: {  	v13 =	vld [tilespmem:s11+$0x4320]  }
0x31: {  	v15 =	vld [tilespmem:s11+$0x4330]  }
0x32: {  	v3 =	vld [tilespmem:s11+$0x4340]  }
0x33: {  	v2 =	vld [tilespmem:s11+$0x4350]  }
0x34: {  	v17 =	vld [tilespmem:s11+$0x4280]  }
0x35: {  	v18 =	vld [tilespmem:s11+$0x4290]  }
0x36: {  	v19 =	vld [tilespmem:s11+$0x42A0]  }
0x37: {  	v24 =	vld [tilespmem:s11+$0x42B0]  }
0x38: {  	v5 =	vld [tilespmem:s11+$0x42C0]  }
0x39: {  	v4 =	vld [tilespmem:s11+$0x42D0]  }
0x3a: {  	v21 =	vld [tilespmem:s11+$0x4200]  }
0x3b: {  	v22 =	vld [tilespmem:s11+$0x4210]  }
0x3c: {  	v23 =	vld [tilespmem:s11+$0x4220]  }
0x3d: {  	v30 =	vld [tilespmem:s11+$0x4230]  }
0x3e: {  	v10 =	vld [tilespmem:s11+$0x4240]  }
0x3f: {  	v27 =	vld [tilespmem:s11+$0x4180]  }
0x40: {  	v28 =	vld [tilespmem:s11+$0x4190]  }
0x41: {  	v25 =	vld [tilespmem:s11+$0x4100]  }
0x42: {  	v26 =	vld [tilespmem:s11+$0x4110]  }
0x43: {  	v11 =	vld [tilespmem:s11+$0x4080]  }
0x44: {  	v20 =	vld [tilespmem:s11+$0x4090]  }
0x45: {  	v29 =	vld [tilespmem:s11+$0x4000]  }
0x46: {  	v31 =	vld [tilespmem:s11+$0x4010]  }
0x47: {  	v32 =	vld [tilespmem:s11+$0x4020]  }
0x48: {  	v33 =	vld [tilespmem:s11+$0x4030]  }
0x49: {  	v34 =	vld [tilespmem:s11+$0x40A0]  }
0x4a: {  	v35 =	vld [tilespmem:s11+$0x40B0]  }
0x4b: {  	v12 =	vimm.f32 $0.0e+00;
	v36 =	vld [tilespmem:s11+$0x4120]  }
0x4c: {  	v37 =	vld [tilespmem:s11+$0x4130];
	v29 =	vadd.f32 v29, v12;
	v31 =	vadd.f32 v31, v12  }
0x4d: {  	v38 =	vld [tilespmem:s11+$0x41A0];
	v32 =	vadd.f32 v32, v12;
	v33 =	vadd.f32 v33, v12  }
0x4e: {  	v39 =	vld [tilespmem:s11+$0x41B0];
	v29 =	vadd.f32 v11, v29;
	v31 =	vadd.f32 v20, v31  }
0x4f: {  	v11 =	vld [tilespmem:s11+$0x4250];
	v32 =	vadd.f32 v34, v32;
	v33 =	vadd.f32 v35, v33  }
0x50: {  	v20 =	vld [tilespmem:s11+$0x41C0];
	v29 =	vadd.f32 v25, v29;
	v31 =	vadd.f32 v26, v31  }
0x51: {  	v25 =	vld [tilespmem:s11+$0x41D0];
	v32 =	vadd.f32 v36, v32;
	v33 =	vadd.f32 v37, v33  }
0x52: {  	v26 =	vld [tilespmem:s11+$0x4140];
	v29 =	vadd.f32 v27, v29;
	v31 =	vadd.f32 v28, v31  }
0x53: {  	v27 =	vld [tilespmem:s11+$0x4150];
	v32 =	vadd.f32 v38, v32;
	v33 =	vadd.f32 v39, v33  }
0x54: {  	v28 =	vld [tilespmem:s11+$0x40C0];
	v21 =	vadd.f32 v21, v29;
	v22 =	vadd.f32 v22, v31  }
0x55: {  	v29 =	vld [tilespmem:s11+$0x40D0];
	v23 =	vadd.f32 v23, v32;
	v63 =	vadd.f32 v30, v33  }
0x56: {  	v30 =	vld [tilespmem:s11+$0x4040];
	v21 =	vadd.f32 v17, v21;
	v22 =	vadd.f32 v18, v22  }
0x57: {  	v31 =	vld [tilespmem:s11+$0x4050];
	v23 =	vadd.f32 v19, v23;
	v24 =	vadd.f32 v24, v63  }
0x58: {  	s13 =	simm.s32 $0x1000;
	v32 =	vld [tilespmem:s11+$0x4060];
	v19 =	vimm.f32 $0.0e+00;
	v18 =	vimm.f32 $0.0e+00;
	v17 =	vimm.f32 $0.0e+00  }
.LBB2_3:
0x59: {  	p0 =	sne.s32 s13, $0x7000;
	v33 =	vld [tilespmem:s11+$0x4070];
	v14 =	vadd.f32 v14, v21;
	v16 =	vadd.f32 v16, v22  }
0x5a: {  	v34 =	vld [tilespmem:s11+$0x40E0];
	v13 =	vadd.f32 v13, v23;
	v15 =	vadd.f32 v15, v24  }
0x5b: {  	v35 =	vld [tilespmem:s11+$0x40F0];
	v21 =	vadd.f32 v6, v14;
	v22 =	vadd.f32 v7, v16  }
0x5c: {  	v6 =	vld [tilespmem:s11+$0x4160];
	v23 =	vadd.f32 v8, v13;
	v24 =	vadd.f32 v9, v15  }
0x5d: {  	v7 =	vadd.f32 v30, v12;
	v8 =	vadd.f32 v31, v19;
	v9 =	vld [tilespmem:s11+$0x4170]  }
0x5e: {  	v12 =	vadd.f32 v32, v18;
	v13 =	vadd.f32 v33, v17;
	v14 =	vld [tilespmem:s11+$0x41E0]  }
0x5f: {  	v7 =	vadd.f32 v28, v7;
	v8 =	vadd.f32 v29, v8;
	v15 =	vld [tilespmem:s11+$0x41F0]  }
0x60: {  	v12 =	vadd.f32 v34, v12;
	v13 =	vadd.f32 v35, v13;
	v16 =	vld [tilespmem:s11+$0x4260]  }
0x61: {  	v7 =	vadd.f32 v26, v7;
	v8 =	vadd.f32 v27, v8;
	v17 =	vld [tilespmem:s11+$0x4270]  }
0x62: {  	v6 =	vadd.f32 v6, v12;
	v9 =	vadd.f32 v9, v13;
	v12 =	vld [tilespmem:s11+$0x42E0]  }
0x63: {  	v7 =	vadd.f32 v20, v7;
	v8 =	vadd.f32 v25, v8;
	v13 =	vld [tilespmem:s11+$0x42F0]  }
0x64: {  	v6 =	vadd.f32 v14, v6;
	v9 =	vadd.f32 v15, v9;
	v14 =	vld [tilespmem:s11+$0x4360]  }
0x65: {  	v7 =	vadd.f32 v10, v7;
	v8 =	vadd.f32 v11, v8;
	v10 =	vld [tilespmem:s11+$0x4370]  }
0x66: {  	v11 =	vadd.f32 v16, v6;
	v9 =	vadd.f32 v17, v9;
	v15 =	vld [tilespmem:s11+$0x43E0]  }
0x67: {  	v5 =	vadd.f32 v5, v7;
	v4 =	vadd.f32 v4, v8;
	v16 =	vld [tilespmem:s11+$0x43F0];
	s11 =	sshra.s32 s13, $0x2  }
0x68: {  	v11 =	vadd.f32 v12, v11;
	v6 =	vld [tilespmem:s11+$0x4380];
	v9 =	vadd.f32 v13, v9  }
0x69: {  	v3 =	vadd.f32 v3, v5;
	v2 =	vadd.f32 v2, v4;
	v7 =	vld [tilespmem:s11+$0x4390]  }
0x6a: {  	v4 =	vadd.f32 v14, v11;
	v8 =	vld [tilespmem:s11+$0x43A0];
	v5 =	vadd.f32 v10, v9  }
0x6b: {  	v12 =	vadd.f32 v0, v3;
	v19 =	vadd.f32 v1, v2;
	v9 =	vld [tilespmem:s11+$0x43B0]  }
0x6c: {  	v18 =	vadd.f32 v15, v4;
	v0 =	vld [tilespmem:s11+$0x43C0];
	v17 =	vadd.f32 v16, v5  }
0x6d: {  	v1 =	vld [tilespmem:s11+$0x43D0]  }
0x6e: {  	v14 =	vld [tilespmem:s11+$0x4300]  }
0x6f: {  	v16 =	vld [tilespmem:s11+$0x4310]  }
0x70: {  	v13 =	vld [tilespmem:s11+$0x4320]  }
0x71: {  	v15 =	vld [tilespmem:s11+$0x4330]  }
0x72: {  	v3 =	vld [tilespmem:s11+$0x4340]  }
0x73: {  	v2 =	vld [tilespmem:s11+$0x4350]  }
0x74: {  	v32 =	vld [tilespmem:s11+$0x4280]  }
0x75: {  	v33 =	vld [tilespmem:s11+$0x4290]  }
0x76: {  	v34 =	vld [tilespmem:s11+$0x42A0]  }
0x77: {  	v35 =	vld [tilespmem:s11+$0x42B0]  }
0x78: {  	v5 =	vld [tilespmem:s11+$0x42C0]  }
0x79: {  	v4 =	vld [tilespmem:s11+$0x42D0]  }
0x7a: {  	v30 =	vld [tilespmem:s11+$0x4200]  }
0x7b: {  	v31 =	vld [tilespmem:s11+$0x4210]  }
0x7c: {  	v36 =	vld [tilespmem:s11+$0x4220]  }
0x7d: {  	v37 =	vld [tilespmem:s11+$0x4230]  }
0x7e: {  	v10 =	vld [tilespmem:s11+$0x4240]  }
0x7f: {  	v11 =	vld [tilespmem:s11+$0x4250]  }
0x80: {  	v28 =	vld [tilespmem:s11+$0x4180]  }
0x81: {  	v29 =	vld [tilespmem:s11+$0x4190]  }
0x82: {  	v25 =	vld [tilespmem:s11+$0x4100]  }
0x83: {  	v26 =	vld [tilespmem:s11+$0x4110]  }
0x84: {  	v20 =	vld [tilespmem:s11+$0x4080]  }
0x85: {  	v27 =	vld [tilespmem:s11+$0x4090]  }
0x86: {  	v38 =	vld [tilespmem:s11+$0x4000]  }
0x87: {  	v39 =	vld [tilespmem:s11+$0x4010]  }
0x88: {  	v40 =	vld [tilespmem:s11+$0x4020]  }
0x89: {  	v41 =	vld [tilespmem:s11+$0x4030]  }
0x8a: {  	v42 =	vld [tilespmem:s11+$0x40A0]  }
0x8b: {  	v43 =	vld [tilespmem:s11+$0x40B0]  }
0x8c: {  	v44 =	vld [tilespmem:s11+$0x4120]  }
0x8d: {  	v21 =	vadd.f32 v38, v21;
	v22 =	vadd.f32 v39, v22;
	v38 =	vld [tilespmem:s11+$0x4130]  }
0x8e: {  	v23 =	vadd.f32 v40, v23;
	v24 =	vadd.f32 v41, v24;
	v39 =	vld [tilespmem:s11+$0x41A0]  }
0x8f: {  	v21 =	vadd.f32 v20, v21;
	v22 =	vadd.f32 v27, v22;
	v40 =	vld [tilespmem:s11+$0x41B0]  }
0x90: {  	v23 =	vadd.f32 v42, v23;
	v24 =	vadd.f32 v43, v24;
	v20 =	vld [tilespmem:s11+$0x41C0]  }
0x91: {  	v21 =	vadd.f32 v25, v21;
	v22 =	vadd.f32 v26, v22;
	v25 =	vld [tilespmem:s11+$0x41D0]  }
0x92: {  	v23 =	vadd.f32 v44, v23;
	v24 =	vadd.f32 v38, v24;
	v26 =	vld [tilespmem:s11+$0x4140]  }
0x93: {  	v21 =	vadd.f32 v28, v21;
	v22 =	vadd.f32 v29, v22;
	v27 =	vld [tilespmem:s11+$0x4150]  }
.Ltmp0:
0x94: {  	v23 =	vadd.f32 v39, v23;
	v28 =	vld [tilespmem:s11+$0x40C0];
	v24 =	vadd.f32 v40, v24;
	(pc) =	sbr.rel @p0 .LBB2_3-.Ltmp0, $4  }
0x95: {  	v21 =	vadd.f32 v30, v21;
	v22 =	vadd.f32 v31, v22;
	v29 =	vld [tilespmem:s11+$0x40D0]  }
0x96: {  	v23 =	vadd.f32 v36, v23;
	v30 =	vld [tilespmem:s11+$0x4040];
	v24 =	vadd.f32 v37, v24  }
0x97: {  	v21 =	vadd.f32 v32, v21;
	v22 =	vadd.f32 v33, v22;
	v31 =	vld [tilespmem:s11+$0x4050]  }
0x98: {  	s13 =	sadd.s32 $0x1000, s13;
	v23 =	vadd.f32 v34, v23;
	v32 =	vld [tilespmem:s11+$0x4060];
	v24 =	vadd.f32 v35, v24  }
0x99: {  	v14 =	vadd.f32 v14, v21;
	v16 =	vadd.f32 v16, v22  }
0x9a: {  	v21 =	vld [tilespmem:s11+$0x4070];
	v13 =	vadd.f32 v13, v23;
	v15 =	vadd.f32 v15, v24  }
0x9b: {  	v22 =	vld [tilespmem:s11+$0x40E0];
	v6 =	vadd.f32 v6, v14;
	v7 =	vadd.f32 v7, v16  }
0x9c: {  	v14 =	vld [tilespmem:s11+$0x40F0];
	v12 =	vadd.f32 v30, v12;
	v8 =	vadd.f32 v8, v13  }
0x9d: {  	v13 =	vld [tilespmem:s11+$0x4160];
	v9 =	vadd.f32 v9, v15;
	v15 =	vadd.f32 v31, v19  }
0x9e: {  	v16 =	vld [tilespmem:s11+$0x4170];
	v18 =	vadd.f32 v32, v18;
	v12 =	vadd.f32 v28, v12  }
0x9f: {  	v19 =	vld [tilespmem:s11+$0x41E0];
	v17 =	vadd.f32 v21, v17;
	v15 =	vadd.f32 v29, v15  }
0xa0: {  	v21 =	vld [tilespmem:s11+$0x41F0];
	v18 =	vadd.f32 v22, v18;
	v12 =	vadd.f32 v26, v12  }
0xa1: {  	v14 =	vadd.f32 v14, v17;
	v17 =	vld [tilespmem:s11+$0x4260];
	v15 =	vadd.f32 v27, v15  }
0xa2: {  	v22 =	vld [tilespmem:s11+$0x4270];
	v13 =	vadd.f32 v13, v18;
	v12 =	vadd.f32 v20, v12  }
0xa3: {  	v14 =	vadd.f32 v16, v14;
	v16 =	vld [tilespmem:s11+$0x42E0];
	v15 =	vadd.f32 v25, v15  }
0xa4: {  	v18 =	vld [tilespmem:s11+$0x42F0];
	v13 =	vadd.f32 v19, v13;
	v10 =	vadd.f32 v10, v12  }
0xa5: {  	v12 =	vadd.f32 v21, v14;
	v14 =	vld [tilespmem:s11+$0x4360];
	v11 =	vadd.f32 v11, v15  }
0xa6: {  	v15 =	vld [tilespmem:s11+$0x4370];
	v13 =	vadd.f32 v17, v13;
	v5 =	vadd.f32 v5, v10  }
0xa7: {  	v10 =	vadd.f32 v22, v12;
	v12 =	vld [tilespmem:s11+$0x43E0];
	v4 =	vadd.f32 v4, v11  }
0xa8: {  	v11 =	vld [tilespmem:s11+$0x43F0];
	v13 =	vadd.f32 v16, v13;
	v3 =	vadd.f32 v3, v5;
	v5 =	vmul.f32 $1.562500000e-02, v6  }
0xa9: {  	s11 =	sshra.s32 s12, $0x2;
	v6 =	vadd.f32 v18, v10;
	v2 =	vadd.f32 v2, v4;
	v4 =	vmul.f32 $1.562500000e-02, v7  }
0xaa: {  	v7 =	vadd.f32 v14, v13;
	v0 =	vadd.f32 v0, v3;
	[tilespmem:s11+$0x14000] =	vst v5;
	v3 =	vmul.f32 $1.562500000e-02, v8  }
0xab: {  	v5 =	vadd.f32 v15, v6;
	v1 =	vadd.f32 v1, v2;
	[tilespmem:s11+$0x14010] =	vst v4;
	v2 =	vmul.f32 $1.562500000e-02, v9  }
0xac: {  	v4 =	vadd.f32 v12, v7;
	[tilespmem:s11+$0x14020] =	vst v3;
	v0 =	vmul.f32 $1.562500000e-02, v0  }
0xad: {  	v3 =	vadd.f32 v11, v5;
	[tilespmem:s11+$0x14030] =	vst v2;
	v1 =	vmul.f32 $1.562500000e-02, v1  }
0xae: {  	[tilespmem:s11+$0x14040] =	vst v0;
	v0 =	vmul.f32 $1.562500000e-02, v4  }
0xaf: {  	p0 =	seq.s32 s9, $0xF;
	[tilespmem:s11+$0x14050] =	vst v1;
	v1 =	vmul.f32 $1.562500000e-02, v3  }
0xb0: {  	s12 =	sshra.s32 @!p0 s12, $0x2;
	[tilespmem:s11+$0x14060] =	vst v0  }
0xb1: {  	s14 =	simm.s32 @!p0 $0x40;
	s15 =	simm.s32 @!p0 $0x4000;
	s13 =	sadd.s32 @!p0 $0x400, s12;
	[tilespmem:s11+$0x14070] =	vst v1  }
0xb2: {  	[tilespmem:s15], [sflag:$0x1] =	stream.indirect.gather @!p0 [hbm4b:s1+s14], $0x80, s13, s14, $0xb8;
	[tilespmem:$0x18000] =	vst v63  }
0xb3: {  	_ =	swait.ge [sflag:s24], $0x2000  }
0xb4: {  	[sflag:s24] =	ssyncset.done $0x0  }
0xb5: {  	s13 =	simm.s32 $0x0;
	[sflag:s24] =	ssyncadd.s32 $0xFFFFE000  }
0xb6: {  	v6 =	vld [tilespmem:s13+$0x6380]  }
0xb7: {  	v7 =	vld [tilespmem:s13+$0x6390]  }
0xb8: {  	v8 =	vld [tilespmem:s13+$0x63A0]  }
0xb9: {  	v9 =	vld [tilespmem:s13+$0x63B0]  }
0xba: {  	v0 =	vld [tilespmem:s13+$0x63C0]  }
0xbb: {  	v1 =	vld [tilespmem:s13+$0x63D0]  }
0xbc: {  	v14 =	vld [tilespmem:s13+$0x6300]  }
0xbd: {  	v16 =	vld [tilespmem:s13+$0x6310]  }
0xbe: {  	v13 =	vld [tilespmem:s13+$0x6320]  }
0xbf: {  	v15 =	vld [tilespmem:s13+$0x6330]  }
0xc0: {  	v3 =	vld [tilespmem:s13+$0x6340]  }
0xc1: {  	v2 =	vld [tilespmem:s13+$0x6350]  }
0xc2: {  	v17 =	vld [tilespmem:s13+$0x6280]  }
0xc3: {  	v18 =	vld [tilespmem:s13+$0x6290]  }
0xc4: {  	v19 =	vld [tilespmem:s13+$0x62A0]  }
0xc5: {  	v24 =	vld [tilespmem:s13+$0x62B0]  }
0xc6: {  	v5 =	vld [tilespmem:s13+$0x62C0]  }
0xc7: {  	v4 =	vld [tilespmem:s13+$0x62D0]  }
0xc8: {  	v21 =	vld [tilespmem:s13+$0x6200]  }
0xc9: {  	v22 =	vld [tilespmem:s13+$0x6210]  }
0xca: {  	v23 =	vld [tilespmem:s13+$0x6220]  }
0xcb: {  	v30 =	vld [tilespmem:s13+$0x6230]  }
0xcc: {  	v10 =	vld [tilespmem:s13+$0x6240]  }
0xcd: {  	v27 =	vld [tilespmem:s13+$0x6180]  }
0xce: {  	v28 =	vld [tilespmem:s13+$0x6190]  }
0xcf: {  	v25 =	vld [tilespmem:s13+$0x6100]  }
0xd0: {  	v26 =	vld [tilespmem:s13+$0x6110]  }
0xd1: {  	v11 =	vld [tilespmem:s13+$0x6080]  }
0xd2: {  	v20 =	vld [tilespmem:s13+$0x6090]  }
0xd3: {  	v29 =	vld [tilespmem:s13+$0x6000]  }
0xd4: {  	v31 =	vld [tilespmem:s13+$0x6010]  }
0xd5: {  	v62 =	vld [tilespmem:s13+$0x6020]  }
0xd6: {  	v33 =	vld [tilespmem:s13+$0x6030]  }
0xd7: {  	v34 =	vld [tilespmem:s13+$0x60A0]  }
0xd8: {  	v35 =	vld [tilespmem:s13+$0x60B0]  }
0xd9: {  	v12 =	vimm.f32 $0.0e+00;
	v36 =	vld [tilespmem:s13+$0x6120]  }
0xda: {  	v37 =	vld [tilespmem:s13+$0x6130];
	v29 =	vadd.f32 v29, v12;
	v31 =	vadd.f32 v31, v12  }
0xdb: {  	v38 =	vld [tilespmem:s13+$0x61A0];
	v32 =	vadd.f32 v62, v12;
	v33 =	vadd.f32 v33, v12  }
0xdc: {  	v39 =	vld [tilespmem:s13+$0x61B0];
	v29 =	vadd.f32 v11, v29;
	v31 =	vadd.f32 v20, v31  }
0xdd: {  	v11 =	vld [tilespmem:s13+$0x6250];
	v32 =	vadd.f32 v34, v32;
	v33 =	vadd.f32 v35, v33  }
0xde: {  	v20 =	vld [tilespmem:s13+$0x61C0];
	v29 =	vadd.f32 v25, v29;
	v31 =	vadd.f32 v26, v31  }
0xdf: {  	v25 =	vld [tilespmem:s13+$0x61D0];
	v32 =	vadd.f32 v36, v32;
	v33 =	vadd.f32 v37, v33  }
0xe0: {  	v26 =	vld [tilespmem:s13+$0x6140];
	v29 =	vadd.f32 v27, v29;
	v31 =	vadd.f32 v28, v31  }
0xe1: {  	v27 =	vld [tilespmem:s13+$0x6150];
	v32 =	vadd.f32 v38, v32;
	v33 =	vadd.f32 v39, v33  }
0xe2: {  	v28 =	vld [tilespmem:s13+$0x60C0];
	v21 =	vadd.f32 v21, v29;
	v22 =	vadd.f32 v22, v31  }
0xe3: {  	v29 =	vld [tilespmem:s13+$0x60D0];
	v23 =	vadd.f32 v23, v32;
	v63 =	vadd.f32 v30, v33  }
0xe4: {  	v30 =	vld [tilespmem:s13+$0x6040];
	v21 =	vadd.f32 v17, v21;
	v22 =	vadd.f32 v18, v22  }
0xe5: {  	v31 =	vld [tilespmem:s13+$0x6050];
	v23 =	vadd.f32 v19, v23;
	v24 =	vadd.f32 v24, v63  }
0xe6: {  	s14 =	simm.s32 $0x1000;
	v32 =	vld [tilespmem:s13+$0x6060];
	v19 =	vimm.f32 $0.0e+00;
	v18 =	vimm.f32 $0.0e+00;
	v17 =	vimm.f32 $0.0e+00  }
.LBB2_5:
0xe7: {  	p1 =	sne.s32 s14, $0x7000;
	v33 =	vld [tilespmem:s13+$0x6070];
	v14 =	vadd.f32 v14, v21;
	v16 =	vadd.f32 v16, v22  }
0xe8: {  	v34 =	vld [tilespmem:s13+$0x60E0];
	v13 =	vadd.f32 v13, v23;
	v15 =	vadd.f32 v15, v24  }
0xe9: {  	v35 =	vld [tilespmem:s13+$0x60F0];
	v21 =	vadd.f32 v6, v14;
	v22 =	vadd.f32 v7, v16  }
0xea: {  	v6 =	vld [tilespmem:s13+$0x6160];
	v23 =	vadd.f32 v8, v13;
	v24 =	vadd.f32 v9, v15  }
0xeb: {  	v7 =	vadd.f32 v30, v12;
	v8 =	vadd.f32 v31, v19;
	v9 =	vld [tilespmem:s13+$0x6170]  }
0xec: {  	v12 =	vadd.f32 v32, v18;
	v13 =	vadd.f32 v33, v17;
	v14 =	vld [tilespmem:s13+$0x61E0]  }
0xed: {  	v7 =	vadd.f32 v28, v7;
	v8 =	vadd.f32 v29, v8;
	v15 =	vld [tilespmem:s13+$0x61F0]  }
0xee: {  	v12 =	vadd.f32 v34, v12;
	v13 =	vadd.f32 v35, v13;
	v16 =	vld [tilespmem:s13+$0x6260]  }
0xef: {  	v7 =	vadd.f32 v26, v7;
	v8 =	vadd.f32 v27, v8;
	v17 =	vld [tilespmem:s13+$0x6270]  }
0xf0: {  	v6 =	vadd.f32 v6, v12;
	v9 =	vadd.f32 v9, v13;
	v12 =	vld [tilespmem:s13+$0x62E0]  }
0xf1: {  	v7 =	vadd.f32 v20, v7;
	v8 =	vadd.f32 v25, v8;
	v13 =	vld [tilespmem:s13+$0x62F0]  }
0xf2: {  	v6 =	vadd.f32 v14, v6;
	v9 =	vadd.f32 v15, v9;
	v14 =	vld [tilespmem:s13+$0x6360]  }
0xf3: {  	v7 =	vadd.f32 v10, v7;
	v8 =	vadd.f32 v11, v8;
	v10 =	vld [tilespmem:s13+$0x6370]  }
0xf4: {  	v11 =	vadd.f32 v16, v6;
	v9 =	vadd.f32 v17, v9;
	v15 =	vld [tilespmem:s13+$0x63E0]  }
0xf5: {  	v5 =	vadd.f32 v5, v7;
	v4 =	vadd.f32 v4, v8;
	v16 =	vld [tilespmem:s13+$0x63F0];
	s13 =	sshra.s32 s14, $0x2  }
0xf6: {  	v11 =	vadd.f32 v12, v11;
	v6 =	vld [tilespmem:s13+$0x6380];
	v9 =	vadd.f32 v13, v9  }
0xf7: {  	v3 =	vadd.f32 v3, v5;
	v2 =	vadd.f32 v2, v4;
	v7 =	vld [tilespmem:s13+$0x6390]  }
0xf8: {  	v4 =	vadd.f32 v14, v11;
	v8 =	vld [tilespmem:s13+$0x63A0];
	v5 =	vadd.f32 v10, v9  }
0xf9: {  	v12 =	vadd.f32 v0, v3;
	v19 =	vadd.f32 v1, v2;
	v9 =	vld [tilespmem:s13+$0x63B0]  }
0xfa: {  	v18 =	vadd.f32 v15, v4;
	v0 =	vld [tilespmem:s13+$0x63C0];
	v17 =	vadd.f32 v16, v5  }
0xfb: {  	v1 =	vld [tilespmem:s13+$0x63D0]  }
0xfc: {  	v14 =	vld [tilespmem:s13+$0x6300]  }
0xfd: {  	v16 =	vld [tilespmem:s13+$0x6310]  }
0xfe: {  	v13 =	vld [tilespmem:s13+$0x6320]  }
0xff: {  	v15 =	vld [tilespmem:s13+$0x6330]  }
0x100: {  	v3 =	vld [tilespmem:s13+$0x6340]  }
0x101: {  	v2 =	vld [tilespmem:s13+$0x6350]  }
0x102: {  	v32 =	vld [tilespmem:s13+$0x6280]  }
0x103: {  	v33 =	vld [tilespmem:s13+$0x6290]  }
0x104: {  	v34 =	vld [tilespmem:s13+$0x62A0]  }
0x105: {  	v35 =	vld [tilespmem:s13+$0x62B0]  }
0x106: {  	v5 =	vld [tilespmem:s13+$0x62C0]  }
0x107: {  	v4 =	vld [tilespmem:s13+$0x62D0]  }
0x108: {  	v30 =	vld [tilespmem:s13+$0x6200]  }
0x109: {  	v31 =	vld [tilespmem:s13+$0x6210]  }
0x10a: {  	v36 =	vld [tilespmem:s13+$0x6220]  }
0x10b: {  	v37 =	vld [tilespmem:s13+$0x6230]  }
0x10c: {  	v10 =	vld [tilespmem:s13+$0x6240]  }
0x10d: {  	v11 =	vld [tilespmem:s13+$0x6250]  }
0x10e: {  	v28 =	vld [tilespmem:s13+$0x6180]  }
0x10f: {  	v29 =	vld [tilespmem:s13+$0x6190]  }
0x110: {  	v25 =	vld [tilespmem:s13+$0x6100]  }
0x111: {  	v26 =	vld [tilespmem:s13+$0x6110]  }
0x112: {  	v20 =	vld [tilespmem:s13+$0x6080]  }
0x113: {  	v27 =	vld [tilespmem:s13+$0x6090]  }
0x114: {  	v38 =	vld [tilespmem:s13+$0x6000]  }
0x115: {  	v39 =	vld [tilespmem:s13+$0x6010]  }
0x116: {  	v40 =	vld [tilespmem:s13+$0x6020]  }
0x117: {  	v41 =	vld [tilespmem:s13+$0x6030]  }
0x118: {  	v42 =	vld [tilespmem:s13+$0x60A0]  }
0x119: {  	v43 =	vld [tilespmem:s13+$0x60B0]  }
0x11a: {  	v44 =	vld [tilespmem:s13+$0x6120]  }
0x11b: {  	v21 =	vadd.f32 v38, v21;
	v22 =	vadd.f32 v39, v22;
	v38 =	vld [tilespmem:s13+$0x6130]  }
0x11c: {  	v23 =	vadd.f32 v40, v23;
	v24 =	vadd.f32 v41, v24;
	v39 =	vld [tilespmem:s13+$0x61A0]  }
0x11d: {  	v21 =	vadd.f32 v20, v21;
	v22 =	vadd.f32 v27, v22;
	v40 =	vld [tilespmem:s13+$0x61B0]  }
0x11e: {  	v23 =	vadd.f32 v42, v23;
	v24 =	vadd.f32 v43, v24;
	v20 =	vld [tilespmem:s13+$0x61C0]  }
0x11f: {  	v21 =	vadd.f32 v25, v21;
	v22 =	vadd.f32 v26, v22;
	v25 =	vld [tilespmem:s13+$0x61D0]  }
0x120: {  	v23 =	vadd.f32 v44, v23;
	v24 =	vadd.f32 v38, v24;
	v26 =	vld [tilespmem:s13+$0x6140]  }
0x121: {  	v21 =	vadd.f32 v28, v21;
	v22 =	vadd.f32 v29, v22;
	v27 =	vld [tilespmem:s13+$0x6150]  }
.Ltmp1:
0x122: {  	v23 =	vadd.f32 v39, v23;
	v28 =	vld [tilespmem:s13+$0x60C0];
	v24 =	vadd.f32 v40, v24;
	(pc) =	sbr.rel @p1 .LBB2_5-.Ltmp1, $4  }
0x123: {  	v21 =	vadd.f32 v30, v21;
	v22 =	vadd.f32 v31, v22;
	v29 =	vld [tilespmem:s13+$0x60D0]  }
0x124: {  	v23 =	vadd.f32 v36, v23;
	v30 =	vld [tilespmem:s13+$0x6040];
	v24 =	vadd.f32 v37, v24  }
0x125: {  	v21 =	vadd.f32 v32, v21;
	v22 =	vadd.f32 v33, v22;
	v31 =	vld [tilespmem:s13+$0x6050]  }
0x126: {  	s14 =	sadd.s32 $0x1000, s14;
	v23 =	vadd.f32 v34, v23;
	v32 =	vld [tilespmem:s13+$0x6060];
	v24 =	vadd.f32 v35, v24  }
0x127: {  	v14 =	vadd.f32 v14, v21;
	v16 =	vadd.f32 v16, v22  }
0x128: {  	v21 =	vld [tilespmem:s13+$0x6070];
	v13 =	vadd.f32 v13, v23;
	v15 =	vadd.f32 v15, v24  }
0x129: {  	v22 =	vld [tilespmem:s13+$0x60E0];
	v6 =	vadd.f32 v6, v14;
	v7 =	vadd.f32 v7, v16  }
0x12a: {  	v14 =	vld [tilespmem:s13+$0x60F0];
	v12 =	vadd.f32 v30, v12;
	v8 =	vadd.f32 v8, v13  }
0x12b: {  	v13 =	vld [tilespmem:s13+$0x6160];
	v9 =	vadd.f32 v9, v15;
	v15 =	vadd.f32 v31, v19  }
0x12c: {  	v16 =	vld [tilespmem:s13+$0x6170];
	v18 =	vadd.f32 v32, v18;
	v12 =	vadd.f32 v28, v12  }
0x12d: {  	v19 =	vld [tilespmem:s13+$0x61E0];
	v17 =	vadd.f32 v21, v17;
	v15 =	vadd.f32 v29, v15  }
0x12e: {  	v21 =	vld [tilespmem:s13+$0x61F0];
	v18 =	vadd.f32 v22, v18;
	v12 =	vadd.f32 v26, v12  }
0x12f: {  	v14 =	vadd.f32 v14, v17;
	v17 =	vld [tilespmem:s13+$0x6260];
	v15 =	vadd.f32 v27, v15  }
0x130: {  	v22 =	vld [tilespmem:s13+$0x6270];
	v13 =	vadd.f32 v13, v18;
	v12 =	vadd.f32 v20, v12  }
0x131: {  	v14 =	vadd.f32 v16, v14;
	v16 =	vld [tilespmem:s13+$0x62E0];
	v15 =	vadd.f32 v25, v15  }
0x132: {  	v18 =	vld [tilespmem:s13+$0x62F0];
	v13 =	vadd.f32 v19, v13;
	v10 =	vadd.f32 v10, v12  }
0x133: {  	v12 =	vadd.f32 v21, v14;
	v14 =	vld [tilespmem:s13+$0x6360];
	v11 =	vadd.f32 v11, v15  }
0x134: {  	v15 =	vld [tilespmem:s13+$0x6370];
	v13 =	vadd.f32 v17, v13;
	v5 =	vadd.f32 v5, v10  }
0x135: {  	v10 =	vadd.f32 v22, v12;
	v12 =	vld [tilespmem:s13+$0x63E0];
	v4 =	vadd.f32 v4, v11  }
0x136: {  	v11 =	vld [tilespmem:s13+$0x63F0];
	v13 =	vadd.f32 v16, v13;
	v3 =	vadd.f32 v3, v5;
	v5 =	vmul.f32 $1.562500000e-02, v6  }
0x137: {  	v6 =	vadd.f32 v18, v10;
	v2 =	vadd.f32 v2, v4;
	v4 =	vmul.f32 $1.562500000e-02, v7  }
0x138: {  	v7 =	vadd.f32 v14, v13;
	v0 =	vadd.f32 v0, v3;
	[tilespmem:s11+$0x14080] =	vst v5;
	v3 =	vmul.f32 $1.562500000e-02, v8  }
0x139: {  	v5 =	vadd.f32 v15, v6;
	v1 =	vadd.f32 v1, v2;
	[tilespmem:s11+$0x14090] =	vst v4;
	v2 =	vmul.f32 $1.562500000e-02, v9  }
0x13a: {  	v4 =	vadd.f32 v12, v7;
	[tilespmem:s11+$0x140A0] =	vst v3;
	v0 =	vmul.f32 $1.562500000e-02, v0  }
0x13b: {  	v3 =	vadd.f32 v11, v5;
	[tilespmem:s11+$0x140B0] =	vst v2;
	v1 =	vmul.f32 $1.562500000e-02, v1  }
0x13c: {  	[tilespmem:s11+$0x140C0] =	vst v0;
	v0 =	vmul.f32 $1.562500000e-02, v4  }
0x13d: {  	[tilespmem:s11+$0x140D0] =	vst v1;
	v1 =	vmul.f32 $1.562500000e-02, v3  }
0x13e: {  	[tilespmem:s11+$0x140E0] =	vst v0  }
0x13f: {  	s14 =	simm.s32 @!p0 $0x40;
	s15 =	simm.s32 @!p0 $0x6000;
	s13 =	sadd.s32 @!p0 $0x480, s12;
	[tilespmem:s11+$0x140F0] =	vst v1  }
0x140: {  	[tilespmem:s15], [sflag:$0x2] =	stream.indirect.gather @!p0 [hbm4b:s1+s14], $0x80, s13, s14, $0xb8;
	[tilespmem:$0x18000] =	vst v63  }
0x141: {  	_ =	swait.ge [sflag:s25], $0x2000  }
0x142: {  	[sflag:s25] =	ssyncset.done $0x0  }
0x143: {  	s13 =	simm.s32 $0x0;
	[sflag:s25] =	ssyncadd.s32 $0xFFFFE000  }
0x144: {  	v6 =	vld [tilespmem:s13+$0x8380]  }
0x145: {  	v7 =	vld [tilespmem:s13+$0x8390]  }
0x146: {  	v8 =	vld [tilespmem:s13+$0x83A0]  }
0x147: {  	v9 =	vld [tilespmem:s13+$0x83B0]  }
0x148: {  	v0 =	vld [tilespmem:s13+$0x83C0]  }
0x149: {  	v1 =	vld [tilespmem:s13+$0x83D0]  }
0x14a: {  	v14 =	vld [tilespmem:s13+$0x8300]  }
0x14b: {  	v16 =	vld [tilespmem:s13+$0x8310]  }
0x14c: {  	v13 =	vld [tilespmem:s13+$0x8320]  }
0x14d: {  	v15 =	vld [tilespmem:s13+$0x8330]  }
0x14e: {  	v3 =	vld [tilespmem:s13+$0x8340]  }
0x14f: {  	v2 =	vld [tilespmem:s13+$0x8350]  }
0x150: {  	v17 =	vld [tilespmem:s13+$0x8280]  }
0x151: {  	v18 =	vld [tilespmem:s13+$0x8290]  }
0x152: {  	v19 =	vld [tilespmem:s13+$0x82A0]  }
0x153: {  	v24 =	vld [tilespmem:s13+$0x82B0]  }
0x154: {  	v5 =	vld [tilespmem:s13+$0x82C0]  }
0x155: {  	v4 =	vld [tilespmem:s13+$0x82D0]  }
0x156: {  	v21 =	vld [tilespmem:s13+$0x8200]  }
0x157: {  	v22 =	vld [tilespmem:s13+$0x8210]  }
0x158: {  	v23 =	vld [tilespmem:s13+$0x8220]  }
0x159: {  	v30 =	vld [tilespmem:s13+$0x8230]  }
0x15a: {  	v10 =	vld [tilespmem:s13+$0x8240]  }
0x15b: {  	v27 =	vld [tilespmem:s13+$0x8180]  }
0x15c: {  	v28 =	vld [tilespmem:s13+$0x8190]  }
0x15d: {  	v25 =	vld [tilespmem:s13+$0x8100]  }
0x15e: {  	v26 =	vld [tilespmem:s13+$0x8110]  }
0x15f: {  	v11 =	vld [tilespmem:s13+$0x8080]  }
0x160: {  	v20 =	vld [tilespmem:s13+$0x8090]  }
0x161: {  	v29 =	vld [tilespmem:s13+$0x8000]  }
0x162: {  	v31 =	vld [tilespmem:s13+$0x8010]  }
0x163: {  	v62 =	vld [tilespmem:s13+$0x8020]  }
0x164: {  	v33 =	vld [tilespmem:s13+$0x8030]  }
0x165: {  	v34 =	vld [tilespmem:s13+$0x80A0]  }
0x166: {  	v35 =	vld [tilespmem:s13+$0x80B0]  }
0x167: {  	v12 =	vimm.f32 $0.0e+00;
	v36 =	vld [tilespmem:s13+$0x8120]  }
0x168: {  	v37 =	vld [tilespmem:s13+$0x8130];
	v29 =	vadd.f32 v29, v12;
	v31 =	vadd.f32 v31, v12  }
0x169: {  	v38 =	vld [tilespmem:s13+$0x81A0];
	v32 =	vadd.f32 v62, v12;
	v33 =	vadd.f32 v33, v12  }
0x16a: {  	v39 =	vld [tilespmem:s13+$0x81B0];
	v29 =	vadd.f32 v11, v29;
	v31 =	vadd.f32 v20, v31  }
0x16b: {  	v11 =	vld [tilespmem:s13+$0x8250];
	v32 =	vadd.f32 v34, v32;
	v33 =	vadd.f32 v35, v33  }
0x16c: {  	v20 =	vld [tilespmem:s13+$0x81C0];
	v29 =	vadd.f32 v25, v29;
	v31 =	vadd.f32 v26, v31  }
0x16d: {  	v25 =	vld [tilespmem:s13+$0x81D0];
	v32 =	vadd.f32 v36, v32;
	v33 =	vadd.f32 v37, v33  }
0x16e: {  	v26 =	vld [tilespmem:s13+$0x8140];
	v29 =	vadd.f32 v27, v29;
	v31 =	vadd.f32 v28, v31  }
0x16f: {  	v27 =	vld [tilespmem:s13+$0x8150];
	v32 =	vadd.f32 v38, v32;
	v33 =	vadd.f32 v39, v33  }
0x170: {  	v28 =	vld [tilespmem:s13+$0x80C0];
	v21 =	vadd.f32 v21, v29;
	v22 =	vadd.f32 v22, v31  }
0x171: {  	v29 =	vld [tilespmem:s13+$0x80D0];
	v23 =	vadd.f32 v23, v32;
	v63 =	vadd.f32 v30, v33  }
0x172: {  	v30 =	vld [tilespmem:s13+$0x8040];
	v21 =	vadd.f32 v17, v21;
	v22 =	vadd.f32 v18, v22  }
0x173: {  	v31 =	vld [tilespmem:s13+$0x8050];
	v23 =	vadd.f32 v19, v23;
	v24 =	vadd.f32 v24, v63  }
0x174: {  	s14 =	simm.s32 $0x1000;
	v32 =	vld [tilespmem:s13+$0x8060];
	v19 =	vimm.f32 $0.0e+00;
	v18 =	vimm.f32 $0.0e+00;
	v17 =	vimm.f32 $0.0e+00  }
.LBB2_7:
0x175: {  	p1 =	sne.s32 s14, $0x7000;
	v33 =	vld [tilespmem:s13+$0x8070];
	v14 =	vadd.f32 v14, v21;
	v16 =	vadd.f32 v16, v22  }
0x176: {  	v34 =	vld [tilespmem:s13+$0x80E0];
	v13 =	vadd.f32 v13, v23;
	v15 =	vadd.f32 v15, v24  }
0x177: {  	v35 =	vld [tilespmem:s13+$0x80F0];
	v21 =	vadd.f32 v6, v14;
	v22 =	vadd.f32 v7, v16  }
0x178: {  	v6 =	vld [tilespmem:s13+$0x8160];
	v23 =	vadd.f32 v8, v13;
	v24 =	vadd.f32 v9, v15  }
0x179: {  	v7 =	vadd.f32 v30, v12;
	v8 =	vadd.f32 v31, v19;
	v9 =	vld [tilespmem:s13+$0x8170]  }
0x17a: {  	v12 =	vadd.f32 v32, v18;
	v13 =	vadd.f32 v33, v17;
	v14 =	vld [tilespmem:s13+$0x81E0]  }
0x17b: {  	v7 =	vadd.f32 v28, v7;
	v8 =	vadd.f32 v29, v8;
	v15 =	vld [tilespmem:s13+$0x81F0]  }
0x17c: {  	v12 =	vadd.f32 v34, v12;
	v13 =	vadd.f32 v35, v13;
	v16 =	vld [tilespmem:s13+$0x8260]  }
0x17d: {  	v7 =	vadd.f32 v26, v7;
	v8 =	vadd.f32 v27, v8;
	v17 =	vld [tilespmem:s13+$0x8270]  }
0x17e: {  	v6 =	vadd.f32 v6, v12;
	v9 =	vadd.f32 v9, v13;
	v12 =	vld [tilespmem:s13+$0x82E0]  }
0x17f: {  	v7 =	vadd.f32 v20, v7;
	v8 =	vadd.f32 v25, v8;
	v13 =	vld [tilespmem:s13+$0x82F0]  }
0x180: {  	v6 =	vadd.f32 v14, v6;
	v9 =	vadd.f32 v15, v9;
	v14 =	vld [tilespmem:s13+$0x8360]  }
0x181: {  	v7 =	vadd.f32 v10, v7;
	v8 =	vadd.f32 v11, v8;
	v10 =	vld [tilespmem:s13+$0x8370]  }
0x182: {  	v11 =	vadd.f32 v16, v6;
	v9 =	vadd.f32 v17, v9;
	v15 =	vld [tilespmem:s13+$0x83E0]  }
0x183: {  	v5 =	vadd.f32 v5, v7;
	v4 =	vadd.f32 v4, v8;
	v16 =	vld [tilespmem:s13+$0x83F0];
	s13 =	sshra.s32 s14, $0x2  }
0x184: {  	v11 =	vadd.f32 v12, v11;
	v6 =	vld [tilespmem:s13+$0x8380];
	v9 =	vadd.f32 v13, v9  }
0x185: {  	v3 =	vadd.f32 v3, v5;
	v2 =	vadd.f32 v2, v4;
	v7 =	vld [tilespmem:s13+$0x8390]  }
0x186: {  	v4 =	vadd.f32 v14, v11;
	v8 =	vld [tilespmem:s13+$0x83A0];
	v5 =	vadd.f32 v10, v9  }
0x187: {  	v12 =	vadd.f32 v0, v3;
	v19 =	vadd.f32 v1, v2;
	v9 =	vld [tilespmem:s13+$0x83B0]  }
0x188: {  	v18 =	vadd.f32 v15, v4;
	v0 =	vld [tilespmem:s13+$0x83C0];
	v17 =	vadd.f32 v16, v5  }
0x189: {  	v1 =	vld [tilespmem:s13+$0x83D0]  }
0x18a: {  	v14 =	vld [tilespmem:s13+$0x8300]  }
0x18b: {  	v16 =	vld [tilespmem:s13+$0x8310]  }
0x18c: {  	v13 =	vld [tilespmem:s13+$0x8320]  }
0x18d: {  	v15 =	vld [tilespmem:s13+$0x8330]  }
0x18e: {  	v3 =	vld [tilespmem:s13+$0x8340]  }
0x18f: {  	v2 =	vld [tilespmem:s13+$0x8350]  }
0x190: {  	v32 =	vld [tilespmem:s13+$0x8280]  }
0x191: {  	v33 =	vld [tilespmem:s13+$0x8290]  }
0x192: {  	v34 =	vld [tilespmem:s13+$0x82A0]  }
0x193: {  	v35 =	vld [tilespmem:s13+$0x82B0]  }
0x194: {  	v5 =	vld [tilespmem:s13+$0x82C0]  }
0x195: {  	v4 =	vld [tilespmem:s13+$0x82D0]  }
0x196: {  	v30 =	vld [tilespmem:s13+$0x8200]  }
0x197: {  	v31 =	vld [tilespmem:s13+$0x8210]  }
0x198: {  	v36 =	vld [tilespmem:s13+$0x8220]  }
0x199: {  	v37 =	vld [tilespmem:s13+$0x8230]  }
0x19a: {  	v10 =	vld [tilespmem:s13+$0x8240]  }
0x19b: {  	v11 =	vld [tilespmem:s13+$0x8250]  }
0x19c: {  	v28 =	vld [tilespmem:s13+$0x8180]  }
0x19d: {  	v29 =	vld [tilespmem:s13+$0x8190]  }
0x19e: {  	v25 =	vld [tilespmem:s13+$0x8100]  }
0x19f: {  	v26 =	vld [tilespmem:s13+$0x8110]  }
0x1a0: {  	v20 =	vld [tilespmem:s13+$0x8080]  }
0x1a1: {  	v27 =	vld [tilespmem:s13+$0x8090]  }
0x1a2: {  	v38 =	vld [tilespmem:s13+$0x8000]  }
0x1a3: {  	v39 =	vld [tilespmem:s13+$0x8010]  }
0x1a4: {  	v40 =	vld [tilespmem:s13+$0x8020]  }
0x1a5: {  	v41 =	vld [tilespmem:s13+$0x8030]  }
0x1a6: {  	v42 =	vld [tilespmem:s13+$0x80A0]  }
0x1a7: {  	v43 =	vld [tilespmem:s13+$0x80B0]  }
0x1a8: {  	v44 =	vld [tilespmem:s13+$0x8120]  }
0x1a9: {  	v21 =	vadd.f32 v38, v21;
	v22 =	vadd.f32 v39, v22;
	v38 =	vld [tilespmem:s13+$0x8130]  }
0x1aa: {  	v23 =	vadd.f32 v40, v23;
	v24 =	vadd.f32 v41, v24;
	v39 =	vld [tilespmem:s13+$0x81A0]  }
0x1ab: {  	v21 =	vadd.f32 v20, v21;
	v22 =	vadd.f32 v27, v22;
	v40 =	vld [tilespmem:s13+$0x81B0]  }
0x1ac: {  	v23 =	vadd.f32 v42, v23;
	v24 =	vadd.f32 v43, v24;
	v20 =	vld [tilespmem:s13+$0x81C0]  }
0x1ad: {  	v21 =	vadd.f32 v25, v21;
	v22 =	vadd.f32 v26, v22;
	v25 =	vld [tilespmem:s13+$0x81D0]  }
0x1ae: {  	v23 =	vadd.f32 v44, v23;
	v24 =	vadd.f32 v38, v24;
	v26 =	vld [tilespmem:s13+$0x8140]  }
0x1af: {  	v21 =	vadd.f32 v28, v21;
	v22 =	vadd.f32 v29, v22;
	v27 =	vld [tilespmem:s13+$0x8150]  }
.Ltmp2:
0x1b0: {  	v23 =	vadd.f32 v39, v23;
	v28 =	vld [tilespmem:s13+$0x80C0];
	v24 =	vadd.f32 v40, v24;
	(pc) =	sbr.rel @p1 .LBB2_7-.Ltmp2, $4  }
0x1b1: {  	v21 =	vadd.f32 v30, v21;
	v22 =	vadd.f32 v31, v22;
	v29 =	vld [tilespmem:s13+$0x80D0]  }
0x1b2: {  	v23 =	vadd.f32 v36, v23;
	v30 =	vld [tilespmem:s13+$0x8040];
	v24 =	vadd.f32 v37, v24  }
0x1b3: {  	v21 =	vadd.f32 v32, v21;
	v22 =	vadd.f32 v33, v22;
	v31 =	vld [tilespmem:s13+$0x8050]  }
0x1b4: {  	s14 =	sadd.s32 $0x1000, s14;
	v23 =	vadd.f32 v34, v23;
	v32 =	vld [tilespmem:s13+$0x8060];
	v24 =	vadd.f32 v35, v24  }
0x1b5: {  	v14 =	vadd.f32 v14, v21;
	v16 =	vadd.f32 v16, v22  }
0x1b6: {  	v21 =	vld [tilespmem:s13+$0x8070];
	v13 =	vadd.f32 v13, v23;
	v15 =	vadd.f32 v15, v24  }
0x1b7: {  	v22 =	vld [tilespmem:s13+$0x80E0];
	v6 =	vadd.f32 v6, v14;
	v7 =	vadd.f32 v7, v16  }
0x1b8: {  	v14 =	vld [tilespmem:s13+$0x80F0];
	v12 =	vadd.f32 v30, v12;
	v8 =	vadd.f32 v8, v13  }
0x1b9: {  	v13 =	vld [tilespmem:s13+$0x8160];
	v9 =	vadd.f32 v9, v15;
	v15 =	vadd.f32 v31, v19  }
0x1ba: {  	v16 =	vld [tilespmem:s13+$0x8170];
	v18 =	vadd.f32 v32, v18;
	v12 =	vadd.f32 v28, v12  }
0x1bb: {  	v19 =	vld [tilespmem:s13+$0x81E0];
	v17 =	vadd.f32 v21, v17;
	v15 =	vadd.f32 v29, v15  }
0x1bc: {  	v21 =	vld [tilespmem:s13+$0x81F0];
	v18 =	vadd.f32 v22, v18;
	v12 =	vadd.f32 v26, v12  }
0x1bd: {  	v14 =	vadd.f32 v14, v17;
	v17 =	vld [tilespmem:s13+$0x8260];
	v15 =	vadd.f32 v27, v15  }
0x1be: {  	v22 =	vld [tilespmem:s13+$0x8270];
	v13 =	vadd.f32 v13, v18;
	v12 =	vadd.f32 v20, v12  }
0x1bf: {  	v14 =	vadd.f32 v16, v14;
	v16 =	vld [tilespmem:s13+$0x82E0];
	v15 =	vadd.f32 v25, v15  }
0x1c0: {  	v18 =	vld [tilespmem:s13+$0x82F0];
	v13 =	vadd.f32 v19, v13;
	v10 =	vadd.f32 v10, v12  }
0x1c1: {  	v12 =	vadd.f32 v21, v14;
	v14 =	vld [tilespmem:s13+$0x8360];
	v11 =	vadd.f32 v11, v15  }
0x1c2: {  	v15 =	vld [tilespmem:s13+$0x8370];
	v13 =	vadd.f32 v17, v13;
	v5 =	vadd.f32 v5, v10  }
0x1c3: {  	v10 =	vadd.f32 v22, v12;
	v12 =	vld [tilespmem:s13+$0x83E0];
	v4 =	vadd.f32 v4, v11  }
0x1c4: {  	v11 =	vld [tilespmem:s13+$0x83F0];
	v13 =	vadd.f32 v16, v13;
	v3 =	vadd.f32 v3, v5;
	v5 =	vmul.f32 $1.562500000e-02, v6  }
0x1c5: {  	v6 =	vadd.f32 v18, v10;
	v2 =	vadd.f32 v2, v4;
	v4 =	vmul.f32 $1.562500000e-02, v7  }
0x1c6: {  	v7 =	vadd.f32 v14, v13;
	v0 =	vadd.f32 v0, v3;
	[tilespmem:s11+$0x14100] =	vst v5;
	v3 =	vmul.f32 $1.562500000e-02, v8  }
0x1c7: {  	v5 =	vadd.f32 v15, v6;
	v1 =	vadd.f32 v1, v2;
	[tilespmem:s11+$0x14110] =	vst v4;
	v2 =	vmul.f32 $1.562500000e-02, v9  }
0x1c8: {  	v4 =	vadd.f32 v12, v7;
	[tilespmem:s11+$0x14120] =	vst v3;
	v0 =	vmul.f32 $1.562500000e-02, v0  }
0x1c9: {  	v3 =	vadd.f32 v11, v5;
	[tilespmem:s11+$0x14130] =	vst v2;
	v1 =	vmul.f32 $1.562500000e-02, v1  }
0x1ca: {  	[tilespmem:s11+$0x14140] =	vst v0;
	v0 =	vmul.f32 $1.562500000e-02, v4  }
0x1cb: {  	[tilespmem:s11+$0x14150] =	vst v1;
	v1 =	vmul.f32 $1.562500000e-02, v3  }
0x1cc: {  	[tilespmem:s11+$0x14160] =	vst v0  }
0x1cd: {  	s14 =	simm.s32 @!p0 $0x40;
	s15 =	simm.s32 @!p0 $0x8000;
	s13 =	sadd.s32 @!p0 $0x500, s12;
	[tilespmem:s11+$0x14170] =	vst v1  }
0x1ce: {  	[tilespmem:s15], [sflag:$0x3] =	stream.indirect.gather @!p0 [hbm4b:s1+s14], $0x80, s13, s14, $0xb8;
	[tilespmem:$0x18000] =	vst v63  }
0x1cf: {  	_ =	swait.ge [sflag:s26], $0x2000  }
0x1d0: {  	[sflag:s26] =	ssyncset.done $0x0  }
0x1d1: {  	s13 =	simm.s32 $0x0;
	[sflag:s26] =	ssyncadd.s32 $0xFFFFE000  }
0x1d2: {  	v6 =	vld [tilespmem:s13+$0xA380]  }
0x1d3: {  	v7 =	vld [tilespmem:s13+$0xA390]  }
0x1d4: {  	v8 =	vld [tilespmem:s13+$0xA3A0]  }
0x1d5: {  	v9 =	vld [tilespmem:s13+$0xA3B0]  }
0x1d6: {  	v0 =	vld [tilespmem:s13+$0xA3C0]  }
0x1d7: {  	v1 =	vld [tilespmem:s13+$0xA3D0]  }
0x1d8: {  	v14 =	vld [tilespmem:s13+$0xA300]  }
0x1d9: {  	v16 =	vld [tilespmem:s13+$0xA310]  }
0x1da: {  	v13 =	vld [tilespmem:s13+$0xA320]  }
0x1db: {  	v15 =	vld [tilespmem:s13+$0xA330]  }
0x1dc: {  	v3 =	vld [tilespmem:s13+$0xA340]  }
0x1dd: {  	v2 =	vld [tilespmem:s13+$0xA350]  }
0x1de: {  	v17 =	vld [tilespmem:s13+$0xA280]  }
0x1df: {  	v18 =	vld [tilespmem:s13+$0xA290]  }
0x1e0: {  	v19 =	vld [tilespmem:s13+$0xA2A0]  }
0x1e1: {  	v24 =	vld [tilespmem:s13+$0xA2B0]  }
0x1e2: {  	v5 =	vld [tilespmem:s13+$0xA2C0]  }
0x1e3: {  	v4 =	vld [tilespmem:s13+$0xA2D0]  }
0x1e4: {  	v21 =	vld [tilespmem:s13+$0xA200]  }
0x1e5: {  	v22 =	vld [tilespmem:s13+$0xA210]  }
0x1e6: {  	v23 =	vld [tilespmem:s13+$0xA220]  }
0x1e7: {  	v30 =	vld [tilespmem:s13+$0xA230]  }
0x1e8: {  	v10 =	vld [tilespmem:s13+$0xA240]  }
0x1e9: {  	v27 =	vld [tilespmem:s13+$0xA180]  }
0x1ea: {  	v28 =	vld [tilespmem:s13+$0xA190]  }
0x1eb: {  	v25 =	vld [tilespmem:s13+$0xA100]  }
0x1ec: {  	v26 =	vld [tilespmem:s13+$0xA110]  }
0x1ed: {  	v11 =	vld [tilespmem:s13+$0xA080]  }
0x1ee: {  	v20 =	vld [tilespmem:s13+$0xA090]  }
0x1ef: {  	v29 =	vld [tilespmem:s13+$0xA000]  }
0x1f0: {  	v31 =	vld [tilespmem:s13+$0xA010]  }
0x1f1: {  	v62 =	vld [tilespmem:s13+$0xA020]  }
0x1f2: {  	v33 =	vld [tilespmem:s13+$0xA030]  }
0x1f3: {  	v34 =	vld [tilespmem:s13+$0xA0A0]  }
0x1f4: {  	v35 =	vld [tilespmem:s13+$0xA0B0]  }
0x1f5: {  	v12 =	vimm.f32 $0.0e+00;
	v36 =	vld [tilespmem:s13+$0xA120]  }
0x1f6: {  	v37 =	vld [tilespmem:s13+$0xA130];
	v29 =	vadd.f32 v29, v12;
	v31 =	vadd.f32 v31, v12  }
0x1f7: {  	v38 =	vld [tilespmem:s13+$0xA1A0];
	v32 =	vadd.f32 v62, v12;
	v33 =	vadd.f32 v33, v12  }
0x1f8: {  	v39 =	vld [tilespmem:s13+$0xA1B0];
	v29 =	vadd.f32 v11, v29;
	v31 =	vadd.f32 v20, v31  }
0x1f9: {  	v11 =	vld [tilespmem:s13+$0xA250];
	v32 =	vadd.f32 v34, v32;
	v33 =	vadd.f32 v35, v33  }
0x1fa: {  	v20 =	vld [tilespmem:s13+$0xA1C0];
	v29 =	vadd.f32 v25, v29;
	v31 =	vadd.f32 v26, v31  }
0x1fb: {  	v25 =	vld [tilespmem:s13+$0xA1D0];
	v32 =	vadd.f32 v36, v32;
	v33 =	vadd.f32 v37, v33  }
0x1fc: {  	v26 =	vld [tilespmem:s13+$0xA140];
	v29 =	vadd.f32 v27, v29;
	v31 =	vadd.f32 v28, v31  }
0x1fd: {  	v27 =	vld [tilespmem:s13+$0xA150];
	v32 =	vadd.f32 v38, v32;
	v33 =	vadd.f32 v39, v33  }
0x1fe: {  	v28 =	vld [tilespmem:s13+$0xA0C0];
	v21 =	vadd.f32 v21, v29;
	v22 =	vadd.f32 v22, v31  }
0x1ff: {  	v29 =	vld [tilespmem:s13+$0xA0D0];
	v23 =	vadd.f32 v23, v32;
	v63 =	vadd.f32 v30, v33  }
0x200: {  	v30 =	vld [tilespmem:s13+$0xA040];
	v21 =	vadd.f32 v17, v21;
	v22 =	vadd.f32 v18, v22  }
0x201: {  	v31 =	vld [tilespmem:s13+$0xA050];
	v23 =	vadd.f32 v19, v23;
	v24 =	vadd.f32 v24, v63  }
0x202: {  	s14 =	simm.s32 $0x1000;
	v32 =	vld [tilespmem:s13+$0xA060];
	v19 =	vimm.f32 $0.0e+00;
	v18 =	vimm.f32 $0.0e+00;
	v17 =	vimm.f32 $0.0e+00  }
.LBB2_9:
0x203: {  	p1 =	sne.s32 s14, $0x7000;
	v33 =	vld [tilespmem:s13+$0xA070];
	v14 =	vadd.f32 v14, v21;
	v16 =	vadd.f32 v16, v22  }
0x204: {  	v34 =	vld [tilespmem:s13+$0xA0E0];
	v13 =	vadd.f32 v13, v23;
	v15 =	vadd.f32 v15, v24  }
0x205: {  	v35 =	vld [tilespmem:s13+$0xA0F0];
	v21 =	vadd.f32 v6, v14;
	v22 =	vadd.f32 v7, v16  }
0x206: {  	v6 =	vld [tilespmem:s13+$0xA160];
	v23 =	vadd.f32 v8, v13;
	v24 =	vadd.f32 v9, v15  }
0x207: {  	v7 =	vadd.f32 v30, v12;
	v8 =	vadd.f32 v31, v19;
	v9 =	vld [tilespmem:s13+$0xA170]  }
0x208: {  	v12 =	vadd.f32 v32, v18;
	v13 =	vadd.f32 v33, v17;
	v14 =	vld [tilespmem:s13+$0xA1E0]  }
0x209: {  	v7 =	vadd.f32 v28, v7;
	v8 =	vadd.f32 v29, v8;
	v15 =	vld [tilespmem:s13+$0xA1F0]  }
0x20a: {  	v12 =	vadd.f32 v34, v12;
	v13 =	vadd.f32 v35, v13;
	v16 =	vld [tilespmem:s13+$0xA260]  }
0x20b: {  	v7 =	vadd.f32 v26, v7;
	v8 =	vadd.f32 v27, v8;
	v17 =	vld [tilespmem:s13+$0xA270]  }
0x20c: {  	v6 =	vadd.f32 v6, v12;
	v9 =	vadd.f32 v9, v13;
	v12 =	vld [tilespmem:s13+$0xA2E0]  }
0x20d: {  	v7 =	vadd.f32 v20, v7;
	v8 =	vadd.f32 v25, v8;
	v13 =	vld [tilespmem:s13+$0xA2F0]  }
0x20e: {  	v6 =	vadd.f32 v14, v6;
	v9 =	vadd.f32 v15, v9;
	v14 =	vld [tilespmem:s13+$0xA360]  }
0x20f: {  	v7 =	vadd.f32 v10, v7;
	v8 =	vadd.f32 v11, v8;
	v10 =	vld [tilespmem:s13+$0xA370]  }
0x210: {  	v11 =	vadd.f32 v16, v6;
	v9 =	vadd.f32 v17, v9;
	v15 =	vld [tilespmem:s13+$0xA3E0]  }
0x211: {  	v5 =	vadd.f32 v5, v7;
	v4 =	vadd.f32 v4, v8;
	v16 =	vld [tilespmem:s13+$0xA3F0];
	s13 =	sshra.s32 s14, $0x2  }
0x212: {  	v11 =	vadd.f32 v12, v11;
	v6 =	vld [tilespmem:s13+$0xA380];
	v9 =	vadd.f32 v13, v9  }
0x213: {  	v3 =	vadd.f32 v3, v5;
	v2 =	vadd.f32 v2, v4;
	v7 =	vld [tilespmem:s13+$0xA390]  }
0x214: {  	v4 =	vadd.f32 v14, v11;
	v8 =	vld [tilespmem:s13+$0xA3A0];
	v5 =	vadd.f32 v10, v9  }
0x215: {  	v12 =	vadd.f32 v0, v3;
	v19 =	vadd.f32 v1, v2;
	v9 =	vld [tilespmem:s13+$0xA3B0]  }
0x216: {  	v18 =	vadd.f32 v15, v4;
	v0 =	vld [tilespmem:s13+$0xA3C0];
	v17 =	vadd.f32 v16, v5  }
0x217: {  	v1 =	vld [tilespmem:s13+$0xA3D0]  }
0x218: {  	v14 =	vld [tilespmem:s13+$0xA300]  }
0x219: {  	v16 =	vld [tilespmem:s13+$0xA310]  }
0x21a: {  	v13 =	vld [tilespmem:s13+$0xA320]  }
0x21b: {  	v15 =	vld [tilespmem:s13+$0xA330]  }
0x21c: {  	v3 =	vld [tilespmem:s13+$0xA340]  }
0x21d: {  	v2 =	vld [tilespmem:s13+$0xA350]  }
0x21e: {  	v32 =	vld [tilespmem:s13+$0xA280]  }
0x21f: {  	v33 =	vld [tilespmem:s13+$0xA290]  }
0x220: {  	v34 =	vld [tilespmem:s13+$0xA2A0]  }
0x221: {  	v35 =	vld [tilespmem:s13+$0xA2B0]  }
0x222: {  	v5 =	vld [tilespmem:s13+$0xA2C0]  }
0x223: {  	v4 =	vld [tilespmem:s13+$0xA2D0]  }
0x224: {  	v30 =	vld [tilespmem:s13+$0xA200]  }
0x225: {  	v31 =	vld [tilespmem:s13+$0xA210]  }
0x226: {  	v36 =	vld [tilespmem:s13+$0xA220]  }
0x227: {  	v37 =	vld [tilespmem:s13+$0xA230]  }
0x228: {  	v10 =	vld [tilespmem:s13+$0xA240]  }
0x229: {  	v11 =	vld [tilespmem:s13+$0xA250]  }
0x22a: {  	v28 =	vld [tilespmem:s13+$0xA180]  }
0x22b: {  	v29 =	vld [tilespmem:s13+$0xA190]  }
0x22c: {  	v25 =	vld [tilespmem:s13+$0xA100]  }
0x22d: {  	v26 =	vld [tilespmem:s13+$0xA110]  }
0x22e: {  	v20 =	vld [tilespmem:s13+$0xA080]  }
0x22f: {  	v27 =	vld [tilespmem:s13+$0xA090]  }
0x230: {  	v38 =	vld [tilespmem:s13+$0xA000]  }
0x231: {  	v39 =	vld [tilespmem:s13+$0xA010]  }
0x232: {  	v40 =	vld [tilespmem:s13+$0xA020]  }
0x233: {  	v41 =	vld [tilespmem:s13+$0xA030]  }
0x234: {  	v42 =	vld [tilespmem:s13+$0xA0A0]  }
0x235: {  	v43 =	vld [tilespmem:s13+$0xA0B0]  }
0x236: {  	v44 =	vld [tilespmem:s13+$0xA120]  }
0x237: {  	v21 =	vadd.f32 v38, v21;
	v22 =	vadd.f32 v39, v22;
	v38 =	vld [tilespmem:s13+$0xA130]  }
0x238: {  	v23 =	vadd.f32 v40, v23;
	v24 =	vadd.f32 v41, v24;
	v39 =	vld [tilespmem:s13+$0xA1A0]  }
0x239: {  	v21 =	vadd.f32 v20, v21;
	v22 =	vadd.f32 v27, v22;
	v40 =	vld [tilespmem:s13+$0xA1B0]  }
0x23a: {  	v23 =	vadd.f32 v42, v23;
	v24 =	vadd.f32 v43, v24;
	v20 =	vld [tilespmem:s13+$0xA1C0]  }
0x23b: {  	v21 =	vadd.f32 v25, v21;
	v22 =	vadd.f32 v26, v22;
	v25 =	vld [tilespmem:s13+$0xA1D0]  }
0x23c: {  	v23 =	vadd.f32 v44, v23;
	v24 =	vadd.f32 v38, v24;
	v26 =	vld [tilespmem:s13+$0xA140]  }
0x23d: {  	v21 =	vadd.f32 v28, v21;
	v22 =	vadd.f32 v29, v22;
	v27 =	vld [tilespmem:s13+$0xA150]  }
.Ltmp3:
0x23e: {  	v23 =	vadd.f32 v39, v23;
	v28 =	vld [tilespmem:s13+$0xA0C0];
	v24 =	vadd.f32 v40, v24;
	(pc) =	sbr.rel @p1 .LBB2_9-.Ltmp3, $4  }
0x23f: {  	v21 =	vadd.f32 v30, v21;
	v22 =	vadd.f32 v31, v22;
	v29 =	vld [tilespmem:s13+$0xA0D0]  }
0x240: {  	v23 =	vadd.f32 v36, v23;
	v30 =	vld [tilespmem:s13+$0xA040];
	v24 =	vadd.f32 v37, v24  }
0x241: {  	v21 =	vadd.f32 v32, v21;
	v22 =	vadd.f32 v33, v22;
	v31 =	vld [tilespmem:s13+$0xA050]  }
0x242: {  	s14 =	sadd.s32 $0x1000, s14;
	v23 =	vadd.f32 v34, v23;
	v32 =	vld [tilespmem:s13+$0xA060];
	v24 =	vadd.f32 v35, v24  }
0x243: {  	v14 =	vadd.f32 v14, v21;
	v16 =	vadd.f32 v16, v22  }
0x244: {  	v21 =	vld [tilespmem:s13+$0xA070];
	v13 =	vadd.f32 v13, v23;
	v15 =	vadd.f32 v15, v24  }
0x245: {  	v22 =	vld [tilespmem:s13+$0xA0E0];
	v6 =	vadd.f32 v6, v14;
	v7 =	vadd.f32 v7, v16  }
0x246: {  	v14 =	vld [tilespmem:s13+$0xA0F0];
	v12 =	vadd.f32 v30, v12;
	v8 =	vadd.f32 v8, v13  }
0x247: {  	v13 =	vld [tilespmem:s13+$0xA160];
	v9 =	vadd.f32 v9, v15;
	v15 =	vadd.f32 v31, v19  }
0x248: {  	v16 =	vld [tilespmem:s13+$0xA170];
	v18 =	vadd.f32 v32, v18;
	v12 =	vadd.f32 v28, v12  }
0x249: {  	v19 =	vld [tilespmem:s13+$0xA1E0];
	v17 =	vadd.f32 v21, v17;
	v15 =	vadd.f32 v29, v15  }
0x24a: {  	v21 =	vld [tilespmem:s13+$0xA1F0];
	v18 =	vadd.f32 v22, v18;
	v12 =	vadd.f32 v26, v12  }
0x24b: {  	v14 =	vadd.f32 v14, v17;
	v17 =	vld [tilespmem:s13+$0xA260];
	v15 =	vadd.f32 v27, v15  }
0x24c: {  	v22 =	vld [tilespmem:s13+$0xA270];
	v13 =	vadd.f32 v13, v18;
	v12 =	vadd.f32 v20, v12  }
0x24d: {  	v14 =	vadd.f32 v16, v14;
	v16 =	vld [tilespmem:s13+$0xA2E0];
	v15 =	vadd.f32 v25, v15  }
0x24e: {  	v18 =	vld [tilespmem:s13+$0xA2F0];
	v13 =	vadd.f32 v19, v13;
	v10 =	vadd.f32 v10, v12  }
0x24f: {  	v12 =	vadd.f32 v21, v14;
	v14 =	vld [tilespmem:s13+$0xA360];
	v11 =	vadd.f32 v11, v15  }
0x250: {  	v15 =	vld [tilespmem:s13+$0xA370];
	v13 =	vadd.f32 v17, v13;
	v5 =	vadd.f32 v5, v10  }
0x251: {  	v10 =	vadd.f32 v22, v12;
	v12 =	vld [tilespmem:s13+$0xA3E0];
	v4 =	vadd.f32 v4, v11  }
0x252: {  	v11 =	vld [tilespmem:s13+$0xA3F0];
	v13 =	vadd.f32 v16, v13;
	v3 =	vadd.f32 v3, v5;
	v5 =	vmul.f32 $1.562500000e-02, v6  }
0x253: {  	v6 =	vadd.f32 v18, v10;
	v2 =	vadd.f32 v2, v4;
	v4 =	vmul.f32 $1.562500000e-02, v7  }
0x254: {  	v7 =	vadd.f32 v14, v13;
	v0 =	vadd.f32 v0, v3;
	[tilespmem:s11+$0x14180] =	vst v5;
	v3 =	vmul.f32 $1.562500000e-02, v8  }
0x255: {  	v5 =	vadd.f32 v15, v6;
	v1 =	vadd.f32 v1, v2;
	[tilespmem:s11+$0x14190] =	vst v4;
	v2 =	vmul.f32 $1.562500000e-02, v9  }
0x256: {  	v4 =	vadd.f32 v12, v7;
	[tilespmem:s11+$0x141A0] =	vst v3;
	v0 =	vmul.f32 $1.562500000e-02, v0  }
0x257: {  	v3 =	vadd.f32 v11, v5;
	[tilespmem:s11+$0x141B0] =	vst v2;
	v1 =	vmul.f32 $1.562500000e-02, v1  }
0x258: {  	[tilespmem:s11+$0x141C0] =	vst v0;
	v0 =	vmul.f32 $1.562500000e-02, v4  }
0x259: {  	[tilespmem:s11+$0x141D0] =	vst v1;
	v1 =	vmul.f32 $1.562500000e-02, v3  }
0x25a: {  	[tilespmem:s11+$0x141E0] =	vst v0  }
0x25b: {  	s14 =	simm.s32 @!p0 $0x40;
	s15 =	simm.s32 @!p0 $0xA000;
	s13 =	sadd.s32 @!p0 $0x580, s12;
	[tilespmem:s11+$0x141F0] =	vst v1  }
0x25c: {  	[tilespmem:s15], [sflag:$0x4] =	stream.indirect.gather @!p0 [hbm4b:s1+s14], $0x80, s13, s14, $0xb8;
	[tilespmem:$0x18000] =	vst v63  }
0x25d: {  	_ =	swait.ge [sflag:s28], $0x2000  }
0x25e: {  	[sflag:s28] =	ssyncset.done $0x0  }
0x25f: {  	s13 =	simm.s32 $0x0;
	[sflag:s28] =	ssyncadd.s32 $0xFFFFE000  }
0x260: {  	v6 =	vld [tilespmem:s13+$0xC380]  }
0x261: {  	v7 =	vld [tilespmem:s13+$0xC390]  }
0x262: {  	v8 =	vld [tilespmem:s13+$0xC3A0]  }
0x263: {  	v9 =	vld [tilespmem:s13+$0xC3B0]  }
0x264: {  	v0 =	vld [tilespmem:s13+$0xC3C0]  }
0x265: {  	v1 =	vld [tilespmem:s13+$0xC3D0]  }
0x266: {  	v14 =	vld [tilespmem:s13+$0xC300]  }
0x267: {  	v16 =	vld [tilespmem:s13+$0xC310]  }
0x268: {  	v13 =	vld [tilespmem:s13+$0xC320]  }
0x269: {  	v15 =	vld [tilespmem:s13+$0xC330]  }
0x26a: {  	v3 =	vld [tilespmem:s13+$0xC340]  }
0x26b: {  	v2 =	vld [tilespmem:s13+$0xC350]  }
0x26c: {  	v17 =	vld [tilespmem:s13+$0xC280]  }
0x26d: {  	v18 =	vld [tilespmem:s13+$0xC290]  }
0x26e: {  	v19 =	vld [tilespmem:s13+$0xC2A0]  }
0x26f: {  	v24 =	vld [tilespmem:s13+$0xC2B0]  }
0x270: {  	v5 =	vld [tilespmem:s13+$0xC2C0]  }
0x271: {  	v4 =	vld [tilespmem:s13+$0xC2D0]  }
0x272: {  	v21 =	vld [tilespmem:s13+$0xC200]  }
0x273: {  	v22 =	vld [tilespmem:s13+$0xC210]  }
0x274: {  	v23 =	vld [tilespmem:s13+$0xC220]  }
0x275: {  	v30 =	vld [tilespmem:s13+$0xC230]  }
0x276: {  	v10 =	vld [tilespmem:s13+$0xC240]  }
0x277: {  	v27 =	vld [tilespmem:s13+$0xC180]  }
0x278: {  	v28 =	vld [tilespmem:s13+$0xC190]  }
0x279: {  	v25 =	vld [tilespmem:s13+$0xC100]  }
0x27a: {  	v26 =	vld [tilespmem:s13+$0xC110]  }
0x27b: {  	v11 =	vld [tilespmem:s13+$0xC080]  }
0x27c: {  	v20 =	vld [tilespmem:s13+$0xC090]  }
0x27d: {  	v29 =	vld [tilespmem:s13+$0xC000]  }
0x27e: {  	v31 =	vld [tilespmem:s13+$0xC010]  }
0x27f: {  	v62 =	vld [tilespmem:s13+$0xC020]  }
0x280: {  	v33 =	vld [tilespmem:s13+$0xC030]  }
0x281: {  	v34 =	vld [tilespmem:s13+$0xC0A0]  }
0x282: {  	v35 =	vld [tilespmem:s13+$0xC0B0]  }
0x283: {  	v12 =	vimm.f32 $0.0e+00;
	v36 =	vld [tilespmem:s13+$0xC120]  }
0x284: {  	v37 =	vld [tilespmem:s13+$0xC130];
	v29 =	vadd.f32 v29, v12;
	v31 =	vadd.f32 v31, v12  }
0x285: {  	v38 =	vld [tilespmem:s13+$0xC1A0];
	v32 =	vadd.f32 v62, v12;
	v33 =	vadd.f32 v33, v12  }
0x286: {  	v39 =	vld [tilespmem:s13+$0xC1B0];
	v29 =	vadd.f32 v11, v29;
	v31 =	vadd.f32 v20, v31  }
0x287: {  	v11 =	vld [tilespmem:s13+$0xC250];
	v32 =	vadd.f32 v34, v32;
	v33 =	vadd.f32 v35, v33  }
0x288: {  	v20 =	vld [tilespmem:s13+$0xC1C0];
	v29 =	vadd.f32 v25, v29;
	v31 =	vadd.f32 v26, v31  }
0x289: {  	v25 =	vld [tilespmem:s13+$0xC1D0];
	v32 =	vadd.f32 v36, v32;
	v33 =	vadd.f32 v37, v33  }
0x28a: {  	v26 =	vld [tilespmem:s13+$0xC140];
	v29 =	vadd.f32 v27, v29;
	v31 =	vadd.f32 v28, v31  }
0x28b: {  	v27 =	vld [tilespmem:s13+$0xC150];
	v32 =	vadd.f32 v38, v32;
	v33 =	vadd.f32 v39, v33  }
0x28c: {  	v28 =	vld [tilespmem:s13+$0xC0C0];
	v21 =	vadd.f32 v21, v29;
	v22 =	vadd.f32 v22, v31  }
0x28d: {  	v29 =	vld [tilespmem:s13+$0xC0D0];
	v23 =	vadd.f32 v23, v32;
	v63 =	vadd.f32 v30, v33  }
0x28e: {  	v30 =	vld [tilespmem:s13+$0xC040];
	v21 =	vadd.f32 v17, v21;
	v22 =	vadd.f32 v18, v22  }
0x28f: {  	v31 =	vld [tilespmem:s13+$0xC050];
	v23 =	vadd.f32 v19, v23;
	v24 =	vadd.f32 v24, v63  }
0x290: {  	s14 =	simm.s32 $0x1000;
	v32 =	vld [tilespmem:s13+$0xC060];
	v19 =	vimm.f32 $0.0e+00;
	v18 =	vimm.f32 $0.0e+00;
	v17 =	vimm.f32 $0.0e+00  }
.LBB2_11:
0x291: {  	p1 =	sne.s32 s14, $0x7000;
	v33 =	vld [tilespmem:s13+$0xC070];
	v14 =	vadd.f32 v14, v21;
	v16 =	vadd.f32 v16, v22  }
0x292: {  	v34 =	vld [tilespmem:s13+$0xC0E0];
	v13 =	vadd.f32 v13, v23;
	v15 =	vadd.f32 v15, v24  }
0x293: {  	v35 =	vld [tilespmem:s13+$0xC0F0];
	v21 =	vadd.f32 v6, v14;
	v22 =	vadd.f32 v7, v16  }
0x294: {  	v6 =	vld [tilespmem:s13+$0xC160];
	v23 =	vadd.f32 v8, v13;
	v24 =	vadd.f32 v9, v15  }
0x295: {  	v7 =	vadd.f32 v30, v12;
	v8 =	vadd.f32 v31, v19;
	v9 =	vld [tilespmem:s13+$0xC170]  }
0x296: {  	v12 =	vadd.f32 v32, v18;
	v13 =	vadd.f32 v33, v17;
	v14 =	vld [tilespmem:s13+$0xC1E0]  }
0x297: {  	v7 =	vadd.f32 v28, v7;
	v8 =	vadd.f32 v29, v8;
	v15 =	vld [tilespmem:s13+$0xC1F0]  }
0x298: {  	v12 =	vadd.f32 v34, v12;
	v13 =	vadd.f32 v35, v13;
	v16 =	vld [tilespmem:s13+$0xC260]  }
0x299: {  	v7 =	vadd.f32 v26, v7;
	v8 =	vadd.f32 v27, v8;
	v17 =	vld [tilespmem:s13+$0xC270]  }
0x29a: {  	v6 =	vadd.f32 v6, v12;
	v9 =	vadd.f32 v9, v13;
	v12 =	vld [tilespmem:s13+$0xC2E0]  }
0x29b: {  	v7 =	vadd.f32 v20, v7;
	v8 =	vadd.f32 v25, v8;
	v13 =	vld [tilespmem:s13+$0xC2F0]  }
0x29c: {  	v6 =	vadd.f32 v14, v6;
	v9 =	vadd.f32 v15, v9;
	v14 =	vld [tilespmem:s13+$0xC360]  }
0x29d: {  	v7 =	vadd.f32 v10, v7;
	v8 =	vadd.f32 v11, v8;
	v10 =	vld [tilespmem:s13+$0xC370]  }
0x29e: {  	v11 =	vadd.f32 v16, v6;
	v9 =	vadd.f32 v17, v9;
	v15 =	vld [tilespmem:s13+$0xC3E0]  }
0x29f: {  	v5 =	vadd.f32 v5, v7;
	v4 =	vadd.f32 v4, v8;
	v16 =	vld [tilespmem:s13+$0xC3F0];
	s13 =	sshra.s32 s14, $0x2  }
0x2a0: {  	v11 =	vadd.f32 v12, v11;
	v6 =	vld [tilespmem:s13+$0xC380];
	v9 =	vadd.f32 v13, v9  }
0x2a1: {  	v3 =	vadd.f32 v3, v5;
	v2 =	vadd.f32 v2, v4;
	v7 =	vld [tilespmem:s13+$0xC390]  }
0x2a2: {  	v4 =	vadd.f32 v14, v11;
	v8 =	vld [tilespmem:s13+$0xC3A0];
	v5 =	vadd.f32 v10, v9  }
0x2a3: {  	v12 =	vadd.f32 v0, v3;
	v19 =	vadd.f32 v1, v2;
	v9 =	vld [tilespmem:s13+$0xC3B0]  }
0x2a4: {  	v18 =	vadd.f32 v15, v4;
	v0 =	vld [tilespmem:s13+$0xC3C0];
	v17 =	vadd.f32 v16, v5  }
0x2a5: {  	v1 =	vld [tilespmem:s13+$0xC3D0]  }
0x2a6: {  	v14 =	vld [tilespmem:s13+$0xC300]  }
0x2a7: {  	v16 =	vld [tilespmem:s13+$0xC310]  }
0x2a8: {  	v13 =	vld [tilespmem:s13+$0xC320]  }
0x2a9: {  	v15 =	vld [tilespmem:s13+$0xC330]  }
0x2aa: {  	v3 =	vld [tilespmem:s13+$0xC340]  }
0x2ab: {  	v2 =	vld [tilespmem:s13+$0xC350]  }
0x2ac: {  	v32 =	vld [tilespmem:s13+$0xC280]  }
0x2ad: {  	v33 =	vld [tilespmem:s13+$0xC290]  }
0x2ae: {  	v34 =	vld [tilespmem:s13+$0xC2A0]  }
0x2af: {  	v35 =	vld [tilespmem:s13+$0xC2B0]  }
0x2b0: {  	v5 =	vld [tilespmem:s13+$0xC2C0]  }
0x2b1: {  	v4 =	vld [tilespmem:s13+$0xC2D0]  }
0x2b2: {  	v30 =	vld [tilespmem:s13+$0xC200]  }
0x2b3: {  	v31 =	vld [tilespmem:s13+$0xC210]  }
0x2b4: {  	v36 =	vld [tilespmem:s13+$0xC220]  }
0x2b5: {  	v37 =	vld [tilespmem:s13+$0xC230]  }
0x2b6: {  	v10 =	vld [tilespmem:s13+$0xC240]  }
0x2b7: {  	v11 =	vld [tilespmem:s13+$0xC250]  }
0x2b8: {  	v28 =	vld [tilespmem:s13+$0xC180]  }
0x2b9: {  	v29 =	vld [tilespmem:s13+$0xC190]  }
0x2ba: {  	v25 =	vld [tilespmem:s13+$0xC100]  }
0x2bb: {  	v26 =	vld [tilespmem:s13+$0xC110]  }
0x2bc: {  	v20 =	vld [tilespmem:s13+$0xC080]  }
0x2bd: {  	v27 =	vld [tilespmem:s13+$0xC090]  }
0x2be: {  	v38 =	vld [tilespmem:s13+$0xC000]  }
0x2bf: {  	v39 =	vld [tilespmem:s13+$0xC010]  }
0x2c0: {  	v40 =	vld [tilespmem:s13+$0xC020]  }
0x2c1: {  	v41 =	vld [tilespmem:s13+$0xC030]  }
0x2c2: {  	v42 =	vld [tilespmem:s13+$0xC0A0]  }
0x2c3: {  	v43 =	vld [tilespmem:s13+$0xC0B0]  }
0x2c4: {  	v44 =	vld [tilespmem:s13+$0xC120]  }
0x2c5: {  	v21 =	vadd.f32 v38, v21;
	v22 =	vadd.f32 v39, v22;
	v38 =	vld [tilespmem:s13+$0xC130]  }
0x2c6: {  	v23 =	vadd.f32 v40, v23;
	v24 =	vadd.f32 v41, v24;
	v39 =	vld [tilespmem:s13+$0xC1A0]  }
0x2c7: {  	v21 =	vadd.f32 v20, v21;
	v22 =	vadd.f32 v27, v22;
	v40 =	vld [tilespmem:s13+$0xC1B0]  }
0x2c8: {  	v23 =	vadd.f32 v42, v23;
	v24 =	vadd.f32 v43, v24;
	v20 =	vld [tilespmem:s13+$0xC1C0]  }
0x2c9: {  	v21 =	vadd.f32 v25, v21;
	v22 =	vadd.f32 v26, v22;
	v25 =	vld [tilespmem:s13+$0xC1D0]  }
0x2ca: {  	v23 =	vadd.f32 v44, v23;
	v24 =	vadd.f32 v38, v24;
	v26 =	vld [tilespmem:s13+$0xC140]  }
0x2cb: {  	v21 =	vadd.f32 v28, v21;
	v22 =	vadd.f32 v29, v22;
	v27 =	vld [tilespmem:s13+$0xC150]  }
.Ltmp4:
0x2cc: {  	v23 =	vadd.f32 v39, v23;
	v28 =	vld [tilespmem:s13+$0xC0C0];
	v24 =	vadd.f32 v40, v24;
	(pc) =	sbr.rel @p1 .LBB2_11-.Ltmp4, $4  }
0x2cd: {  	v21 =	vadd.f32 v30, v21;
	v22 =	vadd.f32 v31, v22;
	v29 =	vld [tilespmem:s13+$0xC0D0]  }
0x2ce: {  	v23 =	vadd.f32 v36, v23;
	v30 =	vld [tilespmem:s13+$0xC040];
	v24 =	vadd.f32 v37, v24  }
0x2cf: {  	v21 =	vadd.f32 v32, v21;
	v22 =	vadd.f32 v33, v22;
	v31 =	vld [tilespmem:s13+$0xC050]  }
0x2d0: {  	s14 =	sadd.s32 $0x1000, s14;
	v23 =	vadd.f32 v34, v23;
	v32 =	vld [tilespmem:s13+$0xC060];
	v24 =	vadd.f32 v35, v24  }
0x2d1: {  	v14 =	vadd.f32 v14, v21;
	v16 =	vadd.f32 v16, v22  }
0x2d2: {  	v21 =	vld [tilespmem:s13+$0xC070];
	v13 =	vadd.f32 v13, v23;
	v15 =	vadd.f32 v15, v24  }
0x2d3: {  	v22 =	vld [tilespmem:s13+$0xC0E0];
	v6 =	vadd.f32 v6, v14;
	v7 =	vadd.f32 v7, v16  }
0x2d4: {  	v14 =	vld [tilespmem:s13+$0xC0F0];
	v12 =	vadd.f32 v30, v12;
	v8 =	vadd.f32 v8, v13  }
0x2d5: {  	v13 =	vld [tilespmem:s13+$0xC160];
	v9 =	vadd.f32 v9, v15;
	v15 =	vadd.f32 v31, v19  }
0x2d6: {  	v16 =	vld [tilespmem:s13+$0xC170];
	v18 =	vadd.f32 v32, v18;
	v12 =	vadd.f32 v28, v12  }
0x2d7: {  	v19 =	vld [tilespmem:s13+$0xC1E0];
	v17 =	vadd.f32 v21, v17;
	v15 =	vadd.f32 v29, v15  }
0x2d8: {  	v21 =	vld [tilespmem:s13+$0xC1F0];
	v18 =	vadd.f32 v22, v18;
	v12 =	vadd.f32 v26, v12  }
0x2d9: {  	v14 =	vadd.f32 v14, v17;
	v17 =	vld [tilespmem:s13+$0xC260];
	v15 =	vadd.f32 v27, v15  }
0x2da: {  	v22 =	vld [tilespmem:s13+$0xC270];
	v13 =	vadd.f32 v13, v18;
	v12 =	vadd.f32 v20, v12  }
0x2db: {  	v14 =	vadd.f32 v16, v14;
	v16 =	vld [tilespmem:s13+$0xC2E0];
	v15 =	vadd.f32 v25, v15  }
0x2dc: {  	v18 =	vld [tilespmem:s13+$0xC2F0];
	v13 =	vadd.f32 v19, v13;
	v10 =	vadd.f32 v10, v12  }
0x2dd: {  	v12 =	vadd.f32 v21, v14;
	v14 =	vld [tilespmem:s13+$0xC360];
	v11 =	vadd.f32 v11, v15  }
0x2de: {  	v15 =	vld [tilespmem:s13+$0xC370];
	v13 =	vadd.f32 v17, v13;
	v5 =	vadd.f32 v5, v10  }
0x2df: {  	v10 =	vadd.f32 v22, v12;
	v12 =	vld [tilespmem:s13+$0xC3E0];
	v4 =	vadd.f32 v4, v11  }
0x2e0: {  	v11 =	vld [tilespmem:s13+$0xC3F0];
	v13 =	vadd.f32 v16, v13;
	v3 =	vadd.f32 v3, v5;
	v5 =	vmul.f32 $1.562500000e-02, v6  }
0x2e1: {  	v6 =	vadd.f32 v18, v10;
	v2 =	vadd.f32 v2, v4;
	v4 =	vmul.f32 $1.562500000e-02, v7  }
0x2e2: {  	v7 =	vadd.f32 v14, v13;
	v0 =	vadd.f32 v0, v3;
	[tilespmem:s11+$0x14200] =	vst v5;
	v3 =	vmul.f32 $1.562500000e-02, v8  }
0x2e3: {  	v5 =	vadd.f32 v15, v6;
	v1 =	vadd.f32 v1, v2;
	[tilespmem:s11+$0x14210] =	vst v4;
	v2 =	vmul.f32 $1.562500000e-02, v9  }
0x2e4: {  	v4 =	vadd.f32 v12, v7;
	[tilespmem:s11+$0x14220] =	vst v3;
	v0 =	vmul.f32 $1.562500000e-02, v0  }
0x2e5: {  	v3 =	vadd.f32 v11, v5;
	[tilespmem:s11+$0x14230] =	vst v2;
	v1 =	vmul.f32 $1.562500000e-02, v1  }
0x2e6: {  	[tilespmem:s11+$0x14240] =	vst v0;
	v0 =	vmul.f32 $1.562500000e-02, v4  }
0x2e7: {  	[tilespmem:s11+$0x14250] =	vst v1;
	v1 =	vmul.f32 $1.562500000e-02, v3  }
0x2e8: {  	[tilespmem:s11+$0x14260] =	vst v0  }
0x2e9: {  	s14 =	simm.s32 @!p0 $0x40;
	s15 =	simm.s32 @!p0 $0xC000;
	s13 =	sadd.s32 @!p0 $0x600, s12;
	[tilespmem:s11+$0x14270] =	vst v1  }
0x2ea: {  	[tilespmem:s15], [sflag:$0x5] =	stream.indirect.gather @!p0 [hbm4b:s1+s14], $0x80, s13, s14, $0xb8;
	[tilespmem:$0x18000] =	vst v63  }
0x2eb: {  	_ =	swait.ge [sflag:s29], $0x2000  }
0x2ec: {  	[sflag:s29] =	ssyncset.done $0x0  }
0x2ed: {  	s13 =	simm.s32 $0x0;
	[sflag:s29] =	ssyncadd.s32 $0xFFFFE000  }
0x2ee: {  	v6 =	vld [tilespmem:s13+$0xE380]  }
0x2ef: {  	v7 =	vld [tilespmem:s13+$0xE390]  }
0x2f0: {  	v8 =	vld [tilespmem:s13+$0xE3A0]  }
0x2f1: {  	v9 =	vld [tilespmem:s13+$0xE3B0]  }
0x2f2: {  	v0 =	vld [tilespmem:s13+$0xE3C0]  }
0x2f3: {  	v1 =	vld [tilespmem:s13+$0xE3D0]  }
0x2f4: {  	v14 =	vld [tilespmem:s13+$0xE300]  }
0x2f5: {  	v16 =	vld [tilespmem:s13+$0xE310]  }
0x2f6: {  	v13 =	vld [tilespmem:s13+$0xE320]  }
0x2f7: {  	v15 =	vld [tilespmem:s13+$0xE330]  }
0x2f8: {  	v3 =	vld [tilespmem:s13+$0xE340]  }
0x2f9: {  	v2 =	vld [tilespmem:s13+$0xE350]  }
0x2fa: {  	v17 =	vld [tilespmem:s13+$0xE280]  }
0x2fb: {  	v18 =	vld [tilespmem:s13+$0xE290]  }
0x2fc: {  	v19 =	vld [tilespmem:s13+$0xE2A0]  }
0x2fd: {  	v24 =	vld [tilespmem:s13+$0xE2B0]  }
0x2fe: {  	v5 =	vld [tilespmem:s13+$0xE2C0]  }
0x2ff: {  	v4 =	vld [tilespmem:s13+$0xE2D0]  }
0x300: {  	v21 =	vld [tilespmem:s13+$0xE200]  }
0x301: {  	v22 =	vld [tilespmem:s13+$0xE210]  }
0x302: {  	v23 =	vld [tilespmem:s13+$0xE220]  }
0x303: {  	v30 =	vld [tilespmem:s13+$0xE230]  }
0x304: {  	v10 =	vld [tilespmem:s13+$0xE240]  }
0x305: {  	v27 =	vld [tilespmem:s13+$0xE180]  }
0x306: {  	v28 =	vld [tilespmem:s13+$0xE190]  }
0x307: {  	v25 =	vld [tilespmem:s13+$0xE100]  }
0x308: {  	v26 =	vld [tilespmem:s13+$0xE110]  }
0x309: {  	v11 =	vld [tilespmem:s13+$0xE080]  }
0x30a: {  	v20 =	vld [tilespmem:s13+$0xE090]  }
0x30b: {  	v29 =	vld [tilespmem:s13+$0xE000]  }
0x30c: {  	v31 =	vld [tilespmem:s13+$0xE010]  }
0x30d: {  	v62 =	vld [tilespmem:s13+$0xE020]  }
0x30e: {  	v33 =	vld [tilespmem:s13+$0xE030]  }
0x30f: {  	v34 =	vld [tilespmem:s13+$0xE0A0]  }
0x310: {  	v35 =	vld [tilespmem:s13+$0xE0B0]  }
0x311: {  	v12 =	vimm.f32 $0.0e+00;
	v36 =	vld [tilespmem:s13+$0xE120]  }
0x312: {  	v37 =	vld [tilespmem:s13+$0xE130];
	v29 =	vadd.f32 v29, v12;
	v31 =	vadd.f32 v31, v12  }
0x313: {  	v38 =	vld [tilespmem:s13+$0xE1A0];
	v32 =	vadd.f32 v62, v12;
	v33 =	vadd.f32 v33, v12  }
0x314: {  	v39 =	vld [tilespmem:s13+$0xE1B0];
	v29 =	vadd.f32 v11, v29;
	v31 =	vadd.f32 v20, v31  }
0x315: {  	v11 =	vld [tilespmem:s13+$0xE250];
	v32 =	vadd.f32 v34, v32;
	v33 =	vadd.f32 v35, v33  }
0x316: {  	v20 =	vld [tilespmem:s13+$0xE1C0];
	v29 =	vadd.f32 v25, v29;
	v31 =	vadd.f32 v26, v31  }
0x317: {  	v25 =	vld [tilespmem:s13+$0xE1D0];
	v32 =	vadd.f32 v36, v32;
	v33 =	vadd.f32 v37, v33  }
0x318: {  	v26 =	vld [tilespmem:s13+$0xE140];
	v29 =	vadd.f32 v27, v29;
	v31 =	vadd.f32 v28, v31  }
0x319: {  	v27 =	vld [tilespmem:s13+$0xE150];
	v32 =	vadd.f32 v38, v32;
	v33 =	vadd.f32 v39, v33  }
0x31a: {  	v28 =	vld [tilespmem:s13+$0xE0C0];
	v21 =	vadd.f32 v21, v29;
	v22 =	vadd.f32 v22, v31  }
0x31b: {  	v29 =	vld [tilespmem:s13+$0xE0D0];
	v23 =	vadd.f32 v23, v32;
	v63 =	vadd.f32 v30, v33  }
0x31c: {  	v30 =	vld [tilespmem:s13+$0xE040];
	v21 =	vadd.f32 v17, v21;
	v22 =	vadd.f32 v18, v22  }
0x31d: {  	v31 =	vld [tilespmem:s13+$0xE050];
	v23 =	vadd.f32 v19, v23;
	v24 =	vadd.f32 v24, v63  }
0x31e: {  	s14 =	simm.s32 $0x1000;
	v32 =	vld [tilespmem:s13+$0xE060];
	v19 =	vimm.f32 $0.0e+00;
	v18 =	vimm.f32 $0.0e+00;
	v17 =	vimm.f32 $0.0e+00  }
.LBB2_13:
0x31f: {  	p1 =	sne.s32 s14, $0x7000;
	v33 =	vld [tilespmem:s13+$0xE070];
	v14 =	vadd.f32 v14, v21;
	v16 =	vadd.f32 v16, v22  }
0x320: {  	v34 =	vld [tilespmem:s13+$0xE0E0];
	v13 =	vadd.f32 v13, v23;
	v15 =	vadd.f32 v15, v24  }
0x321: {  	v35 =	vld [tilespmem:s13+$0xE0F0];
	v21 =	vadd.f32 v6, v14;
	v22 =	vadd.f32 v7, v16  }
0x322: {  	v6 =	vld [tilespmem:s13+$0xE160];
	v23 =	vadd.f32 v8, v13;
	v24 =	vadd.f32 v9, v15  }
0x323: {  	v7 =	vadd.f32 v30, v12;
	v8 =	vadd.f32 v31, v19;
	v9 =	vld [tilespmem:s13+$0xE170]  }
0x324: {  	v12 =	vadd.f32 v32, v18;
	v13 =	vadd.f32 v33, v17;
	v14 =	vld [tilespmem:s13+$0xE1E0]  }
0x325: {  	v7 =	vadd.f32 v28, v7;
	v8 =	vadd.f32 v29, v8;
	v15 =	vld [tilespmem:s13+$0xE1F0]  }
0x326: {  	v12 =	vadd.f32 v34, v12;
	v13 =	vadd.f32 v35, v13;
	v16 =	vld [tilespmem:s13+$0xE260]  }
0x327: {  	v7 =	vadd.f32 v26, v7;
	v8 =	vadd.f32 v27, v8;
	v17 =	vld [tilespmem:s13+$0xE270]  }
0x328: {  	v6 =	vadd.f32 v6, v12;
	v9 =	vadd.f32 v9, v13;
	v12 =	vld [tilespmem:s13+$0xE2E0]  }
0x329: {  	v7 =	vadd.f32 v20, v7;
	v8 =	vadd.f32 v25, v8;
	v13 =	vld [tilespmem:s13+$0xE2F0]  }
0x32a: {  	v6 =	vadd.f32 v14, v6;
	v9 =	vadd.f32 v15, v9;
	v14 =	vld [tilespmem:s13+$0xE360]  }
0x32b: {  	v7 =	vadd.f32 v10, v7;
	v8 =	vadd.f32 v11, v8;
	v10 =	vld [tilespmem:s13+$0xE370]  }
0x32c: {  	v11 =	vadd.f32 v16, v6;
	v9 =	vadd.f32 v17, v9;
	v15 =	vld [tilespmem:s13+$0xE3E0]  }
0x32d: {  	v5 =	vadd.f32 v5, v7;
	v4 =	vadd.f32 v4, v8;
	v16 =	vld [tilespmem:s13+$0xE3F0];
	s13 =	sshra.s32 s14, $0x2  }
0x32e: {  	v11 =	vadd.f32 v12, v11;
	v6 =	vld [tilespmem:s13+$0xE380];
	v9 =	vadd.f32 v13, v9  }
0x32f: {  	v3 =	vadd.f32 v3, v5;
	v2 =	vadd.f32 v2, v4;
	v7 =	vld [tilespmem:s13+$0xE390]  }
0x330: {  	v4 =	vadd.f32 v14, v11;
	v8 =	vld [tilespmem:s13+$0xE3A0];
	v5 =	vadd.f32 v10, v9  }
0x331: {  	v12 =	vadd.f32 v0, v3;
	v19 =	vadd.f32 v1, v2;
	v9 =	vld [tilespmem:s13+$0xE3B0]  }
0x332: {  	v18 =	vadd.f32 v15, v4;
	v0 =	vld [tilespmem:s13+$0xE3C0];
	v17 =	vadd.f32 v16, v5  }
0x333: {  	v1 =	vld [tilespmem:s13+$0xE3D0]  }
0x334: {  	v14 =	vld [tilespmem:s13+$0xE300]  }
0x335: {  	v16 =	vld [tilespmem:s13+$0xE310]  }
0x336: {  	v13 =	vld [tilespmem:s13+$0xE320]  }
0x337: {  	v15 =	vld [tilespmem:s13+$0xE330]  }
0x338: {  	v3 =	vld [tilespmem:s13+$0xE340]  }
0x339: {  	v2 =	vld [tilespmem:s13+$0xE350]  }
0x33a: {  	v32 =	vld [tilespmem:s13+$0xE280]  }
0x33b: {  	v33 =	vld [tilespmem:s13+$0xE290]  }
0x33c: {  	v34 =	vld [tilespmem:s13+$0xE2A0]  }
0x33d: {  	v35 =	vld [tilespmem:s13+$0xE2B0]  }
0x33e: {  	v5 =	vld [tilespmem:s13+$0xE2C0]  }
0x33f: {  	v4 =	vld [tilespmem:s13+$0xE2D0]  }
0x340: {  	v30 =	vld [tilespmem:s13+$0xE200]  }
0x341: {  	v31 =	vld [tilespmem:s13+$0xE210]  }
0x342: {  	v36 =	vld [tilespmem:s13+$0xE220]  }
0x343: {  	v37 =	vld [tilespmem:s13+$0xE230]  }
0x344: {  	v10 =	vld [tilespmem:s13+$0xE240]  }
0x345: {  	v11 =	vld [tilespmem:s13+$0xE250]  }
0x346: {  	v28 =	vld [tilespmem:s13+$0xE180]  }
0x347: {  	v29 =	vld [tilespmem:s13+$0xE190]  }
0x348: {  	v25 =	vld [tilespmem:s13+$0xE100]  }
0x349: {  	v26 =	vld [tilespmem:s13+$0xE110]  }
0x34a: {  	v20 =	vld [tilespmem:s13+$0xE080]  }
0x34b: {  	v27 =	vld [tilespmem:s13+$0xE090]  }
0x34c: {  	v38 =	vld [tilespmem:s13+$0xE000]  }
0x34d: {  	v39 =	vld [tilespmem:s13+$0xE010]  }
0x34e: {  	v40 =	vld [tilespmem:s13+$0xE020]  }
0x34f: {  	v41 =	vld [tilespmem:s13+$0xE030]  }
0x350: {  	v42 =	vld [tilespmem:s13+$0xE0A0]  }
0x351: {  	v43 =	vld [tilespmem:s13+$0xE0B0]  }
0x352: {  	v44 =	vld [tilespmem:s13+$0xE120]  }
0x353: {  	v21 =	vadd.f32 v38, v21;
	v22 =	vadd.f32 v39, v22;
	v38 =	vld [tilespmem:s13+$0xE130]  }
0x354: {  	v23 =	vadd.f32 v40, v23;
	v24 =	vadd.f32 v41, v24;
	v39 =	vld [tilespmem:s13+$0xE1A0]  }
0x355: {  	v21 =	vadd.f32 v20, v21;
	v22 =	vadd.f32 v27, v22;
	v40 =	vld [tilespmem:s13+$0xE1B0]  }
0x356: {  	v23 =	vadd.f32 v42, v23;
	v24 =	vadd.f32 v43, v24;
	v20 =	vld [tilespmem:s13+$0xE1C0]  }
0x357: {  	v21 =	vadd.f32 v25, v21;
	v22 =	vadd.f32 v26, v22;
	v25 =	vld [tilespmem:s13+$0xE1D0]  }
0x358: {  	v23 =	vadd.f32 v44, v23;
	v24 =	vadd.f32 v38, v24;
	v26 =	vld [tilespmem:s13+$0xE140]  }
0x359: {  	v21 =	vadd.f32 v28, v21;
	v22 =	vadd.f32 v29, v22;
	v27 =	vld [tilespmem:s13+$0xE150]  }
.Ltmp5:
0x35a: {  	v23 =	vadd.f32 v39, v23;
	v28 =	vld [tilespmem:s13+$0xE0C0];
	v24 =	vadd.f32 v40, v24;
	(pc) =	sbr.rel @p1 .LBB2_13-.Ltmp5, $4  }
0x35b: {  	v21 =	vadd.f32 v30, v21;
	v22 =	vadd.f32 v31, v22;
	v29 =	vld [tilespmem:s13+$0xE0D0]  }
0x35c: {  	v23 =	vadd.f32 v36, v23;
	v30 =	vld [tilespmem:s13+$0xE040];
	v24 =	vadd.f32 v37, v24  }
0x35d: {  	v21 =	vadd.f32 v32, v21;
	v22 =	vadd.f32 v33, v22;
	v31 =	vld [tilespmem:s13+$0xE050]  }
0x35e: {  	s14 =	sadd.s32 $0x1000, s14;
	v23 =	vadd.f32 v34, v23;
	v32 =	vld [tilespmem:s13+$0xE060];
	v24 =	vadd.f32 v35, v24  }
0x35f: {  	v14 =	vadd.f32 v14, v21;
	v16 =	vadd.f32 v16, v22  }
0x360: {  	v21 =	vld [tilespmem:s13+$0xE070];
	v13 =	vadd.f32 v13, v23;
	v15 =	vadd.f32 v15, v24  }
0x361: {  	v22 =	vld [tilespmem:s13+$0xE0E0];
	v6 =	vadd.f32 v6, v14;
	v7 =	vadd.f32 v7, v16  }
0x362: {  	v14 =	vld [tilespmem:s13+$0xE0F0];
	v12 =	vadd.f32 v30, v12;
	v8 =	vadd.f32 v8, v13  }
0x363: {  	v13 =	vld [tilespmem:s13+$0xE160];
	v9 =	vadd.f32 v9, v15;
	v15 =	vadd.f32 v31, v19  }
0x364: {  	v16 =	vld [tilespmem:s13+$0xE170];
	v18 =	vadd.f32 v32, v18;
	v12 =	vadd.f32 v28, v12  }
0x365: {  	v19 =	vld [tilespmem:s13+$0xE1E0];
	v17 =	vadd.f32 v21, v17;
	v15 =	vadd.f32 v29, v15  }
0x366: {  	v21 =	vld [tilespmem:s13+$0xE1F0];
	v18 =	vadd.f32 v22, v18;
	v12 =	vadd.f32 v26, v12  }
0x367: {  	v14 =	vadd.f32 v14, v17;
	v17 =	vld [tilespmem:s13+$0xE260];
	v15 =	vadd.f32 v27, v15  }
0x368: {  	v22 =	vld [tilespmem:s13+$0xE270];
	v13 =	vadd.f32 v13, v18;
	v12 =	vadd.f32 v20, v12  }
0x369: {  	v14 =	vadd.f32 v16, v14;
	v16 =	vld [tilespmem:s13+$0xE2E0];
	v15 =	vadd.f32 v25, v15  }
0x36a: {  	v18 =	vld [tilespmem:s13+$0xE2F0];
	v13 =	vadd.f32 v19, v13;
	v10 =	vadd.f32 v10, v12  }
0x36b: {  	v12 =	vadd.f32 v21, v14;
	v14 =	vld [tilespmem:s13+$0xE360];
	v11 =	vadd.f32 v11, v15  }
0x36c: {  	v15 =	vld [tilespmem:s13+$0xE370];
	v13 =	vadd.f32 v17, v13;
	v5 =	vadd.f32 v5, v10  }
0x36d: {  	v10 =	vadd.f32 v22, v12;
	v12 =	vld [tilespmem:s13+$0xE3E0];
	v4 =	vadd.f32 v4, v11  }
0x36e: {  	v11 =	vld [tilespmem:s13+$0xE3F0];
	v13 =	vadd.f32 v16, v13;
	v3 =	vadd.f32 v3, v5;
	v5 =	vmul.f32 $1.562500000e-02, v6  }
0x36f: {  	v6 =	vadd.f32 v18, v10;
	v2 =	vadd.f32 v2, v4;
	v4 =	vmul.f32 $1.562500000e-02, v7  }
0x370: {  	v7 =	vadd.f32 v14, v13;
	v0 =	vadd.f32 v0, v3;
	[tilespmem:s11+$0x14280] =	vst v5;
	v3 =	vmul.f32 $1.562500000e-02, v8  }
0x371: {  	v5 =	vadd.f32 v15, v6;
	v1 =	vadd.f32 v1, v2;
	[tilespmem:s11+$0x14290] =	vst v4;
	v2 =	vmul.f32 $1.562500000e-02, v9  }
0x372: {  	v4 =	vadd.f32 v12, v7;
	[tilespmem:s11+$0x142A0] =	vst v3;
	v0 =	vmul.f32 $1.562500000e-02, v0  }
0x373: {  	v3 =	vadd.f32 v11, v5;
	[tilespmem:s11+$0x142B0] =	vst v2;
	v1 =	vmul.f32 $1.562500000e-02, v1  }
0x374: {  	[tilespmem:s11+$0x142C0] =	vst v0;
	v0 =	vmul.f32 $1.562500000e-02, v4  }
0x375: {  	[tilespmem:s11+$0x142D0] =	vst v1;
	v1 =	vmul.f32 $1.562500000e-02, v3  }
0x376: {  	[tilespmem:s11+$0x142E0] =	vst v0  }
0x377: {  	s14 =	simm.s32 @!p0 $0x40;
	s15 =	simm.s32 @!p0 $0xE000;
	s13 =	sadd.s32 @!p0 $0x680, s12;
	[tilespmem:s11+$0x142F0] =	vst v1  }
0x378: {  	[tilespmem:s15], [sflag:$0x6] =	stream.indirect.gather @!p0 [hbm4b:s1+s14], $0x80, s13, s14, $0xb8;
	[tilespmem:$0x18000] =	vst v63  }
0x379: {  	_ =	swait.ge [sflag:s30], $0x2000  }
0x37a: {  	[sflag:s30] =	ssyncset.done $0x0  }
0x37b: {  	s13 =	simm.s32 $0x0;
	[sflag:s30] =	ssyncadd.s32 $0xFFFFE000  }
0x37c: {  	v6 =	vld [tilespmem:s13+$0x10380]  }
0x37d: {  	v7 =	vld [tilespmem:s13+$0x10390]  }
0x37e: {  	v8 =	vld [tilespmem:s13+$0x103A0]  }
0x37f: {  	v9 =	vld [tilespmem:s13+$0x103B0]  }
0x380: {  	v0 =	vld [tilespmem:s13+$0x103C0]  }
0x381: {  	v1 =	vld [tilespmem:s13+$0x103D0]  }
0x382: {  	v14 =	vld [tilespmem:s13+$0x10300]  }
0x383: {  	v16 =	vld [tilespmem:s13+$0x10310]  }
0x384: {  	v13 =	vld [tilespmem:s13+$0x10320]  }
0x385: {  	v15 =	vld [tilespmem:s13+$0x10330]  }
0x386: {  	v3 =	vld [tilespmem:s13+$0x10340]  }
0x387: {  	v2 =	vld [tilespmem:s13+$0x10350]  }
0x388: {  	v17 =	vld [tilespmem:s13+$0x10280]  }
0x389: {  	v18 =	vld [tilespmem:s13+$0x10290]  }
0x38a: {  	v19 =	vld [tilespmem:s13+$0x102A0]  }
0x38b: {  	v24 =	vld [tilespmem:s13+$0x102B0]  }
0x38c: {  	v5 =	vld [tilespmem:s13+$0x102C0]  }
0x38d: {  	v4 =	vld [tilespmem:s13+$0x102D0]  }
0x38e: {  	v21 =	vld [tilespmem:s13+$0x10200]  }
0x38f: {  	v22 =	vld [tilespmem:s13+$0x10210]  }
0x390: {  	v23 =	vld [tilespmem:s13+$0x10220]  }
0x391: {  	v30 =	vld [tilespmem:s13+$0x10230]  }
0x392: {  	v10 =	vld [tilespmem:s13+$0x10240]  }
0x393: {  	v27 =	vld [tilespmem:s13+$0x10180]  }
0x394: {  	v28 =	vld [tilespmem:s13+$0x10190]  }
0x395: {  	v25 =	vld [tilespmem:s13+$0x10100]  }
0x396: {  	v26 =	vld [tilespmem:s13+$0x10110]  }
0x397: {  	v11 =	vld [tilespmem:s13+$0x10080]  }
0x398: {  	v20 =	vld [tilespmem:s13+$0x10090]  }
0x399: {  	v29 =	vld [tilespmem:s13+$0x10000]  }
0x39a: {  	v31 =	vld [tilespmem:s13+$0x10010]  }
0x39b: {  	v62 =	vld [tilespmem:s13+$0x10020]  }
0x39c: {  	v33 =	vld [tilespmem:s13+$0x10030]  }
0x39d: {  	v34 =	vld [tilespmem:s13+$0x100A0]  }
0x39e: {  	v35 =	vld [tilespmem:s13+$0x100B0]  }
0x39f: {  	v12 =	vimm.f32 $0.0e+00;
	v36 =	vld [tilespmem:s13+$0x10120]  }
0x3a0: {  	v37 =	vld [tilespmem:s13+$0x10130];
	v29 =	vadd.f32 v29, v12;
	v31 =	vadd.f32 v31, v12  }
0x3a1: {  	v38 =	vld [tilespmem:s13+$0x101A0];
	v32 =	vadd.f32 v62, v12;
	v33 =	vadd.f32 v33, v12  }
0x3a2: {  	v39 =	vld [tilespmem:s13+$0x101B0];
	v29 =	vadd.f32 v11, v29;
	v31 =	vadd.f32 v20, v31  }
0x3a3: {  	v11 =	vld [tilespmem:s13+$0x10250];
	v32 =	vadd.f32 v34, v32;
	v33 =	vadd.f32 v35, v33  }
0x3a4: {  	v20 =	vld [tilespmem:s13+$0x101C0];
	v29 =	vadd.f32 v25, v29;
	v31 =	vadd.f32 v26, v31  }
0x3a5: {  	v25 =	vld [tilespmem:s13+$0x101D0];
	v32 =	vadd.f32 v36, v32;
	v33 =	vadd.f32 v37, v33  }
0x3a6: {  	v26 =	vld [tilespmem:s13+$0x10140];
	v29 =	vadd.f32 v27, v29;
	v31 =	vadd.f32 v28, v31  }
0x3a7: {  	v27 =	vld [tilespmem:s13+$0x10150];
	v32 =	vadd.f32 v38, v32;
	v33 =	vadd.f32 v39, v33  }
0x3a8: {  	v28 =	vld [tilespmem:s13+$0x100C0];
	v21 =	vadd.f32 v21, v29;
	v22 =	vadd.f32 v22, v31  }
0x3a9: {  	v29 =	vld [tilespmem:s13+$0x100D0];
	v23 =	vadd.f32 v23, v32;
	v63 =	vadd.f32 v30, v33  }
0x3aa: {  	v30 =	vld [tilespmem:s13+$0x10040];
	v21 =	vadd.f32 v17, v21;
	v22 =	vadd.f32 v18, v22  }
0x3ab: {  	v31 =	vld [tilespmem:s13+$0x10050];
	v23 =	vadd.f32 v19, v23;
	v24 =	vadd.f32 v24, v63  }
0x3ac: {  	s14 =	simm.s32 $0x1000;
	v32 =	vld [tilespmem:s13+$0x10060];
	v19 =	vimm.f32 $0.0e+00;
	v18 =	vimm.f32 $0.0e+00;
	v17 =	vimm.f32 $0.0e+00  }
.LBB2_15:
0x3ad: {  	p1 =	sne.s32 s14, $0x7000;
	v33 =	vld [tilespmem:s13+$0x10070];
	v14 =	vadd.f32 v14, v21;
	v16 =	vadd.f32 v16, v22  }
0x3ae: {  	v34 =	vld [tilespmem:s13+$0x100E0];
	v13 =	vadd.f32 v13, v23;
	v15 =	vadd.f32 v15, v24  }
0x3af: {  	v35 =	vld [tilespmem:s13+$0x100F0];
	v21 =	vadd.f32 v6, v14;
	v22 =	vadd.f32 v7, v16  }
0x3b0: {  	v6 =	vld [tilespmem:s13+$0x10160];
	v23 =	vadd.f32 v8, v13;
	v24 =	vadd.f32 v9, v15  }
0x3b1: {  	v7 =	vadd.f32 v30, v12;
	v8 =	vadd.f32 v31, v19;
	v9 =	vld [tilespmem:s13+$0x10170]  }
0x3b2: {  	v12 =	vadd.f32 v32, v18;
	v13 =	vadd.f32 v33, v17;
	v14 =	vld [tilespmem:s13+$0x101E0]  }
0x3b3: {  	v7 =	vadd.f32 v28, v7;
	v8 =	vadd.f32 v29, v8;
	v15 =	vld [tilespmem:s13+$0x101F0]  }
0x3b4: {  	v12 =	vadd.f32 v34, v12;
	v13 =	vadd.f32 v35, v13;
	v16 =	vld [tilespmem:s13+$0x10260]  }
0x3b5: {  	v7 =	vadd.f32 v26, v7;
	v8 =	vadd.f32 v27, v8;
	v17 =	vld [tilespmem:s13+$0x10270]  }
0x3b6: {  	v6 =	vadd.f32 v6, v12;
	v9 =	vadd.f32 v9, v13;
	v12 =	vld [tilespmem:s13+$0x102E0]  }
0x3b7: {  	v7 =	vadd.f32 v20, v7;
	v8 =	vadd.f32 v25, v8;
	v13 =	vld [tilespmem:s13+$0x102F0]  }
0x3b8: {  	v6 =	vadd.f32 v14, v6;
	v9 =	vadd.f32 v15, v9;
	v14 =	vld [tilespmem:s13+$0x10360]  }
0x3b9: {  	v7 =	vadd.f32 v10, v7;
	v8 =	vadd.f32 v11, v8;
	v10 =	vld [tilespmem:s13+$0x10370]  }
0x3ba: {  	v11 =	vadd.f32 v16, v6;
	v9 =	vadd.f32 v17, v9;
	v15 =	vld [tilespmem:s13+$0x103E0]  }
0x3bb: {  	v5 =	vadd.f32 v5, v7;
	v4 =	vadd.f32 v4, v8;
	v16 =	vld [tilespmem:s13+$0x103F0];
	s13 =	sshra.s32 s14, $0x2  }
0x3bc: {  	v11 =	vadd.f32 v12, v11;
	v6 =	vld [tilespmem:s13+$0x10380];
	v9 =	vadd.f32 v13, v9  }
0x3bd: {  	v3 =	vadd.f32 v3, v5;
	v2 =	vadd.f32 v2, v4;
	v7 =	vld [tilespmem:s13+$0x10390]  }
0x3be: {  	v4 =	vadd.f32 v14, v11;
	v8 =	vld [tilespmem:s13+$0x103A0];
	v5 =	vadd.f32 v10, v9  }
0x3bf: {  	v12 =	vadd.f32 v0, v3;
	v19 =	vadd.f32 v1, v2;
	v9 =	vld [tilespmem:s13+$0x103B0]  }
0x3c0: {  	v18 =	vadd.f32 v15, v4;
	v0 =	vld [tilespmem:s13+$0x103C0];
	v17 =	vadd.f32 v16, v5  }
0x3c1: {  	v1 =	vld [tilespmem:s13+$0x103D0]  }
0x3c2: {  	v14 =	vld [tilespmem:s13+$0x10300]  }
0x3c3: {  	v16 =	vld [tilespmem:s13+$0x10310]  }
0x3c4: {  	v13 =	vld [tilespmem:s13+$0x10320]  }
0x3c5: {  	v15 =	vld [tilespmem:s13+$0x10330]  }
0x3c6: {  	v3 =	vld [tilespmem:s13+$0x10340]  }
0x3c7: {  	v2 =	vld [tilespmem:s13+$0x10350]  }
0x3c8: {  	v32 =	vld [tilespmem:s13+$0x10280]  }
0x3c9: {  	v33 =	vld [tilespmem:s13+$0x10290]  }
0x3ca: {  	v34 =	vld [tilespmem:s13+$0x102A0]  }
0x3cb: {  	v35 =	vld [tilespmem:s13+$0x102B0]  }
0x3cc: {  	v5 =	vld [tilespmem:s13+$0x102C0]  }
0x3cd: {  	v4 =	vld [tilespmem:s13+$0x102D0]  }
0x3ce: {  	v30 =	vld [tilespmem:s13+$0x10200]  }
0x3cf: {  	v31 =	vld [tilespmem:s13+$0x10210]  }
0x3d0: {  	v36 =	vld [tilespmem:s13+$0x10220]  }
0x3d1: {  	v37 =	vld [tilespmem:s13+$0x10230]  }
0x3d2: {  	v10 =	vld [tilespmem:s13+$0x10240]  }
0x3d3: {  	v11 =	vld [tilespmem:s13+$0x10250]  }
0x3d4: {  	v28 =	vld [tilespmem:s13+$0x10180]  }
0x3d5: {  	v29 =	vld [tilespmem:s13+$0x10190]  }
0x3d6: {  	v25 =	vld [tilespmem:s13+$0x10100]  }
0x3d7: {  	v26 =	vld [tilespmem:s13+$0x10110]  }
0x3d8: {  	v20 =	vld [tilespmem:s13+$0x10080]  }
0x3d9: {  	v27 =	vld [tilespmem:s13+$0x10090]  }
0x3da: {  	v38 =	vld [tilespmem:s13+$0x10000]  }
0x3db: {  	v39 =	vld [tilespmem:s13+$0x10010]  }
0x3dc: {  	v40 =	vld [tilespmem:s13+$0x10020]  }
0x3dd: {  	v41 =	vld [tilespmem:s13+$0x10030]  }
0x3de: {  	v42 =	vld [tilespmem:s13+$0x100A0]  }
0x3df: {  	v43 =	vld [tilespmem:s13+$0x100B0]  }
0x3e0: {  	v44 =	vld [tilespmem:s13+$0x10120]  }
0x3e1: {  	v21 =	vadd.f32 v38, v21;
	v22 =	vadd.f32 v39, v22;
	v38 =	vld [tilespmem:s13+$0x10130]  }
0x3e2: {  	v23 =	vadd.f32 v40, v23;
	v24 =	vadd.f32 v41, v24;
	v39 =	vld [tilespmem:s13+$0x101A0]  }
0x3e3: {  	v21 =	vadd.f32 v20, v21;
	v22 =	vadd.f32 v27, v22;
	v40 =	vld [tilespmem:s13+$0x101B0]  }
0x3e4: {  	v23 =	vadd.f32 v42, v23;
	v24 =	vadd.f32 v43, v24;
	v20 =	vld [tilespmem:s13+$0x101C0]  }
0x3e5: {  	v21 =	vadd.f32 v25, v21;
	v22 =	vadd.f32 v26, v22;
	v25 =	vld [tilespmem:s13+$0x101D0]  }
0x3e6: {  	v23 =	vadd.f32 v44, v23;
	v24 =	vadd.f32 v38, v24;
	v26 =	vld [tilespmem:s13+$0x10140]  }
0x3e7: {  	v21 =	vadd.f32 v28, v21;
	v22 =	vadd.f32 v29, v22;
	v27 =	vld [tilespmem:s13+$0x10150]  }
.Ltmp6:
0x3e8: {  	v23 =	vadd.f32 v39, v23;
	v28 =	vld [tilespmem:s13+$0x100C0];
	v24 =	vadd.f32 v40, v24;
	(pc) =	sbr.rel @p1 .LBB2_15-.Ltmp6, $4  }
0x3e9: {  	v21 =	vadd.f32 v30, v21;
	v22 =	vadd.f32 v31, v22;
	v29 =	vld [tilespmem:s13+$0x100D0]  }
0x3ea: {  	v23 =	vadd.f32 v36, v23;
	v30 =	vld [tilespmem:s13+$0x10040];
	v24 =	vadd.f32 v37, v24  }
0x3eb: {  	v21 =	vadd.f32 v32, v21;
	v22 =	vadd.f32 v33, v22;
	v31 =	vld [tilespmem:s13+$0x10050]  }
0x3ec: {  	s14 =	sadd.s32 $0x1000, s14;
	v23 =	vadd.f32 v34, v23;
	v32 =	vld [tilespmem:s13+$0x10060];
	v24 =	vadd.f32 v35, v24  }
0x3ed: {  	v14 =	vadd.f32 v14, v21;
	v16 =	vadd.f32 v16, v22  }
0x3ee: {  	v21 =	vld [tilespmem:s13+$0x10070];
	v13 =	vadd.f32 v13, v23;
	v15 =	vadd.f32 v15, v24  }
0x3ef: {  	v22 =	vld [tilespmem:s13+$0x100E0];
	v6 =	vadd.f32 v6, v14;
	v7 =	vadd.f32 v7, v16  }
0x3f0: {  	v14 =	vld [tilespmem:s13+$0x100F0];
	v12 =	vadd.f32 v30, v12;
	v8 =	vadd.f32 v8, v13  }
0x3f1: {  	v13 =	vld [tilespmem:s13+$0x10160];
	v9 =	vadd.f32 v9, v15;
	v15 =	vadd.f32 v31, v19  }
0x3f2: {  	v16 =	vld [tilespmem:s13+$0x10170];
	v18 =	vadd.f32 v32, v18;
	v12 =	vadd.f32 v28, v12  }
0x3f3: {  	v19 =	vld [tilespmem:s13+$0x101E0];
	v17 =	vadd.f32 v21, v17;
	v15 =	vadd.f32 v29, v15  }
0x3f4: {  	v21 =	vld [tilespmem:s13+$0x101F0];
	v18 =	vadd.f32 v22, v18;
	v12 =	vadd.f32 v26, v12  }
0x3f5: {  	v14 =	vadd.f32 v14, v17;
	v17 =	vld [tilespmem:s13+$0x10260];
	v15 =	vadd.f32 v27, v15  }
0x3f6: {  	v22 =	vld [tilespmem:s13+$0x10270];
	v13 =	vadd.f32 v13, v18;
	v12 =	vadd.f32 v20, v12  }
0x3f7: {  	v14 =	vadd.f32 v16, v14;
	v16 =	vld [tilespmem:s13+$0x102E0];
	v15 =	vadd.f32 v25, v15  }
0x3f8: {  	v18 =	vld [tilespmem:s13+$0x102F0];
	v13 =	vadd.f32 v19, v13;
	v10 =	vadd.f32 v10, v12  }
0x3f9: {  	v12 =	vadd.f32 v21, v14;
	v14 =	vld [tilespmem:s13+$0x10360];
	v11 =	vadd.f32 v11, v15  }
0x3fa: {  	v15 =	vld [tilespmem:s13+$0x10370];
	v13 =	vadd.f32 v17, v13;
	v5 =	vadd.f32 v5, v10  }
0x3fb: {  	v10 =	vadd.f32 v22, v12;
	v12 =	vld [tilespmem:s13+$0x103E0];
	v4 =	vadd.f32 v4, v11  }
0x3fc: {  	v11 =	vld [tilespmem:s13+$0x103F0];
	v13 =	vadd.f32 v16, v13;
	v3 =	vadd.f32 v3, v5;
	v5 =	vmul.f32 $1.562500000e-02, v6  }
0x3fd: {  	v6 =	vadd.f32 v18, v10;
	v2 =	vadd.f32 v2, v4;
	v4 =	vmul.f32 $1.562500000e-02, v7  }
0x3fe: {  	v7 =	vadd.f32 v14, v13;
	v0 =	vadd.f32 v0, v3;
	[tilespmem:s11+$0x14300] =	vst v5;
	v3 =	vmul.f32 $1.562500000e-02, v8  }
0x3ff: {  	v5 =	vadd.f32 v15, v6;
	v1 =	vadd.f32 v1, v2;
	[tilespmem:s11+$0x14310] =	vst v4;
	v2 =	vmul.f32 $1.562500000e-02, v9  }
0x400: {  	v4 =	vadd.f32 v12, v7;
	[tilespmem:s11+$0x14320] =	vst v3;
	v0 =	vmul.f32 $1.562500000e-02, v0  }
0x401: {  	v3 =	vadd.f32 v11, v5;
	[tilespmem:s11+$0x14330] =	vst v2;
	v1 =	vmul.f32 $1.562500000e-02, v1  }
0x402: {  	[tilespmem:s11+$0x14340] =	vst v0;
	v0 =	vmul.f32 $1.562500000e-02, v4  }
0x403: {  	[tilespmem:s11+$0x14350] =	vst v1;
	v1 =	vmul.f32 $1.562500000e-02, v3  }
0x404: {  	[tilespmem:s11+$0x14360] =	vst v0  }
0x405: {  	s13 =	simm.s32 @!p0 $0x10000;
	[tilespmem:s11+$0x14370] =	vst v1;
	s11 =	sadd.s32 @!p0 $0x700, s12;
	s12 =	simm.s32 @!p0 $0x40  }
0x406: {  	[tilespmem:s13], [sflag:$0x7] =	stream.indirect.gather @!p0 [hbm4b:s1+s12], $0x80, s11, s12, $0xb8;
	[tilespmem:$0x18000] =	vst v63  }
0x407: {  	_ =	swait.ge [sflag:s31], $0x2000  }
0x408: {  	[sflag:s31] =	ssyncset.done $0x0  }
0x409: {  	s11 =	simm.s32 $0x0;
	[sflag:s31] =	ssyncadd.s32 $0xFFFFE000  }
0x40a: {  	v6 =	vld [tilespmem:s11+$0x12380]  }
0x40b: {  	v7 =	vld [tilespmem:s11+$0x12390]  }
0x40c: {  	v8 =	vld [tilespmem:s11+$0x123A0]  }
0x40d: {  	v9 =	vld [tilespmem:s11+$0x123B0]  }
0x40e: {  	v0 =	vld [tilespmem:s11+$0x123C0]  }
0x40f: {  	v1 =	vld [tilespmem:s11+$0x123D0]  }
0x410: {  	v14 =	vld [tilespmem:s11+$0x12300]  }
0x411: {  	v16 =	vld [tilespmem:s11+$0x12310]  }
0x412: {  	v13 =	vld [tilespmem:s11+$0x12320]  }
0x413: {  	v15 =	vld [tilespmem:s11+$0x12330]  }
0x414: {  	v3 =	vld [tilespmem:s11+$0x12340]  }
0x415: {  	v2 =	vld [tilespmem:s11+$0x12350]  }
0x416: {  	v17 =	vld [tilespmem:s11+$0x12280]  }
0x417: {  	v18 =	vld [tilespmem:s11+$0x12290]  }
0x418: {  	v19 =	vld [tilespmem:s11+$0x122A0]  }
0x419: {  	v24 =	vld [tilespmem:s11+$0x122B0]  }
0x41a: {  	v5 =	vld [tilespmem:s11+$0x122C0]  }
0x41b: {  	v4 =	vld [tilespmem:s11+$0x122D0]  }
0x41c: {  	v21 =	vld [tilespmem:s11+$0x12200]  }
0x41d: {  	v22 =	vld [tilespmem:s11+$0x12210]  }
0x41e: {  	v23 =	vld [tilespmem:s11+$0x12220]  }
0x41f: {  	v30 =	vld [tilespmem:s11+$0x12230]  }
0x420: {  	v10 =	vld [tilespmem:s11+$0x12240]  }
0x421: {  	v27 =	vld [tilespmem:s11+$0x12180]  }
0x422: {  	v28 =	vld [tilespmem:s11+$0x12190]  }
0x423: {  	v25 =	vld [tilespmem:s11+$0x12100]  }
0x424: {  	v26 =	vld [tilespmem:s11+$0x12110]  }
0x425: {  	v11 =	vld [tilespmem:s11+$0x12080]  }
0x426: {  	v20 =	vld [tilespmem:s11+$0x12090]  }
0x427: {  	v29 =	vld [tilespmem:s11+$0x12000]  }
0x428: {  	v31 =	vld [tilespmem:s11+$0x12010]  }
0x429: {  	v62 =	vld [tilespmem:s11+$0x12020]  }
0x42a: {  	v33 =	vld [tilespmem:s11+$0x12030]  }
0x42b: {  	v34 =	vld [tilespmem:s11+$0x120A0]  }
0x42c: {  	v35 =	vld [tilespmem:s11+$0x120B0]  }
0x42d: {  	v12 =	vimm.f32 $0.0e+00;
	v36 =	vld [tilespmem:s11+$0x12120]  }
0x42e: {  	v37 =	vld [tilespmem:s11+$0x12130];
	v29 =	vadd.f32 v29, v12;
	v31 =	vadd.f32 v31, v12  }
0x42f: {  	v38 =	vld [tilespmem:s11+$0x121A0];
	v32 =	vadd.f32 v62, v12;
	v33 =	vadd.f32 v33, v12  }
0x430: {  	v39 =	vld [tilespmem:s11+$0x121B0];
	v29 =	vadd.f32 v11, v29;
	v31 =	vadd.f32 v20, v31  }
0x431: {  	v11 =	vld [tilespmem:s11+$0x12250];
	v32 =	vadd.f32 v34, v32;
	v33 =	vadd.f32 v35, v33  }
0x432: {  	v20 =	vld [tilespmem:s11+$0x121C0];
	v29 =	vadd.f32 v25, v29;
	v31 =	vadd.f32 v26, v31  }
0x433: {  	v25 =	vld [tilespmem:s11+$0x121D0];
	v32 =	vadd.f32 v36, v32;
	v33 =	vadd.f32 v37, v33  }
0x434: {  	v26 =	vld [tilespmem:s11+$0x12140];
	v29 =	vadd.f32 v27, v29;
	v31 =	vadd.f32 v28, v31  }
0x435: {  	v27 =	vld [tilespmem:s11+$0x12150];
	v32 =	vadd.f32 v38, v32;
	v33 =	vadd.f32 v39, v33  }
0x436: {  	v28 =	vld [tilespmem:s11+$0x120C0];
	v21 =	vadd.f32 v21, v29;
	v22 =	vadd.f32 v22, v31  }
0x437: {  	v29 =	vld [tilespmem:s11+$0x120D0];
	v23 =	vadd.f32 v23, v32;
	v63 =	vadd.f32 v30, v33  }
0x438: {  	v30 =	vld [tilespmem:s11+$0x12040];
	v21 =	vadd.f32 v17, v21;
	v22 =	vadd.f32 v18, v22  }
0x439: {  	v31 =	vld [tilespmem:s11+$0x12050];
	v23 =	vadd.f32 v19, v23;
	v24 =	vadd.f32 v24, v63  }
0x43a: {  	s12 =	simm.s32 $0x1000;
	v32 =	vld [tilespmem:s11+$0x12060];
	v19 =	vimm.f32 $0.0e+00;
	v18 =	vimm.f32 $0.0e+00;
	v17 =	vimm.f32 $0.0e+00  }
.LBB2_17:
0x43b: {  	p0 =	sne.s32 s12, $0x7000;
	v33 =	vld [tilespmem:s11+$0x12070];
	v14 =	vadd.f32 v14, v21;
	v16 =	vadd.f32 v16, v22  }
0x43c: {  	v34 =	vld [tilespmem:s11+$0x120E0];
	v13 =	vadd.f32 v13, v23;
	v15 =	vadd.f32 v15, v24  }
0x43d: {  	v35 =	vld [tilespmem:s11+$0x120F0];
	v21 =	vadd.f32 v6, v14;
	v22 =	vadd.f32 v7, v16  }
0x43e: {  	v6 =	vld [tilespmem:s11+$0x12160];
	v23 =	vadd.f32 v8, v13;
	v24 =	vadd.f32 v9, v15  }
0x43f: {  	v7 =	vadd.f32 v30, v12;
	v8 =	vadd.f32 v31, v19;
	v9 =	vld [tilespmem:s11+$0x12170]  }
0x440: {  	v12 =	vadd.f32 v32, v18;
	v13 =	vadd.f32 v33, v17;
	v14 =	vld [tilespmem:s11+$0x121E0]  }
0x441: {  	v7 =	vadd.f32 v28, v7;
	v8 =	vadd.f32 v29, v8;
	v15 =	vld [tilespmem:s11+$0x121F0]  }
0x442: {  	v12 =	vadd.f32 v34, v12;
	v13 =	vadd.f32 v35, v13;
	v16 =	vld [tilespmem:s11+$0x12260]  }
0x443: {  	v7 =	vadd.f32 v26, v7;
	v8 =	vadd.f32 v27, v8;
	v17 =	vld [tilespmem:s11+$0x12270]  }
0x444: {  	v6 =	vadd.f32 v6, v12;
	v9 =	vadd.f32 v9, v13;
	v12 =	vld [tilespmem:s11+$0x122E0]  }
0x445: {  	v7 =	vadd.f32 v20, v7;
	v8 =	vadd.f32 v25, v8;
	v13 =	vld [tilespmem:s11+$0x122F0]  }
0x446: {  	v6 =	vadd.f32 v14, v6;
	v9 =	vadd.f32 v15, v9;
	v14 =	vld [tilespmem:s11+$0x12360]  }
0x447: {  	v7 =	vadd.f32 v10, v7;
	v8 =	vadd.f32 v11, v8;
	v10 =	vld [tilespmem:s11+$0x12370]  }
0x448: {  	v11 =	vadd.f32 v16, v6;
	v9 =	vadd.f32 v17, v9;
	v15 =	vld [tilespmem:s11+$0x123E0]  }
0x449: {  	v5 =	vadd.f32 v5, v7;
	v4 =	vadd.f32 v4, v8;
	v16 =	vld [tilespmem:s11+$0x123F0];
	s11 =	sshra.s32 s12, $0x2  }
0x44a: {  	v11 =	vadd.f32 v12, v11;
	v6 =	vld [tilespmem:s11+$0x12380];
	v9 =	vadd.f32 v13, v9  }
0x44b: {  	v3 =	vadd.f32 v3, v5;
	v2 =	vadd.f32 v2, v4;
	v7 =	vld [tilespmem:s11+$0x12390]  }
0x44c: {  	v4 =	vadd.f32 v14, v11;
	v8 =	vld [tilespmem:s11+$0x123A0];
	v5 =	vadd.f32 v10, v9  }
0x44d: {  	v12 =	vadd.f32 v0, v3;
	v19 =	vadd.f32 v1, v2;
	v9 =	vld [tilespmem:s11+$0x123B0]  }
0x44e: {  	v18 =	vadd.f32 v15, v4;
	v0 =	vld [tilespmem:s11+$0x123C0];
	v17 =	vadd.f32 v16, v5  }
0x44f: {  	v1 =	vld [tilespmem:s11+$0x123D0]  }
0x450: {  	v14 =	vld [tilespmem:s11+$0x12300]  }
0x451: {  	v16 =	vld [tilespmem:s11+$0x12310]  }
0x452: {  	v13 =	vld [tilespmem:s11+$0x12320]  }
0x453: {  	v15 =	vld [tilespmem:s11+$0x12330]  }
0x454: {  	v3 =	vld [tilespmem:s11+$0x12340]  }
0x455: {  	v2 =	vld [tilespmem:s11+$0x12350]  }
0x456: {  	v32 =	vld [tilespmem:s11+$0x12280]  }
0x457: {  	v33 =	vld [tilespmem:s11+$0x12290]  }
0x458: {  	v34 =	vld [tilespmem:s11+$0x122A0]  }
0x459: {  	v35 =	vld [tilespmem:s11+$0x122B0]  }
0x45a: {  	v5 =	vld [tilespmem:s11+$0x122C0]  }
0x45b: {  	v4 =	vld [tilespmem:s11+$0x122D0]  }
0x45c: {  	v30 =	vld [tilespmem:s11+$0x12200]  }
0x45d: {  	v31 =	vld [tilespmem:s11+$0x12210]  }
0x45e: {  	v36 =	vld [tilespmem:s11+$0x12220]  }
0x45f: {  	v37 =	vld [tilespmem:s11+$0x12230]  }
0x460: {  	v10 =	vld [tilespmem:s11+$0x12240]  }
0x461: {  	v11 =	vld [tilespmem:s11+$0x12250]  }
0x462: {  	v28 =	vld [tilespmem:s11+$0x12180]  }
0x463: {  	v29 =	vld [tilespmem:s11+$0x12190]  }
0x464: {  	v25 =	vld [tilespmem:s11+$0x12100]  }
0x465: {  	v26 =	vld [tilespmem:s11+$0x12110]  }
0x466: {  	v20 =	vld [tilespmem:s11+$0x12080]  }
0x467: {  	v27 =	vld [tilespmem:s11+$0x12090]  }
0x468: {  	v38 =	vld [tilespmem:s11+$0x12000]  }
0x469: {  	v39 =	vld [tilespmem:s11+$0x12010]  }
0x46a: {  	v40 =	vld [tilespmem:s11+$0x12020]  }
0x46b: {  	v41 =	vld [tilespmem:s11+$0x12030]  }
0x46c: {  	v42 =	vld [tilespmem:s11+$0x120A0]  }
0x46d: {  	v43 =	vld [tilespmem:s11+$0x120B0]  }
0x46e: {  	v44 =	vld [tilespmem:s11+$0x12120]  }
0x46f: {  	v21 =	vadd.f32 v38, v21;
	v22 =	vadd.f32 v39, v22;
	v38 =	vld [tilespmem:s11+$0x12130]  }
0x470: {  	v23 =	vadd.f32 v40, v23;
	v24 =	vadd.f32 v41, v24;
	v39 =	vld [tilespmem:s11+$0x121A0]  }
0x471: {  	v21 =	vadd.f32 v20, v21;
	v22 =	vadd.f32 v27, v22;
	v40 =	vld [tilespmem:s11+$0x121B0]  }
0x472: {  	v23 =	vadd.f32 v42, v23;
	v24 =	vadd.f32 v43, v24;
	v20 =	vld [tilespmem:s11+$0x121C0]  }
0x473: {  	v21 =	vadd.f32 v25, v21;
	v22 =	vadd.f32 v26, v22;
	v25 =	vld [tilespmem:s11+$0x121D0]  }
0x474: {  	v23 =	vadd.f32 v44, v23;
	v24 =	vadd.f32 v38, v24;
	v26 =	vld [tilespmem:s11+$0x12140]  }
0x475: {  	v21 =	vadd.f32 v28, v21;
	v22 =	vadd.f32 v29, v22;
	v27 =	vld [tilespmem:s11+$0x12150]  }
.Ltmp7:
0x476: {  	v23 =	vadd.f32 v39, v23;
	v28 =	vld [tilespmem:s11+$0x120C0];
	v24 =	vadd.f32 v40, v24;
	(pc) =	sbr.rel @p0 .LBB2_17-.Ltmp7, $4  }
0x477: {  	v21 =	vadd.f32 v30, v21;
	v22 =	vadd.f32 v31, v22;
	v29 =	vld [tilespmem:s11+$0x120D0]  }
0x478: {  	v23 =	vadd.f32 v36, v23;
	v30 =	vld [tilespmem:s11+$0x12040];
	v24 =	vadd.f32 v37, v24  }
0x479: {  	v21 =	vadd.f32 v32, v21;
	v22 =	vadd.f32 v33, v22;
	v31 =	vld [tilespmem:s11+$0x12050]  }
0x47a: {  	s12 =	sadd.s32 $0x1000, s12;
	v23 =	vadd.f32 v34, v23;
	v32 =	vld [tilespmem:s11+$0x12060];
	v24 =	vadd.f32 v35, v24  }
0x47b: {  	v14 =	vadd.f32 v14, v21;
	v16 =	vadd.f32 v16, v22  }
0x47c: {  	v35 =	vld [tilespmem:s11+$0x12070];
	v13 =	vadd.f32 v13, v23;
	v15 =	vadd.f32 v15, v24  }
0x47d: {  	v36 =	vld [tilespmem:s11+$0x120E0];
	v6 =	vadd.f32 v6, v14;
	v7 =	vadd.f32 v7, v16  }
0x47e: {  	v37 =	vld [tilespmem:s11+$0x120F0];
	v12 =	vadd.f32 v30, v12;
	v8 =	vadd.f32 v8, v13  }
0x47f: {  	v38 =	vld [tilespmem:s11+$0x12160];
	v9 =	vadd.f32 v9, v15;
	v39 =	vadd.f32 v31, v19  }
0x480: {  	v40 =	vld [tilespmem:s11+$0x12170];
	v18 =	vadd.f32 v32, v18;
	v12 =	vadd.f32 v28, v12  }
0x481: {  	v41 =	vld [tilespmem:s11+$0x121E0];
	v17 =	vadd.f32 v35, v17;
	v15 =	vadd.f32 v29, v39  }
0x482: {  	v42 =	vld [tilespmem:s11+$0x121F0];
	v18 =	vadd.f32 v36, v18;
	v12 =	vadd.f32 v26, v12  }
0x483: {  	v43 =	vld [tilespmem:s11+$0x12260];
	v14 =	vadd.f32 v37, v17;
	v15 =	vadd.f32 v27, v15  }
0x484: {  	v44 =	vld [tilespmem:s11+$0x12270];
	v13 =	vadd.f32 v38, v18;
	v12 =	vadd.f32 v20, v12  }
0x485: {  	v45 =	vld [tilespmem:s11+$0x122E0];
	v14 =	vadd.f32 v40, v14;
	v15 =	vadd.f32 v25, v15  }
0x486: {  	v46 =	vld [tilespmem:s11+$0x122F0];
	v13 =	vadd.f32 v41, v13;
	v10 =	vadd.f32 v10, v12  }
0x487: {  	v48 =	vld [tilespmem:s11+$0x12360];
	v47 =	vadd.f32 v42, v14;
	v11 =	vadd.f32 v11, v15  }
0x488: {  	v49 =	vld [tilespmem:s11+$0x12370];
	v13 =	vadd.f32 v43, v13;
	v5 =	vadd.f32 v5, v10  }
0x489: {  	v51 =	vld [tilespmem:s11+$0x123E0];
	v50 =	vadd.f32 v44, v47;
	v4 =	vadd.f32 v4, v11  }
0x48a: {  	v52 =	vld [tilespmem:s11+$0x123F0];
	v53 =	vmul.f32 $1.562500000e-02, v6;
	v13 =	vadd.f32 v45, v13;
	v3 =	vadd.f32 v3, v5  }
0x48b: {  	v55 =	vmul.f32 $1.562500000e-02, v7;
	v54 =	vadd.f32 v46, v50;
	v2 =	vadd.f32 v2, v4  }
0x48c: {  	v57 =	vmul.f32 $1.562500000e-02, v8;
	[tilespmem:s10+$0x14000] =	vst v53;
	v56 =	vadd.f32 v48, v13;
	v0 =	vadd.f32 v0, v3  }
0x48d: {  	s9 =	sadd.s32 $0x1, s9;
	v59 =	vmul.f32 $1.562500000e-02, v9;
	[tilespmem:s10+$0x14010] =	vst v55;
	v58 =	vadd.f32 v49, v54;
	v1 =	vadd.f32 v1, v2  }
0x48e: {  	p0 =	sne.s32 s9, $0x10;
	[tilespmem:s10+$0x14020] =	vst v57;
	v60 =	vadd.f32 v51, v56;
	v0 =	vmul.f32 $1.562500000e-02, v0  }
.Ltmp8:
0x48f: {  	[tilespmem:s10+$0x14030] =	vst v59;
	v61 =	vadd.f32 v52, v58;
	v1 =	vmul.f32 $1.562500000e-02, v1;
	(pc) =	sbr.rel @p0 .LBB2_2-.Ltmp8, $4  }
0x490: {  	[tilespmem:s10+$0x14040] =	vst v0;
	v62 =	vmul.f32 $1.562500000e-02, v60  }
0x491: {  	[tilespmem:s10+$0x14050] =	vst v1;
	v63 =	vmul.f32 $1.562500000e-02, v61  }
0x492: {  	[tilespmem:s10+$0x14060] =	vst v62  }
0x493: {  	[tilespmem:s10+$0x14070] =	vst v63  }
0x494: {  	s2 =	sadd.s32 $0x1, s2  }
0x495: {  	p0 =	sne.s32 s2, s6  }
.Ltmp9:
0x496: {  	_ = 	snop;
	(pc) =	sbr.rel @p0 .LBB2_1-.Ltmp9, $4  }
0x497: {  	[hbm4b:s5+s3] =	stream.linear.scatter [tilespmem:s0], [sflag:$0x9], $0x4000, $0x38;
	[tilespmem:$0x18000] =	vst v63  }
0x498: {  	_ =	swait.ge [sflag:s7], $0x4000  }
0x499: {  	[sflag:s7] =	ssyncset.done $0x0  }
0x49a: {  	[sflag:s7] =	ssyncadd.s32 $0xFFFFC000  }
0x49b: {  	_ =	sfence.sel $0x180000  }
0x49c: {  	[bflag:$0x0] =	sbarrier.arrive $0xFFFF  }
0x49d: {  	_ =	strace $0x90000047  }
0x49e: {  	s0 =	stileid.u32;
	[bflag:$0x2] =	sbarrier.arrive $0xFFFF  }
0x49f: {  	p0 =	sne.s32 s0, $0x0;
	s0 =	rddreg [dreg:$0x3]  }
0x4a0: {  	s0 =	sadd.s32 @!p0 $0x100000, s0  }
0x4a1: {  	[sflag:s0] =	ssyncadd.tile.s32 @!p0 $0x1;
	_ =	shalt  }
.Lfunc_end2:
_tile_overlayer_lowered:
.L_overlay_start_2:
0x4a2: {  	(tag) =	ssettag $0x2  }
0x4a3: {  	s0 =	rddreg [dreg:$0x0];
	s2 =	stileid.u32  }
0x4a4: {  	s1 =	rddreg [dreg:$0x1];
	p0 =	sne.s32 s2, $0x0  }
0x4a5: {  	s3 =	rddreg [dreg:$0x2];
	[bflag:$0x3] =	sbarrier.arrive $0xFFFF;
	s2 =	simm.s32 @!p0 $0x1C09  }
0x4a6: {  	[timem:s3], [sflag:s2] =	dma.local @!p0 [hbm:s0], s1  }
0x4a7: {  	s0 =	simm.s32 @!p0 $0x9  }
0x4a8: {  	_ =	swait.ge @!p0 [sflag:s0], s1  }
0x4a9: {  	s1 =	ssub.s32 @!p0 $0x0, s1;
	[sflag:s0] =	ssyncset.done @!p0 $0x0  }
0x4aa: {  	[sflag:s0] =	ssyncadd.s32 @!p0 s1  }
0x4ab: {  	[bflag:$0x3] =	sbarrier.arrive $0xFFFF  }
0x4ac: {  	_ =	shalt  }

</sc_bundles>
